<compile_context>
chip_gen: v7x
topology: tpu7x:2x2x1
jax: 0.10.2.dev20260603
libtpu: 0.0.44.dev20260713+nightly
codegen_flags: <defaults>
</compile_context>

<pallas_src>
import jax
import jax.numpy as jnp
from jax import lax
from jax.experimental import pallas as pl
from jax.experimental.pallas import tpu as pltpu
from jax.experimental.pallas import tpu_sc as plsc

NC = 2
NS = 16
NW = NC * NS
L = 16

DIM = 64
BATCH = 16384
B_PER_W = BATCH // NW
CH = 256
NCH = B_PER_W // CH
NGRP = CH // L


def _mf_body(u_idx, p_idx, n_idx, ps, ns, utab, itab,
             u_out, p_out, n_out, part_out,
             u_idx_v, p_idx_v, n_idx_v, u_rows, p_rows, n_rows,
             ps_v, ns_v, acc_v, gsem, wsem):
    wid = lax.axis_index("s") * NC + lax.axis_index("c")
    base = wid * B_PER_W

    sh = [pltpu.async_copy(src.at[pl.ds(base, B_PER_W)], dst, gsem)
          for src, dst in ((u_idx, u_idx_v), (p_idx, p_idx_v),
                           (n_idx, n_idx_v))]
    sh.append(pltpu.async_copy(ps.at[pl.ds(base, B_PER_W)], ps_v, gsem))
    sh.append(pltpu.async_copy(ns.at[pl.ds(base, B_PER_W)], ns_v, gsem))
    for h in sh:
        h.wait()

    iota16 = lax.iota(jnp.int32, L)
    zero = jnp.zeros((L,), jnp.float32)

    def fire_grp(cbase, g):
        gb = cbase + g * L
        uvec = u_idx_v[pl.ds(gb, L)]
        pvec = p_idx_v[pl.ds(gb, L)]
        nvec = n_idx_v[pl.ds(gb, L)]
        r0 = g * L
        for i in range(L):
            pltpu.async_copy(
                utab.at[pl.ds(uvec[i], 1)],
                u_rows.at[pl.ds(r0 + i, 1)], gsem)
            pltpu.async_copy(
                itab.at[pl.ds(pvec[i], 1)],
                p_rows.at[pl.ds(r0 + i, 1)], gsem)
            pltpu.async_copy(
                itab.at[pl.ds(nvec[i], 1)],
                n_rows.at[pl.ds(r0 + i, 1)], gsem)

    def drain_grp(g):
        r0 = g * L
        for rows in (u_rows, p_rows, n_rows):
            pltpu.make_async_copy(
                utab.at[pl.ds(0, L)],
                rows.at[pl.ds(r0, L)], gsem).wait()

    carry = (zero, zero, zero, zero, zero)
    wh = []
    for j in range(NCH):
        cbase = j * CH
        for h in wh:
            h.wait()
        wh = []
        fire_grp(cbase, 0)

        def pipe_body(g, tot, cbase=cbase):
            fire_grp(cbase, g)
            drain_grp(g - 1)
            return tot

        lax.fori_loop(1, NGRP, pipe_body, 0)
        drain_grp(NGRP - 1)

        ob = base + cbase
        wh.append(pltpu.async_copy(
            u_rows, u_out.at[pl.ds(ob, CH)], wsem))
        wh.append(pltpu.async_copy(
            p_rows, p_out.at[pl.ds(ob, CH)], wsem))
        wh.append(pltpu.async_copy(
            n_rows, n_out.at[pl.ds(ob, CH)], wsem))

        def grp_body(g, carry, cbase=cbase):
            su, sp2, sn2, lpv, lnv = carry
            row_idx = g * L + iota16

            def dim_body(d, c2):
                su, sp2, sn2, dpv, dnv = c2
                col = jnp.full((L,), d, jnp.int32)
                u = plsc.load_gather(u_rows, [row_idx, col])
                p = plsc.load_gather(p_rows, [row_idx, col])
                n = plsc.load_gather(n_rows, [row_idx, col])
                return (su + u * u, sp2 + p * p, sn2 + n * n,
                        dpv + u * p, dnv + u * n)

            su, sp2, sn2, dpv, dnv = lax.fori_loop(
                0, DIM, dim_body, (su, sp2, sn2, zero, zero), unroll=8)
            ep = dpv - ps_v[pl.ds(cbase + g * L, L)]
            en = dnv - ns_v[pl.ds(cbase + g * L, L)]
            return su, sp2, sn2, lpv + ep * ep, lnv + en * en

        carry = lax.fori_loop(0, NGRP, grp_body, carry)

    su, sp2, sn2, lpv, lnv = carry
    acc_v[0, :] = su
    acc_v[1, :] = sp2
    acc_v[2, :] = sn2
    acc_v[3, :] = lpv
    acc_v[4, :] = lnv
    pltpu.sync_copy(acc_v, part_out.at[wid])

    for h in wh:
        h.wait()


@jax.jit
def _mf_call(u_idx, p_idx, n_idx, ps, ns, utab, itab):
    mesh = plsc.VectorSubcoreMesh(core_axis_name="c", subcore_axis_name="s",
                                  num_cores=NC, num_subcores=NS)
    f = pl.kernel(
        _mf_body,
        out_type=(
            jax.ShapeDtypeStruct((BATCH, DIM), jnp.float32),
            jax.ShapeDtypeStruct((BATCH, DIM), jnp.float32),
            jax.ShapeDtypeStruct((BATCH, DIM), jnp.float32),
            jax.ShapeDtypeStruct((NW, 5, L), jnp.float32),
        ),
        mesh=mesh,
        scratch_types=(
            pltpu.VMEM((B_PER_W,), jnp.int32),
            pltpu.VMEM((B_PER_W,), jnp.int32),
            pltpu.VMEM((B_PER_W,), jnp.int32),
            pltpu.VMEM((CH, DIM), jnp.float32),
            pltpu.VMEM((CH, DIM), jnp.float32),
            pltpu.VMEM((CH, DIM), jnp.float32),
            pltpu.VMEM((B_PER_W,), jnp.float32),
            pltpu.VMEM((B_PER_W,), jnp.float32),
            pltpu.VMEM((5, L), jnp.float32),
            pltpu.SemaphoreType.DMA,
            pltpu.SemaphoreType.DMA,
        ),
        compiler_params=pltpu.CompilerParams(needs_layout_passes=False,
                                             use_tc_tiling_on_sc=True),
        name="mf_sc_kernel",
    )
    return f(u_idx, p_idx, n_idx, ps, ns, utab, itab)


def kernel(user_list, pos_item_list, neg_item_list, pos_scores, neg_scores,
           user_table, item_table):
    u_idx = user_list.astype(jnp.int32)
    p_idx = pos_item_list.astype(jnp.int32)
    n_idx = neg_item_list.astype(jnp.int32)
    user_emb, pos_emb, neg_emb, parts = _mf_call(
        u_idx, p_idx, n_idx, pos_scores, neg_scores, user_table, item_table)
    su = jnp.sum(parts[:, 0, :])
    sp2 = jnp.sum(parts[:, 1, :])
    sn2 = jnp.sum(parts[:, 2, :])
    lp = jnp.sum(parts[:, 3, :])
    ln = jnp.sum(parts[:, 4, :])
    inv_b = jnp.float32(1.0 / BATCH)
    reg = (su + sp2 + sn2) * inv_b
    rating_loss = (lp + ln) * inv_b
    return user_emb, pos_emb, neg_emb, reg, rating_loss

# --- scband reference (transcript-rebuilt; emitter-appended) ---
"""Pipeline reference for scband-mf-72129680769799 (READ-ONLY COPY).

The authoritative reference and input builder live on the scoring server;
editing this copy changes nothing except your own understanding.
"""

import jax, jax.numpy as jnp
import numpy as np

N_USERS = 100000
N_ITEMS = 100000
DIM = 64
BATCH = 16384


def setup_inputs(seed: int = 0) -> dict:
    key = jax.random.key(seed)
    k1, k2, k3, k4, k5, k6, k7 = jax.random.split(key, 7)
    user_list = jax.random.randint(k1, (BATCH,), 0, N_USERS, dtype=jnp.int64 if jax.config.jax_enable_x64 else jnp.int32)
    pos_item_list = jax.random.randint(k2, (BATCH,), 0, N_ITEMS, dtype=jnp.int64 if jax.config.jax_enable_x64 else jnp.int32)
    neg_item_list = jax.random.randint(k3, (BATCH,), 0, N_ITEMS, dtype=jnp.int64 if jax.config.jax_enable_x64 else jnp.int32)
    pos_scores = jax.random.uniform(k4, (BATCH,), dtype=jnp.float32)
    neg_scores = jax.random.uniform(k5, (BATCH,), dtype=jnp.float32)
    user_table = jax.random.normal(k6, (N_USERS, DIM), dtype=jnp.float32) * 0.1
    item_table = jax.random.normal(k7, (N_ITEMS, DIM), dtype=jnp.float32) * 0.1
    return {
        "user_list": user_list,
        "pos_item_list": pos_item_list,
        "neg_item_list": neg_item_list,
        "pos_scores": pos_scores,
        "neg_scores": neg_scores,
        "user_table": user_table,
        "item_table": item_table,
    }


def reference(user_list, pos_item_list, neg_item_list, pos_scores, neg_scores, user_table, item_table):
    user_emb = jnp.take(user_table, user_list, axis=0)
    pos_item_emb = jnp.take(item_table, pos_item_list, axis=0)
    neg_item_emb = jnp.take(item_table, neg_item_list, axis=0)
    reg = (
        jnp.mean(jnp.sum(user_emb * user_emb, axis=1))
        + jnp.mean(jnp.sum(pos_item_emb * pos_item_emb, axis=1))
        + jnp.mean(jnp.sum(neg_item_emb * neg_item_emb, axis=1))
    )
    pos_scores_pred = jnp.sum(user_emb * pos_item_emb, axis=1)
    neg_scores_pred = jnp.sum(user_emb * neg_item_emb, axis=1)
    rating_loss = jnp.mean((pos_scores_pred - pos_scores) ** 2) + jnp.mean((neg_scores_pred - neg_scores) ** 2)
    return (user_emb, pos_item_emb, neg_item_emb, reg, rating_loss)

if __name__ == "__main__":
    import jax
    _d = setup_inputs()
    print(jax.jit(kernel)(*tuple(_d.values())))

</pallas_src>

<mosaic_0001>
#map = affine_map<(d0, d1) -> (0)>
#map1 = affine_map<(d0, d1) -> (0, 0)>
#map2 = affine_map<(d0, d1) -> (0, 0, 0)>
module attributes {stable_mosaic.version = 14 : i64} {
  func.func @mf_sc_kernel(%arg0: i32, %arg1: i32, %arg2: memref<16384xi32, #tpu.memory_space<hbm>>, %arg3: memref<16384xi32, #tpu.memory_space<hbm>>, %arg4: memref<16384xi32, #tpu.memory_space<hbm>>, %arg5: memref<16384xf32, #tpu.memory_space<hbm>>, %arg6: memref<16384xf32, #tpu.memory_space<hbm>>, %arg7: memref<100000x64xf32, #tpu.memory_space<hbm>>, %arg8: memref<100000x64xf32, #tpu.memory_space<hbm>>, %arg9: memref<16384x64xf32, #tpu.memory_space<hbm>>, %arg10: memref<16384x64xf32, #tpu.memory_space<hbm>>, %arg11: memref<16384x64xf32, #tpu.memory_space<hbm>>, %arg12: memref<32x5x16xf32, #tpu.memory_space<hbm>>, %arg13: memref<512xi32, #tpu.memory_space<vmem>>, %arg14: memref<512xi32, #tpu.memory_space<vmem>>, %arg15: memref<512xi32, #tpu.memory_space<vmem>>, %arg16: memref<256x64xf32, #tpu.memory_space<vmem>>, %arg17: memref<256x64xf32, #tpu.memory_space<vmem>>, %arg18: memref<256x64xf32, #tpu.memory_space<vmem>>, %arg19: memref<512xf32, #tpu.memory_space<vmem>>, %arg20: memref<512xf32, #tpu.memory_space<vmem>>, %arg21: memref<5x16xf32, #tpu.memory_space<vmem>>, %arg22: memref<!tpu.dma_semaphore, #tpu.memory_space<semaphore_mem>>, %arg23: memref<!tpu.dma_semaphore, #tpu.memory_space<semaphore_mem>>) attributes {dimension_semantics = [#tpu.dimension_semantics<core_parallel>, #tpu.dimension_semantics<subcore_parallel>], iteration_bounds = array<i64: 2, 16>, scalar_prefetch = 0 : i64, scratch_operands = 11 : i64, tpu.core_type = #tpu.core_type<sc_vector_subcore>, window_params = [{transform_indices = #map}, {transform_indices = #map}, {transform_indices = #map}, {transform_indices = #map}, {transform_indices = #map}, {transform_indices = #map1}, {transform_indices = #map1}, {transform_indices = #map1}, {transform_indices = #map1}, {transform_indices = #map1}, {transform_indices = #map2}]} {
    %mul3A = arith.constant 2 : i32
    %mul3A_0 = arith.muli %arg1, %mul3A : i32
    %add3A = arith.addi %mul3A_0, %arg0 : i32
    %mul3A_1 = arith.constant 512 : i32
    %mul3A_2 = arith.muli %add3A, %mul3A_1 : i32
    %dma_start3A = tpu.memref_slice %arg2[%mul3A_2] : memref<16384xi32, #tpu.memory_space<hbm>> -> memref<512xi32, #tpu.memory_space<hbm>>
    %dma_start3A_3 = tpu.memref_slice %arg2[%mul3A_2] : memref<16384xi32, #tpu.memory_space<hbm>> -> memref<512xi32, #tpu.memory_space<hbm>>
    tpu.enqueue_dma source(%dma_start3A_3 : memref<512xi32, #tpu.memory_space<hbm>>) target(%arg13 : memref<512xi32, #tpu.memory_space<vmem>>) target_semaphore(%arg22 : memref<!tpu.dma_semaphore, #tpu.memory_space<semaphore_mem>>)
    %dma_start3A_4 = tpu.memref_slice %arg3[%mul3A_2] : memref<16384xi32, #tpu.memory_space<hbm>> -> memref<512xi32, #tpu.memory_space<hbm>>
    %dma_start3A_5 = tpu.memref_slice %arg3[%mul3A_2] : memref<16384xi32, #tpu.memory_space<hbm>> -> memref<512xi32, #tpu.memory_space<hbm>>
    tpu.enqueue_dma source(%dma_start3A_5 : memref<512xi32, #tpu.memory_space<hbm>>) target(%arg14 : memref<512xi32, #tpu.memory_space<vmem>>) target_semaphore(%arg22 : memref<!tpu.dma_semaphore, #tpu.memory_space<semaphore_mem>>)
    %dma_start3A_6 = tpu.memref_slice %arg4[%mul3A_2] : memref<16384xi32, #tpu.memory_space<hbm>> -> memref<512xi32, #tpu.memory_space<hbm>>
    %dma_start3A_7 = tpu.memref_slice %arg4[%mul3A_2] : memref<16384xi32, #tpu.memory_space<hbm>> -> memref<512xi32, #tpu.memory_space<hbm>>
    tpu.enqueue_dma source(%dma_start3A_7 : memref<512xi32, #tpu.memory_space<hbm>>) target(%arg15 : memref<512xi32, #tpu.memory_space<vmem>>) target_semaphore(%arg22 : memref<!tpu.dma_semaphore, #tpu.memory_space<semaphore_mem>>)
    %dma_start3A_8 = tpu.memref_slice %arg5[%mul3A_2] : memref<16384xf32, #tpu.memory_space<hbm>> -> memref<512xf32, #tpu.memory_space<hbm>>
    %dma_start3A_9 = tpu.memref_slice %arg5[%mul3A_2] : memref<16384xf32, #tpu.memory_space<hbm>> -> memref<512xf32, #tpu.memory_space<hbm>>
    tpu.enqueue_dma source(%dma_start3A_9 : memref<512xf32, #tpu.memory_space<hbm>>) target(%arg19 : memref<512xf32, #tpu.memory_space<vmem>>) target_semaphore(%arg22 : memref<!tpu.dma_semaphore, #tpu.memory_space<semaphore_mem>>)
    %dma_start3A_10 = tpu.memref_slice %arg6[%mul3A_2] : memref<16384xf32, #tpu.memory_space<hbm>> -> memref<512xf32, #tpu.memory_space<hbm>>
    %dma_start3A_11 = tpu.memref_slice %arg6[%mul3A_2] : memref<16384xf32, #tpu.memory_space<hbm>> -> memref<512xf32, #tpu.memory_space<hbm>>
    tpu.enqueue_dma source(%dma_start3A_11 : memref<512xf32, #tpu.memory_space<hbm>>) target(%arg20 : memref<512xf32, #tpu.memory_space<vmem>>) target_semaphore(%arg22 : memref<!tpu.dma_semaphore, #tpu.memory_space<semaphore_mem>>)
    %dma_wait3A = tpu.memref_slice %arg2[%mul3A_2] : memref<16384xi32, #tpu.memory_space<hbm>> -> memref<512xi32, #tpu.memory_space<hbm>>
    %dma_wait3A_12 = tpu.memref_slice %arg2[%mul3A_2] : memref<16384xi32, #tpu.memory_space<hbm>> -> memref<512xi32, #tpu.memory_space<hbm>>
    tpu.wait_dma2 semaphore(%arg22 : memref<!tpu.dma_semaphore, #tpu.memory_space<semaphore_mem>>) src(%dma_wait3A_12 : memref<512xi32, #tpu.memory_space<hbm>>) dst(%arg13 : memref<512xi32, #tpu.memory_space<vmem>>)
    %dma_wait3A_13 = tpu.memref_slice %arg3[%mul3A_2] : memref<16384xi32, #tpu.memory_space<hbm>> -> memref<512xi32, #tpu.memory_space<hbm>>
    %dma_wait3A_14 = tpu.memref_slice %arg3[%mul3A_2] : memref<16384xi32, #tpu.memory_space<hbm>> -> memref<512xi32, #tpu.memory_space<hbm>>
    tpu.wait_dma2 semaphore(%arg22 : memref<!tpu.dma_semaphore, #tpu.memory_space<semaphore_mem>>) src(%dma_wait3A_14 : memref<512xi32, #tpu.memory_space<hbm>>) dst(%arg14 : memref<512xi32, #tpu.memory_space<vmem>>)
    %dma_wait3A_15 = tpu.memref_slice %arg4[%mul3A_2] : memref<16384xi32, #tpu.memory_space<hbm>> -> memref<512xi32, #tpu.memory_space<hbm>>
    %dma_wait3A_16 = tpu.memref_slice %arg4[%mul3A_2] : memref<16384xi32, #tpu.memory_space<hbm>> -> memref<512xi32, #tpu.memory_space<hbm>>
    tpu.wait_dma2 semaphore(%arg22 : memref<!tpu.dma_semaphore, #tpu.memory_space<semaphore_mem>>) src(%dma_wait3A_16 : memref<512xi32, #tpu.memory_space<hbm>>) dst(%arg15 : memref<512xi32, #tpu.memory_space<vmem>>)
    %dma_wait3A_17 = tpu.memref_slice %arg5[%mul3A_2] : memref<16384xf32, #tpu.memory_space<hbm>> -> memref<512xf32, #tpu.memory_space<hbm>>
    %dma_wait3A_18 = tpu.memref_slice %arg5[%mul3A_2] : memref<16384xf32, #tpu.memory_space<hbm>> -> memref<512xf32, #tpu.memory_space<hbm>>
    tpu.wait_dma2 semaphore(%arg22 : memref<!tpu.dma_semaphore, #tpu.memory_space<semaphore_mem>>) src(%dma_wait3A_18 : memref<512xf32, #tpu.memory_space<hbm>>) dst(%arg19 : memref<512xf32, #tpu.memory_space<vmem>>)
    %dma_wait3A_19 = tpu.memref_slice %arg6[%mul3A_2] : memref<16384xf32, #tpu.memory_space<hbm>> -> memref<512xf32, #tpu.memory_space<hbm>>
    %dma_wait3A_20 = tpu.memref_slice %arg6[%mul3A_2] : memref<16384xf32, #tpu.memory_space<hbm>> -> memref<512xf32, #tpu.memory_space<hbm>>
    tpu.wait_dma2 semaphore(%arg22 : memref<!tpu.dma_semaphore, #tpu.memory_space<semaphore_mem>>) src(%dma_wait3A_20 : memref<512xf32, #tpu.memory_space<hbm>>) dst(%arg20 : memref<512xf32, #tpu.memory_space<vmem>>)
    %iota3A = tpu.iota {dimensions = array<i32: 0>} : vector<16xi32>
    %broadcast_in_dim3A = arith.constant 0.000000e+00 : f32
    %broadcast_in_dim3A_21 = vector.broadcast %broadcast_in_dim3A : f32 to vector<16xf32>
    %get3A = arith.constant 0 : index
    %get3A_22 = tpu.vector_load %arg13[%get3A] {strides = array<i32>} : memref<512xi32, #tpu.memory_space<vmem>>, vector<16xi32>,
    %get3A_23 = arith.constant 0 : index
    %get3A_24 = tpu.vector_load %arg14[%get3A_23] {strides = array<i32>} : memref<512xi32, #tpu.memory_space<vmem>>, vector<16xi32>,
    %get3A_25 = arith.constant 0 : index
    %get3A_26 = tpu.vector_load %arg15[%get3A_25] {strides = array<i32>} : memref<512xi32, #tpu.memory_space<vmem>>, vector<16xi32>,
    %slice3A = vector.extract_strided_slice %get3A_22 {offsets = [0], sizes = [1], strides = [1]} : vector<16xi32> to vector<1xi32>
    %squeeze3A = vector.extract %slice3A[0] : i32 from vector<1xi32>
    %dma_start3A_27 = arith.constant 0 : i32
    %dma_start3A_28 = arith.constant 0 : i32
    %dma_start3A_29 = tpu.memref_slice %arg16[%dma_start3A_27, %dma_start3A_28] : memref<256x64xf32, #tpu.memory_space<vmem>> -> memref<1x64xf32, #tpu.memory_space<vmem>>
    %dma_start3A_30 = arith.constant 0 : i32
    %dma_start3A_31 = tpu.memref_slice %arg7[%squeeze3A, %dma_start3A_30] : memref<100000x64xf32, #tpu.memory_space<hbm>> -> memref<1x64xf32, #tpu.memory_space<hbm>>
    %dma_start3A_32 = arith.constant 0 : i32
    %dma_start3A_33 = arith.constant 0 : i32
    %dma_start3A_34 = tpu.memref_slice %arg16[%dma_start3A_32, %dma_start3A_33] : memref<256x64xf32, #tpu.memory_space<vmem>> -> memref<1x64xf32, #tpu.memory_space<vmem>>
    %dma_start3A_35 = arith.constant 0 : i32
    %dma_start3A_36 = tpu.memref_slice %arg7[%squeeze3A, %dma_start3A_35] : memref<100000x64xf32, #tpu.memory_space<hbm>> -> memref<1x64xf32, #tpu.memory_space<hbm>>
    tpu.enqueue_dma source(%dma_start3A_36 : memref<1x64xf32, #tpu.memory_space<hbm>>) target(%dma_start3A_34 : memref<1x64xf32, #tpu.memory_space<vmem>>) target_semaphore(%arg22 : memref<!tpu.dma_semaphore, #tpu.memory_space<semaphore_mem>>)
    %slice3A_37 = vector.extract_strided_slice %get3A_24 {offsets = [0], sizes = [1], strides = [1]} : vector<16xi32> to vector<1xi32>
    %squeeze3A_38 = vector.extract %slice3A_37[0] : i32 from vector<1xi32>
    %dma_start3A_39 = arith.constant 0 : i32
    %dma_start3A_40 = arith.constant 0 : i32
    %dma_start3A_41 = tpu.memref_slice %arg17[%dma_start3A_39, %dma_start3A_40] : memref<256x64xf32, #tpu.memory_space<vmem>> -> memref<1x64xf32, #tpu.memory_space<vmem>>
    %dma_start3A_42 = arith.constant 0 : i32
    %dma_start3A_43 = tpu.memref_slice %arg8[%squeeze3A_38, %dma_start3A_42] : memref<100000x64xf32, #tpu.memory_space<hbm>> -> memref<1x64xf32, #tpu.memory_space<hbm>>
    %dma_start3A_44 = arith.constant 0 : i32
    %dma_start3A_45 = arith.constant 0 : i32
    %dma_start3A_46 = tpu.memref_slice %arg17[%dma_start3A_44, %dma_start3A_45] : memref<256x64xf32, #tpu.memory_space<vmem>> -> memref<1x64xf32, #tpu.memory_space<vmem>>
    %dma_start3A_47 = arith.constant 0 : i32
    %dma_start3A_48 = tpu.memref_slice %arg8[%squeeze3A_38, %dma_start3A_47] : memref<100000x64xf32, #tpu.memory_space<hbm>> -> memref<1x64xf32, #tpu.memory_space<hbm>>
    tpu.enqueue_dma source(%dma_start3A_48 : memref<1x64xf32, #tpu.memory_space<hbm>>) target(%dma_start3A_46 : memref<1x64xf32, #tpu.memory_space<vmem>>) target_semaphore(%arg22 : memref<!tpu.dma_semaphore, #tpu.memory_space<semaphore_mem>>)
    %slice3A_49 = vector.extract_strided_slice %get3A_26 {offsets = [0], sizes = [1], strides = [1]} : vector<16xi32> to vector<1xi32>
    %squeeze3A_50 = vector.extract %slice3A_49[0] : i32 from vector<1xi32>
    %dma_start3A_51 = arith.constant 0 : i32
    %dma_start3A_52 = arith.constant 0 : i32
    %dma_start3A_53 = tpu.memref_slice %arg18[%dma_start3A_51, %dma_start3A_52] : memref<256x64xf32, #tpu.memory_space<vmem>> -> memref<1x64xf32, #tpu.memory_space<vmem>>
    %dma_start3A_54 = arith.constant 0 : i32
    %dma_start3A_55 = tpu.memref_slice %arg8[%squeeze3A_50, %dma_start3A_54] : memref<100000x64xf32, #tpu.memory_space<hbm>> -> memref<1x64xf32, #tpu.memory_space<hbm>>
    %dma_start3A_56 = arith.constant 0 : i32
    %dma_start3A_57 = arith.constant 0 : i32
    %dma_start3A_58 = tpu.memref_slice %arg18[%dma_start3A_56, %dma_start3A_57] : memref<256x64xf32, #tpu.memory_space<vmem>> -> memref<1x64xf32, #tpu.memory_space<vmem>>
    %dma_start3A_59 = arith.constant 0 : i32
    %dma_start3A_60 = tpu.memref_slice %arg8[%squeeze3A_50, %dma_start3A_59] : memref<100000x64xf32, #tpu.memory_space<hbm>> -> memref<1x64xf32, #tpu.memory_space<hbm>>
    tpu.enqueue_dma source(%dma_start3A_60 : memref<1x64xf32, #tpu.memory_space<hbm>>) target(%dma_start3A_58 : memref<1x64xf32, #tpu.memory_space<vmem>>) target_semaphore(%arg22 : memref<!tpu.dma_semaphore, #tpu.memory_space<semaphore_mem>>)
    %slice3A_61 = vector.extract_strided_slice %get3A_22 {offsets = [1], sizes = [1], strides = [1]} : vector<16xi32> to vector<1xi32>
    %squeeze3A_62 = vector.extract %slice3A_61[0] : i32 from vector<1xi32>
    %dma_start3A_63 = arith.constant 1 : i32
    %dma_start3A_64 = arith.constant 0 : i32
    %dma_start3A_65 = tpu.memref_slice %arg16[%dma_start3A_63, %dma_start3A_64] : memref<256x64xf32, #tpu.memory_space<vmem>> -> memref<1x64xf32, #tpu.memory_space<vmem>>
    %dma_start3A_66 = arith.constant 0 : i32
    %dma_start3A_67 = tpu.memref_slice %arg7[%squeeze3A_62, %dma_start3A_66] : memref<100000x64xf32, #tpu.memory_space<hbm>> -> memref<1x64xf32, #tpu.memory_space<hbm>>
    %dma_start3A_68 = arith.constant 1 : i32
    %dma_start3A_69 = arith.constant 0 : i32
    %dma_start3A_70 = tpu.memref_slice %arg16[%dma_start3A_68, %dma_start3A_69] : memref<256x64xf32, #tpu.memory_space<vmem>> -> memref<1x64xf32, #tpu.memory_space<vmem>>
    %dma_start3A_71 = arith.constant 0 : i32
    %dma_start3A_72 = tpu.memref_slice %arg7[%squeeze3A_62, %dma_start3A_71] : memref<100000x64xf32, #tpu.memory_space<hbm>> -> memref<1x64xf32, #tpu.memory_space<hbm>>
    tpu.enqueue_dma source(%dma_start3A_72 : memref<1x64xf32, #tpu.memory_space<hbm>>) target(%dma_start3A_70 : memref<1x64xf32, #tpu.memory_space<vmem>>) target_semaphore(%arg22 : memref<!tpu.dma_semaphore, #tpu.memory_space<semaphore_mem>>)
    %slice3A_73 = vector.extract_strided_slice %get3A_24 {offsets = [1], sizes = [1], strides = [1]} : vector<16xi32> to vector<1xi32>
    %squeeze3A_74 = vector.extract %slice3A_73[0] : i32 from vector<1xi32>
    %dma_start3A_75 = arith.constant 1 : i32
    %dma_start3A_76 = arith.constant 0 : i32
    %dma_start3A_77 = tpu.memref_slice %arg17[%dma_start3A_75, %dma_start3A_76] : memref<256x64xf32, #tpu.memory_space<vmem>> -> memref<1x64xf32, #tpu.memory_space<vmem>>
    %dma_start3A_78 = arith.constant 0 : i32
    %dma_start3A_79 = tpu.memref_slice %arg8[%squeeze3A_74, %dma_start3A_78] : memref<100000x64xf32, #tpu.memory_space<hbm>> -> memref<1x64xf32, #tpu.memory_space<hbm>>
    %dma_start3A_80 = arith.constant 1 : i32
    %dma_start3A_81 = arith.constant 0 : i32
    %dma_start3A_82 = tpu.memref_slice %arg17[%dma_start3A_80, %dma_start3A_81] : memref<256x64xf32, #tpu.memory_space<vmem>> -> memref<1x64xf32, #tpu.memory_space<vmem>>
    %dma_start3A_83 = arith.constant 0 : i32
    %dma_start3A_84 = tpu.memref_slice %arg8[%squeeze3A_74, %dma_start3A_83] : memref<100000x64xf32, #tpu.memory_space<hbm>> -> memref<1x64xf32, #tpu.memory_space<hbm>>
    tpu.enqueue_dma source(%dma_start3A_84 : memref<1x64xf32, #tpu.memory_space<hbm>>) target(%dma_start3A_82 : memref<1x64xf32, #tpu.memory_space<vmem>>) target_semaphore(%arg22 : memref<!tpu.dma_semaphore, #tpu.memory_space<semaphore_mem>>)
    %slice3A_85 = vector.extract_strided_slice %get3A_26 {offsets = [1], sizes = [1], strides = [1]} : vector<16xi32> to vector<1xi32>
    %squeeze3A_86 = vector.extract %slice3A_85[0] : i32 from vector<1xi32>
    %dma_start3A_87 = arith.constant 1 : i32
    %dma_start3A_88 = arith.constant 0 : i32
    %dma_start3A_89 = tpu.memref_slice %arg18[%dma_start3A_87, %dma_start3A_88] : memref<256x64xf32, #tpu.memory_space<vmem>> -> memref<1x64xf32, #tpu.memory_space<vmem>>
    %dma_start3A_90 = arith.constant 0 : i32
    %dma_start3A_91 = tpu.memref_slice %arg8[%squeeze3A_86, %dma_start3A_90] : memref<100000x64xf32, #tpu.memory_space<hbm>> -> memref<1x64xf32, #tpu.memory_space<hbm>>
    %dma_start3A_92 = arith.constant 1 : i32
    %dma_start3A_93 = arith.constant 0 : i32
    %dma_start3A_94 = tpu.memref_slice %arg18[%dma_start3A_92, %dma_start3A_93] : memref<256x64xf32, #tpu.memory_space<vmem>> -> memref<1x64xf32, #tpu.memory_space<vmem>>
    %dma_start3A_95 = arith.constant 0 : i32
    %dma_start3A_96 = tpu.memref_slice %arg8[%squeeze3A_86, %dma_start3A_95] : memref<100000x64xf32, #tpu.memory_space<hbm>> -> memref<1x64xf32, #tpu.memory_space<hbm>>
    tpu.enqueue_dma source(%dma_start3A_96 : memref<1x64xf32, #tpu.memory_space<hbm>>) target(%dma_start3A_94 : memref<1x64xf32, #tpu.memory_space<vmem>>) target_semaphore(%arg22 : memref<!tpu.dma_semaphore, #tpu.memory_space<semaphore_mem>>)
    %slice3A_97 = vector.extract_strided_slice %get3A_22 {offsets = [2], sizes = [1], strides = [1]} : vector<16xi32> to vector<1xi32>
    %squeeze3A_98 = vector.extract %slice3A_97[0] : i32 from vector<1xi32>
    %dma_start3A_99 = arith.constant 2 : i32
    %dma_start3A_100 = arith.constant 0 : i32
    %dma_start3A_101 = tpu.memref_slice %arg16[%dma_start3A_99, %dma_start3A_100] : memref<256x64xf32, #tpu.memory_space<vmem>> -> memref<1x64xf32, #tpu.memory_space<vmem>>
    %dma_start3A_102 = arith.constant 0 : i32
    %dma_start3A_103 = tpu.memref_slice %arg7[%squeeze3A_98, %dma_start3A_102] : memref<100000x64xf32, #tpu.memory_space<hbm>> -> memref<1x64xf32, #tpu.memory_space<hbm>>
    %dma_start3A_104 = arith.constant 2 : i32
    %dma_start3A_105 = arith.constant 0 : i32
    %dma_start3A_106 = tpu.memref_slice %arg16[%dma_start3A_104, %dma_start3A_105] : memref<256x64xf32, #tpu.memory_space<vmem>> -> memref<1x64xf32, #tpu.memory_space<vmem>>
    %dma_start3A_107 = arith.constant 0 : i32
    %dma_start3A_108 = tpu.memref_slice %arg7[%squeeze3A_98, %dma_start3A_107] : memref<100000x64xf32, #tpu.memory_space<hbm>> -> memref<1x64xf32, #tpu.memory_space<hbm>>
    tpu.enqueue_dma source(%dma_start3A_108 : memref<1x64xf32, #tpu.memory_space<hbm>>) target(%dma_start3A_106 : memref<1x64xf32, #tpu.memory_space<vmem>>) target_semaphore(%arg22 : memref<!tpu.dma_semaphore, #tpu.memory_space<semaphore_mem>>)
    %slice3A_109 = vector.extract_strided_slice %get3A_24 {offsets = [2], sizes = [1], strides = [1]} : vector<16xi32> to vector<1xi32>
    %squeeze3A_110 = vector.extract %slice3A_109[0] : i32 from vector<1xi32>
    %dma_start3A_111 = arith.constant 2 : i32
    %dma_start3A_112 = arith.constant 0 : i32
    %dma_start3A_113 = tpu.memref_slice %arg17[%dma_start3A_111, %dma_start3A_112] : memref<256x64xf32, #tpu.memory_space<vmem>> -> memref<1x64xf32, #tpu.memory_space<vmem>>
    %dma_start3A_114 = arith.constant 0 : i32
    %dma_start3A_115 = tpu.memref_slice %arg8[%squeeze3A_110, %dma_start3A_114] : memref<100000x64xf32, #tpu.memory_space<hbm>> -> memref<1x64xf32, #tpu.memory_space<hbm>>
    %dma_start3A_116 = arith.constant 2 : i32
    %dma_start3A_117 = arith.constant 0 : i32
    %dma_start3A_118 = tpu.memref_slice %arg17[%dma_start3A_116, %dma_start3A_117] : memref<256x64xf32, #tpu.memory_space<vmem>> -> memref<1x64xf32, #tpu.memory_space<vmem>>
    %dma_start3A_119 = arith.constant 0 : i32
    %dma_start3A_120 = tpu.memref_slice %arg8[%squeeze3A_110, %dma_start3A_119] : memref<100000x64xf32, #tpu.memory_space<hbm>> -> memref<1x64xf32, #tpu.memory_space<hbm>>
    tpu.enqueue_dma source(%dma_start3A_120 : memref<1x64xf32, #tpu.memory_space<hbm>>) target(%dma_start3A_118 : memref<1x64xf32, #tpu.memory_space<vmem>>) target_semaphore(%arg22 : memref<!tpu.dma_semaphore, #tpu.memory_space<semaphore_mem>>)
    %slice3A_121 = vector.extract_strided_slice %get3A_26 {offsets = [2], sizes = [1], strides = [1]} : vector<16xi32> to vector<1xi32>
    %squeeze3A_122 = vector.extract %slice3A_121[0] : i32 from vector<1xi32>
    %dma_start3A_123 = arith.constant 2 : i32
    %dma_start3A_124 = arith.constant 0 : i32
    %dma_start3A_125 = tpu.memref_slice %arg18[%dma_start3A_123, %dma_start3A_124] : memref<256x64xf32, #tpu.memory_space<vmem>> -> memref<1x64xf32, #tpu.memory_space<vmem>>
    %dma_start3A_126 = arith.constant 0 : i32
    %dma_start3A_127 = tpu.memref_slice %arg8[%squeeze3A_122, %dma_start3A_126] : memref<100000x64xf32, #tpu.memory_space<hbm>> -> memref<1x64xf32, #tpu.memory_space<hbm>>
    %dma_start3A_128 = arith.constant 2 : i32
    %dma_start3A_129 = arith.constant 0 : i32
    %dma_start3A_130 = tpu.memref_slice %arg18[%dma_start3A_128, %dma_start3A_129] : memref<256x64xf32, #tpu.memory_space<vmem>> -> memref<1x64xf32, #tpu.memory_space<vmem>>
    %dma_start3A_131 = arith.constant 0 : i32
    %dma_start3A_132 = tpu.memref_slice %arg8[%squeeze3A_122, %dma_start3A_131] : memref<100000x64xf32, #tpu.memory_space<hbm>> -> memref<1x64xf32, #tpu.memory_space<hbm>>
    tpu.enqueue_dma source(%dma_start3A_132 : memref<1x64xf32, #tpu.memory_space<hbm>>) target(%dma_start3A_130 : memref<1x64xf32, #tpu.memory_space<vmem>>) target_semaphore(%arg22 : memref<!tpu.dma_semaphore, #tpu.memory_space<semaphore_mem>>)
    %slice3A_133 = vector.extract_strided_slice %get3A_22 {offsets = [3], sizes = [1], strides = [1]} : vector<16xi32> to vector<1xi32>
    %squeeze3A_134 = vector.extract %slice3A_133[0] : i32 from vector<1xi32>
    %dma_start3A_135 = arith.constant 3 : i32
    %dma_start3A_136 = arith.constant 0 : i32
    %dma_start3A_137 = tpu.memref_slice %arg16[%dma_start3A_135, %dma_start3A_136] : memref<256x64xf32, #tpu.memory_space<vmem>> -> memref<1x64xf32, #tpu.memory_space<vmem>>
    %dma_start3A_138 = arith.constant 0 : i32
    %dma_start3A_139 = tpu.memref_slice %arg7[%squeeze3A_134, %dma_start3A_138] : memref<100000x64xf32, #tpu.memory_space<hbm>> -> memref<1x64xf32, #tpu.memory_space<hbm>>
    %dma_start3A_140 = arith.constant 3 : i32
    %dma_start3A_141 = arith.constant 0 : i32
    %dma_start3A_142 = tpu.memref_slice %arg16[%dma_start3A_140, %dma_start3A_141] : memref<256x64xf32, #tpu.memory_space<vmem>> -> memref<1x64xf32, #tpu.memory_space<vmem>>
    %dma_start3A_143 = arith.constant 0 : i32
    %dma_start3A_144 = tpu.memref_slice %arg7[%squeeze3A_134, %dma_start3A_143] : memref<100000x64xf32, #tpu.memory_space<hbm>> -> memref<1x64xf32, #tpu.memory_space<hbm>>
    tpu.enqueue_dma source(%dma_start3A_144 : memref<1x64xf32, #tpu.memory_space<hbm>>) target(%dma_start3A_142 : memref<1x64xf32, #tpu.memory_space<vmem>>) target_semaphore(%arg22 : memref<!tpu.dma_semaphore, #tpu.memory_space<semaphore_mem>>)
    %slice3A_145 = vector.extract_strided_slice %get3A_24 {offsets = [3], sizes = [1], strides = [1]} : vector<16xi32> to vector<1xi32>
    %squeeze3A_146 = vector.extract %slice3A_145[0] : i32 from vector<1xi32>
    %dma_start3A_147 = arith.constant 3 : i32
    %dma_start3A_148 = arith.constant 0 : i32
    %dma_start3A_149 = tpu.memref_slice %arg17[%dma_start3A_147, %dma_start3A_148] : memref<256x64xf32, #tpu.memory_space<vmem>> -> memref<1x64xf32, #tpu.memory_space<vmem>>
    %dma_start3A_150 = arith.constant 0 : i32
    %dma_start3A_151 = tpu.memref_slice %arg8[%squeeze3A_146, %dma_start3A_150] : memref<100000x64xf32, #tpu.memory_space<hbm>> -> memref<1x64xf32, #tpu.memory_space<hbm>>
    %dma_start3A_152 = arith.constant 3 : i32
    %dma_start3A_153 = arith.constant 0 : i32
    %dma_start3A_154 = tpu.memref_slice %arg17[%dma_start3A_152, %dma_start3A_153] : memref<256x64xf32, #tpu.memory_space<vmem>> -> memref<1x64xf32, #tpu.memory_space<vmem>>
    %dma_start3A_155 = arith.constant 0 : i32
    %dma_start3A_156 = tpu.memref_slice %arg8[%squeeze3A_146, %dma_start3A_155] : memref<100000x64xf32, #tpu.memory_space<hbm>> -> memref<1x64xf32, #tpu.memory_space<hbm>>
    tpu.enqueue_dma source(%dma_start3A_156 : memref<1x64xf32, #tpu.memory_space<hbm>>) target(%dma_start3A_154 : memref<1x64xf32, #tpu.memory_space<vmem>>) target_semaphore(%arg22 : memref<!tpu.dma_semaphore, #tpu.memory_space<semaphore_mem>>)
    %slice3A_157 = vector.extract_strided_slice %get3A_26 {offsets = [3], sizes = [1], strides = [1]} : vector<16xi32> to vector<1xi32>
    %squeeze3A_158 = vector.extract %slice3A_157[0] : i32 from vector<1xi32>
    %dma_start3A_159 = arith.constant 3 : i32
    %dma_start3A_160 = arith.constant 0 : i32
    %dma_start3A_161 = tpu.memref_slice %arg18[%dma_start3A_159, %dma_start3A_160] : memref<256x64xf32, #tpu.memory_space<vmem>> -> memref<1x64xf32, #tpu.memory_space<vmem>>
    %dma_start3A_162 = arith.constant 0 : i32
    %dma_start3A_163 = tpu.memref_slice %arg8[%squeeze3A_158, %dma_start3A_162] : memref<100000x64xf32, #tpu.memory_space<hbm>> -> memref<1x64xf32, #tpu.memory_space<hbm>>
    %dma_start3A_164 = arith.constant 3 : i32
    %dma_start3A_165 = arith.constant 0 : i32
    %dma_start3A_166 = tpu.memref_slice %arg18[%dma_start3A_164, %dma_start3A_165] : memref<256x64xf32, #tpu.memory_space<vmem>> -> memref<1x64xf32, #tpu.memory_space<vmem>>
    %dma_start3A_167 = arith.constant 0 : i32
    %dma_start3A_168 = tpu.memref_slice %arg8[%squeeze3A_158, %dma_start3A_167] : memref<100000x64xf32, #tpu.memory_space<hbm>> -> memref<1x64xf32, #tpu.memory_space<hbm>>
    tpu.enqueue_dma source(%dma_start3A_168 : memref<1x64xf32, #tpu.memory_space<hbm>>) target(%dma_start3A_166 : memref<1x64xf32, #tpu.memory_space<vmem>>) target_semaphore(%arg22 : memref<!tpu.dma_semaphore, #tpu.memory_space<semaphore_mem>>)
    %slice3A_169 = vector.extract_strided_slice %get3A_22 {offsets = [4], sizes = [1], strides = [1]} : vector<16xi32> to vector<1xi32>
    %squeeze3A_170 = vector.extract %slice3A_169[0] : i32 from vector<1xi32>
    %dma_start3A_171 = arith.constant 4 : i32
    %dma_start3A_172 = arith.constant 0 : i32
    %dma_start3A_173 = tpu.memref_slice %arg16[%dma_start3A_171, %dma_start3A_172] : memref<256x64xf32, #tpu.memory_space<vmem>> -> memref<1x64xf32, #tpu.memory_space<vmem>>
    %dma_start3A_174 = arith.constant 0 : i32
    %dma_start3A_175 = tpu.memref_slice %arg7[%squeeze3A_170, %dma_start3A_174] : memref<100000x64xf32, #tpu.memory_space<hbm>> -> memref<1x64xf32, #tpu.memory_space<hbm>>
    %dma_start3A_176 = arith.constant 4 : i32
    %dma_start3A_177 = arith.constant 0 : i32
    %dma_start3A_178 = tpu.memref_slice %arg16[%dma_start3A_176, %dma_start3A_177] : memref<256x64xf32, #tpu.memory_space<vmem>> -> memref<1x64xf32, #tpu.memory_space<vmem>>
    %dma_start3A_179 = arith.constant 0 : i32
    %dma_start3A_180 = tpu.memref_slice %arg7[%squeeze3A_170, %dma_start3A_179] : memref<100000x64xf32, #tpu.memory_space<hbm>> -> memref<1x64xf32, #tpu.memory_space<hbm>>
    tpu.enqueue_dma source(%dma_start3A_180 : memref<1x64xf32, #tpu.memory_space<hbm>>) target(%dma_start3A_178 : memref<1x64xf32, #tpu.memory_space<vmem>>) target_semaphore(%arg22 : memref<!tpu.dma_semaphore, #tpu.memory_space<semaphore_mem>>)
    %slice3A_181 = vector.extract_strided_slice %get3A_24 {offsets = [4], sizes = [1], strides = [1]} : vector<16xi32> to vector<1xi32>
    %squeeze3A_182 = vector.extract %slice3A_181[0] : i32 from vector<1xi32>
    %dma_start3A_183 = arith.constant 4 : i32
    %dma_start3A_184 = arith.constant 0 : i32
    %dma_start3A_185 = tpu.memref_slice %arg17[%dma_start3A_183, %dma_start3A_184] : memref<256x64xf32, #tpu.memory_space<vmem>> -> memref<1x64xf32, #tpu.memory_space<vmem>>
    %dma_start3A_186 = arith.constant 0 : i32
    %dma_start3A_187 = tpu.memref_slice %arg8[%squeeze3A_182, %dma_start3A_186] : memref<100000x64xf32, #tpu.memory_space<hbm>> -> memref<1x64xf32, #tpu.memory_space<hbm>>
    %dma_start3A_188 = arith.constant 4 : i32
    %dma_start3A_189 = arith.constant 0 : i32
    %dma_start3A_190 = tpu.memref_slice %arg17[%dma_start3A_188, %dma_start3A_189] : memref<256x64xf32, #tpu.memory_space<vmem>> -> memref<1x64xf32, #tpu.memory_space<vmem>>
    %dma_start3A_191 = arith.constant 0 : i32
    %dma_start3A_192 = tpu.memref_slice %arg8[%squeeze3A_182, %dma_start3A_191] : memref<100000x64xf32, #tpu.memory_space<hbm>> -> memref<1x64xf32, #tpu.memory_space<hbm>>
    tpu.enqueue_dma source(%dma_start3A_192 : memref<1x64xf32, #tpu.memory_space<hbm>>) target(%dma_start3A_190 : memref<1x64xf32, #tpu.memory_space<vmem>>) target_semaphore(%arg22 : memref<!tpu.dma_semaphore, #tpu.memory_space<semaphore_mem>>)
    %slice3A_193 = vector.extract_strided_slice %get3A_26 {offsets = [4], sizes = [1], strides = [1]} : vector<16xi32> to vector<1xi32>
    %squeeze3A_194 = vector.extract %slice3A_193[0] : i32 from vector<1xi32>
    %dma_start3A_195 = arith.constant 4 : i32
    %dma_start3A_196 = arith.constant 0 : i32
    %dma_start3A_197 = tpu.memref_slice %arg18[%dma_start3A_195, %dma_start3A_196] : memref<256x64xf32, #tpu.memory_space<vmem>> -> memref<1x64xf32, #tpu.memory_space<vmem>>
    %dma_start3A_198 = arith.constant 0 : i32
    %dma_start3A_199 = tpu.memref_slice %arg8[%squeeze3A_194, %dma_start3A_198] : memref<100000x64xf32, #tpu.memory_space<hbm>> -> memref<1x64xf32, #tpu.memory_space<hbm>>
    %dma_start3A_200 = arith.constant 4 : i32
    %dma_start3A_201 = arith.constant 0 : i32
    %dma_start3A_202 = tpu.memref_slice %arg18[%dma_start3A_200, %dma_start3A_201] : memref<256x64xf32, #tpu.memory_space<vmem>> -> memref<1x64xf32, #tpu.memory_space<vmem>>
    %dma_start3A_203 = arith.constant 0 : i32
    %dma_start3A_204 = tpu.memref_slice %arg8[%squeeze3A_194, %dma_start3A_203] : memref<100000x64xf32, #tpu.memory_space<hbm>> -> memref<1x64xf32, #tpu.memory_space<hbm>>
    tpu.enqueue_dma source(%dma_start3A_204 : memref<1x64xf32, #tpu.memory_space<hbm>>) target(%dma_start3A_202 : memref<1x64xf32, #tpu.memory_space<vmem>>) target_semaphore(%arg22 : memref<!tpu.dma_semaphore, #tpu.memory_space<semaphore_mem>>)
    %slice3A_205 = vector.extract_strided_slice %get3A_22 {offsets = [5], sizes = [1], strides = [1]} : vector<16xi32> to vector<1xi32>
    %squeeze3A_206 = vector.extract %slice3A_205[0] : i32 from vector<1xi32>
    %dma_start3A_207 = arith.constant 5 : i32
    %dma_start3A_208 = arith.constant 0 : i32
    %dma_start3A_209 = tpu.memref_slice %arg16[%dma_start3A_207, %dma_start3A_208] : memref<256x64xf32, #tpu.memory_space<vmem>> -> memref<1x64xf32, #tpu.memory_space<vmem>>
    %dma_start3A_210 = arith.constant 0 : i32
    %dma_start3A_211 = tpu.memref_slice %arg7[%squeeze3A_206, %dma_start3A_210] : memref<100000x64xf32, #tpu.memory_space<hbm>> -> memref<1x64xf32, #tpu.memory_space<hbm>>
    %dma_start3A_212 = arith.constant 5 : i32
    %dma_start3A_213 = arith.constant 0 : i32
    %dma_start3A_214 = tpu.memref_slice %arg16[%dma_start3A_212, %dma_start3A_213] : memref<256x64xf32, #tpu.memory_space<vmem>> -> memref<1x64xf32, #tpu.memory_space<vmem>>
    %dma_start3A_215 = arith.constant 0 : i32
    %dma_start3A_216 = tpu.memref_slice %arg7[%squeeze3A_206, %dma_start3A_215] : memref<100000x64xf32, #tpu.memory_space<hbm>> -> memref<1x64xf32, #tpu.memory_space<hbm>>
    tpu.enqueue_dma source(%dma_start3A_216 : memref<1x64xf32, #tpu.memory_space<hbm>>) target(%dma_start3A_214 : memref<1x64xf32, #tpu.memory_space<vmem>>) target_semaphore(%arg22 : memref<!tpu.dma_semaphore, #tpu.memory_space<semaphore_mem>>)
    %slice3A_217 = vector.extract_strided_slice %get3A_24 {offsets = [5], sizes = [1], strides = [1]} : vector<16xi32> to vector<1xi32>
    %squeeze3A_218 = vector.extract %slice3A_217[0] : i32 from vector<1xi32>
    %dma_start3A_219 = arith.constant 5 : i32
    %dma_start3A_220 = arith.constant 0 : i32
    %dma_start3A_221 = tpu.memref_slice %arg17[%dma_start3A_219, %dma_start3A_220] : memref<256x64xf32, #tpu.memory_space<vmem>> -> memref<1x64xf32, #tpu.memory_space<vmem>>
    %dma_start3A_222 = arith.constant 0 : i32
    %dma_start3A_223 = tpu.memref_slice %arg8[%squeeze3A_218, %dma_start3A_222] : memref<100000x64xf32, #tpu.memory_space<hbm>> -> memref<1x64xf32, #tpu.memory_space<hbm>>
    %dma_start3A_224 = arith.constant 5 : i32
    %dma_start3A_225 = arith.constant 0 : i32
    %dma_start3A_226 = tpu.memref_slice %arg17[%dma_start3A_224, %dma_start3A_225] : memref<256x64xf32, #tpu.memory_space<vmem>> -> memref<1x64xf32, #tpu.memory_space<vmem>>
    %dma_start3A_227 = arith.constant 0 : i32
    %dma_start3A_228 = tpu.memref_slice %arg8[%squeeze3A_218, %dma_start3A_227] : memref<100000x64xf32, #tpu.memory_space<hbm>> -> memref<1x64xf32, #tpu.memory_space<hbm>>
    tpu.enqueue_dma source(%dma_start3A_228 : memref<1x64xf32, #tpu.memory_space<hbm>>) target(%dma_start3A_226 : memref<1x64xf32, #tpu.memory_space<vmem>>) target_semaphore(%arg22 : memref<!tpu.dma_semaphore, #tpu.memory_space<semaphore_mem>>)
    %slice3A_229 = vector.extract_strided_slice %get3A_26 {offsets = [5], sizes = [1], strides = [1]} : vector<16xi32> to vector<1xi32>
    %squeeze3A_230 = vector.extract %slice3A_229[0] : i32 from vector<1xi32>
    %dma_start3A_231 = arith.constant 5 : i32
    %dma_start3A_232 = arith.constant 0 : i32
    %dma_start3A_233 = tpu.memref_slice %arg18[%dma_start3A_231, %dma_start3A_232] : memref<256x64xf32, #tpu.memory_space<vmem>> -> memref<1x64xf32, #tpu.memory_space<vmem>>
    %dma_start3A_234 = arith.constant 0 : i32
    %dma_start3A_235 = tpu.memref_slice %arg8[%squeeze3A_230, %dma_start3A_234] : memref<100000x64xf32, #tpu.memory_space<hbm>> -> memref<1x64xf32, #tpu.memory_space<hbm>>
    %dma_start3A_236 = arith.constant 5 : i32
    %dma_start3A_237 = arith.constant 0 : i32
    %dma_start3A_238 = tpu.memref_slice %arg18[%dma_start3A_236, %dma_start3A_237] : memref<256x64xf32, #tpu.memory_space<vmem>> -> memref<1x64xf32, #tpu.memory_space<vmem>>
    %dma_start3A_239 = arith.constant 0 : i32
    %dma_start3A_240 = tpu.memref_slice %arg8[%squeeze3A_230, %dma_start3A_239] : memref<100000x64xf32, #tpu.memory_space<hbm>> -> memref<1x64xf32, #tpu.memory_space<hbm>>
    tpu.enqueue_dma source(%dma_start3A_240 : memref<1x64xf32, #tpu.memory_space<hbm>>) target(%dma_start3A_238 : memref<1x64xf32, #tpu.memory_space<vmem>>) target_semaphore(%arg22 : memref<!tpu.dma_semaphore, #tpu.memory_space<semaphore_mem>>)
    %slice3A_241 = vector.extract_strided_slice %get3A_22 {offsets = [6], sizes = [1], strides = [1]} : vector<16xi32> to vector<1xi32>
    %squeeze3A_242 = vector.extract %slice3A_241[0] : i32 from vector<1xi32>
    %dma_start3A_243 = arith.constant 6 : i32
    %dma_start3A_244 = arith.constant 0 : i32
    %dma_start3A_245 = tpu.memref_slice %arg16[%dma_start3A_243, %dma_start3A_244] : memref<256x64xf32, #tpu.memory_space<vmem>> -> memref<1x64xf32, #tpu.memory_space<vmem>>
    %dma_start3A_246 = arith.constant 0 : i32
    %dma_start3A_247 = tpu.memref_slice %arg7[%squeeze3A_242, %dma_start3A_246] : memref<100000x64xf32, #tpu.memory_space<hbm>> -> memref<1x64xf32, #tpu.memory_space<hbm>>
    %dma_start3A_248 = arith.constant 6 : i32
    %dma_start3A_249 = arith.constant 0 : i32
    %dma_start3A_250 = tpu.memref_slice %arg16[%dma_start3A_248, %dma_start3A_249] : memref<256x64xf32, #tpu.memory_space<vmem>> -> memref<1x64xf32, #tpu.memory_space<vmem>>
    %dma_start3A_251 = arith.constant 0 : i32
    %dma_start3A_252 = tpu.memref_slice %arg7[%squeeze3A_242, %dma_start3A_251] : memref<100000x64xf32, #tpu.memory_space<hbm>> -> memref<1x64xf32, #tpu.memory_space<hbm>>
    tpu.enqueue_dma source(%dma_start3A_252 : memref<1x64xf32, #tpu.memory_space<hbm>>) target(%dma_start3A_250 : memref<1x64xf32, #tpu.memory_space<vmem>>) target_semaphore(%arg22 : memref<!tpu.dma_semaphore, #tpu.memory_space<semaphore_mem>>)
    %slice3A_253 = vector.extract_strided_slice %get3A_24 {offsets = [6], sizes = [1], strides = [1]} : vector<16xi32> to vector<1xi32>
    %squeeze3A_254 = vector.extract %slice3A_253[0] : i32 from vector<1xi32>
    %dma_start3A_255 = arith.constant 6 : i32
    %dma_start3A_256 = arith.constant 0 : i32
    %dma_start3A_257 = tpu.memref_slice %arg17[%dma_start3A_255, %dma_start3A_256] : memref<256x64xf32, #tpu.memory_space<vmem>> -> memref<1x64xf32, #tpu.memory_space<vmem>>
    %dma_start3A_258 = arith.constant 0 : i32
    %dma_start3A_259 = tpu.memref_slice %arg8[%squeeze3A_254, %dma_start3A_258] : memref<100000x64xf32, #tpu.memory_space<hbm>> -> memref<1x64xf32, #tpu.memory_space<hbm>>
    %dma_start3A_260 = arith.constant 6 : i32
    %dma_start3A_261 = arith.constant 0 : i32
    %dma_start3A_262 = tpu.memref_slice %arg17[%dma_start3A_260, %dma_start3A_261] : memref<256x64xf32, #tpu.memory_space<vmem>> -> memref<1x64xf32, #tpu.memory_space<vmem>>
    %dma_start3A_263 = arith.constant 0 : i32
    %dma_start3A_264 = tpu.memref_slice %arg8[%squeeze3A_254, %dma_start3A_263] : memref<100000x64xf32, #tpu.memory_space<hbm>> -> memref<1x64xf32, #tpu.memory_space<hbm>>
    tpu.enqueue_dma source(%dma_start3A_264 : memref<1x64xf32, #tpu.memory_space<hbm>>) target(%dma_start3A_262 : memref<1x64xf32, #tpu.memory_space<vmem>>) target_semaphore(%arg22 : memref<!tpu.dma_semaphore, #tpu.memory_space<semaphore_mem>>)
    %slice3A_265 = vector.extract_strided_slice %get3A_26 {offsets = [6], sizes = [1], strides = [1]} : vector<16xi32> to vector<1xi32>
    %squeeze3A_266 = vector.extract %slice3A_265[0] : i32 from vector<1xi32>
    %dma_start3A_267 = arith.constant 6 : i32
    %dma_start3A_268 = arith.constant 0 : i32
    %dma_start3A_269 = tpu.memref_slice %arg18[%dma_start3A_267, %dma_start3A_268] : memref<256x64xf32, #tpu.memory_space<vmem>> -> memref<1x64xf32, #tpu.memory_space<vmem>>
    %dma_start3A_270 = arith.constant 0 : i32
    %dma_start3A_271 = tpu.memref_slice %arg8[%squeeze3A_266, %dma_start3A_270] : memref<100000x64xf32, #tpu.memory_space<hbm>> -> memref<1x64xf32, #tpu.memory_space<hbm>>
    %dma_start3A_272 = arith.constant 6 : i32
    %dma_start3A_273 = arith.constant 0 : i32
    %dma_start3A_274 = tpu.memref_slice %arg18[%dma_start3A_272, %dma_start3A_273] : memref<256x64xf32, #tpu.memory_space<vmem>> -> memref<1x64xf32, #tpu.memory_space<vmem>>
    %dma_start3A_275 = arith.constant 0 : i32
    %dma_start3A_276 = tpu.memref_slice %arg8[%squeeze3A_266, %dma_start3A_275] : memref<100000x64xf32, #tpu.memory_space<hbm>> -> memref<1x64xf32, #tpu.memory_space<hbm>>
    tpu.enqueue_dma source(%dma_start3A_276 : memref<1x64xf32, #tpu.memory_space<hbm>>) target(%dma_start3A_274 : memref<1x64xf32, #tpu.memory_space<vmem>>) target_semaphore(%arg22 : memref<!tpu.dma_semaphore, #tpu.memory_space<semaphore_mem>>)
    %slice3A_277 = vector.extract_strided_slice %get3A_22 {offsets = [7], sizes = [1], strides = [1]} : vector<16xi32> to vector<1xi32>
    %squeeze3A_278 = vector.extract %slice3A_277[0] : i32 from vector<1xi32>
    %dma_start3A_279 = arith.constant 7 : i32
    %dma_start3A_280 = arith.constant 0 : i32
    %dma_start3A_281 = tpu.memref_slice %arg16[%dma_start3A_279, %dma_start3A_280] : memref<256x64xf32, #tpu.memory_space<vmem>> -> memref<1x64xf32, #tpu.memory_space<vmem>>
    %dma_start3A_282 = arith.constant 0 : i32
    %dma_start3A_283 = tpu.memref_slice %arg7[%squeeze3A_278, %dma_start3A_282] : memref<100000x64xf32, #tpu.memory_space<hbm>> -> memref<1x64xf32, #tpu.memory_space<hbm>>
    %dma_start3A_284 = arith.constant 7 : i32
    %dma_start3A_285 = arith.constant 0 : i32
    %dma_start3A_286 = tpu.memref_slice %arg16[%dma_start3A_284, %dma_start3A_285] : memref<256x64xf32, #tpu.memory_space<vmem>> -> memref<1x64xf32, #tpu.memory_space<vmem>>
    %dma_start3A_287 = arith.constant 0 : i32
    %dma_start3A_288 = tpu.memref_slice %arg7[%squeeze3A_278, %dma_start3A_287] : memref<100000x64xf32, #tpu.memory_space<hbm>> -> memref<1x64xf32, #tpu.memory_space<hbm>>
    tpu.enqueue_dma source(%dma_start3A_288 : memref<1x64xf32, #tpu.memory_space<hbm>>) target(%dma_start3A_286 : memref<1x64xf32, #tpu.memory_space<vmem>>) target_semaphore(%arg22 : memref<!tpu.dma_semaphore, #tpu.memory_space<semaphore_mem>>)
    %slice3A_289 = vector.extract_strided_slice %get3A_24 {offsets = [7], sizes = [1], strides = [1]} : vector<16xi32> to vector<1xi32>
    %squeeze3A_290 = vector.extract %slice3A_289[0] : i32 from vector<1xi32>
    %dma_start3A_291 = arith.constant 7 : i32
    %dma_start3A_292 = arith.constant 0 : i32
    %dma_start3A_293 = tpu.memref_slice %arg17[%dma_start3A_291, %dma_start3A_292] : memref<256x64xf32, #tpu.memory_space<vmem>> -> memref<1x64xf32, #tpu.memory_space<vmem>>
    %dma_start3A_294 = arith.constant 0 : i32
    %dma_start3A_295 = tpu.memref_slice %arg8[%squeeze3A_290, %dma_start3A_294] : memref<100000x64xf32, #tpu.memory_space<hbm>> -> memref<1x64xf32, #tpu.memory_space<hbm>>
    %dma_start3A_296 = arith.constant 7 : i32
    %dma_start3A_297 = arith.constant 0 : i32
    %dma_start3A_298 = tpu.memref_slice %arg17[%dma_start3A_296, %dma_start3A_297] : memref<256x64xf32, #tpu.memory_space<vmem>> -> memref<1x64xf32, #tpu.memory_space<vmem>>
    %dma_start3A_299 = arith.constant 0 : i32
    %dma_start3A_300 = tpu.memref_slice %arg8[%squeeze3A_290, %dma_start3A_299] : memref<100000x64xf32, #tpu.memory_space<hbm>> -> memref<1x64xf32, #tpu.memory_space<hbm>>
    tpu.enqueue_dma source(%dma_start3A_300 : memref<1x64xf32, #tpu.memory_space<hbm>>) target(%dma_start3A_298 : memref<1x64xf32, #tpu.memory_space<vmem>>) target_semaphore(%arg22 : memref<!tpu.dma_semaphore, #tpu.memory_space<semaphore_mem>>)
    %slice3A_301 = vector.extract_strided_slice %get3A_26 {offsets = [7], sizes = [1], strides = [1]} : vector<16xi32> to vector<1xi32>
    %squeeze3A_302 = vector.extract %slice3A_301[0] : i32 from vector<1xi32>
    %dma_start3A_303 = arith.constant 7 : i32
    %dma_start3A_304 = arith.constant 0 : i32
    %dma_start3A_305 = tpu.memref_slice %arg18[%dma_start3A_303, %dma_start3A_304] : memref<256x64xf32, #tpu.memory_space<vmem>> -> memref<1x64xf32, #tpu.memory_space<vmem>>
    %dma_start3A_306 = arith.constant 0 : i32
    %dma_start3A_307 = tpu.memref_slice %arg8[%squeeze3A_302, %dma_start3A_306] : memref<100000x64xf32, #tpu.memory_space<hbm>> -> memref<1x64xf32, #tpu.memory_space<hbm>>
    %dma_start3A_308 = arith.constant 7 : i32
    %dma_start3A_309 = arith.constant 0 : i32
    %dma_start3A_310 = tpu.memref_slice %arg18[%dma_start3A_308, %dma_start3A_309] : memref<256x64xf32, #tpu.memory_space<vmem>> -> memref<1x64xf32, #tpu.memory_space<vmem>>
    %dma_start3A_311 = arith.constant 0 : i32
    %dma_start3A_312 = tpu.memref_slice %arg8[%squeeze3A_302, %dma_start3A_311] : memref<100000x64xf32, #tpu.memory_space<hbm>> -> memref<1x64xf32, #tpu.memory_space<hbm>>
    tpu.enqueue_dma source(%dma_start3A_312 : memref<1x64xf32, #tpu.memory_space<hbm>>) target(%dma_start3A_310 : memref<1x64xf32, #tpu.memory_space<vmem>>) target_semaphore(%arg22 : memref<!tpu.dma_semaphore, #tpu.memory_space<semaphore_mem>>)
    %slice3A_313 = vector.extract_strided_slice %get3A_22 {offsets = [8], sizes = [1], strides = [1]} : vector<16xi32> to vector<1xi32>
    %squeeze3A_314 = vector.extract %slice3A_313[0] : i32 from vector<1xi32>
    %dma_start3A_315 = arith.constant 8 : i32
    %dma_start3A_316 = arith.constant 0 : i32
    %dma_start3A_317 = tpu.memref_slice %arg16[%dma_start3A_315, %dma_start3A_316] : memref<256x64xf32, #tpu.memory_space<vmem>> -> memref<1x64xf32, #tpu.memory_space<vmem>>
    %dma_start3A_318 = arith.constant 0 : i32
    %dma_start3A_319 = tpu.memref_slice %arg7[%squeeze3A_314, %dma_start3A_318] : memref<100000x64xf32, #tpu.memory_space<hbm>> -> memref<1x64xf32, #tpu.memory_space<hbm>>
    %dma_start3A_320 = arith.constant 8 : i32
    %dma_start3A_321 = arith.constant 0 : i32
    %dma_start3A_322 = tpu.memref_slice %arg16[%dma_start3A_320, %dma_start3A_321] : memref<256x64xf32, #tpu.memory_space<vmem>> -> memref<1x64xf32, #tpu.memory_space<vmem>>
    %dma_start3A_323 = arith.constant 0 : i32
    %dma_start3A_324 = tpu.memref_slice %arg7[%squeeze3A_314, %dma_start3A_323] : memref<100000x64xf32, #tpu.memory_space<hbm>> -> memref<1x64xf32, #tpu.memory_space<hbm>>
    tpu.enqueue_dma source(%dma_start3A_324 : memref<1x64xf32, #tpu.memory_space<hbm>>) target(%dma_start3A_322 : memref<1x64xf32, #tpu.memory_space<vmem>>) target_semaphore(%arg22 : memref<!tpu.dma_semaphore, #tpu.memory_space<semaphore_mem>>)
    %slice3A_325 = vector.extract_strided_slice %get3A_24 {offsets = [8], sizes = [1], strides = [1]} : vector<16xi32> to vector<1xi32>
    %squeeze3A_326 = vector.extract %slice3A_325[0] : i32 from vector<1xi32>
    %dma_start3A_327 = arith.constant 8 : i32
    %dma_start3A_328 = arith.constant 0 : i32
    %dma_start3A_329 = tpu.memref_slice %arg17[%dma_start3A_327, %dma_start3A_328] : memref<256x64xf32, #tpu.memory_space<vmem>> -> memref<1x64xf32, #tpu.memory_space<vmem>>
    %dma_start3A_330 = arith.constant 0 : i32
    %dma_start3A_331 = tpu.memref_slice %arg8[%squeeze3A_326, %dma_start3A_330] : memref<100000x64xf32, #tpu.memory_space<hbm>> -> memref<1x64xf32, #tpu.memory_space<hbm>>
    %dma_start3A_332 = arith.constant 8 : i32
    %dma_start3A_333 = arith.constant 0 : i32
    %dma_start3A_334 = tpu.memref_slice %arg17[%dma_start3A_332, %dma_start3A_333] : memref<256x64xf32, #tpu.memory_space<vmem>> -> memref<1x64xf32, #tpu.memory_space<vmem>>
    %dma_start3A_335 = arith.constant 0 : i32
    %dma_start3A_336 = tpu.memref_slice %arg8[%squeeze3A_326, %dma_start3A_335] : memref<100000x64xf32, #tpu.memory_space<hbm>> -> memref<1x64xf32, #tpu.memory_space<hbm>>
    tpu.enqueue_dma source(%dma_start3A_336 : memref<1x64xf32, #tpu.memory_space<hbm>>) target(%dma_start3A_334 : memref<1x64xf32, #tpu.memory_space<vmem>>) target_semaphore(%arg22 : memref<!tpu.dma_semaphore, #tpu.memory_space<semaphore_mem>>)
    %slice3A_337 = vector.extract_strided_slice %get3A_26 {offsets = [8], sizes = [1], strides = [1]} : vector<16xi32> to vector<1xi32>
    %squeeze3A_338 = vector.extract %slice3A_337[0] : i32 from vector<1xi32>
    %dma_start3A_339 = arith.constant 8 : i32
    %dma_start3A_340 = arith.constant 0 : i32
    %dma_start3A_341 = tpu.memref_slice %arg18[%dma_start3A_339, %dma_start3A_340] : memref<256x64xf32, #tpu.memory_space<vmem>> -> memref<1x64xf32, #tpu.memory_space<vmem>>
    %dma_start3A_342 = arith.constant 0 : i32
    %dma_start3A_343 = tpu.memref_slice %arg8[%squeeze3A_338, %dma_start3A_342] : memref<100000x64xf32, #tpu.memory_space<hbm>> -> memref<1x64xf32, #tpu.memory_space<hbm>>
    %dma_start3A_344 = arith.constant 8 : i32
    %dma_start3A_345 = arith.constant 0 : i32
    %dma_start3A_346 = tpu.memref_slice %arg18[%dma_start3A_344, %dma_start3A_345] : memref<256x64xf32, #tpu.memory_space<vmem>> -> memref<1x64xf32, #tpu.memory_space<vmem>>
    %dma_start3A_347 = arith.constant 0 : i32
    %dma_start3A_348 = tpu.memref_slice %arg8[%squeeze3A_338, %dma_start3A_347] : memref<100000x64xf32, #tpu.memory_space<hbm>> -> memref<1x64xf32, #tpu.memory_space<hbm>>
    tpu.enqueue_dma source(%dma_start3A_348 : memref<1x64xf32, #tpu.memory_space<hbm>>) target(%dma_start3A_346 : memref<1x64xf32, #tpu.memory_space<vmem>>) target_semaphore(%arg22 : memref<!tpu.dma_semaphore, #tpu.memory_space<semaphore_mem>>)
    %slice3A_349 = vector.extract_strided_slice %get3A_22 {offsets = [9], sizes = [1], strides = [1]} : vector<16xi32> to vector<1xi32>
    %squeeze3A_350 = vector.extract %slice3A_349[0] : i32 from vector<1xi32>
    %dma_start3A_351 = arith.constant 9 : i32
    %dma_start3A_352 = arith.constant 0 : i32
    %dma_start3A_353 = tpu.memref_slice %arg16[%dma_start3A_351, %dma_start3A_352] : memref<256x64xf32, #tpu.memory_space<vmem>> -> memref<1x64xf32, #tpu.memory_space<vmem>>
    %dma_start3A_354 = arith.constant 0 : i32
    %dma_start3A_355 = tpu.memref_slice %arg7[%squeeze3A_350, %dma_start3A_354] : memref<100000x64xf32, #tpu.memory_space<hbm>> -> memref<1x64xf32, #tpu.memory_space<hbm>>
    %dma_start3A_356 = arith.constant 9 : i32
    %dma_start3A_357 = arith.constant 0 : i32
    %dma_start3A_358 = tpu.memref_slice %arg16[%dma_start3A_356, %dma_start3A_357] : memref<256x64xf32, #tpu.memory_space<vmem>> -> memref<1x64xf32, #tpu.memory_space<vmem>>
    %dma_start3A_359 = arith.constant 0 : i32
    %dma_start3A_360 = tpu.memref_slice %arg7[%squeeze3A_350, %dma_start3A_359] : memref<100000x64xf32, #tpu.memory_space<hbm>> -> memref<1x64xf32, #tpu.memory_space<hbm>>
    tpu.enqueue_dma source(%dma_start3A_360 : memref<1x64xf32, #tpu.memory_space<hbm>>) target(%dma_start3A_358 : memref<1x64xf32, #tpu.memory_space<vmem>>) target_semaphore(%arg22 : memref<!tpu.dma_semaphore, #tpu.memory_space<semaphore_mem>>)
    %slice3A_361 = vector.extract_strided_slice %get3A_24 {offsets = [9], sizes = [1], strides = [1]} : vector<16xi32> to vector<1xi32>
    %squeeze3A_362 = vector.extract %slice3A_361[0] : i32 from vector<1xi32>
    %dma_start3A_363 = arith.constant 9 : i32
    %dma_start3A_364 = arith.constant 0 : i32
    %dma_start3A_365 = tpu.memref_slice %arg17[%dma_start3A_363, %dma_start3A_364] : memref<256x64xf32, #tpu.memory_space<vmem>> -> memref<1x64xf32, #tpu.memory_space<vmem>>
    %dma_start3A_366 = arith.constant 0 : i32
    %dma_start3A_367 = tpu.memref_slice %arg8[%squeeze3A_362, %dma_start3A_366] : memref<100000x64xf32, #tpu.memory_space<hbm>> -> memref<1x64xf32, #tpu.memory_space<hbm>>
    %dma_start3A_368 = arith.constant 9 : i32
    %dma_start3A_369 = arith.constant 0 : i32
    %dma_start3A_370 = tpu.memref_slice %arg17[%dma_start3A_368, %dma_start3A_369] : memref<256x64xf32, #tpu.memory_space<vmem>> -> memref<1x64xf32, #tpu.memory_space<vmem>>
    %dma_start3A_371 = arith.constant 0 : i32
    %dma_start3A_372 = tpu.memref_slice %arg8[%squeeze3A_362, %dma_start3A_371] : memref<100000x64xf32, #tpu.memory_space<hbm>> -> memref<1x64xf32, #tpu.memory_space<hbm>>
    tpu.enqueue_dma source(%dma_start3A_372 : memref<1x64xf32, #tpu.memory_space<hbm>>) target(%dma_start3A_370 : memref<1x64xf32, #tpu.memory_space<vmem>>) target_semaphore(%arg22 : memref<!tpu.dma_semaphore, #tpu.memory_space<semaphore_mem>>)
    %slice3A_373 = vector.extract_strided_slice %get3A_26 {offsets = [9], sizes = [1], strides = [1]} : vector<16xi32> to vector<1xi32>
    %squeeze3A_374 = vector.extract %slice3A_373[0] : i32 from vector<1xi32>
    %dma_start3A_375 = arith.constant 9 : i32
    %dma_start3A_376 = arith.constant 0 : i32
    %dma_start3A_377 = tpu.memref_slice %arg18[%dma_start3A_375, %dma_start3A_376] : memref<256x64xf32, #tpu.memory_space<vmem>> -> memref<1x64xf32, #tpu.memory_space<vmem>>
    %dma_start3A_378 = arith.constant 0 : i32
    %dma_start3A_379 = tpu.memref_slice %arg8[%squeeze3A_374, %dma_start3A_378] : memref<100000x64xf32, #tpu.memory_space<hbm>> -> memref<1x64xf32, #tpu.memory_space<hbm>>
    %dma_start3A_380 = arith.constant 9 : i32
    %dma_start3A_381 = arith.constant 0 : i32
    %dma_start3A_382 = tpu.memref_slice %arg18[%dma_start3A_380, %dma_start3A_381] : memref<256x64xf32, #tpu.memory_space<vmem>> -> memref<1x64xf32, #tpu.memory_space<vmem>>
    %dma_start3A_383 = arith.constant 0 : i32
    %dma_start3A_384 = tpu.memref_slice %arg8[%squeeze3A_374, %dma_start3A_383] : memref<100000x64xf32, #tpu.memory_space<hbm>> -> memref<1x64xf32, #tpu.memory_space<hbm>>
    tpu.enqueue_dma source(%dma_start3A_384 : memref<1x64xf32, #tpu.memory_space<hbm>>) target(%dma_start3A_382 : memref<1x64xf32, #tpu.memory_space<vmem>>) target_semaphore(%arg22 : memref<!tpu.dma_semaphore, #tpu.memory_space<semaphore_mem>>)
    %slice3A_385 = vector.extract_strided_slice %get3A_22 {offsets = [10], sizes = [1], strides = [1]} : vector<16xi32> to vector<1xi32>
    %squeeze3A_386 = vector.extract %slice3A_385[0] : i32 from vector<1xi32>
    %dma_start3A_387 = arith.constant 10 : i32
    %dma_start3A_388 = arith.constant 0 : i32
    %dma_start3A_389 = tpu.memref_slice %arg16[%dma_start3A_387, %dma_start3A_388] : memref<256x64xf32, #tpu.memory_space<vmem>> -> memref<1x64xf32, #tpu.memory_space<vmem>>
    %dma_start3A_390 = arith.constant 0 : i32
    %dma_start3A_391 = tpu.memref_slice %arg7[%squeeze3A_386, %dma_start3A_390] : memref<100000x64xf32, #tpu.memory_space<hbm>> -> memref<1x64xf32, #tpu.memory_space<hbm>>
    %dma_start3A_392 = arith.constant 10 : i32
    %dma_start3A_393 = arith.constant 0 : i32
    %dma_start3A_394 = tpu.memref_slice %arg16[%dma_start3A_392, %dma_start3A_393] : memref<256x64xf32, #tpu.memory_space<vmem>> -> memref<1x64xf32, #tpu.memory_space<vmem>>
    %dma_start3A_395 = arith.constant 0 : i32
    %dma_start3A_396 = tpu.memref_slice %arg7[%squeeze3A_386, %dma_start3A_395] : memref<100000x64xf32, #tpu.memory_space<hbm>> -> memref<1x64xf32, #tpu.memory_space<hbm>>
    tpu.enqueue_dma source(%dma_start3A_396 : memref<1x64xf32, #tpu.memory_space<hbm>>) target(%dma_start3A_394 : memref<1x64xf32, #tpu.memory_space<vmem>>) target_semaphore(%arg22 : memref<!tpu.dma_semaphore, #tpu.memory_space<semaphore_mem>>)
    %slice3A_397 = vector.extract_strided_slice %get3A_24 {offsets = [10], sizes = [1], strides = [1]} : vector<16xi32> to vector<1xi32>
    %squeeze3A_398 = vector.extract %slice3A_397[0] : i32 from vector<1xi32>
    %dma_start3A_399 = arith.constant 10 : i32
    %dma_start3A_400 = arith.constant 0 : i32
    %dma_start3A_401 = tpu.memref_slice %arg17[%dma_start3A_399, %dma_start3A_400] : memref<256x64xf32, #tpu.memory_space<vmem>> -> memref<1x64xf32, #tpu.memory_space<vmem>>
    %dma_start3A_402 = arith.constant 0 : i32
    %dma_start3A_403 = tpu.memref_slice %arg8[%squeeze3A_398, %dma_start3A_402] : memref<100000x64xf32, #tpu.memory_space<hbm>> -> memref<1x64xf32, #tpu.memory_space<hbm>>
    %dma_start3A_404 = arith.constant 10 : i32
    %dma_start3A_405 = arith.constant 0 : i32
    %dma_start3A_406 = tpu.memref_slice %arg17[%dma_start3A_404, %dma_start3A_405] : memref<256x64xf32, #tpu.memory_space<vmem>> -> memref<1x64xf32, #tpu.memory_space<vmem>>
    %dma_start3A_407 = arith.constant 0 : i32
    %dma_start3A_408 = tpu.memref_slice %arg8[%squeeze3A_398, %dma_start3A_407] : memref<100000x64xf32, #tpu.memory_space<hbm>> -> memref<1x64xf32, #tpu.memory_space<hbm>>
    tpu.enqueue_dma source(%dma_start3A_408 : memref<1x64xf32, #tpu.memory_space<hbm>>) target(%dma_start3A_406 : memref<1x64xf32, #tpu.memory_space<vmem>>) target_semaphore(%arg22 : memref<!tpu.dma_semaphore, #tpu.memory_space<semaphore_mem>>)
    %slice3A_409 = vector.extract_strided_slice %get3A_26 {offsets = [10], sizes = [1], strides = [1]} : vector<16xi32> to vector<1xi32>
    %squeeze3A_410 = vector.extract %slice3A_409[0] : i32 from vector<1xi32>
    %dma_start3A_411 = arith.constant 10 : i32
    %dma_start3A_412 = arith.constant 0 : i32
    %dma_start3A_413 = tpu.memref_slice %arg18[%dma_start3A_411, %dma_start3A_412] : memref<256x64xf32, #tpu.memory_space<vmem>> -> memref<1x64xf32, #tpu.memory_space<vmem>>
    %dma_start3A_414 = arith.constant 0 : i32
    %dma_start3A_415 = tpu.memref_slice %arg8[%squeeze3A_410, %dma_start3A_414] : memref<100000x64xf32, #tpu.memory_space<hbm>> -> memref<1x64xf32, #tpu.memory_space<hbm>>
    %dma_start3A_416 = arith.constant 10 : i32
    %dma_start3A_417 = arith.constant 0 : i32
    %dma_start3A_418 = tpu.memref_slice %arg18[%dma_start3A_416, %dma_start3A_417] : memref<256x64xf32, #tpu.memory_space<vmem>> -> memref<1x64xf32, #tpu.memory_space<vmem>>
    %dma_start3A_419 = arith.constant 0 : i32
    %dma_start3A_420 = tpu.memref_slice %arg8[%squeeze3A_410, %dma_start3A_419] : memref<100000x64xf32, #tpu.memory_space<hbm>> -> memref<1x64xf32, #tpu.memory_space<hbm>>
    tpu.enqueue_dma source(%dma_start3A_420 : memref<1x64xf32, #tpu.memory_space<hbm>>) target(%dma_start3A_418 : memref<1x64xf32, #tpu.memory_space<vmem>>) target_semaphore(%arg22 : memref<!tpu.dma_semaphore, #tpu.memory_space<semaphore_mem>>)
    %slice3A_421 = vector.extract_strided_slice %get3A_22 {offsets = [11], sizes = [1], strides = [1]} : vector<16xi32> to vector<1xi32>
    %squeeze3A_422 = vector.extract %slice3A_421[0] : i32 from vector<1xi32>
    %dma_start3A_423 = arith.constant 11 : i32
    %dma_start3A_424 = arith.constant 0 : i32
    %dma_start3A_425 = tpu.memref_slice %arg16[%dma_start3A_423, %dma_start3A_424] : memref<256x64xf32, #tpu.memory_space<vmem>> -> memref<1x64xf32, #tpu.memory_space<vmem>>
    %dma_start3A_426 = arith.constant 0 : i32
    %dma_start3A_427 = tpu.memref_slice %arg7[%squeeze3A_422, %dma_start3A_426] : memref<100000x64xf32, #tpu.memory_space<hbm>> -> memref<1x64xf32, #tpu.memory_space<hbm>>
    %dma_start3A_428 = arith.constant 11 : i32
    %dma_start3A_429 = arith.constant 0 : i32
    %dma_start3A_430 = tpu.memref_slice %arg16[%dma_start3A_428, %dma_start3A_429] : memref<256x64xf32, #tpu.memory_space<vmem>> -> memref<1x64xf32, #tpu.memory_space<vmem>>
    %dma_start3A_431 = arith.constant 0 : i32
    %dma_start3A_432 = tpu.memref_slice %arg7[%squeeze3A_422, %dma_start3A_431] : memref<100000x64xf32, #tpu.memory_space<hbm>> -> memref<1x64xf32, #tpu.memory_space<hbm>>
    tpu.enqueue_dma source(%dma_start3A_432 : memref<1x64xf32, #tpu.memory_space<hbm>>) target(%dma_start3A_430 : memref<1x64xf32, #tpu.memory_space<vmem>>) target_semaphore(%arg22 : memref<!tpu.dma_semaphore, #tpu.memory_space<semaphore_mem>>)
    %slice3A_433 = vector.extract_strided_slice %get3A_24 {offsets = [11], sizes = [1], strides = [1]} : vector<16xi32> to vector<1xi32>
    %squeeze3A_434 = vector.extract %slice3A_433[0] : i32 from vector<1xi32>
    %dma_start3A_435 = arith.constant 11 : i32
    %dma_start3A_436 = arith.constant 0 : i32
    %dma_start3A_437 = tpu.memref_slice %arg17[%dma_start3A_435, %dma_start3A_436] : memref<256x64xf32, #tpu.memory_space<vmem>> -> memref<1x64xf32, #tpu.memory_space<vmem>>
    %dma_start3A_438 = arith.constant 0 : i32
    %dma_start3A_439 = tpu.memref_slice %arg8[%squeeze3A_434, %dma_start3A_438] : memref<100000x64xf32, #tpu.memory_space<hbm>> -> memref<1x64xf32, #tpu.memory_space<hbm>>
    %dma_start3A_440 = arith.constant 11 : i32
    %dma_start3A_441 = arith.constant 0 : i32
    %dma_start3A_442 = tpu.memref_slice %arg17[%dma_start3A_440, %dma_start3A_441] : memref<256x64xf32, #tpu.memory_space<vmem>> -> memref<1x64xf32, #tpu.memory_space<vmem>>
    %dma_start3A_443 = arith.constant 0 : i32
    %dma_start3A_444 = tpu.memref_slice %arg8[%squeeze3A_434, %dma_start3A_443] : memref<100000x64xf32, #tpu.memory_space<hbm>> -> memref<1x64xf32, #tpu.memory_space<hbm>>
    tpu.enqueue_dma source(%dma_start3A_444 : memref<1x64xf32, #tpu.memory_space<hbm>>) target(%dma_start3A_442 : memref<1x64xf32, #tpu.memory_space<vmem>>) target_semaphore(%arg22 : memref<!tpu.dma_semaphore, #tpu.memory_space<semaphore_mem>>)
    %slice3A_445 = vector.extract_strided_slice %get3A_26 {offsets = [11], sizes = [1], strides = [1]} : vector<16xi32> to vector<1xi32>
    %squeeze3A_446 = vector.extract %slice3A_445[0] : i32 from vector<1xi32>
    %dma_start3A_447 = arith.constant 11 : i32
    %dma_start3A_448 = arith.constant 0 : i32
    %dma_start3A_449 = tpu.memref_slice %arg18[%dma_start3A_447, %dma_start3A_448] : memref<256x64xf32, #tpu.memory_space<vmem>> -> memref<1x64xf32, #tpu.memory_space<vmem>>
    %dma_start3A_450 = arith.constant 0 : i32
    %dma_start3A_451 = tpu.memref_slice %arg8[%squeeze3A_446, %dma_start3A_450] : memref<100000x64xf32, #tpu.memory_space<hbm>> -> memref<1x64xf32, #tpu.memory_space<hbm>>
    %dma_start3A_452 = arith.constant 11 : i32
    %dma_start3A_453 = arith.constant 0 : i32
    %dma_start3A_454 = tpu.memref_slice %arg18[%dma_start3A_452, %dma_start3A_453] : memref<256x64xf32, #tpu.memory_space<vmem>> -> memref<1x64xf32, #tpu.memory_space<vmem>>
    %dma_start3A_455 = arith.constant 0 : i32
    %dma_start3A_456 = tpu.memref_slice %arg8[%squeeze3A_446, %dma_start3A_455] : memref<100000x64xf32, #tpu.memory_space<hbm>> -> memref<1x64xf32, #tpu.memory_space<hbm>>
    tpu.enqueue_dma source(%dma_start3A_456 : memref<1x64xf32, #tpu.memory_space<hbm>>) target(%dma_start3A_454 : memref<1x64xf32, #tpu.memory_space<vmem>>) target_semaphore(%arg22 : memref<!tpu.dma_semaphore, #tpu.memory_space<semaphore_mem>>)
    %slice3A_457 = vector.extract_strided_slice %get3A_22 {offsets = [12], sizes = [1], strides = [1]} : vector<16xi32> to vector<1xi32>
    %squeeze3A_458 = vector.extract %slice3A_457[0] : i32 from vector<1xi32>
    %dma_start3A_459 = arith.constant 12 : i32
    %dma_start3A_460 = arith.constant 0 : i32
    %dma_start3A_461 = tpu.memref_slice %arg16[%dma_start3A_459, %dma_start3A_460] : memref<256x64xf32, #tpu.memory_space<vmem>> -> memref<1x64xf32, #tpu.memory_space<vmem>>
    %dma_start3A_462 = arith.constant 0 : i32
    %dma_start3A_463 = tpu.memref_slice %arg7[%squeeze3A_458, %dma_start3A_462] : memref<100000x64xf32, #tpu.memory_space<hbm>> -> memref<1x64xf32, #tpu.memory_space<hbm>>
    %dma_start3A_464 = arith.constant 12 : i32
    %dma_start3A_465 = arith.constant 0 : i32
    %dma_start3A_466 = tpu.memref_slice %arg16[%dma_start3A_464, %dma_start3A_465] : memref<256x64xf32, #tpu.memory_space<vmem>> -> memref<1x64xf32, #tpu.memory_space<vmem>>
    %dma_start3A_467 = arith.constant 0 : i32
    %dma_start3A_468 = tpu.memref_slice %arg7[%squeeze3A_458, %dma_start3A_467] : memref<100000x64xf32, #tpu.memory_space<hbm>> -> memref<1x64xf32, #tpu.memory_space<hbm>>
    tpu.enqueue_dma source(%dma_start3A_468 : memref<1x64xf32, #tpu.memory_space<hbm>>) target(%dma_start3A_466 : memref<1x64xf32, #tpu.memory_space<vmem>>) target_semaphore(%arg22 : memref<!tpu.dma_semaphore, #tpu.memory_space<semaphore_mem>>)
    %slice3A_469 = vector.extract_strided_slice %get3A_24 {offsets = [12], sizes = [1], strides = [1]} : vector<16xi32> to vector<1xi32>
    %squeeze3A_470 = vector.extract %slice3A_469[0] : i32 from vector<1xi32>
    %dma_start3A_471 = arith.constant 12 : i32
    %dma_start3A_472 = arith.constant 0 : i32
    %dma_start3A_473 = tpu.memref_slice %arg17[%dma_start3A_471, %dma_start3A_472] : memref<256x64xf32, #tpu.memory_space<vmem>> -> memref<1x64xf32, #tpu.memory_space<vmem>>
    %dma_start3A_474 = arith.constant 0 : i32
    %dma_start3A_475 = tpu.memref_slice %arg8[%squeeze3A_470, %dma_start3A_474] : memref<100000x64xf32, #tpu.memory_space<hbm>> -> memref<1x64xf32, #tpu.memory_space<hbm>>
    %dma_start3A_476 = arith.constant 12 : i32
    %dma_start3A_477 = arith.constant 0 : i32
    %dma_start3A_478 = tpu.memref_slice %arg17[%dma_start3A_476, %dma_start3A_477] : memref<256x64xf32, #tpu.memory_space<vmem>> -> memref<1x64xf32, #tpu.memory_space<vmem>>
    %dma_start3A_479 = arith.constant 0 : i32
    %dma_start3A_480 = tpu.memref_slice %arg8[%squeeze3A_470, %dma_start3A_479] : memref<100000x64xf32, #tpu.memory_space<hbm>> -> memref<1x64xf32, #tpu.memory_space<hbm>>
    tpu.enqueue_dma source(%dma_start3A_480 : memref<1x64xf32, #tpu.memory_space<hbm>>) target(%dma_start3A_478 : memref<1x64xf32, #tpu.memory_space<vmem>>) target_semaphore(%arg22 : memref<!tpu.dma_semaphore, #tpu.memory_space<semaphore_mem>>)
    %slice3A_481 = vector.extract_strided_slice %get3A_26 {offsets = [12], sizes = [1], strides = [1]} : vector<16xi32> to vector<1xi32>
    %squeeze3A_482 = vector.extract %slice3A_481[0] : i32 from vector<1xi32>
    %dma_start3A_483 = arith.constant 12 : i32
    %dma_start3A_484 = arith.constant 0 : i32
    %dma_start3A_485 = tpu.memref_slice %arg18[%dma_start3A_483, %dma_start3A_484] : memref<256x64xf32, #tpu.memory_space<vmem>> -> memref<1x64xf32, #tpu.memory_space<vmem>>
    %dma_start3A_486 = arith.constant 0 : i32
    %dma_start3A_487 = tpu.memref_slice %arg8[%squeeze3A_482, %dma_start3A_486] : memref<100000x64xf32, #tpu.memory_space<hbm>> -> memref<1x64xf32, #tpu.memory_space<hbm>>
    %dma_start3A_488 = arith.constant 12 : i32
    %dma_start3A_489 = arith.constant 0 : i32
    %dma_start3A_490 = tpu.memref_slice %arg18[%dma_start3A_488, %dma_start3A_489] : memref<256x64xf32, #tpu.memory_space<vmem>> -> memref<1x64xf32, #tpu.memory_space<vmem>>
    %dma_start3A_491 = arith.constant 0 : i32
    %dma_start3A_492 = tpu.memref_slice %arg8[%squeeze3A_482, %dma_start3A_491] : memref<100000x64xf32, #tpu.memory_space<hbm>> -> memref<1x64xf32, #tpu.memory_space<hbm>>
    tpu.enqueue_dma source(%dma_start3A_492 : memref<1x64xf32, #tpu.memory_space<hbm>>) target(%dma_start3A_490 : memref<1x64xf32, #tpu.memory_space<vmem>>) target_semaphore(%arg22 : memref<!tpu.dma_semaphore, #tpu.memory_space<semaphore_mem>>)
    %slice3A_493 = vector.extract_strided_slice %get3A_22 {offsets = [13], sizes = [1], strides = [1]} : vector<16xi32> to vector<1xi32>
    %squeeze3A_494 = vector.extract %slice3A_493[0] : i32 from vector<1xi32>
    %dma_start3A_495 = arith.constant 13 : i32
    %dma_start3A_496 = arith.constant 0 : i32
    %dma_start3A_497 = tpu.memref_slice %arg16[%dma_start3A_495, %dma_start3A_496] : memref<256x64xf32, #tpu.memory_space<vmem>> -> memref<1x64xf32, #tpu.memory_space<vmem>>
    %dma_start3A_498 = arith.constant 0 : i32
    %dma_start3A_499 = tpu.memref_slice %arg7[%squeeze3A_494, %dma_start3A_498] : memref<100000x64xf32, #tpu.memory_space<hbm>> -> memref<1x64xf32, #tpu.memory_space<hbm>>
    %dma_start3A_500 = arith.constant 13 : i32
    %dma_start3A_501 = arith.constant 0 : i32
    %dma_start3A_502 = tpu.memref_slice %arg16[%dma_start3A_500, %dma_start3A_501] : memref<256x64xf32, #tpu.memory_space<vmem>> -> memref<1x64xf32, #tpu.memory_space<vmem>>
    %dma_start3A_503 = arith.constant 0 : i32
    %dma_start3A_504 = tpu.memref_slice %arg7[%squeeze3A_494, %dma_start3A_503] : memref<100000x64xf32, #tpu.memory_space<hbm>> -> memref<1x64xf32, #tpu.memory_space<hbm>>
    tpu.enqueue_dma source(%dma_start3A_504 : memref<1x64xf32, #tpu.memory_space<hbm>>) target(%dma_start3A_502 : memref<1x64xf32, #tpu.memory_space<vmem>>) target_semaphore(%arg22 : memref<!tpu.dma_semaphore, #tpu.memory_space<semaphore_mem>>)
    %slice3A_505 = vector.extract_strided_slice %get3A_24 {offsets = [13], sizes = [1], strides = [1]} : vector<16xi32> to vector<1xi32>
    %squeeze3A_506 = vector.extract %slice3A_505[0] : i32 from vector<1xi32>
    %dma_start3A_507 = arith.constant 13 : i32
    %dma_start3A_508 = arith.constant 0 : i32
    %dma_start3A_509 = tpu.memref_slice %arg17[%dma_start3A_507, %dma_start3A_508] : memref<256x64xf32, #tpu.memory_space<vmem>> -> memref<1x64xf32, #tpu.memory_space<vmem>>
    %dma_start3A_510 = arith.constant 0 : i32
    %dma_start3A_511 = tpu.memref_slice %arg8[%squeeze3A_506, %dma_start3A_510] : memref<100000x64xf32, #tpu.memory_space<hbm>> -> memref<1x64xf32, #tpu.memory_space<hbm>>
    %dma_start3A_512 = arith.constant 13 : i32
    %dma_start3A_513 = arith.constant 0 : i32
    %dma_start3A_514 = tpu.memref_slice %arg17[%dma_start3A_512, %dma_start3A_513] : memref<256x64xf32, #tpu.memory_space<vmem>> -> memref<1x64xf32, #tpu.memory_space<vmem>>
    %dma_start3A_515 = arith.constant 0 : i32
    %dma_start3A_516 = tpu.memref_slice %arg8[%squeeze3A_506, %dma_start3A_515] : memref<100000x64xf32, #tpu.memory_space<hbm>> -> memref<1x64xf32, #tpu.memory_space<hbm>>
    tpu.enqueue_dma source(%dma_start3A_516 : memref<1x64xf32, #tpu.memory_space<hbm>>) target(%dma_start3A_514 : memref<1x64xf32, #tpu.memory_space<vmem>>) target_semaphore(%arg22 : memref<!tpu.dma_semaphore, #tpu.memory_space<semaphore_mem>>)
    %slice3A_517 = vector.extract_strided_slice %get3A_26 {offsets = [13], sizes = [1], strides = [1]} : vector<16xi32> to vector<1xi32>
    %squeeze3A_518 = vector.extract %slice3A_517[0] : i32 from vector<1xi32>
    %dma_start3A_519 = arith.constant 13 : i32
    %dma_start3A_520 = arith.constant 0 : i32
    %dma_start3A_521 = tpu.memref_slice %arg18[%dma_start3A_519, %dma_start3A_520] : memref<256x64xf32, #tpu.memory_space<vmem>> -> memref<1x64xf32, #tpu.memory_space<vmem>>
    %dma_start3A_522 = arith.constant 0 : i32
    %dma_start3A_523 = tpu.memref_slice %arg8[%squeeze3A_518, %dma_start3A_522] : memref<100000x64xf32, #tpu.memory_space<hbm>> -> memref<1x64xf32, #tpu.memory_space<hbm>>
    %dma_start3A_524 = arith.constant 13 : i32
    %dma_start3A_525 = arith.constant 0 : i32
    %dma_start3A_526 = tpu.memref_slice %arg18[%dma_start3A_524, %dma_start3A_525] : memref<256x64xf32, #tpu.memory_space<vmem>> -> memref<1x64xf32, #tpu.memory_space<vmem>>
    %dma_start3A_527 = arith.constant 0 : i32
    %dma_start3A_528 = tpu.memref_slice %arg8[%squeeze3A_518, %dma_start3A_527] : memref<100000x64xf32, #tpu.memory_space<hbm>> -> memref<1x64xf32, #tpu.memory_space<hbm>>
    tpu.enqueue_dma source(%dma_start3A_528 : memref<1x64xf32, #tpu.memory_space<hbm>>) target(%dma_start3A_526 : memref<1x64xf32, #tpu.memory_space<vmem>>) target_semaphore(%arg22 : memref<!tpu.dma_semaphore, #tpu.memory_space<semaphore_mem>>)
    %slice3A_529 = vector.extract_strided_slice %get3A_22 {offsets = [14], sizes = [1], strides = [1]} : vector<16xi32> to vector<1xi32>
    %squeeze3A_530 = vector.extract %slice3A_529[0] : i32 from vector<1xi32>
    %dma_start3A_531 = arith.constant 14 : i32
    %dma_start3A_532 = arith.constant 0 : i32
    %dma_start3A_533 = tpu.memref_slice %arg16[%dma_start3A_531, %dma_start3A_532] : memref<256x64xf32, #tpu.memory_space<vmem>> -> memref<1x64xf32, #tpu.memory_space<vmem>>
    %dma_start3A_534 = arith.constant 0 : i32
    %dma_start3A_535 = tpu.memref_slice %arg7[%squeeze3A_530, %dma_start3A_534] : memref<100000x64xf32, #tpu.memory_space<hbm>> -> memref<1x64xf32, #tpu.memory_space<hbm>>
    %dma_start3A_536 = arith.constant 14 : i32
    %dma_start3A_537 = arith.constant 0 : i32
    %dma_start3A_538 = tpu.memref_slice %arg16[%dma_start3A_536, %dma_start3A_537] : memref<256x64xf32, #tpu.memory_space<vmem>> -> memref<1x64xf32, #tpu.memory_space<vmem>>
    %dma_start3A_539 = arith.constant 0 : i32
    %dma_start3A_540 = tpu.memref_slice %arg7[%squeeze3A_530, %dma_start3A_539] : memref<100000x64xf32, #tpu.memory_space<hbm>> -> memref<1x64xf32, #tpu.memory_space<hbm>>
    tpu.enqueue_dma source(%dma_start3A_540 : memref<1x64xf32, #tpu.memory_space<hbm>>) target(%dma_start3A_538 : memref<1x64xf32, #tpu.memory_space<vmem>>) target_semaphore(%arg22 : memref<!tpu.dma_semaphore, #tpu.memory_space<semaphore_mem>>)
    %slice3A_541 = vector.extract_strided_slice %get3A_24 {offsets = [14], sizes = [1], strides = [1]} : vector<16xi32> to vector<1xi32>
    %squeeze3A_542 = vector.extract %slice3A_541[0] : i32 from vector<1xi32>
    %dma_start3A_543 = arith.constant 14 : i32
    %dma_start3A_544 = arith.constant 0 : i32
    %dma_start3A_545 = tpu.memref_slice %arg17[%dma_start3A_543, %dma_start3A_544] : memref<256x64xf32, #tpu.memory_space<vmem>> -> memref<1x64xf32, #tpu.memory_space<vmem>>
    %dma_start3A_546 = arith.constant 0 : i32
    %dma_start3A_547 = tpu.memref_slice %arg8[%squeeze3A_542, %dma_start3A_546] : memref<100000x64xf32, #tpu.memory_space<hbm>> -> memref<1x64xf32, #tpu.memory_space<hbm>>
    %dma_start3A_548 = arith.constant 14 : i32
    %dma_start3A_549 = arith.constant 0 : i32
    %dma_start3A_550 = tpu.memref_slice %arg17[%dma_start3A_548, %dma_start3A_549] : memref<256x64xf32, #tpu.memory_space<vmem>> -> memref<1x64xf32, #tpu.memory_space<vmem>>
    %dma_start3A_551 = arith.constant 0 : i32
    %dma_start3A_552 = tpu.memref_slice %arg8[%squeeze3A_542, %dma_start3A_551] : memref<100000x64xf32, #tpu.memory_space<hbm>> -> memref<1x64xf32, #tpu.memory_space<hbm>>
    tpu.enqueue_dma source(%dma_start3A_552 : memref<1x64xf32, #tpu.memory_space<hbm>>) target(%dma_start3A_550 : memref<1x64xf32, #tpu.memory_space<vmem>>) target_semaphore(%arg22 : memref<!tpu.dma_semaphore, #tpu.memory_space<semaphore_mem>>)
    %slice3A_553 = vector.extract_strided_slice %get3A_26 {offsets = [14], sizes = [1], strides = [1]} : vector<16xi32> to vector<1xi32>
    %squeeze3A_554 = vector.extract %slice3A_553[0] : i32 from vector<1xi32>
    %dma_start3A_555 = arith.constant 14 : i32
    %dma_start3A_556 = arith.constant 0 : i32
    %dma_start3A_557 = tpu.memref_slice %arg18[%dma_start3A_555, %dma_start3A_556] : memref<256x64xf32, #tpu.memory_space<vmem>> -> memref<1x64xf32, #tpu.memory_space<vmem>>
    %dma_start3A_558 = arith.constant 0 : i32
    %dma_start3A_559 = tpu.memref_slice %arg8[%squeeze3A_554, %dma_start3A_558] : memref<100000x64xf32, #tpu.memory_space<hbm>> -> memref<1x64xf32, #tpu.memory_space<hbm>>
    %dma_start3A_560 = arith.constant 14 : i32
    %dma_start3A_561 = arith.constant 0 : i32
    %dma_start3A_562 = tpu.memref_slice %arg18[%dma_start3A_560, %dma_start3A_561] : memref<256x64xf32, #tpu.memory_space<vmem>> -> memref<1x64xf32, #tpu.memory_space<vmem>>
    %dma_start3A_563 = arith.constant 0 : i32
    %dma_start3A_564 = tpu.memref_slice %arg8[%squeeze3A_554, %dma_start3A_563] : memref<100000x64xf32, #tpu.memory_space<hbm>> -> memref<1x64xf32, #tpu.memory_space<hbm>>
    tpu.enqueue_dma source(%dma_start3A_564 : memref<1x64xf32, #tpu.memory_space<hbm>>) target(%dma_start3A_562 : memref<1x64xf32, #tpu.memory_space<vmem>>) target_semaphore(%arg22 : memref<!tpu.dma_semaphore, #tpu.memory_space<semaphore_mem>>)
    %slice3A_565 = vector.extract_strided_slice %get3A_22 {offsets = [15], sizes = [1], strides = [1]} : vector<16xi32> to vector<1xi32>
    %squeeze3A_566 = vector.extract %slice3A_565[0] : i32 from vector<1xi32>
    %dma_start3A_567 = arith.constant 15 : i32
    %dma_start3A_568 = arith.constant 0 : i32
    %dma_start3A_569 = tpu.memref_slice %arg16[%dma_start3A_567, %dma_start3A_568] : memref<256x64xf32, #tpu.memory_space<vmem>> -> memref<1x64xf32, #tpu.memory_space<vmem>>
    %dma_start3A_570 = arith.constant 0 : i32
    %dma_start3A_571 = tpu.memref_slice %arg7[%squeeze3A_566, %dma_start3A_570] : memref<100000x64xf32, #tpu.memory_space<hbm>> -> memref<1x64xf32, #tpu.memory_space<hbm>>
    %dma_start3A_572 = arith.constant 15 : i32
    %dma_start3A_573 = arith.constant 0 : i32
    %dma_start3A_574 = tpu.memref_slice %arg16[%dma_start3A_572, %dma_start3A_573] : memref<256x64xf32, #tpu.memory_space<vmem>> -> memref<1x64xf32, #tpu.memory_space<vmem>>
    %dma_start3A_575 = arith.constant 0 : i32
    %dma_start3A_576 = tpu.memref_slice %arg7[%squeeze3A_566, %dma_start3A_575] : memref<100000x64xf32, #tpu.memory_space<hbm>> -> memref<1x64xf32, #tpu.memory_space<hbm>>
    tpu.enqueue_dma source(%dma_start3A_576 : memref<1x64xf32, #tpu.memory_space<hbm>>) target(%dma_start3A_574 : memref<1x64xf32, #tpu.memory_space<vmem>>) target_semaphore(%arg22 : memref<!tpu.dma_semaphore, #tpu.memory_space<semaphore_mem>>)
    %slice3A_577 = vector.extract_strided_slice %get3A_24 {offsets = [15], sizes = [1], strides = [1]} : vector<16xi32> to vector<1xi32>
    %squeeze3A_578 = vector.extract %slice3A_577[0] : i32 from vector<1xi32>
    %dma_start3A_579 = arith.constant 15 : i32
    %dma_start3A_580 = arith.constant 0 : i32
    %dma_start3A_581 = tpu.memref_slice %arg17[%dma_start3A_579, %dma_start3A_580] : memref<256x64xf32, #tpu.memory_space<vmem>> -> memref<1x64xf32, #tpu.memory_space<vmem>>
    %dma_start3A_582 = arith.constant 0 : i32
    %dma_start3A_583 = tpu.memref_slice %arg8[%squeeze3A_578, %dma_start3A_582] : memref<100000x64xf32, #tpu.memory_space<hbm>> -> memref<1x64xf32, #tpu.memory_space<hbm>>
    %dma_start3A_584 = arith.constant 15 : i32
    %dma_start3A_585 = arith.constant 0 : i32
    %dma_start3A_586 = tpu.memref_slice %arg17[%dma_start3A_584, %dma_start3A_585] : memref<256x64xf32, #tpu.memory_space<vmem>> -> memref<1x64xf32, #tpu.memory_space<vmem>>
    %dma_start3A_587 = arith.constant 0 : i32
    %dma_start3A_588 = tpu.memref_slice %arg8[%squeeze3A_578, %dma_start3A_587] : memref<100000x64xf32, #tpu.memory_space<hbm>> -> memref<1x64xf32, #tpu.memory_space<hbm>>
    tpu.enqueue_dma source(%dma_start3A_588 : memref<1x64xf32, #tpu.memory_space<hbm>>) target(%dma_start3A_586 : memref<1x64xf32, #tpu.memory_space<vmem>>) target_semaphore(%arg22 : memref<!tpu.dma_semaphore, #tpu.memory_space<semaphore_mem>>)
    %slice3A_589 = vector.extract_strided_slice %get3A_26 {offsets = [15], sizes = [1], strides = [1]} : vector<16xi32> to vector<1xi32>
    %squeeze3A_590 = vector.extract %slice3A_589[0] : i32 from vector<1xi32>
    %dma_start3A_591 = arith.constant 15 : i32
    %dma_start3A_592 = arith.constant 0 : i32
    %dma_start3A_593 = tpu.memref_slice %arg18[%dma_start3A_591, %dma_start3A_592] : memref<256x64xf32, #tpu.memory_space<vmem>> -> memref<1x64xf32, #tpu.memory_space<vmem>>
    %dma_start3A_594 = arith.constant 0 : i32
    %dma_start3A_595 = tpu.memref_slice %arg8[%squeeze3A_590, %dma_start3A_594] : memref<100000x64xf32, #tpu.memory_space<hbm>> -> memref<1x64xf32, #tpu.memory_space<hbm>>
    %dma_start3A_596 = arith.constant 15 : i32
    %dma_start3A_597 = arith.constant 0 : i32
    %dma_start3A_598 = tpu.memref_slice %arg18[%dma_start3A_596, %dma_start3A_597] : memref<256x64xf32, #tpu.memory_space<vmem>> -> memref<1x64xf32, #tpu.memory_space<vmem>>
    %dma_start3A_599 = arith.constant 0 : i32
    %dma_start3A_600 = tpu.memref_slice %arg8[%squeeze3A_590, %dma_start3A_599] : memref<100000x64xf32, #tpu.memory_space<hbm>> -> memref<1x64xf32, #tpu.memory_space<hbm>>
    tpu.enqueue_dma source(%dma_start3A_600 : memref<1x64xf32, #tpu.memory_space<hbm>>) target(%dma_start3A_598 : memref<1x64xf32, #tpu.memory_space<vmem>>) target_semaphore(%arg22 : memref<!tpu.dma_semaphore, #tpu.memory_space<semaphore_mem>>)
    %scan3A = arith.constant 0 : i32
    %scan3A_601 = arith.constant 1 : i32
    %scan3A_602 = arith.constant 15 : i32
    %scan3A_603 = arith.addi %scan3A_601, %scan3A_602 : i32
    %scan3A_604 = arith.constant 1 : i32
    scf.for %scan3A_1349 = %scan3A_601 to %scan3A_603 step %scan3A_604  : i32 {
      %mul3A_1350 = arith.constant 16 : i32
      %mul3A_1351 = arith.muli %scan3A_1349, %mul3A_1350 : i32
      %add3A_1352 = arith.constant 0 : i32
      %add3A_1353 = arith.addi %add3A_1352, %mul3A_1351 : i32
      %get3A_1354 = arith.index_cast %add3A_1353 : i32 to index
      %get3A_1355 = tpu.vector_load %arg13[%get3A_1354] {strides = array<i32>} : memref<512xi32, #tpu.memory_space<vmem>>, vector<16xi32>,
      %get3A_1356 = arith.index_cast %add3A_1353 : i32 to index
      %get3A_1357 = tpu.vector_load %arg14[%get3A_1356] {strides = array<i32>} : memref<512xi32, #tpu.memory_space<vmem>>, vector<16xi32>,
      %get3A_1358 = arith.index_cast %add3A_1353 : i32 to index
      %get3A_1359 = tpu.vector_load %arg15[%get3A_1358] {strides = array<i32>} : memref<512xi32, #tpu.memory_space<vmem>>, vector<16xi32>,
      %mul3A_1360 = arith.constant 16 : i32
      %mul3A_1361 = arith.muli %scan3A_1349, %mul3A_1360 : i32
      %slice3A_1362 = vector.extract_strided_slice %get3A_1355 {offsets = [0], sizes = [1], strides = [1]} : vector<16xi32> to vector<1xi32>
      %squeeze3A_1363 = vector.extract %slice3A_1362[0] : i32 from vector<1xi32>
      %add3A_1364 = arith.constant 0 : i32
      %add3A_1365 = arith.addi %mul3A_1361, %add3A_1364 : i32
      %dma_start3A_1366 = arith.constant 0 : i32
      %dma_start3A_1367 = tpu.memref_slice %arg16[%add3A_1365, %dma_start3A_1366] : memref<256x64xf32, #tpu.memory_space<vmem>> -> memref<1x64xf32, #tpu.memory_space<vmem>>
      %dma_start3A_1368 = arith.constant 0 : i32
      %dma_start3A_1369 = tpu.memref_slice %arg7[%squeeze3A_1363, %dma_start3A_1368] : memref<100000x64xf32, #tpu.memory_space<hbm>> -> memref<1x64xf32, #tpu.memory_space<hbm>>
      %dma_start3A_1370 = arith.constant 0 : i32
      %dma_start3A_1371 = tpu.memref_slice %arg16[%add3A_1365, %dma_start3A_1370] : memref<256x64xf32, #tpu.memory_space<vmem>> -> memref<1x64xf32, #tpu.memory_space<vmem>>
      %dma_start3A_1372 = arith.constant 0 : i32
      %dma_start3A_1373 = tpu.memref_slice %arg7[%squeeze3A_1363, %dma_start3A_1372] : memref<100000x64xf32, #tpu.memory_space<hbm>> -> memref<1x64xf32, #tpu.memory_space<hbm>>
      tpu.enqueue_dma source(%dma_start3A_1373 : memref<1x64xf32, #tpu.memory_space<hbm>>) target(%dma_start3A_1371 : memref<1x64xf32, #tpu.memory_space<vmem>>) target_semaphore(%arg22 : memref<!tpu.dma_semaphore, #tpu.memory_space<semaphore_mem>>)
      %slice3A_1374 = vector.extract_strided_slice %get3A_1357 {offsets = [0], sizes = [1], strides = [1]} : vector<16xi32> to vector<1xi32>
      %squeeze3A_1375 = vector.extract %slice3A_1374[0] : i32 from vector<1xi32>
      %add3A_1376 = arith.constant 0 : i32
      %add3A_1377 = arith.addi %mul3A_1361, %add3A_1376 : i32
      %dma_start3A_1378 = arith.constant 0 : i32
      %dma_start3A_1379 = tpu.memref_slice %arg17[%add3A_1377, %dma_start3A_1378] : memref<256x64xf32, #tpu.memory_space<vmem>> -> memref<1x64xf32, #tpu.memory_space<vmem>>
      %dma_start3A_1380 = arith.constant 0 : i32
      %dma_start3A_1381 = tpu.memref_slice %arg8[%squeeze3A_1375, %dma_start3A_1380] : memref<100000x64xf32, #tpu.memory_space<hbm>> -> memref<1x64xf32, #tpu.memory_space<hbm>>
      %dma_start3A_1382 = arith.constant 0 : i32
      %dma_start3A_1383 = tpu.memref_slice %arg17[%add3A_1377, %dma_start3A_1382] : memref<256x64xf32, #tpu.memory_space<vmem>> -> memref<1x64xf32, #tpu.memory_space<vmem>>
      %dma_start3A_1384 = arith.constant 0 : i32
      %dma_start3A_1385 = tpu.memref_slice %arg8[%squeeze3A_1375, %dma_start3A_1384] : memref<100000x64xf32, #tpu.memory_space<hbm>> -> memref<1x64xf32, #tpu.memory_space<hbm>>
      tpu.enqueue_dma source(%dma_start3A_1385 : memref<1x64xf32, #tpu.memory_space<hbm>>) target(%dma_start3A_1383 : memref<1x64xf32, #tpu.memory_space<vmem>>) target_semaphore(%arg22 : memref<!tpu.dma_semaphore, #tpu.memory_space<semaphore_mem>>)
      %slice3A_1386 = vector.extract_strided_slice %get3A_1359 {offsets = [0], sizes = [1], strides = [1]} : vector<16xi32> to vector<1xi32>
      %squeeze3A_1387 = vector.extract %slice3A_1386[0] : i32 from vector<1xi32>
      %add3A_1388 = arith.constant 0 : i32
      %add3A_1389 = arith.addi %mul3A_1361, %add3A_1388 : i32
      %dma_start3A_1390 = arith.constant 0 : i32
      %dma_start3A_1391 = tpu.memref_slice %arg18[%add3A_1389, %dma_start3A_1390] : memref<256x64xf32, #tpu.memory_space<vmem>> -> memref<1x64xf32, #tpu.memory_space<vmem>>
      %dma_start3A_1392 = arith.constant 0 : i32
      %dma_start3A_1393 = tpu.memref_slice %arg8[%squeeze3A_1387, %dma_start3A_1392] : memref<100000x64xf32, #tpu.memory_space<hbm>> -> memref<1x64xf32, #tpu.memory_space<hbm>>
      %dma_start3A_1394 = arith.constant 0 : i32
      %dma_start3A_1395 = tpu.memref_slice %arg18[%add3A_1389, %dma_start3A_1394] : memref<256x64xf32, #tpu.memory_space<vmem>> -> memref<1x64xf32, #tpu.memory_space<vmem>>
      %dma_start3A_1396 = arith.constant 0 : i32
      %dma_start3A_1397 = tpu.memref_slice %arg8[%squeeze3A_1387, %dma_start3A_1396] : memref<100000x64xf32, #tpu.memory_space<hbm>> -> memref<1x64xf32, #tpu.memory_space<hbm>>
      tpu.enqueue_dma source(%dma_start3A_1397 : memref<1x64xf32, #tpu.memory_space<hbm>>) target(%dma_start3A_1395 : memref<1x64xf32, #tpu.memory_space<vmem>>) target_semaphore(%arg22 : memref<!tpu.dma_semaphore, #tpu.memory_space<semaphore_mem>>)
      %slice3A_1398 = vector.extract_strided_slice %get3A_1355 {offsets = [1], sizes = [1], strides = [1]} : vector<16xi32> to vector<1xi32>
      %squeeze3A_1399 = vector.extract %slice3A_1398[0] : i32 from vector<1xi32>
      %add3A_1400 = arith.constant 1 : i32
      %add3A_1401 = arith.addi %mul3A_1361, %add3A_1400 : i32
      %dma_start3A_1402 = arith.constant 0 : i32
      %dma_start3A_1403 = tpu.memref_slice %arg16[%add3A_1401, %dma_start3A_1402] : memref<256x64xf32, #tpu.memory_space<vmem>> -> memref<1x64xf32, #tpu.memory_space<vmem>>
      %dma_start3A_1404 = arith.constant 0 : i32
      %dma_start3A_1405 = tpu.memref_slice %arg7[%squeeze3A_1399, %dma_start3A_1404] : memref<100000x64xf32, #tpu.memory_space<hbm>> -> memref<1x64xf32, #tpu.memory_space<hbm>>
      %dma_start3A_1406 = arith.constant 0 : i32
      %dma_start3A_1407 = tpu.memref_slice %arg16[%add3A_1401, %dma_start3A_1406] : memref<256x64xf32, #tpu.memory_space<vmem>> -> memref<1x64xf32, #tpu.memory_space<vmem>>
      %dma_start3A_1408 = arith.constant 0 : i32
      %dma_start3A_1409 = tpu.memref_slice %arg7[%squeeze3A_1399, %dma_start3A_1408] : memref<100000x64xf32, #tpu.memory_space<hbm>> -> memref<1x64xf32, #tpu.memory_space<hbm>>
      tpu.enqueue_dma source(%dma_start3A_1409 : memref<1x64xf32, #tpu.memory_space<hbm>>) target(%dma_start3A_1407 : memref<1x64xf32, #tpu.memory_space<vmem>>) target_semaphore(%arg22 : memref<!tpu.dma_semaphore, #tpu.memory_space<semaphore_mem>>)
      %slice3A_1410 = vector.extract_strided_slice %get3A_1357 {offsets = [1], sizes = [1], strides = [1]} : vector<16xi32> to vector<1xi32>
      %squeeze3A_1411 = vector.extract %slice3A_1410[0] : i32 from vector<1xi32>
      %add3A_1412 = arith.constant 1 : i32
      %add3A_1413 = arith.addi %mul3A_1361, %add3A_1412 : i32
      %dma_start3A_1414 = arith.constant 0 : i32
      %dma_start3A_1415 = tpu.memref_slice %arg17[%add3A_1413, %dma_start3A_1414] : memref<256x64xf32, #tpu.memory_space<vmem>> -> memref<1x64xf32, #tpu.memory_space<vmem>>
      %dma_start3A_1416 = arith.constant 0 : i32
      %dma_start3A_1417 = tpu.memref_slice %arg8[%squeeze3A_1411, %dma_start3A_1416] : memref<100000x64xf32, #tpu.memory_space<hbm>> -> memref<1x64xf32, #tpu.memory_space<hbm>>
      %dma_start3A_1418 = arith.constant 0 : i32
      %dma_start3A_1419 = tpu.memref_slice %arg17[%add3A_1413, %dma_start3A_1418] : memref<256x64xf32, #tpu.memory_space<vmem>> -> memref<1x64xf32, #tpu.memory_space<vmem>>
      %dma_start3A_1420 = arith.constant 0 : i32
      %dma_start3A_1421 = tpu.memref_slice %arg8[%squeeze3A_1411, %dma_start3A_1420] : memref<100000x64xf32, #tpu.memory_space<hbm>> -> memref<1x64xf32, #tpu.memory_space<hbm>>
      tpu.enqueue_dma source(%dma_start3A_1421 : memref<1x64xf32, #tpu.memory_space<hbm>>) target(%dma_start3A_1419 : memref<1x64xf32, #tpu.memory_space<vmem>>) target_semaphore(%arg22 : memref<!tpu.dma_semaphore, #tpu.memory_space<semaphore_mem>>)
      %slice3A_1422 = vector.extract_strided_slice %get3A_1359 {offsets = [1], sizes = [1], strides = [1]} : vector<16xi32> to vector<1xi32>
      %squeeze3A_1423 = vector.extract %slice3A_1422[0] : i32 from vector<1xi32>
      %add3A_1424 = arith.constant 1 : i32
      %add3A_1425 = arith.addi %mul3A_1361, %add3A_1424 : i32
      %dma_start3A_1426 = arith.constant 0 : i32
      %dma_start3A_1427 = tpu.memref_slice %arg18[%add3A_1425, %dma_start3A_1426] : memref<256x64xf32, #tpu.memory_space<vmem>> -> memref<1x64xf32, #tpu.memory_space<vmem>>
      %dma_start3A_1428 = arith.constant 0 : i32
      %dma_start3A_1429 = tpu.memref_slice %arg8[%squeeze3A_1423, %dma_start3A_1428] : memref<100000x64xf32, #tpu.memory_space<hbm>> -> memref<1x64xf32, #tpu.memory_space<hbm>>
      %dma_start3A_1430 = arith.constant 0 : i32
      %dma_start3A_1431 = tpu.memref_slice %arg18[%add3A_1425, %dma_start3A_1430] : memref<256x64xf32, #tpu.memory_space<vmem>> -> memref<1x64xf32, #tpu.memory_space<vmem>>
      %dma_start3A_1432 = arith.constant 0 : i32
      %dma_start3A_1433 = tpu.memref_slice %arg8[%squeeze3A_1423, %dma_start3A_1432] : memref<100000x64xf32, #tpu.memory_space<hbm>> -> memref<1x64xf32, #tpu.memory_space<hbm>>
      tpu.enqueue_dma source(%dma_start3A_1433 : memref<1x64xf32, #tpu.memory_space<hbm>>) target(%dma_start3A_1431 : memref<1x64xf32, #tpu.memory_space<vmem>>) target_semaphore(%arg22 : memref<!tpu.dma_semaphore, #tpu.memory_space<semaphore_mem>>)
      %slice3A_1434 = vector.extract_strided_slice %get3A_1355 {offsets = [2], sizes = [1], strides = [1]} : vector<16xi32> to vector<1xi32>
      %squeeze3A_1435 = vector.extract %slice3A_1434[0] : i32 from vector<1xi32>
      %add3A_1436 = arith.constant 2 : i32
      %add3A_1437 = arith.addi %mul3A_1361, %add3A_1436 : i32
      %dma_start3A_1438 = arith.constant 0 : i32
      %dma_start3A_1439 = tpu.memref_slice %arg16[%add3A_1437, %dma_start3A_1438] : memref<256x64xf32, #tpu.memory_space<vmem>> -> memref<1x64xf32, #tpu.memory_space<vmem>>
      %dma_start3A_1440 = arith.constant 0 : i32
      %dma_start3A_1441 = tpu.memref_slice %arg7[%squeeze3A_1435, %dma_start3A_1440] : memref<100000x64xf32, #tpu.memory_space<hbm>> -> memref<1x64xf32, #tpu.memory_space<hbm>>
      %dma_start3A_1442 = arith.constant 0 : i32
      %dma_start3A_1443 = tpu.memref_slice %arg16[%add3A_1437, %dma_start3A_1442] : memref<256x64xf32, #tpu.memory_space<vmem>> -> memref<1x64xf32, #tpu.memory_space<vmem>>
      %dma_start3A_1444 = arith.constant 0 : i32
      %dma_start3A_1445 = tpu.memref_slice %arg7[%squeeze3A_1435, %dma_start3A_1444] : memref<100000x64xf32, #tpu.memory_space<hbm>> -> memref<1x64xf32, #tpu.memory_space<hbm>>
      tpu.enqueue_dma source(%dma_start3A_1445 : memref<1x64xf32, #tpu.memory_space<hbm>>) target(%dma_start3A_1443 : memref<1x64xf32, #tpu.memory_space<vmem>>) target_semaphore(%arg22 : memref<!tpu.dma_semaphore, #tpu.memory_space<semaphore_mem>>)
      %slice3A_1446 = vector.extract_strided_slice %get3A_1357 {offsets = [2], sizes = [1], strides = [1]} : vector<16xi32> to vector<1xi32>
      %squeeze3A_1447 = vector.extract %slice3A_1446[0] : i32 from vector<1xi32>
      %add3A_1448 = arith.constant 2 : i32
      %add3A_1449 = arith.addi %mul3A_1361, %add3A_1448 : i32
      %dma_start3A_1450 = arith.constant 0 : i32
      %dma_start3A_1451 = tpu.memref_slice %arg17[%add3A_1449, %dma_start3A_1450] : memref<256x64xf32, #tpu.memory_space<vmem>> -> memref<1x64xf32, #tpu.memory_space<vmem>>
      %dma_start3A_1452 = arith.constant 0 : i32
      %dma_start3A_1453 = tpu.memref_slice %arg8[%squeeze3A_1447, %dma_start3A_1452] : memref<100000x64xf32, #tpu.memory_space<hbm>> -> memref<1x64xf32, #tpu.memory_space<hbm>>
      %dma_start3A_1454 = arith.constant 0 : i32
      %dma_start3A_1455 = tpu.memref_slice %arg17[%add3A_1449, %dma_start3A_1454] : memref<256x64xf32, #tpu.memory_space<vmem>> -> memref<1x64xf32, #tpu.memory_space<vmem>>
      %dma_start3A_1456 = arith.constant 0 : i32
      %dma_start3A_1457 = tpu.memref_slice %arg8[%squeeze3A_1447, %dma_start3A_1456] : memref<100000x64xf32, #tpu.memory_space<hbm>> -> memref<1x64xf32, #tpu.memory_space<hbm>>
      tpu.enqueue_dma source(%dma_start3A_1457 : memref<1x64xf32, #tpu.memory_space<hbm>>) target(%dma_start3A_1455 : memref<1x64xf32, #tpu.memory_space<vmem>>) target_semaphore(%arg22 : memref<!tpu.dma_semaphore, #tpu.memory_space<semaphore_mem>>)
      %slice3A_1458 = vector.extract_strided_slice %get3A_1359 {offsets = [2], sizes = [1], strides = [1]} : vector<16xi32> to vector<1xi32>
      %squeeze3A_1459 = vector.extract %slice3A_1458[0] : i32 from vector<1xi32>
      %add3A_1460 = arith.constant 2 : i32
      %add3A_1461 = arith.addi %mul3A_1361, %add3A_1460 : i32
      %dma_start3A_1462 = arith.constant 0 : i32
      %dma_start3A_1463 = tpu.memref_slice %arg18[%add3A_1461, %dma_start3A_1462] : memref<256x64xf32, #tpu.memory_space<vmem>> -> memref<1x64xf32, #tpu.memory_space<vmem>>
      %dma_start3A_1464 = arith.constant 0 : i32
      %dma_start3A_1465 = tpu.memref_slice %arg8[%squeeze3A_1459, %dma_start3A_1464] : memref<100000x64xf32, #tpu.memory_space<hbm>> -> memref<1x64xf32, #tpu.memory_space<hbm>>
      %dma_start3A_1466 = arith.constant 0 : i32
      %dma_start3A_1467 = tpu.memref_slice %arg18[%add3A_1461, %dma_start3A_1466] : memref<256x64xf32, #tpu.memory_space<vmem>> -> memref<1x64xf32, #tpu.memory_space<vmem>>
      %dma_start3A_1468 = arith.constant 0 : i32
      %dma_start3A_1469 = tpu.memref_slice %arg8[%squeeze3A_1459, %dma_start3A_1468] : memref<100000x64xf32, #tpu.memory_space<hbm>> -> memref<1x64xf32, #tpu.memory_space<hbm>>
      tpu.enqueue_dma source(%dma_start3A_1469 : memref<1x64xf32, #tpu.memory_space<hbm>>) target(%dma_start3A_1467 : memref<1x64xf32, #tpu.memory_space<vmem>>) target_semaphore(%arg22 : memref<!tpu.dma_semaphore, #tpu.memory_space<semaphore_mem>>)
      %slice3A_1470 = vector.extract_strided_slice %get3A_1355 {offsets = [3], sizes = [1], strides = [1]} : vector<16xi32> to vector<1xi32>
      %squeeze3A_1471 = vector.extract %slice3A_1470[0] : i32 from vector<1xi32>
      %add3A_1472 = arith.constant 3 : i32
      %add3A_1473 = arith.addi %mul3A_1361, %add3A_1472 : i32
      %dma_start3A_1474 = arith.constant 0 : i32
      %dma_start3A_1475 = tpu.memref_slice %arg16[%add3A_1473, %dma_start3A_1474] : memref<256x64xf32, #tpu.memory_space<vmem>> -> memref<1x64xf32, #tpu.memory_space<vmem>>
      %dma_start3A_1476 = arith.constant 0 : i32
      %dma_start3A_1477 = tpu.memref_slice %arg7[%squeeze3A_1471, %dma_start3A_1476] : memref<100000x64xf32, #tpu.memory_space<hbm>> -> memref<1x64xf32, #tpu.memory_space<hbm>>
      %dma_start3A_1478 = arith.constant 0 : i32
      %dma_start3A_1479 = tpu.memref_slice %arg16[%add3A_1473, %dma_start3A_1478] : memref<256x64xf32, #tpu.memory_space<vmem>> -> memref<1x64xf32, #tpu.memory_space<vmem>>
      %dma_start3A_1480 = arith.constant 0 : i32
      %dma_start3A_1481 = tpu.memref_slice %arg7[%squeeze3A_1471, %dma_start3A_1480] : memref<100000x64xf32, #tpu.memory_space<hbm>> -> memref<1x64xf32, #tpu.memory_space<hbm>>
      tpu.enqueue_dma source(%dma_start3A_1481 : memref<1x64xf32, #tpu.memory_space<hbm>>) target(%dma_start3A_1479 : memref<1x64xf32, #tpu.memory_space<vmem>>) target_semaphore(%arg22 : memref<!tpu.dma_semaphore, #tpu.memory_space<semaphore_mem>>)
      %slice3A_1482 = vector.extract_strided_slice %get3A_1357 {offsets = [3], sizes = [1], strides = [1]} : vector<16xi32> to vector<1xi32>
      %squeeze3A_1483 = vector.extract %slice3A_1482[0] : i32 from vector<1xi32>
      %add3A_1484 = arith.constant 3 : i32
      %add3A_1485 = arith.addi %mul3A_1361, %add3A_1484 : i32
      %dma_start3A_1486 = arith.constant 0 : i32
      %dma_start3A_1487 = tpu.memref_slice %arg17[%add3A_1485, %dma_start3A_1486] : memref<256x64xf32, #tpu.memory_space<vmem>> -> memref<1x64xf32, #tpu.memory_space<vmem>>
      %dma_start3A_1488 = arith.constant 0 : i32
      %dma_start3A_1489 = tpu.memref_slice %arg8[%squeeze3A_1483, %dma_start3A_1488] : memref<100000x64xf32, #tpu.memory_space<hbm>> -> memref<1x64xf32, #tpu.memory_space<hbm>>
      %dma_start3A_1490 = arith.constant 0 : i32
      %dma_start3A_1491 = tpu.memref_slice %arg17[%add3A_1485, %dma_start3A_1490] : memref<256x64xf32, #tpu.memory_space<vmem>> -> memref<1x64xf32, #tpu.memory_space<vmem>>
      %dma_start3A_1492 = arith.constant 0 : i32
      %dma_start3A_1493 = tpu.memref_slice %arg8[%squeeze3A_1483, %dma_start3A_1492] : memref<100000x64xf32, #tpu.memory_space<hbm>> -> memref<1x64xf32, #tpu.memory_space<hbm>>
      tpu.enqueue_dma source(%dma_start3A_1493 : memref<1x64xf32, #tpu.memory_space<hbm>>) target(%dma_start3A_1491 : memref<1x64xf32, #tpu.memory_space<vmem>>) target_semaphore(%arg22 : memref<!tpu.dma_semaphore, #tpu.memory_space<semaphore_mem>>)
      %slice3A_1494 = vector.extract_strided_slice %get3A_1359 {offsets = [3], sizes = [1], strides = [1]} : vector<16xi32> to vector<1xi32>
      %squeeze3A_1495 = vector.extract %slice3A_1494[0] : i32 from vector<1xi32>
      %add3A_1496 = arith.constant 3 : i32
      %add3A_1497 = arith.addi %mul3A_1361, %add3A_1496 : i32
      %dma_start3A_1498 = arith.constant 0 : i32
      %dma_start3A_1499 = tpu.memref_slice %arg18[%add3A_1497, %dma_start3A_1498] : memref<256x64xf32, #tpu.memory_space<vmem>> -> memref<1x64xf32, #tpu.memory_space<vmem>>
      %dma_start3A_1500 = arith.constant 0 : i32
      %dma_start3A_1501 = tpu.memref_slice %arg8[%squeeze3A_1495, %dma_start3A_1500] : memref<100000x64xf32, #tpu.memory_space<hbm>> -> memref<1x64xf32, #tpu.memory_space<hbm>>
      %dma_start3A_1502 = arith.constant 0 : i32
      %dma_start3A_1503 = tpu.memref_slice %arg18[%add3A_1497, %dma_start3A_1502] : memref<256x64xf32, #tpu.memory_space<vmem>> -> memref<1x64xf32, #tpu.memory_space<vmem>>
      %dma_start3A_1504 = arith.constant 0 : i32
      %dma_start3A_1505 = tpu.memref_slice %arg8[%squeeze3A_1495, %dma_start3A_1504] : memref<100000x64xf32, #tpu.memory_space<hbm>> -> memref<1x64xf32, #tpu.memory_space<hbm>>
      tpu.enqueue_dma source(%dma_start3A_1505 : memref<1x64xf32, #tpu.memory_space<hbm>>) target(%dma_start3A_1503 : memref<1x64xf32, #tpu.memory_space<vmem>>) target_semaphore(%arg22 : memref<!tpu.dma_semaphore, #tpu.memory_space<semaphore_mem>>)
      %slice3A_1506 = vector.extract_strided_slice %get3A_1355 {offsets = [4], sizes = [1], strides = [1]} : vector<16xi32> to vector<1xi32>
      %squeeze3A_1507 = vector.extract %slice3A_1506[0] : i32 from vector<1xi32>
      %add3A_1508 = arith.constant 4 : i32
      %add3A_1509 = arith.addi %mul3A_1361, %add3A_1508 : i32
      %dma_start3A_1510 = arith.constant 0 : i32
      %dma_start3A_1511 = tpu.memref_slice %arg16[%add3A_1509, %dma_start3A_1510] : memref<256x64xf32, #tpu.memory_space<vmem>> -> memref<1x64xf32, #tpu.memory_space<vmem>>
      %dma_start3A_1512 = arith.constant 0 : i32
      %dma_start3A_1513 = tpu.memref_slice %arg7[%squeeze3A_1507, %dma_start3A_1512] : memref<100000x64xf32, #tpu.memory_space<hbm>> -> memref<1x64xf32, #tpu.memory_space<hbm>>
      %dma_start3A_1514 = arith.constant 0 : i32
      %dma_start3A_1515 = tpu.memref_slice %arg16[%add3A_1509, %dma_start3A_1514] : memref<256x64xf32, #tpu.memory_space<vmem>> -> memref<1x64xf32, #tpu.memory_space<vmem>>
      %dma_start3A_1516 = arith.constant 0 : i32
      %dma_start3A_1517 = tpu.memref_slice %arg7[%squeeze3A_1507, %dma_start3A_1516] : memref<100000x64xf32, #tpu.memory_space<hbm>> -> memref<1x64xf32, #tpu.memory_space<hbm>>
      tpu.enqueue_dma source(%dma_start3A_1517 : memref<1x64xf32, #tpu.memory_space<hbm>>) target(%dma_start3A_1515 : memref<1x64xf32, #tpu.memory_space<vmem>>) target_semaphore(%arg22 : memref<!tpu.dma_semaphore, #tpu.memory_space<semaphore_mem>>)
      %slice3A_1518 = vector.extract_strided_slice %get3A_1357 {offsets = [4], sizes = [1], strides = [1]} : vector<16xi32> to vector<1xi32>
      %squeeze3A_1519 = vector.extract %slice3A_1518[0] : i32 from vector<1xi32>
      %add3A_1520 = arith.constant 4 : i32
      %add3A_1521 = arith.addi %mul3A_1361, %add3A_1520 : i32
      %dma_start3A_1522 = arith.constant 0 : i32
      %dma_start3A_1523 = tpu.memref_slice %arg17[%add3A_1521, %dma_start3A_1522] : memref<256x64xf32, #tpu.memory_space<vmem>> -> memref<1x64xf32, #tpu.memory_space<vmem>>
      %dma_start3A_1524 = arith.constant 0 : i32
      %dma_start3A_1525 = tpu.memref_slice %arg8[%squeeze3A_1519, %dma_start3A_1524] : memref<100000x64xf32, #tpu.memory_space<hbm>> -> memref<1x64xf32, #tpu.memory_space<hbm>>
      %dma_start3A_1526 = arith.constant 0 : i32
      %dma_start3A_1527 = tpu.memref_slice %arg17[%add3A_1521, %dma_start3A_1526] : memref<256x64xf32, #tpu.memory_space<vmem>> -> memref<1x64xf32, #tpu.memory_space<vmem>>
      %dma_start3A_1528 = arith.constant 0 : i32
      %dma_start3A_1529 = tpu.memref_slice %arg8[%squeeze3A_1519, %dma_start3A_1528] : memref<100000x64xf32, #tpu.memory_space<hbm>> -> memref<1x64xf32, #tpu.memory_space<hbm>>
      tpu.enqueue_dma source(%dma_start3A_1529 : memref<1x64xf32, #tpu.memory_space<hbm>>) target(%dma_start3A_1527 : memref<1x64xf32, #tpu.memory_space<vmem>>) target_semaphore(%arg22 : memref<!tpu.dma_semaphore, #tpu.memory_space<semaphore_mem>>)
      %slice3A_1530 = vector.extract_strided_slice %get3A_1359 {offsets = [4], sizes = [1], strides = [1]} : vector<16xi32> to vector<1xi32>
      %squeeze3A_1531 = vector.extract %slice3A_1530[0] : i32 from vector<1xi32>
      %add3A_1532 = arith.constant 4 : i32
      %add3A_1533 = arith.addi %mul3A_1361, %add3A_1532 : i32
      %dma_start3A_1534 = arith.constant 0 : i32
      %dma_start3A_1535 = tpu.memref_slice %arg18[%add3A_1533, %dma_start3A_1534] : memref<256x64xf32, #tpu.memory_space<vmem>> -> memref<1x64xf32, #tpu.memory_space<vmem>>
      %dma_start3A_1536 = arith.constant 0 : i32
      %dma_start3A_1537 = tpu.memref_slice %arg8[%squeeze3A_1531, %dma_start3A_1536] : memref<100000x64xf32, #tpu.memory_space<hbm>> -> memref<1x64xf32, #tpu.memory_space<hbm>>
      %dma_start3A_1538 = arith.constant 0 : i32
      %dma_start3A_1539 = tpu.memref_slice %arg18[%add3A_1533, %dma_start3A_1538] : memref<256x64xf32, #tpu.memory_space<vmem>> -> memref<1x64xf32, #tpu.memory_space<vmem>>
      %dma_start3A_1540 = arith.constant 0 : i32
      %dma_start3A_1541 = tpu.memref_slice %arg8[%squeeze3A_1531, %dma_start3A_1540] : memref<100000x64xf32, #tpu.memory_space<hbm>> -> memref<1x64xf32, #tpu.memory_space<hbm>>
      tpu.enqueue_dma source(%dma_start3A_1541 : memref<1x64xf32, #tpu.memory_space<hbm>>) target(%dma_start3A_1539 : memref<1x64xf32, #tpu.memory_space<vmem>>) target_semaphore(%arg22 : memref<!tpu.dma_semaphore, #tpu.memory_space<semaphore_mem>>)
      %slice3A_1542 = vector.extract_strided_slice %get3A_1355 {offsets = [5], sizes = [1], strides = [1]} : vector<16xi32> to vector<1xi32>
      %squeeze3A_1543 = vector.extract %slice3A_1542[0] : i32 from vector<1xi32>
      %add3A_1544 = arith.constant 5 : i32
      %add3A_1545 = arith.addi %mul3A_1361, %add3A_1544 : i32
      %dma_start3A_1546 = arith.constant 0 : i32
      %dma_start3A_1547 = tpu.memref_slice %arg16[%add3A_1545, %dma_start3A_1546] : memref<256x64xf32, #tpu.memory_space<vmem>> -> memref<1x64xf32, #tpu.memory_space<vmem>>
      %dma_start3A_1548 = arith.constant 0 : i32
      %dma_start3A_1549 = tpu.memref_slice %arg7[%squeeze3A_1543, %dma_start3A_1548] : memref<100000x64xf32, #tpu.memory_space<hbm>> -> memref<1x64xf32, #tpu.memory_space<hbm>>
      %dma_start3A_1550 = arith.constant 0 : i32
      %dma_start3A_1551 = tpu.memref_slice %arg16[%add3A_1545, %dma_start3A_1550] : memref<256x64xf32, #tpu.memory_space<vmem>> -> memref<1x64xf32, #tpu.memory_space<vmem>>
      %dma_start3A_1552 = arith.constant 0 : i32
      %dma_start3A_1553 = tpu.memref_slice %arg7[%squeeze3A_1543, %dma_start3A_1552] : memref<100000x64xf32, #tpu.memory_space<hbm>> -> memref<1x64xf32, #tpu.memory_space<hbm>>
      tpu.enqueue_dma source(%dma_start3A_1553 : memref<1x64xf32, #tpu.memory_space<hbm>>) target(%dma_start3A_1551 : memref<1x64xf32, #tpu.memory_space<vmem>>) target_semaphore(%arg22 : memref<!tpu.dma_semaphore, #tpu.memory_space<semaphore_mem>>)
      %slice3A_1554 = vector.extract_strided_slice %get3A_1357 {offsets = [5], sizes = [1], strides = [1]} : vector<16xi32> to vector<1xi32>
      %squeeze3A_1555 = vector.extract %slice3A_1554[0] : i32 from vector<1xi32>
      %add3A_1556 = arith.constant 5 : i32
      %add3A_1557 = arith.addi %mul3A_1361, %add3A_1556 : i32
      %dma_start3A_1558 = arith.constant 0 : i32
      %dma_start3A_1559 = tpu.memref_slice %arg17[%add3A_1557, %dma_start3A_1558] : memref<256x64xf32, #tpu.memory_space<vmem>> -> memref<1x64xf32, #tpu.memory_space<vmem>>
      %dma_start3A_1560 = arith.constant 0 : i32
      %dma_start3A_1561 = tpu.memref_slice %arg8[%squeeze3A_1555, %dma_start3A_1560] : memref<100000x64xf32, #tpu.memory_space<hbm>> -> memref<1x64xf32, #tpu.memory_space<hbm>>
      %dma_start3A_1562 = arith.constant 0 : i32
      %dma_start3A_1563 = tpu.memref_slice %arg17[%add3A_1557, %dma_start3A_1562] : memref<256x64xf32, #tpu.memory_space<vmem>> -> memref<1x64xf32, #tpu.memory_space<vmem>>
      %dma_start3A_1564 = arith.constant 0 : i32
      %dma_start3A_1565 = tpu.memref_slice %arg8[%squeeze3A_1555, %dma_start3A_1564] : memref<100000x64xf32, #tpu.memory_space<hbm>> -> memref<1x64xf32, #tpu.memory_space<hbm>>
      tpu.enqueue_dma source(%dma_start3A_1565 : memref<1x64xf32, #tpu.memory_space<hbm>>) target(%dma_start3A_1563 : memref<1x64xf32, #tpu.memory_space<vmem>>) target_semaphore(%arg22 : memref<!tpu.dma_semaphore, #tpu.memory_space<semaphore_mem>>)
      %slice3A_1566 = vector.extract_strided_slice %get3A_1359 {offsets = [5], sizes = [1], strides = [1]} : vector<16xi32> to vector<1xi32>
      %squeeze3A_1567 = vector.extract %slice3A_1566[0] : i32 from vector<1xi32>
      %add3A_1568 = arith.constant 5 : i32
      %add3A_1569 = arith.addi %mul3A_1361, %add3A_1568 : i32
      %dma_start3A_1570 = arith.constant 0 : i32
      %dma_start3A_1571 = tpu.memref_slice %arg18[%add3A_1569, %dma_start3A_1570] : memref<256x64xf32, #tpu.memory_space<vmem>> -> memref<1x64xf32, #tpu.memory_space<vmem>>
      %dma_start3A_1572 = arith.constant 0 : i32
      %dma_start3A_1573 = tpu.memref_slice %arg8[%squeeze3A_1567, %dma_start3A_1572] : memref<100000x64xf32, #tpu.memory_space<hbm>> -> memref<1x64xf32, #tpu.memory_space<hbm>>
      %dma_start3A_1574 = arith.constant 0 : i32
      %dma_start3A_1575 = tpu.memref_slice %arg18[%add3A_1569, %dma_start3A_1574] : memref<256x64xf32, #tpu.memory_space<vmem>> -> memref<1x64xf32, #tpu.memory_space<vmem>>
      %dma_start3A_1576 = arith.constant 0 : i32
      %dma_start3A_1577 = tpu.memref_slice %arg8[%squeeze3A_1567, %dma_start3A_1576] : memref<100000x64xf32, #tpu.memory_space<hbm>> -> memref<1x64xf32, #tpu.memory_space<hbm>>
      tpu.enqueue_dma source(%dma_start3A_1577 : memref<1x64xf32, #tpu.memory_space<hbm>>) target(%dma_start3A_1575 : memref<1x64xf32, #tpu.memory_space<vmem>>) target_semaphore(%arg22 : memref<!tpu.dma_semaphore, #tpu.memory_space<semaphore_mem>>)
      %slice3A_1578 = vector.extract_strided_slice %get3A_1355 {offsets = [6], sizes = [1], strides = [1]} : vector<16xi32> to vector<1xi32>
      %squeeze3A_1579 = vector.extract %slice3A_1578[0] : i32 from vector<1xi32>
      %add3A_1580 = arith.constant 6 : i32
      %add3A_1581 = arith.addi %mul3A_1361, %add3A_1580 : i32
      %dma_start3A_1582 = arith.constant 0 : i32
      %dma_start3A_1583 = tpu.memref_slice %arg16[%add3A_1581, %dma_start3A_1582] : memref<256x64xf32, #tpu.memory_space<vmem>> -> memref<1x64xf32, #tpu.memory_space<vmem>>
      %dma_start3A_1584 = arith.constant 0 : i32
      %dma_start3A_1585 = tpu.memref_slice %arg7[%squeeze3A_1579, %dma_start3A_1584] : memref<100000x64xf32, #tpu.memory_space<hbm>> -> memref<1x64xf32, #tpu.memory_space<hbm>>
      %dma_start3A_1586 = arith.constant 0 : i32
      %dma_start3A_1587 = tpu.memref_slice %arg16[%add3A_1581, %dma_start3A_1586] : memref<256x64xf32, #tpu.memory_space<vmem>> -> memref<1x64xf32, #tpu.memory_space<vmem>>
      %dma_start3A_1588 = arith.constant 0 : i32
      %dma_start3A_1589 = tpu.memref_slice %arg7[%squeeze3A_1579, %dma_start3A_1588] : memref<100000x64xf32, #tpu.memory_space<hbm>> -> memref<1x64xf32, #tpu.memory_space<hbm>>
      tpu.enqueue_dma source(%dma_start3A_1589 : memref<1x64xf32, #tpu.memory_space<hbm>>) target(%dma_start3A_1587 : memref<1x64xf32, #tpu.memory_space<vmem>>) target_semaphore(%arg22 : memref<!tpu.dma_semaphore, #tpu.memory_space<semaphore_mem>>)
      %slice3A_1590 = vector.extract_strided_slice %get3A_1357 {offsets = [6], sizes = [1], strides = [1]} : vector<16xi32> to vector<1xi32>
      %squeeze3A_1591 = vector.extract %slice3A_1590[0] : i32 from vector<1xi32>
      %add3A_1592 = arith.constant 6 : i32
      %add3A_1593 = arith.addi %mul3A_1361, %add3A_1592 : i32
      %dma_start3A_1594 = arith.constant 0 : i32
      %dma_start3A_1595 = tpu.memref_slice %arg17[%add3A_1593, %dma_start3A_1594] : memref<256x64xf32, #tpu.memory_space<vmem>> -> memref<1x64xf32, #tpu.memory_space<vmem>>
      %dma_start3A_1596 = arith.constant 0 : i32
      %dma_start3A_1597 = tpu.memref_slice %arg8[%squeeze3A_1591, %dma_start3A_1596] : memref<100000x64xf32, #tpu.memory_space<hbm>> -> memref<1x64xf32, #tpu.memory_space<hbm>>
      %dma_start3A_1598 = arith.constant 0 : i32
      %dma_start3A_1599 = tpu.memref_slice %arg17[%add3A_1593, %dma_start3A_1598] : memref<256x64xf32, #tpu.memory_space<vmem>> -> memref<1x64xf32, #tpu.memory_space<vmem>>
      %dma_start3A_1600 = arith.constant 0 : i32
      %dma_start3A_1601 = tpu.memref_slice %arg8[%squeeze3A_1591, %dma_start3A_1600] : memref<100000x64xf32, #tpu.memory_space<hbm>> -> memref<1x64xf32, #tpu.memory_space<hbm>>
      tpu.enqueue_dma source(%dma_start3A_1601 : memref<1x64xf32, #tpu.memory_space<hbm>>) target(%dma_start3A_1599 : memref<1x64xf32, #tpu.memory_space<vmem>>) target_semaphore(%arg22 : memref<!tpu.dma_semaphore, #tpu.memory_space<semaphore_mem>>)
      %slice3A_1602 = vector.extract_strided_slice %get3A_1359 {offsets = [6], sizes = [1], strides = [1]} : vector<16xi32> to vector<1xi32>
      %squeeze3A_1603 = vector.extract %slice3A_1602[0] : i32 from vector<1xi32>
      %add3A_1604 = arith.constant 6 : i32
      %add3A_1605 = arith.addi %mul3A_1361, %add3A_1604 : i32
      %dma_start3A_1606 = arith.constant 0 : i32
      %dma_start3A_1607 = tpu.memref_slice %arg18[%add3A_1605, %dma_start3A_1606] : memref<256x64xf32, #tpu.memory_space<vmem>> -> memref<1x64xf32, #tpu.memory_space<vmem>>
      %dma_start3A_1608 = arith.constant 0 : i32
      %dma_start3A_1609 = tpu.memref_slice %arg8[%squeeze3A_1603, %dma_start3A_1608] : memref<100000x64xf32, #tpu.memory_space<hbm>> -> memref<1x64xf32, #tpu.memory_space<hbm>>
      %dma_start3A_1610 = arith.constant 0 : i32
      %dma_start3A_1611 = tpu.memref_slice %arg18[%add3A_1605, %dma_start3A_1610] : memref<256x64xf32, #tpu.memory_space<vmem>> -> memref<1x64xf32, #tpu.memory_space<vmem>>
      %dma_start3A_1612 = arith.constant 0 : i32
      %dma_start3A_1613 = tpu.memref_slice %arg8[%squeeze3A_1603, %dma_start3A_1612] : memref<100000x64xf32, #tpu.memory_space<hbm>> -> memref<1x64xf32, #tpu.memory_space<hbm>>
      tpu.enqueue_dma source(%dma_start3A_1613 : memref<1x64xf32, #tpu.memory_space<hbm>>) target(%dma_start3A_1611 : memref<1x64xf32, #tpu.memory_space<vmem>>) target_semaphore(%arg22 : memref<!tpu.dma_semaphore, #tpu.memory_space<semaphore_mem>>)
      %slice3A_1614 = vector.extract_strided_slice %get3A_1355 {offsets = [7], sizes = [1], strides = [1]} : vector<16xi32> to vector<1xi32>
      %squeeze3A_1615 = vector.extract %slice3A_1614[0] : i32 from vector<1xi32>
      %add3A_1616 = arith.constant 7 : i32
      %add3A_1617 = arith.addi %mul3A_1361, %add3A_1616 : i32
      %dma_start3A_1618 = arith.constant 0 : i32
      %dma_start3A_1619 = tpu.memref_slice %arg16[%add3A_1617, %dma_start3A_1618] : memref<256x64xf32, #tpu.memory_space<vmem>> -> memref<1x64xf32, #tpu.memory_space<vmem>>
      %dma_start3A_1620 = arith.constant 0 : i32
      %dma_start3A_1621 = tpu.memref_slice %arg7[%squeeze3A_1615, %dma_start3A_1620] : memref<100000x64xf32, #tpu.memory_space<hbm>> -> memref<1x64xf32, #tpu.memory_space<hbm>>
      %dma_start3A_1622 = arith.constant 0 : i32
      %dma_start3A_1623 = tpu.memref_slice %arg16[%add3A_1617, %dma_start3A_1622] : memref<256x64xf32, #tpu.memory_space<vmem>> -> memref<1x64xf32, #tpu.memory_space<vmem>>
      %dma_start3A_1624 = arith.constant 0 : i32
      %dma_start3A_1625 = tpu.memref_slice %arg7[%squeeze3A_1615, %dma_start3A_1624] : memref<100000x64xf32, #tpu.memory_space<hbm>> -> memref<1x64xf32, #tpu.memory_space<hbm>>
      tpu.enqueue_dma source(%dma_start3A_1625 : memref<1x64xf32, #tpu.memory_space<hbm>>) target(%dma_start3A_1623 : memref<1x64xf32, #tpu.memory_space<vmem>>) target_semaphore(%arg22 : memref<!tpu.dma_semaphore, #tpu.memory_space<semaphore_mem>>)
      %slice3A_1626 = vector.extract_strided_slice %get3A_1357 {offsets = [7], sizes = [1], strides = [1]} : vector<16xi32> to vector<1xi32>
      %squeeze3A_1627 = vector.extract %slice3A_1626[0] : i32 from vector<1xi32>
      %add3A_1628 = arith.constant 7 : i32
      %add3A_1629 = arith.addi %mul3A_1361, %add3A_1628 : i32
      %dma_start3A_1630 = arith.constant 0 : i32
      %dma_start3A_1631 = tpu.memref_slice %arg17[%add3A_1629, %dma_start3A_1630] : memref<256x64xf32, #tpu.memory_space<vmem>> -> memref<1x64xf32, #tpu.memory_space<vmem>>
      %dma_start3A_1632 = arith.constant 0 : i32
      %dma_start3A_1633 = tpu.memref_slice %arg8[%squeeze3A_1627, %dma_start3A_1632] : memref<100000x64xf32, #tpu.memory_space<hbm>> -> memref<1x64xf32, #tpu.memory_space<hbm>>
      %dma_start3A_1634 = arith.constant 0 : i32
      %dma_start3A_1635 = tpu.memref_slice %arg17[%add3A_1629, %dma_start3A_1634] : memref<256x64xf32, #tpu.memory_space<vmem>> -> memref<1x64xf32, #tpu.memory_space<vmem>>
      %dma_start3A_1636 = arith.constant 0 : i32
      %dma_start3A_1637 = tpu.memref_slice %arg8[%squeeze3A_1627, %dma_start3A_1636] : memref<100000x64xf32, #tpu.memory_space<hbm>> -> memref<1x64xf32, #tpu.memory_space<hbm>>
      tpu.enqueue_dma source(%dma_start3A_1637 : memref<1x64xf32, #tpu.memory_space<hbm>>) target(%dma_start3A_1635 : memref<1x64xf32, #tpu.memory_space<vmem>>) target_semaphore(%arg22 : memref<!tpu.dma_semaphore, #tpu.memory_space<semaphore_mem>>)
      %slice3A_1638 = vector.extract_strided_slice %get3A_1359 {offsets = [7], sizes = [1], strides = [1]} : vector<16xi32> to vector<1xi32>
      %squeeze3A_1639 = vector.extract %slice3A_1638[0] : i32 from vector<1xi32>
      %add3A_1640 = arith.constant 7 : i32
      %add3A_1641 = arith.addi %mul3A_1361, %add3A_1640 : i32
      %dma_start3A_1642 = arith.constant 0 : i32
      %dma_start3A_1643 = tpu.memref_slice %arg18[%add3A_1641, %dma_start3A_1642] : memref<256x64xf32, #tpu.memory_space<vmem>> -> memref<1x64xf32, #tpu.memory_space<vmem>>
      %dma_start3A_1644 = arith.constant 0 : i32
      %dma_start3A_1645 = tpu.memref_slice %arg8[%squeeze3A_1639, %dma_start3A_1644] : memref<100000x64xf32, #tpu.memory_space<hbm>> -> memref<1x64xf32, #tpu.memory_space<hbm>>
      %dma_start3A_1646 = arith.constant 0 : i32
      %dma_start3A_1647 = tpu.memref_slice %arg18[%add3A_1641, %dma_start3A_1646] : memref<256x64xf32, #tpu.memory_space<vmem>> -> memref<1x64xf32, #tpu.memory_space<vmem>>
      %dma_start3A_1648 = arith.constant 0 : i32
      %dma_start3A_1649 = tpu.memref_slice %arg8[%squeeze3A_1639, %dma_start3A_1648] : memref<100000x64xf32, #tpu.memory_space<hbm>> -> memref<1x64xf32, #tpu.memory_space<hbm>>
      tpu.enqueue_dma source(%dma_start3A_1649 : memref<1x64xf32, #tpu.memory_space<hbm>>) target(%dma_start3A_1647 : memref<1x64xf32, #tpu.memory_space<vmem>>) target_semaphore(%arg22 : memref<!tpu.dma_semaphore, #tpu.memory_space<semaphore_mem>>)
      %slice3A_1650 = vector.extract_strided_slice %get3A_1355 {offsets = [8], sizes = [1], strides = [1]} : vector<16xi32> to vector<1xi32>
      %squeeze3A_1651 = vector.extract %slice3A_1650[0] : i32 from vector<1xi32>
      %add3A_1652 = arith.constant 8 : i32
      %add3A_1653 = arith.addi %mul3A_1361, %add3A_1652 : i32
      %dma_start3A_1654 = arith.constant 0 : i32
      %dma_start3A_1655 = tpu.memref_slice %arg16[%add3A_1653, %dma_start3A_1654] : memref<256x64xf32, #tpu.memory_space<vmem>> -> memref<1x64xf32, #tpu.memory_space<vmem>>
      %dma_start3A_1656 = arith.constant 0 : i32
      %dma_start3A_1657 = tpu.memref_slice %arg7[%squeeze3A_1651, %dma_start3A_1656] : memref<100000x64xf32, #tpu.memory_space<hbm>> -> memref<1x64xf32, #tpu.memory_space<hbm>>
      %dma_start3A_1658 = arith.constant 0 : i32
      %dma_start3A_1659 = tpu.memref_slice %arg16[%add3A_1653, %dma_start3A_1658] : memref<256x64xf32, #tpu.memory_space<vmem>> -> memref<1x64xf32, #tpu.memory_space<vmem>>
      %dma_start3A_1660 = arith.constant 0 : i32
      %dma_start3A_1661 = tpu.memref_slice %arg7[%squeeze3A_1651, %dma_start3A_1660] : memref<100000x64xf32, #tpu.memory_space<hbm>> -> memref<1x64xf32, #tpu.memory_space<hbm>>
      tpu.enqueue_dma source(%dma_start3A_1661 : memref<1x64xf32, #tpu.memory_space<hbm>>) target(%dma_start3A_1659 : memref<1x64xf32, #tpu.memory_space<vmem>>) target_semaphore(%arg22 : memref<!tpu.dma_semaphore, #tpu.memory_space<semaphore_mem>>)
      %slice3A_1662 = vector.extract_strided_slice %get3A_1357 {offsets = [8], sizes = [1], strides = [1]} : vector<16xi32> to vector<1xi32>
      %squeeze3A_1663 = vector.extract %slice3A_1662[0] : i32 from vector<1xi32>
      %add3A_1664 = arith.constant 8 : i32
      %add3A_1665 = arith.addi %mul3A_1361, %add3A_1664 : i32
      %dma_start3A_1666 = arith.constant 0 : i32
      %dma_start3A_1667 = tpu.memref_slice %arg17[%add3A_1665, %dma_start3A_1666] : memref<256x64xf32, #tpu.memory_space<vmem>> -> memref<1x64xf32, #tpu.memory_space<vmem>>
      %dma_start3A_1668 = arith.constant 0 : i32
      %dma_start3A_1669 = tpu.memref_slice %arg8[%squeeze3A_1663, %dma_start3A_1668] : memref<100000x64xf32, #tpu.memory_space<hbm>> -> memref<1x64xf32, #tpu.memory_space<hbm>>
      %dma_start3A_1670 = arith.constant 0 : i32
      %dma_start3A_1671 = tpu.memref_slice %arg17[%add3A_1665, %dma_start3A_1670] : memref<256x64xf32, #tpu.memory_space<vmem>> -> memref<1x64xf32, #tpu.memory_space<vmem>>
      %dma_start3A_1672 = arith.constant 0 : i32
      %dma_start3A_1673 = tpu.memref_slice %arg8[%squeeze3A_1663, %dma_start3A_1672] : memref<100000x64xf32, #tpu.memory_space<hbm>> -> memref<1x64xf32, #tpu.memory_space<hbm>>
      tpu.enqueue_dma source(%dma_start3A_1673 : memref<1x64xf32, #tpu.memory_space<hbm>>) target(%dma_start3A_1671 : memref<1x64xf32, #tpu.memory_space<vmem>>) target_semaphore(%arg22 : memref<!tpu.dma_semaphore, #tpu.memory_space<semaphore_mem>>)
      %slice3A_1674 = vector.extract_strided_slice %get3A_1359 {offsets = [8], sizes = [1], strides = [1]} : vector<16xi32> to vector<1xi32>
      %squeeze3A_1675 = vector.extract %slice3A_1674[0] : i32 from vector<1xi32>
      %add3A_1676 = arith.constant 8 : i32
      %add3A_1677 = arith.addi %mul3A_1361, %add3A_1676 : i32
      %dma_start3A_1678 = arith.constant 0 : i32
      %dma_start3A_1679 = tpu.memref_slice %arg18[%add3A_1677, %dma_start3A_1678] : memref<256x64xf32, #tpu.memory_space<vmem>> -> memref<1x64xf32, #tpu.memory_space<vmem>>
      %dma_start3A_1680 = arith.constant 0 : i32
      %dma_start3A_1681 = tpu.memref_slice %arg8[%squeeze3A_1675, %dma_start3A_1680] : memref<100000x64xf32, #tpu.memory_space<hbm>> -> memref<1x64xf32, #tpu.memory_space<hbm>>
      %dma_start3A_1682 = arith.constant 0 : i32
      %dma_start3A_1683 = tpu.memref_slice %arg18[%add3A_1677, %dma_start3A_1682] : memref<256x64xf32, #tpu.memory_space<vmem>> -> memref<1x64xf32, #tpu.memory_space<vmem>>
      %dma_start3A_1684 = arith.constant 0 : i32
      %dma_start3A_1685 = tpu.memref_slice %arg8[%squeeze3A_1675, %dma_start3A_1684] : memref<100000x64xf32, #tpu.memory_space<hbm>> -> memref<1x64xf32, #tpu.memory_space<hbm>>
      tpu.enqueue_dma source(%dma_start3A_1685 : memref<1x64xf32, #tpu.memory_space<hbm>>) target(%dma_start3A_1683 : memref<1x64xf32, #tpu.memory_space<vmem>>) target_semaphore(%arg22 : memref<!tpu.dma_semaphore, #tpu.memory_space<semaphore_mem>>)
      %slice3A_1686 = vector.extract_strided_slice %get3A_1355 {offsets = [9], sizes = [1], strides = [1]} : vector<16xi32> to vector<1xi32>
      %squeeze3A_1687 = vector.extract %slice3A_1686[0] : i32 from vector<1xi32>
      %add3A_1688 = arith.constant 9 : i32
      %add3A_1689 = arith.addi %mul3A_1361, %add3A_1688 : i32
      %dma_start3A_1690 = arith.constant 0 : i32
      %dma_start3A_1691 = tpu.memref_slice %arg16[%add3A_1689, %dma_start3A_1690] : memref<256x64xf32, #tpu.memory_space<vmem>> -> memref<1x64xf32, #tpu.memory_space<vmem>>
      %dma_start3A_1692 = arith.constant 0 : i32
      %dma_start3A_1693 = tpu.memref_slice %arg7[%squeeze3A_1687, %dma_start3A_1692] : memref<100000x64xf32, #tpu.memory_space<hbm>> -> memref<1x64xf32, #tpu.memory_space<hbm>>
      %dma_start3A_1694 = arith.constant 0 : i32
      %dma_start3A_1695 = tpu.memref_slice %arg16[%add3A_1689, %dma_start3A_1694] : memref<256x64xf32, #tpu.memory_space<vmem>> -> memref<1x64xf32, #tpu.memory_space<vmem>>
      %dma_start3A_1696 = arith.constant 0 : i32
      %dma_start3A_1697 = tpu.memref_slice %arg7[%squeeze3A_1687, %dma_start3A_1696] : memref<100000x64xf32, #tpu.memory_space<hbm>> -> memref<1x64xf32, #tpu.memory_space<hbm>>
      tpu.enqueue_dma source(%dma_start3A_1697 : memref<1x64xf32, #tpu.memory_space<hbm>>) target(%dma_start3A_1695 : memref<1x64xf32, #tpu.memory_space<vmem>>) target_semaphore(%arg22 : memref<!tpu.dma_semaphore, #tpu.memory_space<semaphore_mem>>)
      %slice3A_1698 = vector.extract_strided_slice %get3A_1357 {offsets = [9], sizes = [1], strides = [1]} : vector<16xi32> to vector<1xi32>
      %squeeze3A_1699 = vector.extract %slice3A_1698[0] : i32 from vector<1xi32>
      %add3A_1700 = arith.constant 9 : i32
      %add3A_1701 = arith.addi %mul3A_1361, %add3A_1700 : i32
      %dma_start3A_1702 = arith.constant 0 : i32
      %dma_start3A_1703 = tpu.memref_slice %arg17[%add3A_1701, %dma_start3A_1702] : memref<256x64xf32, #tpu.memory_space<vmem>> -> memref<1x64xf32, #tpu.memory_space<vmem>>
      %dma_start3A_1704 = arith.constant 0 : i32
      %dma_start3A_1705 = tpu.memref_slice %arg8[%squeeze3A_1699, %dma_start3A_1704] : memref<100000x64xf32, #tpu.memory_space<hbm>> -> memref<1x64xf32, #tpu.memory_space<hbm>>
      %dma_start3A_1706 = arith.constant 0 : i32
      %dma_start3A_1707 = tpu.memref_slice %arg17[%add3A_1701, %dma_start3A_1706] : memref<256x64xf32, #tpu.memory_space<vmem>> -> memref<1x64xf32, #tpu.memory_space<vmem>>
      %dma_start3A_1708 = arith.constant 0 : i32
      %dma_start3A_1709 = tpu.memref_slice %arg8[%squeeze3A_1699, %dma_start3A_1708] : memref<100000x64xf32, #tpu.memory_space<hbm>> -> memref<1x64xf32, #tpu.memory_space<hbm>>
      tpu.enqueue_dma source(%dma_start3A_1709 : memref<1x64xf32, #tpu.memory_space<hbm>>) target(%dma_start3A_1707 : memref<1x64xf32, #tpu.memory_space<vmem>>) target_semaphore(%arg22 : memref<!tpu.dma_semaphore, #tpu.memory_space<semaphore_mem>>)
      %slice3A_1710 = vector.extract_strided_slice %get3A_1359 {offsets = [9], sizes = [1], strides = [1]} : vector<16xi32> to vector<1xi32>
      %squeeze3A_1711 = vector.extract %slice3A_1710[0] : i32 from vector<1xi32>
      %add3A_1712 = arith.constant 9 : i32
      %add3A_1713 = arith.addi %mul3A_1361, %add3A_1712 : i32
      %dma_start3A_1714 = arith.constant 0 : i32
      %dma_start3A_1715 = tpu.memref_slice %arg18[%add3A_1713, %dma_start3A_1714] : memref<256x64xf32, #tpu.memory_space<vmem>> -> memref<1x64xf32, #tpu.memory_space<vmem>>
      %dma_start3A_1716 = arith.constant 0 : i32
      %dma_start3A_1717 = tpu.memref_slice %arg8[%squeeze3A_1711, %dma_start3A_1716] : memref<100000x64xf32, #tpu.memory_space<hbm>> -> memref<1x64xf32, #tpu.memory_space<hbm>>
      %dma_start3A_1718 = arith.constant 0 : i32
      %dma_start3A_1719 = tpu.memref_slice %arg18[%add3A_1713, %dma_start3A_1718] : memref<256x64xf32, #tpu.memory_space<vmem>> -> memref<1x64xf32, #tpu.memory_space<vmem>>
      %dma_start3A_1720 = arith.constant 0 : i32
      %dma_start3A_1721 = tpu.memref_slice %arg8[%squeeze3A_1711, %dma_start3A_1720] : memref<100000x64xf32, #tpu.memory_space<hbm>> -> memref<1x64xf32, #tpu.memory_space<hbm>>
      tpu.enqueue_dma source(%dma_start3A_1721 : memref<1x64xf32, #tpu.memory_space<hbm>>) target(%dma_start3A_1719 : memref<1x64xf32, #tpu.memory_space<vmem>>) target_semaphore(%arg22 : memref<!tpu.dma_semaphore, #tpu.memory_space<semaphore_mem>>)
      %slice3A_1722 = vector.extract_strided_slice %get3A_1355 {offsets = [10], sizes = [1], strides = [1]} : vector<16xi32> to vector<1xi32>
      %squeeze3A_1723 = vector.extract %slice3A_1722[0] : i32 from vector<1xi32>
      %add3A_1724 = arith.constant 10 : i32
      %add3A_1725 = arith.addi %mul3A_1361, %add3A_1724 : i32
      %dma_start3A_1726 = arith.constant 0 : i32
      %dma_start3A_1727 = tpu.memref_slice %arg16[%add3A_1725, %dma_start3A_1726] : memref<256x64xf32, #tpu.memory_space<vmem>> -> memref<1x64xf32, #tpu.memory_space<vmem>>
      %dma_start3A_1728 = arith.constant 0 : i32
      %dma_start3A_1729 = tpu.memref_slice %arg7[%squeeze3A_1723, %dma_start3A_1728] : memref<100000x64xf32, #tpu.memory_space<hbm>> -> memref<1x64xf32, #tpu.memory_space<hbm>>
      %dma_start3A_1730 = arith.constant 0 : i32
      %dma_start3A_1731 = tpu.memref_slice %arg16[%add3A_1725, %dma_start3A_1730] : memref<256x64xf32, #tpu.memory_space<vmem>> -> memref<1x64xf32, #tpu.memory_space<vmem>>
      %dma_start3A_1732 = arith.constant 0 : i32
      %dma_start3A_1733 = tpu.memref_slice %arg7[%squeeze3A_1723, %dma_start3A_1732] : memref<100000x64xf32, #tpu.memory_space<hbm>> -> memref<1x64xf32, #tpu.memory_space<hbm>>
      tpu.enqueue_dma source(%dma_start3A_1733 : memref<1x64xf32, #tpu.memory_space<hbm>>) target(%dma_start3A_1731 : memref<1x64xf32, #tpu.memory_space<vmem>>) target_semaphore(%arg22 : memref<!tpu.dma_semaphore, #tpu.memory_space<semaphore_mem>>)
      %slice3A_1734 = vector.extract_strided_slice %get3A_1357 {offsets = [10], sizes = [1], strides = [1]} : vector<16xi32> to vector<1xi32>
      %squeeze3A_1735 = vector.extract %slice3A_1734[0] : i32 from vector<1xi32>
      %add3A_1736 = arith.constant 10 : i32
      %add3A_1737 = arith.addi %mul3A_1361, %add3A_1736 : i32
      %dma_start3A_1738 = arith.constant 0 : i32
      %dma_start3A_1739 = tpu.memref_slice %arg17[%add3A_1737, %dma_start3A_1738] : memref<256x64xf32, #tpu.memory_space<vmem>> -> memref<1x64xf32, #tpu.memory_space<vmem>>
      %dma_start3A_1740 = arith.constant 0 : i32
      %dma_start3A_1741 = tpu.memref_slice %arg8[%squeeze3A_1735, %dma_start3A_1740] : memref<100000x64xf32, #tpu.memory_space<hbm>> -> memref<1x64xf32, #tpu.memory_space<hbm>>
      %dma_start3A_1742 = arith.constant 0 : i32
      %dma_start3A_1743 = tpu.memref_slice %arg17[%add3A_1737, %dma_start3A_1742] : memref<256x64xf32, #tpu.memory_space<vmem>> -> memref<1x64xf32, #tpu.memory_space<vmem>>
      %dma_start3A_1744 = arith.constant 0 : i32
      %dma_start3A_1745 = tpu.memref_slice %arg8[%squeeze3A_1735, %dma_start3A_1744] : memref<100000x64xf32, #tpu.memory_space<hbm>> -> memref<1x64xf32, #tpu.memory_space<hbm>>
      tpu.enqueue_dma source(%dma_start3A_1745 : memref<1x64xf32, #tpu.memory_space<hbm>>) target(%dma_start3A_1743 : memref<1x64xf32, #tpu.memory_space<vmem>>) target_semaphore(%arg22 : memref<!tpu.dma_semaphore, #tpu.memory_space<semaphore_mem>>)
      %slice3A_1746 = vector.extract_strided_slice %get3A_1359 {offsets = [10], sizes = [1], strides = [1]} : vector<16xi32> to vector<1xi32>
      %squeeze3A_1747 = vector.extract %slice3A_1746[0] : i32 from vector<1xi32>
      %add3A_1748 = arith.constant 10 : i32
      %add3A_1749 = arith.addi %mul3A_1361, %add3A_1748 : i32
      %dma_start3A_1750 = arith.constant 0 : i32
      %dma_start3A_1751 = tpu.memref_slice %arg18[%add3A_1749, %dma_start3A_1750] : memref<256x64xf32, #tpu.memory_space<vmem>> -> memref<1x64xf32, #tpu.memory_space<vmem>>
      %dma_start3A_1752 = arith.constant 0 : i32
      %dma_start3A_1753 = tpu.memref_slice %arg8[%squeeze3A_1747, %dma_start3A_1752] : memref<100000x64xf32, #tpu.memory_space<hbm>> -> memref<1x64xf32, #tpu.memory_space<hbm>>
      %dma_start3A_1754 = arith.constant 0 : i32
      %dma_start3A_1755 = tpu.memref_slice %arg18[%add3A_1749, %dma_start3A_1754] : memref<256x64xf32, #tpu.memory_space<vmem>> -> memref<1x64xf32, #tpu.memory_space<vmem>>
      %dma_start3A_1756 = arith.constant 0 : i32
      %dma_start3A_1757 = tpu.memref_slice %arg8[%squeeze3A_1747, %dma_start3A_1756] : memref<100000x64xf32, #tpu.memory_space<hbm>> -> memref<1x64xf32, #tpu.memory_space<hbm>>
      tpu.enqueue_dma source(%dma_start3A_1757 : memref<1x64xf32, #tpu.memory_space<hbm>>) target(%dma_start3A_1755 : memref<1x64xf32, #tpu.memory_space<vmem>>) target_semaphore(%arg22 : memref<!tpu.dma_semaphore, #tpu.memory_space<semaphore_mem>>)
      %slice3A_1758 = vector.extract_strided_slice %get3A_1355 {offsets = [11], sizes = [1], strides = [1]} : vector<16xi32> to vector<1xi32>
      %squeeze3A_1759 = vector.extract %slice3A_1758[0] : i32 from vector<1xi32>
      %add3A_1760 = arith.constant 11 : i32
      %add3A_1761 = arith.addi %mul3A_1361, %add3A_1760 : i32
      %dma_start3A_1762 = arith.constant 0 : i32
      %dma_start3A_1763 = tpu.memref_slice %arg16[%add3A_1761, %dma_start3A_1762] : memref<256x64xf32, #tpu.memory_space<vmem>> -> memref<1x64xf32, #tpu.memory_space<vmem>>
      %dma_start3A_1764 = arith.constant 0 : i32
      %dma_start3A_1765 = tpu.memref_slice %arg7[%squeeze3A_1759, %dma_start3A_1764] : memref<100000x64xf32, #tpu.memory_space<hbm>> -> memref<1x64xf32, #tpu.memory_space<hbm>>
      %dma_start3A_1766 = arith.constant 0 : i32
      %dma_start3A_1767 = tpu.memref_slice %arg16[%add3A_1761, %dma_start3A_1766] : memref<256x64xf32, #tpu.memory_space<vmem>> -> memref<1x64xf32, #tpu.memory_space<vmem>>
      %dma_start3A_1768 = arith.constant 0 : i32
      %dma_start3A_1769 = tpu.memref_slice %arg7[%squeeze3A_1759, %dma_start3A_1768] : memref<100000x64xf32, #tpu.memory_space<hbm>> -> memref<1x64xf32, #tpu.memory_space<hbm>>
      tpu.enqueue_dma source(%dma_start3A_1769 : memref<1x64xf32, #tpu.memory_space<hbm>>) target(%dma_start3A_1767 : memref<1x64xf32, #tpu.memory_space<vmem>>) target_semaphore(%arg22 : memref<!tpu.dma_semaphore, #tpu.memory_space<semaphore_mem>>)
      %slice3A_1770 = vector.extract_strided_slice %get3A_1357 {offsets = [11], sizes = [1], strides = [1]} : vector<16xi32> to vector<1xi32>
      %squeeze3A_1771 = vector.extract %slice3A_1770[0] : i32 from vector<1xi32>
      %add3A_1772 = arith.constant 11 : i32
      %add3A_1773 = arith.addi %mul3A_1361, %add3A_1772 : i32
      %dma_start3A_1774 = arith.constant 0 : i32
      %dma_start3A_1775 = tpu.memref_slice %arg17[%add3A_1773, %dma_start3A_1774] : memref<256x64xf32, #tpu.memory_space<vmem>> -> memref<1x64xf32, #tpu.memory_space<vmem>>
      %dma_start3A_1776 = arith.constant 0 : i32
      %dma_start3A_1777 = tpu.memref_slice %arg8[%squeeze3A_1771, %dma_start3A_1776] : memref<100000x64xf32, #tpu.memory_space<hbm>> -> memref<1x64xf32, #tpu.memory_space<hbm>>
      %dma_start3A_1778 = arith.constant 0 : i32
      %dma_start3A_1779 = tpu.memref_slice %arg17[%add3A_1773, %dma_start3A_1778] : memref<256x64xf32, #tpu.memory_space<vmem>> -> memref<1x64xf32, #tpu.memory_space<vmem>>
      %dma_start3A_1780 = arith.constant 0 : i32
      %dma_start3A_1781 = tpu.memref_slice %arg8[%squeeze3A_1771, %dma_start3A_1780] : memref<100000x64xf32, #tpu.memory_space<hbm>> -> memref<1x64xf32, #tpu.memory_space<hbm>>
      tpu.enqueue_dma source(%dma_start3A_1781 : memref<1x64xf32, #tpu.memory_space<hbm>>) target(%dma_start3A_1779 : memref<1x64xf32, #tpu.memory_space<vmem>>) target_semaphore(%arg22 : memref<!tpu.dma_semaphore, #tpu.memory_space<semaphore_mem>>)
      %slice3A_1782 = vector.extract_strided_slice %get3A_1359 {offsets = [11], sizes = [1], strides = [1]} : vector<16xi32> to vector<1xi32>
      %squeeze3A_1783 = vector.extract %slice3A_1782[0] : i32 from vector<1xi32>
      %add3A_1784 = arith.constant 11 : i32
      %add3A_1785 = arith.addi %mul3A_1361, %add3A_1784 : i32
      %dma_start3A_1786 = arith.constant 0 : i32
      %dma_start3A_1787 = tpu.memref_slice %arg18[%add3A_1785, %dma_start3A_1786] : memref<256x64xf32, #tpu.memory_space<vmem>> -> memref<1x64xf32, #tpu.memory_space<vmem>>
      %dma_start3A_1788 = arith.constant 0 : i32
      %dma_start3A_1789 = tpu.memref_slice %arg8[%squeeze3A_1783, %dma_start3A_1788] : memref<100000x64xf32, #tpu.memory_space<hbm>> -> memref<1x64xf32, #tpu.memory_space<hbm>>
      %dma_start3A_1790 = arith.constant 0 : i32
      %dma_start3A_1791 = tpu.memref_slice %arg18[%add3A_1785, %dma_start3A_1790] : memref<256x64xf32, #tpu.memory_space<vmem>> -> memref<1x64xf32, #tpu.memory_space<vmem>>
      %dma_start3A_1792 = arith.constant 0 : i32
      %dma_start3A_1793 = tpu.memref_slice %arg8[%squeeze3A_1783, %dma_start3A_1792] : memref<100000x64xf32, #tpu.memory_space<hbm>> -> memref<1x64xf32, #tpu.memory_space<hbm>>
      tpu.enqueue_dma source(%dma_start3A_1793 : memref<1x64xf32, #tpu.memory_space<hbm>>) target(%dma_start3A_1791 : memref<1x64xf32, #tpu.memory_space<vmem>>) target_semaphore(%arg22 : memref<!tpu.dma_semaphore, #tpu.memory_space<semaphore_mem>>)
      %slice3A_1794 = vector.extract_strided_slice %get3A_1355 {offsets = [12], sizes = [1], strides = [1]} : vector<16xi32> to vector<1xi32>
      %squeeze3A_1795 = vector.extract %slice3A_1794[0] : i32 from vector<1xi32>
      %add3A_1796 = arith.constant 12 : i32
      %add3A_1797 = arith.addi %mul3A_1361, %add3A_1796 : i32
      %dma_start3A_1798 = arith.constant 0 : i32
      %dma_start3A_1799 = tpu.memref_slice %arg16[%add3A_1797, %dma_start3A_1798] : memref<256x64xf32, #tpu.memory_space<vmem>> -> memref<1x64xf32, #tpu.memory_space<vmem>>
      %dma_start3A_1800 = arith.constant 0 : i32
      %dma_start3A_1801 = tpu.memref_slice %arg7[%squeeze3A_1795, %dma_start3A_1800] : memref<100000x64xf32, #tpu.memory_space<hbm>> -> memref<1x64xf32, #tpu.memory_space<hbm>>
      %dma_start3A_1802 = arith.constant 0 : i32
      %dma_start3A_1803 = tpu.memref_slice %arg16[%add3A_1797, %dma_start3A_1802] : memref<256x64xf32, #tpu.memory_space<vmem>> -> memref<1x64xf32, #tpu.memory_space<vmem>>
      %dma_start3A_1804 = arith.constant 0 : i32
      %dma_start3A_1805 = tpu.memref_slice %arg7[%squeeze3A_1795, %dma_start3A_1804] : memref<100000x64xf32, #tpu.memory_space<hbm>> -> memref<1x64xf32, #tpu.memory_space<hbm>>
      tpu.enqueue_dma source(%dma_start3A_1805 : memref<1x64xf32, #tpu.memory_space<hbm>>) target(%dma_start3A_1803 : memref<1x64xf32, #tpu.memory_space<vmem>>) target_semaphore(%arg22 : memref<!tpu.dma_semaphore, #tpu.memory_space<semaphore_mem>>)
      %slice3A_1806 = vector.extract_strided_slice %get3A_1357 {offsets = [12], sizes = [1], strides = [1]} : vector<16xi32> to vector<1xi32>
      %squeeze3A_1807 = vector.extract %slice3A_1806[0] : i32 from vector<1xi32>
      %add3A_1808 = arith.constant 12 : i32
      %add3A_1809 = arith.addi %mul3A_1361, %add3A_1808 : i32
      %dma_start3A_1810 = arith.constant 0 : i32
      %dma_start3A_1811 = tpu.memref_slice %arg17[%add3A_1809, %dma_start3A_1810] : memref<256x64xf32, #tpu.memory_space<vmem>> -> memref<1x64xf32, #tpu.memory_space<vmem>>
      %dma_start3A_1812 = arith.constant 0 : i32
      %dma_start3A_1813 = tpu.memref_slice %arg8[%squeeze3A_1807, %dma_start3A_1812] : memref<100000x64xf32, #tpu.memory_space<hbm>> -> memref<1x64xf32, #tpu.memory_space<hbm>>
      %dma_start3A_1814 = arith.constant 0 : i32
      %dma_start3A_1815 = tpu.memref_slice %arg17[%add3A_1809, %dma_start3A_1814] : memref<256x64xf32, #tpu.memory_space<vmem>> -> memref<1x64xf32, #tpu.memory_space<vmem>>
      %dma_start3A_1816 = arith.constant 0 : i32
      %dma_start3A_1817 = tpu.memref_slice %arg8[%squeeze3A_1807, %dma_start3A_1816] : memref<100000x64xf32, #tpu.memory_space<hbm>> -> memref<1x64xf32, #tpu.memory_space<hbm>>
      tpu.enqueue_dma source(%dma_start3A_1817 : memref<1x64xf32, #tpu.memory_space<hbm>>) target(%dma_start3A_1815 : memref<1x64xf32, #tpu.memory_space<vmem>>) target_semaphore(%arg22 : memref<!tpu.dma_semaphore, #tpu.memory_space<semaphore_mem>>)
      %slice3A_1818 = vector.extract_strided_slice %get3A_1359 {offsets = [12], sizes = [1], strides = [1]} : vector<16xi32> to vector<1xi32>
      %squeeze3A_1819 = vector.extract %slice3A_1818[0] : i32 from vector<1xi32>
      %add3A_1820 = arith.constant 12 : i32
      %add3A_1821 = arith.addi %mul3A_1361, %add3A_1820 : i32
      %dma_start3A_1822 = arith.constant 0 : i32
      %dma_start3A_1823 = tpu.memref_slice %arg18[%add3A_1821, %dma_start3A_1822] : memref<256x64xf32, #tpu.memory_space<vmem>> -> memref<1x64xf32, #tpu.memory_space<vmem>>
      %dma_start3A_1824 = arith.constant 0 : i32
      %dma_start3A_1825 = tpu.memref_slice %arg8[%squeeze3A_1819, %dma_start3A_1824] : memref<100000x64xf32, #tpu.memory_space<hbm>> -> memref<1x64xf32, #tpu.memory_space<hbm>>
      %dma_start3A_1826 = arith.constant 0 : i32
      %dma_start3A_1827 = tpu.memref_slice %arg18[%add3A_1821, %dma_start3A_1826] : memref<256x64xf32, #tpu.memory_space<vmem>> -> memref<1x64xf32, #tpu.memory_space<vmem>>
      %dma_start3A_1828 = arith.constant 0 : i32
      %dma_start3A_1829 = tpu.memref_slice %arg8[%squeeze3A_1819, %dma_start3A_1828] : memref<100000x64xf32, #tpu.memory_space<hbm>> -> memref<1x64xf32, #tpu.memory_space<hbm>>
      tpu.enqueue_dma source(%dma_start3A_1829 : memref<1x64xf32, #tpu.memory_space<hbm>>) target(%dma_start3A_1827 : memref<1x64xf32, #tpu.memory_space<vmem>>) target_semaphore(%arg22 : memref<!tpu.dma_semaphore, #tpu.memory_space<semaphore_mem>>)
      %slice3A_1830 = vector.extract_strided_slice %get3A_1355 {offsets = [13], sizes = [1], strides = [1]} : vector<16xi32> to vector<1xi32>
      %squeeze3A_1831 = vector.extract %slice3A_1830[0] : i32 from vector<1xi32>
      %add3A_1832 = arith.constant 13 : i32
      %add3A_1833 = arith.addi %mul3A_1361, %add3A_1832 : i32
      %dma_start3A_1834 = arith.constant 0 : i32
      %dma_start3A_1835 = tpu.memref_slice %arg16[%add3A_1833, %dma_start3A_1834] : memref<256x64xf32, #tpu.memory_space<vmem>> -> memref<1x64xf32, #tpu.memory_space<vmem>>
      %dma_start3A_1836 = arith.constant 0 : i32
      %dma_start3A_1837 = tpu.memref_slice %arg7[%squeeze3A_1831, %dma_start3A_1836] : memref<100000x64xf32, #tpu.memory_space<hbm>> -> memref<1x64xf32, #tpu.memory_space<hbm>>
      %dma_start3A_1838 = arith.constant 0 : i32
      %dma_start3A_1839 = tpu.memref_slice %arg16[%add3A_1833, %dma_start3A_1838] : memref<256x64xf32, #tpu.memory_space<vmem>> -> memref<1x64xf32, #tpu.memory_space<vmem>>
      %dma_start3A_1840 = arith.constant 0 : i32
      %dma_start3A_1841 = tpu.memref_slice %arg7[%squeeze3A_1831, %dma_start3A_1840] : memref<100000x64xf32, #tpu.memory_space<hbm>> -> memref<1x64xf32, #tpu.memory_space<hbm>>
      tpu.enqueue_dma source(%dma_start3A_1841 : memref<1x64xf32, #tpu.memory_space<hbm>>) target(%dma_start3A_1839 : memref<1x64xf32, #tpu.memory_space<vmem>>) target_semaphore(%arg22 : memref<!tpu.dma_semaphore, #tpu.memory_space<semaphore_mem>>)
      %slice3A_1842 = vector.extract_strided_slice %get3A_1357 {offsets = [13], sizes = [1], strides = [1]} : vector<16xi32> to vector<1xi32>
      %squeeze3A_1843 = vector.extract %slice3A_1842[0] : i32 from vector<1xi32>
      %add3A_1844 = arith.constant 13 : i32
      %add3A_1845 = arith.addi %mul3A_1361, %add3A_1844 : i32
      %dma_start3A_1846 = arith.constant 0 : i32
      %dma_start3A_1847 = tpu.memref_slice %arg17[%add3A_1845, %dma_start3A_1846] : memref<256x64xf32, #tpu.memory_space<vmem>> -> memref<1x64xf32, #tpu.memory_space<vmem>>
      %dma_start3A_1848 = arith.constant 0 : i32
      %dma_start3A_1849 = tpu.memref_slice %arg8[%squeeze3A_1843, %dma_start3A_1848] : memref<100000x64xf32, #tpu.memory_space<hbm>> -> memref<1x64xf32, #tpu.memory_space<hbm>>
      %dma_start3A_1850 = arith.constant 0 : i32
      %dma_start3A_1851 = tpu.memref_slice %arg17[%add3A_1845, %dma_start3A_1850] : memref<256x64xf32, #tpu.memory_space<vmem>> -> memref<1x64xf32, #tpu.memory_space<vmem>>
      %dma_start3A_1852 = arith.constant 0 : i32
      %dma_start3A_1853 = tpu.memref_slice %arg8[%squeeze3A_1843, %dma_start3A_1852] : memref<100000x64xf32, #tpu.memory_space<hbm>> -> memref<1x64xf32, #tpu.memory_space<hbm>>
      tpu.enqueue_dma source(%dma_start3A_1853 : memref<1x64xf32, #tpu.memory_space<hbm>>) target(%dma_start3A_1851 : memref<1x64xf32, #tpu.memory_space<vmem>>) target_semaphore(%arg22 : memref<!tpu.dma_semaphore, #tpu.memory_space<semaphore_mem>>)
      %slice3A_1854 = vector.extract_strided_slice %get3A_1359 {offsets = [13], sizes = [1], strides = [1]} : vector<16xi32> to vector<1xi32>
      %squeeze3A_1855 = vector.extract %slice3A_1854[0] : i32 from vector<1xi32>
      %add3A_1856 = arith.constant 13 : i32
      %add3A_1857 = arith.addi %mul3A_1361, %add3A_1856 : i32
      %dma_start3A_1858 = arith.constant 0 : i32
      %dma_start3A_1859 = tpu.memref_slice %arg18[%add3A_1857, %dma_start3A_1858] : memref<256x64xf32, #tpu.memory_space<vmem>> -> memref<1x64xf32, #tpu.memory_space<vmem>>
      %dma_start3A_1860 = arith.constant 0 : i32
      %dma_start3A_1861 = tpu.memref_slice %arg8[%squeeze3A_1855, %dma_start3A_1860] : memref<100000x64xf32, #tpu.memory_space<hbm>> -> memref<1x64xf32, #tpu.memory_space<hbm>>
      %dma_start3A_1862 = arith.constant 0 : i32
      %dma_start3A_1863 = tpu.memref_slice %arg18[%add3A_1857, %dma_start3A_1862] : memref<256x64xf32, #tpu.memory_space<vmem>> -> memref<1x64xf32, #tpu.memory_space<vmem>>
      %dma_start3A_1864 = arith.constant 0 : i32
      %dma_start3A_1865 = tpu.memref_slice %arg8[%squeeze3A_1855, %dma_start3A_1864] : memref<100000x64xf32, #tpu.memory_space<hbm>> -> memref<1x64xf32, #tpu.memory_space<hbm>>
      tpu.enqueue_dma source(%dma_start3A_1865 : memref<1x64xf32, #tpu.memory_space<hbm>>) target(%dma_start3A_1863 : memref<1x64xf32, #tpu.memory_space<vmem>>) target_semaphore(%arg22 : memref<!tpu.dma_semaphore, #tpu.memory_space<semaphore_mem>>)
      %slice3A_1866 = vector.extract_strided_slice %get3A_1355 {offsets = [14], sizes = [1], strides = [1]} : vector<16xi32> to vector<1xi32>
      %squeeze3A_1867 = vector.extract %slice3A_1866[0] : i32 from vector<1xi32>
      %add3A_1868 = arith.constant 14 : i32
      %add3A_1869 = arith.addi %mul3A_1361, %add3A_1868 : i32
      %dma_start3A_1870 = arith.constant 0 : i32
      %dma_start3A_1871 = tpu.memref_slice %arg16[%add3A_1869, %dma_start3A_1870] : memref<256x64xf32, #tpu.memory_space<vmem>> -> memref<1x64xf32, #tpu.memory_space<vmem>>
      %dma_start3A_1872 = arith.constant 0 : i32
      %dma_start3A_1873 = tpu.memref_slice %arg7[%squeeze3A_1867, %dma_start3A_1872] : memref<100000x64xf32, #tpu.memory_space<hbm>> -> memref<1x64xf32, #tpu.memory_space<hbm>>
      %dma_start3A_1874 = arith.constant 0 : i32
      %dma_start3A_1875 = tpu.memref_slice %arg16[%add3A_1869, %dma_start3A_1874] : memref<256x64xf32, #tpu.memory_space<vmem>> -> memref<1x64xf32, #tpu.memory_space<vmem>>
      %dma_start3A_1876 = arith.constant 0 : i32
      %dma_start3A_1877 = tpu.memref_slice %arg7[%squeeze3A_1867, %dma_start3A_1876] : memref<100000x64xf32, #tpu.memory_space<hbm>> -> memref<1x64xf32, #tpu.memory_space<hbm>>
      tpu.enqueue_dma source(%dma_start3A_1877 : memref<1x64xf32, #tpu.memory_space<hbm>>) target(%dma_start3A_1875 : memref<1x64xf32, #tpu.memory_space<vmem>>) target_semaphore(%arg22 : memref<!tpu.dma_semaphore, #tpu.memory_space<semaphore_mem>>)
      %slice3A_1878 = vector.extract_strided_slice %get3A_1357 {offsets = [14], sizes = [1], strides = [1]} : vector<16xi32> to vector<1xi32>
      %squeeze3A_1879 = vector.extract %slice3A_1878[0] : i32 from vector<1xi32>
      %add3A_1880 = arith.constant 14 : i32
      %add3A_1881 = arith.addi %mul3A_1361, %add3A_1880 : i32
      %dma_start3A_1882 = arith.constant 0 : i32
      %dma_start3A_1883 = tpu.memref_slice %arg17[%add3A_1881, %dma_start3A_1882] : memref<256x64xf32, #tpu.memory_space<vmem>> -> memref<1x64xf32, #tpu.memory_space<vmem>>
      %dma_start3A_1884 = arith.constant 0 : i32
      %dma_start3A_1885 = tpu.memref_slice %arg8[%squeeze3A_1879, %dma_start3A_1884] : memref<100000x64xf32, #tpu.memory_space<hbm>> -> memref<1x64xf32, #tpu.memory_space<hbm>>
      %dma_start3A_1886 = arith.constant 0 : i32
      %dma_start3A_1887 = tpu.memref_slice %arg17[%add3A_1881, %dma_start3A_1886] : memref<256x64xf32, #tpu.memory_space<vmem>> -> memref<1x64xf32, #tpu.memory_space<vmem>>
      %dma_start3A_1888 = arith.constant 0 : i32
      %dma_start3A_1889 = tpu.memref_slice %arg8[%squeeze3A_1879, %dma_start3A_1888] : memref<100000x64xf32, #tpu.memory_space<hbm>> -> memref<1x64xf32, #tpu.memory_space<hbm>>
      tpu.enqueue_dma source(%dma_start3A_1889 : memref<1x64xf32, #tpu.memory_space<hbm>>) target(%dma_start3A_1887 : memref<1x64xf32, #tpu.memory_space<vmem>>) target_semaphore(%arg22 : memref<!tpu.dma_semaphore, #tpu.memory_space<semaphore_mem>>)
      %slice3A_1890 = vector.extract_strided_slice %get3A_1359 {offsets = [14], sizes = [1], strides = [1]} : vector<16xi32> to vector<1xi32>
      %squeeze3A_1891 = vector.extract %slice3A_1890[0] : i32 from vector<1xi32>
      %add3A_1892 = arith.constant 14 : i32
      %add3A_1893 = arith.addi %mul3A_1361, %add3A_1892 : i32
      %dma_start3A_1894 = arith.constant 0 : i32
      %dma_start3A_1895 = tpu.memref_slice %arg18[%add3A_1893, %dma_start3A_1894] : memref<256x64xf32, #tpu.memory_space<vmem>> -> memref<1x64xf32, #tpu.memory_space<vmem>>
      %dma_start3A_1896 = arith.constant 0 : i32
      %dma_start3A_1897 = tpu.memref_slice %arg8[%squeeze3A_1891, %dma_start3A_1896] : memref<100000x64xf32, #tpu.memory_space<hbm>> -> memref<1x64xf32, #tpu.memory_space<hbm>>
      %dma_start3A_1898 = arith.constant 0 : i32
      %dma_start3A_1899 = tpu.memref_slice %arg18[%add3A_1893, %dma_start3A_1898] : memref<256x64xf32, #tpu.memory_space<vmem>> -> memref<1x64xf32, #tpu.memory_space<vmem>>
      %dma_start3A_1900 = arith.constant 0 : i32
      %dma_start3A_1901 = tpu.memref_slice %arg8[%squeeze3A_1891, %dma_start3A_1900] : memref<100000x64xf32, #tpu.memory_space<hbm>> -> memref<1x64xf32, #tpu.memory_space<hbm>>
      tpu.enqueue_dma source(%dma_start3A_1901 : memref<1x64xf32, #tpu.memory_space<hbm>>) target(%dma_start3A_1899 : memref<1x64xf32, #tpu.memory_space<vmem>>) target_semaphore(%arg22 : memref<!tpu.dma_semaphore, #tpu.memory_space<semaphore_mem>>)
      %slice3A_1902 = vector.extract_strided_slice %get3A_1355 {offsets = [15], sizes = [1], strides = [1]} : vector<16xi32> to vector<1xi32>
      %squeeze3A_1903 = vector.extract %slice3A_1902[0] : i32 from vector<1xi32>
      %add3A_1904 = arith.constant 15 : i32
      %add3A_1905 = arith.addi %mul3A_1361, %add3A_1904 : i32
      %dma_start3A_1906 = arith.constant 0 : i32
      %dma_start3A_1907 = tpu.memref_slice %arg16[%add3A_1905, %dma_start3A_1906] : memref<256x64xf32, #tpu.memory_space<vmem>> -> memref<1x64xf32, #tpu.memory_space<vmem>>
      %dma_start3A_1908 = arith.constant 0 : i32
      %dma_start3A_1909 = tpu.memref_slice %arg7[%squeeze3A_1903, %dma_start3A_1908] : memref<100000x64xf32, #tpu.memory_space<hbm>> -> memref<1x64xf32, #tpu.memory_space<hbm>>
      %dma_start3A_1910 = arith.constant 0 : i32
      %dma_start3A_1911 = tpu.memref_slice %arg16[%add3A_1905, %dma_start3A_1910] : memref<256x64xf32, #tpu.memory_space<vmem>> -> memref<1x64xf32, #tpu.memory_space<vmem>>
      %dma_start3A_1912 = arith.constant 0 : i32
      %dma_start3A_1913 = tpu.memref_slice %arg7[%squeeze3A_1903, %dma_start3A_1912] : memref<100000x64xf32, #tpu.memory_space<hbm>> -> memref<1x64xf32, #tpu.memory_space<hbm>>
      tpu.enqueue_dma source(%dma_start3A_1913 : memref<1x64xf32, #tpu.memory_space<hbm>>) target(%dma_start3A_1911 : memref<1x64xf32, #tpu.memory_space<vmem>>) target_semaphore(%arg22 : memref<!tpu.dma_semaphore, #tpu.memory_space<semaphore_mem>>)
      %slice3A_1914 = vector.extract_strided_slice %get3A_1357 {offsets = [15], sizes = [1], strides = [1]} : vector<16xi32> to vector<1xi32>
      %squeeze3A_1915 = vector.extract %slice3A_1914[0] : i32 from vector<1xi32>
      %add3A_1916 = arith.constant 15 : i32
      %add3A_1917 = arith.addi %mul3A_1361, %add3A_1916 : i32
      %dma_start3A_1918 = arith.constant 0 : i32
      %dma_start3A_1919 = tpu.memref_slice %arg17[%add3A_1917, %dma_start3A_1918] : memref<256x64xf32, #tpu.memory_space<vmem>> -> memref<1x64xf32, #tpu.memory_space<vmem>>
      %dma_start3A_1920 = arith.constant 0 : i32
      %dma_start3A_1921 = tpu.memref_slice %arg8[%squeeze3A_1915, %dma_start3A_1920] : memref<100000x64xf32, #tpu.memory_space<hbm>> -> memref<1x64xf32, #tpu.memory_space<hbm>>
      %dma_start3A_1922 = arith.constant 0 : i32
      %dma_start3A_1923 = tpu.memref_slice %arg17[%add3A_1917, %dma_start3A_1922] : memref<256x64xf32, #tpu.memory_space<vmem>> -> memref<1x64xf32, #tpu.memory_space<vmem>>
      %dma_start3A_1924 = arith.constant 0 : i32
      %dma_start3A_1925 = tpu.memref_slice %arg8[%squeeze3A_1915, %dma_start3A_1924] : memref<100000x64xf32, #tpu.memory_space<hbm>> -> memref<1x64xf32, #tpu.memory_space<hbm>>
      tpu.enqueue_dma source(%dma_start3A_1925 : memref<1x64xf32, #tpu.memory_space<hbm>>) target(%dma_start3A_1923 : memref<1x64xf32, #tpu.memory_space<vmem>>) target_semaphore(%arg22 : memref<!tpu.dma_semaphore, #tpu.memory_space<semaphore_mem>>)
      %slice3A_1926 = vector.extract_strided_slice %get3A_1359 {offsets = [15], sizes = [1], strides = [1]} : vector<16xi32> to vector<1xi32>
      %squeeze3A_1927 = vector.extract %slice3A_1926[0] : i32 from vector<1xi32>
      %add3A_1928 = arith.constant 15 : i32
      %add3A_1929 = arith.addi %mul3A_1361, %add3A_1928 : i32
      %dma_start3A_1930 = arith.constant 0 : i32
      %dma_start3A_1931 = tpu.memref_slice %arg18[%add3A_1929, %dma_start3A_1930] : memref<256x64xf32, #tpu.memory_space<vmem>> -> memref<1x64xf32, #tpu.memory_space<vmem>>
      %dma_start3A_1932 = arith.constant 0 : i32
      %dma_start3A_1933 = tpu.memref_slice %arg8[%squeeze3A_1927, %dma_start3A_1932] : memref<100000x64xf32, #tpu.memory_space<hbm>> -> memref<1x64xf32, #tpu.memory_space<hbm>>
      %dma_start3A_1934 = arith.constant 0 : i32
      %dma_start3A_1935 = tpu.memref_slice %arg18[%add3A_1929, %dma_start3A_1934] : memref<256x64xf32, #tpu.memory_space<vmem>> -> memref<1x64xf32, #tpu.memory_space<vmem>>
      %dma_start3A_1936 = arith.constant 0 : i32
      %dma_start3A_1937 = tpu.memref_slice %arg8[%squeeze3A_1927, %dma_start3A_1936] : memref<100000x64xf32, #tpu.memory_space<hbm>> -> memref<1x64xf32, #tpu.memory_space<hbm>>
      tpu.enqueue_dma source(%dma_start3A_1937 : memref<1x64xf32, #tpu.memory_space<hbm>>) target(%dma_start3A_1935 : memref<1x64xf32, #tpu.memory_space<vmem>>) target_semaphore(%arg22 : memref<!tpu.dma_semaphore, #tpu.memory_space<semaphore_mem>>)
      %sub3A = arith.constant 1 : i32
      %sub3A_1938 = arith.subi %scan3A_1349, %sub3A : i32
      %mul3A_1939 = arith.constant 16 : i32
      %mul3A_1940 = arith.muli %sub3A_1938, %mul3A_1939 : i32
      %dma_wait3A_1941 = arith.constant 0 : i32
      %dma_wait3A_1942 = tpu.memref_slice %arg16[%mul3A_1940, %dma_wait3A_1941] : memref<256x64xf32, #tpu.memory_space<vmem>> -> memref<16x64xf32, #tpu.memory_space<vmem>>
      %dma_wait3A_1943 = arith.constant 0 : i32
      %dma_wait3A_1944 = arith.constant 0 : i32
      %dma_wait3A_1945 = tpu.memref_slice %arg7[%dma_wait3A_1943, %dma_wait3A_1944] : memref<100000x64xf32, #tpu.memory_space<hbm>> -> memref<16x64xf32, #tpu.memory_space<hbm>>
      %dma_wait3A_1946 = arith.constant 0 : i32
      %dma_wait3A_1947 = tpu.memref_slice %arg16[%mul3A_1940, %dma_wait3A_1946] : memref<256x64xf32, #tpu.memory_space<vmem>> -> memref<16x64xf32, #tpu.memory_space<vmem>>
      %dma_wait3A_1948 = arith.constant 0 : i32
      %dma_wait3A_1949 = arith.constant 0 : i32
      %dma_wait3A_1950 = tpu.memref_slice %arg7[%dma_wait3A_1948, %dma_wait3A_1949] : memref<100000x64xf32, #tpu.memory_space<hbm>> -> memref<16x64xf32, #tpu.memory_space<hbm>>
      tpu.wait_dma2 semaphore(%arg22 : memref<!tpu.dma_semaphore, #tpu.memory_space<semaphore_mem>>) src(%dma_wait3A_1950 : memref<16x64xf32, #tpu.memory_space<hbm>>) dst(%dma_wait3A_1947 : memref<16x64xf32, #tpu.memory_space<vmem>>)
      %dma_wait3A_1951 = arith.constant 0 : i32
      %dma_wait3A_1952 = tpu.memref_slice %arg17[%mul3A_1940, %dma_wait3A_1951] : memref<256x64xf32, #tpu.memory_space<vmem>> -> memref<16x64xf32, #tpu.memory_space<vmem>>
      %dma_wait3A_1953 = arith.constant 0 : i32
      %dma_wait3A_1954 = arith.constant 0 : i32
      %dma_wait3A_1955 = tpu.memref_slice %arg7[%dma_wait3A_1953, %dma_wait3A_1954] : memref<100000x64xf32, #tpu.memory_space<hbm>> -> memref<16x64xf32, #tpu.memory_space<hbm>>
      %dma_wait3A_1956 = arith.constant 0 : i32
      %dma_wait3A_1957 = tpu.memref_slice %arg17[%mul3A_1940, %dma_wait3A_1956] : memref<256x64xf32, #tpu.memory_space<vmem>> -> memref<16x64xf32, #tpu.memory_space<vmem>>
      %dma_wait3A_1958 = arith.constant 0 : i32
      %dma_wait3A_1959 = arith.constant 0 : i32
      %dma_wait3A_1960 = tpu.memref_slice %arg7[%dma_wait3A_1958, %dma_wait3A_1959] : memref<100000x64xf32, #tpu.memory_space<hbm>> -> memref<16x64xf32, #tpu.memory_space<hbm>>
      tpu.wait_dma2 semaphore(%arg22 : memref<!tpu.dma_semaphore, #tpu.memory_space<semaphore_mem>>) src(%dma_wait3A_1960 : memref<16x64xf32, #tpu.memory_space<hbm>>) dst(%dma_wait3A_1957 : memref<16x64xf32, #tpu.memory_space<vmem>>)
      %dma_wait3A_1961 = arith.constant 0 : i32
      %dma_wait3A_1962 = tpu.memref_slice %arg18[%mul3A_1940, %dma_wait3A_1961] : memref<256x64xf32, #tpu.memory_space<vmem>> -> memref<16x64xf32, #tpu.memory_space<vmem>>
      %dma_wait3A_1963 = arith.constant 0 : i32
      %dma_wait3A_1964 = arith.constant 0 : i32
      %dma_wait3A_1965 = tpu.memref_slice %arg7[%dma_wait3A_1963, %dma_wait3A_1964] : memref<100000x64xf32, #tpu.memory_space<hbm>> -> memref<16x64xf32, #tpu.memory_space<hbm>>
      %dma_wait3A_1966 = arith.constant 0 : i32
      %dma_wait3A_1967 = tpu.memref_slice %arg18[%mul3A_1940, %dma_wait3A_1966] : memref<256x64xf32, #tpu.memory_space<vmem>> -> memref<16x64xf32, #tpu.memory_space<vmem>>
      %dma_wait3A_1968 = arith.constant 0 : i32
      %dma_wait3A_1969 = arith.constant 0 : i32
      %dma_wait3A_1970 = tpu.memref_slice %arg7[%dma_wait3A_1968, %dma_wait3A_1969] : memref<100000x64xf32, #tpu.memory_space<hbm>> -> memref<16x64xf32, #tpu.memory_space<hbm>>
      tpu.wait_dma2 semaphore(%arg22 : memref<!tpu.dma_semaphore, #tpu.memory_space<semaphore_mem>>) src(%dma_wait3A_1970 : memref<16x64xf32, #tpu.memory_space<hbm>>) dst(%dma_wait3A_1967 : memref<16x64xf32, #tpu.memory_space<vmem>>)
    }
    %scan3A_605 = arith.constant 15 : i32
    %dma_wait3A_606 = arith.constant 240 : i32
    %dma_wait3A_607 = arith.constant 0 : i32
    %dma_wait3A_608 = tpu.memref_slice %arg16[%dma_wait3A_606, %dma_wait3A_607] : memref<256x64xf32, #tpu.memory_space<vmem>> -> memref<16x64xf32, #tpu.memory_space<vmem>>
    %dma_wait3A_609 = arith.constant 0 : i32
    %dma_wait3A_610 = arith.constant 0 : i32
    %dma_wait3A_611 = tpu.memref_slice %arg7[%dma_wait3A_609, %dma_wait3A_610] : memref<100000x64xf32, #tpu.memory_space<hbm>> -> memref<16x64xf32, #tpu.memory_space<hbm>>
    %dma_wait3A_612 = arith.constant 240 : i32
    %dma_wait3A_613 = arith.constant 0 : i32
    %dma_wait3A_614 = tpu.memref_slice %arg16[%dma_wait3A_612, %dma_wait3A_613] : memref<256x64xf32, #tpu.memory_space<vmem>> -> memref<16x64xf32, #tpu.memory_space<vmem>>
    %dma_wait3A_615 = arith.constant 0 : i32
    %dma_wait3A_616 = arith.constant 0 : i32
    %dma_wait3A_617 = tpu.memref_slice %arg7[%dma_wait3A_615, %dma_wait3A_616] : memref<100000x64xf32, #tpu.memory_space<hbm>> -> memref<16x64xf32, #tpu.memory_space<hbm>>
    tpu.wait_dma2 semaphore(%arg22 : memref<!tpu.dma_semaphore, #tpu.memory_space<semaphore_mem>>) src(%dma_wait3A_617 : memref<16x64xf32, #tpu.memory_space<hbm>>) dst(%dma_wait3A_614 : memref<16x64xf32, #tpu.memory_space<vmem>>)
    %dma_wait3A_618 = arith.constant 240 : i32
    %dma_wait3A_619 = arith.constant 0 : i32
    %dma_wait3A_620 = tpu.memref_slice %arg17[%dma_wait3A_618, %dma_wait3A_619] : memref<256x64xf32, #tpu.memory_space<vmem>> -> memref<16x64xf32, #tpu.memory_space<vmem>>
    %dma_wait3A_621 = arith.constant 0 : i32
    %dma_wait3A_622 = arith.constant 0 : i32
    %dma_wait3A_623 = tpu.memref_slice %arg7[%dma_wait3A_621, %dma_wait3A_622] : memref<100000x64xf32, #tpu.memory_space<hbm>> -> memref<16x64xf32, #tpu.memory_space<hbm>>
    %dma_wait3A_624 = arith.constant 240 : i32
    %dma_wait3A_625 = arith.constant 0 : i32
    %dma_wait3A_626 = tpu.memref_slice %arg17[%dma_wait3A_624, %dma_wait3A_625] : memref<256x64xf32, #tpu.memory_space<vmem>> -> memref<16x64xf32, #tpu.memory_space<vmem>>
    %dma_wait3A_627 = arith.constant 0 : i32
    %dma_wait3A_628 = arith.constant 0 : i32
    %dma_wait3A_629 = tpu.memref_slice %arg7[%dma_wait3A_627, %dma_wait3A_628] : memref<100000x64xf32, #tpu.memory_space<hbm>> -> memref<16x64xf32, #tpu.memory_space<hbm>>
    tpu.wait_dma2 semaphore(%arg22 : memref<!tpu.dma_semaphore, #tpu.memory_space<semaphore_mem>>) src(%dma_wait3A_629 : memref<16x64xf32, #tpu.memory_space<hbm>>) dst(%dma_wait3A_626 : memref<16x64xf32, #tpu.memory_space<vmem>>)
    %dma_wait3A_630 = arith.constant 240 : i32
    %dma_wait3A_631 = arith.constant 0 : i32
    %dma_wait3A_632 = tpu.memref_slice %arg18[%dma_wait3A_630, %dma_wait3A_631] : memref<256x64xf32, #tpu.memory_space<vmem>> -> memref<16x64xf32, #tpu.memory_space<vmem>>
    %dma_wait3A_633 = arith.constant 0 : i32
    %dma_wait3A_634 = arith.constant 0 : i32
    %dma_wait3A_635 = tpu.memref_slice %arg7[%dma_wait3A_633, %dma_wait3A_634] : memref<100000x64xf32, #tpu.memory_space<hbm>> -> memref<16x64xf32, #tpu.memory_space<hbm>>
    %dma_wait3A_636 = arith.constant 240 : i32
    %dma_wait3A_637 = arith.constant 0 : i32
    %dma_wait3A_638 = tpu.memref_slice %arg18[%dma_wait3A_636, %dma_wait3A_637] : memref<256x64xf32, #tpu.memory_space<vmem>> -> memref<16x64xf32, #tpu.memory_space<vmem>>
    %dma_wait3A_639 = arith.constant 0 : i32
    %dma_wait3A_640 = arith.constant 0 : i32
    %dma_wait3A_641 = tpu.memref_slice %arg7[%dma_wait3A_639, %dma_wait3A_640] : memref<100000x64xf32, #tpu.memory_space<hbm>> -> memref<16x64xf32, #tpu.memory_space<hbm>>
    tpu.wait_dma2 semaphore(%arg22 : memref<!tpu.dma_semaphore, #tpu.memory_space<semaphore_mem>>) src(%dma_wait3A_641 : memref<16x64xf32, #tpu.memory_space<hbm>>) dst(%dma_wait3A_638 : memref<16x64xf32, #tpu.memory_space<vmem>>)
    %add3A_642 = arith.constant 0 : i32
    %add3A_643 = arith.addi %mul3A_2, %add3A_642 : i32
    %dma_start3A_644 = arith.constant 0 : i32
    %dma_start3A_645 = tpu.memref_slice %arg9[%add3A_643, %dma_start3A_644] : memref<16384x64xf32, #tpu.memory_space<hbm>> -> memref<256x64xf32, #tpu.memory_space<hbm>>
    %dma_start3A_646 = arith.constant 0 : i32
    %dma_start3A_647 = tpu.memref_slice %arg9[%add3A_643, %dma_start3A_646] : memref<16384x64xf32, #tpu.memory_space<hbm>> -> memref<256x64xf32, #tpu.memory_space<hbm>>
    tpu.enqueue_dma source(%arg16 : memref<256x64xf32, #tpu.memory_space<vmem>>) target(%dma_start3A_647 : memref<256x64xf32, #tpu.memory_space<hbm>>) target_semaphore(%arg23 : memref<!tpu.dma_semaphore, #tpu.memory_space<semaphore_mem>>)
    %dma_start3A_648 = arith.constant 0 : i32
    %dma_start3A_649 = tpu.memref_slice %arg10[%add3A_643, %dma_start3A_648] : memref<16384x64xf32, #tpu.memory_space<hbm>> -> memref<256x64xf32, #tpu.memory_space<hbm>>
    %dma_start3A_650 = arith.constant 0 : i32
    %dma_start3A_651 = tpu.memref_slice %arg10[%add3A_643, %dma_start3A_650] : memref<16384x64xf32, #tpu.memory_space<hbm>> -> memref<256x64xf32, #tpu.memory_space<hbm>>
    tpu.enqueue_dma source(%arg17 : memref<256x64xf32, #tpu.memory_space<vmem>>) target(%dma_start3A_651 : memref<256x64xf32, #tpu.memory_space<hbm>>) target_semaphore(%arg23 : memref<!tpu.dma_semaphore, #tpu.memory_space<semaphore_mem>>)
    %dma_start3A_652 = arith.constant 0 : i32
    %dma_start3A_653 = tpu.memref_slice %arg11[%add3A_643, %dma_start3A_652] : memref<16384x64xf32, #tpu.memory_space<hbm>> -> memref<256x64xf32, #tpu.memory_space<hbm>>
    %dma_start3A_654 = arith.constant 0 : i32
    %dma_start3A_655 = tpu.memref_slice %arg11[%add3A_643, %dma_start3A_654] : memref<16384x64xf32, #tpu.memory_space<hbm>> -> memref<256x64xf32, #tpu.memory_space<hbm>>
    tpu.enqueue_dma source(%arg18 : memref<256x64xf32, #tpu.memory_space<vmem>>) target(%dma_start3A_655 : memref<256x64xf32, #tpu.memory_space<hbm>>) target_semaphore(%arg23 : memref<!tpu.dma_semaphore, #tpu.memory_space<semaphore_mem>>)
    %scan3A_656 = arith.constant 0 : i32
    %scan3A_657 = arith.constant 16 : i32
    %scan3A_658 = arith.addi %scan3A_656, %scan3A_657 : i32
    %scan3A_659 = arith.constant 1 : i32
    %scan3A_660:5 = scf.for %scan3A_1349 = %scan3A_656 to %scan3A_658 step %scan3A_659 iter_args(%scan3A_1350 = %broadcast_in_dim3A_21, %scan3A_1351 = %broadcast_in_dim3A_21, %scan3A_1352 = %broadcast_in_dim3A_21, %scan3A_1353 = %broadcast_in_dim3A_21, %scan3A_1354 = %broadcast_in_dim3A_21) -> (vector<16xf32>, vector<16xf32>, vector<16xf32>, vector<16xf32>, vector<16xf32>)  : i32 {
      %mul3A_1355 = arith.constant 16 : i32
      %mul3A_1356 = arith.muli %scan3A_1349, %mul3A_1355 : i32
      %add3A_1357 = vector.broadcast %mul3A_1356 : i32 to vector<16xi32>
      %add3A_1358 = arith.addi %add3A_1357, %iota3A : vector<16xi32>
      %scan3A_1359 = arith.constant 0 : i32
      %scan3A_1360 = arith.constant 64 : i32
      %scan3A_1361 = arith.addi %scan3A_1359, %scan3A_1360 : i32
      %scan3A_1362 = arith.constant 8 : i32
      %scan3A_1363:5 = scf.for %scan3A_1382 = %scan3A_1359 to %scan3A_1361 step %scan3A_1362 iter_args(%scan3A_1383 = %scan3A_1350, %scan3A_1384 = %scan3A_1351, %scan3A_1385 = %scan3A_1352, %scan3A_1386 = %broadcast_in_dim3A_21, %scan3A_1387 = %broadcast_in_dim3A_21) -> (vector<16xf32>, vector<16xf32>, vector<16xf32>, vector<16xf32>, vector<16xf32>)  : i32 {
        %broadcast_in_dim3A_1388 = vector.broadcast %scan3A_1382 : i32 to vector<16xi32>
        %gather3A = tpu.vector_load_idx %arg16[%add3A_1358, %broadcast_in_dim3A_1388] : memref<256x64xf32, #tpu.memory_space<vmem>>[vector<16xi32>, vector<16xi32>], vector<16xf32>,
        %gather3A_1389 = tpu.vector_load_idx %arg17[%add3A_1358, %broadcast_in_dim3A_1388] : memref<256x64xf32, #tpu.memory_space<vmem>>[vector<16xi32>, vector<16xi32>], vector<16xf32>,
        %gather3A_1390 = tpu.vector_load_idx %arg18[%add3A_1358, %broadcast_in_dim3A_1388] : memref<256x64xf32, #tpu.memory_space<vmem>>[vector<16xi32>, vector<16xi32>], vector<16xf32>,
        %mul3A_1391 = arith.mulf %gather3A, %gather3A : vector<16xf32>
        %add3A_1392 = arith.addf %scan3A_1383, %mul3A_1391 : vector<16xf32>
        %mul3A_1393 = arith.mulf %gather3A_1389, %gather3A_1389 : vector<16xf32>
        %add3A_1394 = arith.addf %scan3A_1384, %mul3A_1393 : vector<16xf32>
        %mul3A_1395 = arith.mulf %gather3A_1390, %gather3A_1390 : vector<16xf32>
        %add3A_1396 = arith.addf %scan3A_1385, %mul3A_1395 : vector<16xf32>
        %mul3A_1397 = arith.mulf %gather3A, %gather3A_1389 : vector<16xf32>
        %add3A_1398 = arith.addf %scan3A_1386, %mul3A_1397 : vector<16xf32>
        %mul3A_1399 = arith.mulf %gather3A, %gather3A_1390 : vector<16xf32>
        %add3A_1400 = arith.addf %scan3A_1387, %mul3A_1399 : vector<16xf32>
        %scan3A_1401 = arith.constant 1 : i32
        %scan3A_1402 = arith.addi %scan3A_1382, %scan3A_1401 : i32
        %broadcast_in_dim3A_1403 = vector.broadcast %scan3A_1402 : i32 to vector<16xi32>
        %gather3A_1404 = tpu.vector_load_idx %arg16[%add3A_1358, %broadcast_in_dim3A_1403] : memref<256x64xf32, #tpu.memory_space<vmem>>[vector<16xi32>, vector<16xi32>], vector<16xf32>,
        %gather3A_1405 = tpu.vector_load_idx %arg17[%add3A_1358, %broadcast_in_dim3A_1403] : memref<256x64xf32, #tpu.memory_space<vmem>>[vector<16xi32>, vector<16xi32>], vector<16xf32>,
        %gather3A_1406 = tpu.vector_load_idx %arg18[%add3A_1358, %broadcast_in_dim3A_1403] : memref<256x64xf32, #tpu.memory_space<vmem>>[vector<16xi32>, vector<16xi32>], vector<16xf32>,
        %mul3A_1407 = arith.mulf %gather3A_1404, %gather3A_1404 : vector<16xf32>
        %add3A_1408 = arith.addf %add3A_1392, %mul3A_1407 : vector<16xf32>
        %mul3A_1409 = arith.mulf %gather3A_1405, %gather3A_1405 : vector<16xf32>
        %add3A_1410 = arith.addf %add3A_1394, %mul3A_1409 : vector<16xf32>
        %mul3A_1411 = arith.mulf %gather3A_1406, %gather3A_1406 : vector<16xf32>
        %add3A_1412 = arith.addf %add3A_1396, %mul3A_1411 : vector<16xf32>
        %mul3A_1413 = arith.mulf %gather3A_1404, %gather3A_1405 : vector<16xf32>
        %add3A_1414 = arith.addf %add3A_1398, %mul3A_1413 : vector<16xf32>
        %mul3A_1415 = arith.mulf %gather3A_1404, %gather3A_1406 : vector<16xf32>
        %add3A_1416 = arith.addf %add3A_1400, %mul3A_1415 : vector<16xf32>
        %scan3A_1417 = arith.constant 2 : i32
        %scan3A_1418 = arith.addi %scan3A_1382, %scan3A_1417 : i32
        %broadcast_in_dim3A_1419 = vector.broadcast %scan3A_1418 : i32 to vector<16xi32>
        %gather3A_1420 = tpu.vector_load_idx %arg16[%add3A_1358, %broadcast_in_dim3A_1419] : memref<256x64xf32, #tpu.memory_space<vmem>>[vector<16xi32>, vector<16xi32>], vector<16xf32>,
        %gather3A_1421 = tpu.vector_load_idx %arg17[%add3A_1358, %broadcast_in_dim3A_1419] : memref<256x64xf32, #tpu.memory_space<vmem>>[vector<16xi32>, vector<16xi32>], vector<16xf32>,
        %gather3A_1422 = tpu.vector_load_idx %arg18[%add3A_1358, %broadcast_in_dim3A_1419] : memref<256x64xf32, #tpu.memory_space<vmem>>[vector<16xi32>, vector<16xi32>], vector<16xf32>,
        %mul3A_1423 = arith.mulf %gather3A_1420, %gather3A_1420 : vector<16xf32>
        %add3A_1424 = arith.addf %add3A_1408, %mul3A_1423 : vector<16xf32>
        %mul3A_1425 = arith.mulf %gather3A_1421, %gather3A_1421 : vector<16xf32>
        %add3A_1426 = arith.addf %add3A_1410, %mul3A_1425 : vector<16xf32>
        %mul3A_1427 = arith.mulf %gather3A_1422, %gather3A_1422 : vector<16xf32>
        %add3A_1428 = arith.addf %add3A_1412, %mul3A_1427 : vector<16xf32>
        %mul3A_1429 = arith.mulf %gather3A_1420, %gather3A_1421 : vector<16xf32>
        %add3A_1430 = arith.addf %add3A_1414, %mul3A_1429 : vector<16xf32>
        %mul3A_1431 = arith.mulf %gather3A_1420, %gather3A_1422 : vector<16xf32>
        %add3A_1432 = arith.addf %add3A_1416, %mul3A_1431 : vector<16xf32>
        %scan3A_1433 = arith.constant 3 : i32
        %scan3A_1434 = arith.addi %scan3A_1382, %scan3A_1433 : i32
        %broadcast_in_dim3A_1435 = vector.broadcast %scan3A_1434 : i32 to vector<16xi32>
        %gather3A_1436 = tpu.vector_load_idx %arg16[%add3A_1358, %broadcast_in_dim3A_1435] : memref<256x64xf32, #tpu.memory_space<vmem>>[vector<16xi32>, vector<16xi32>], vector<16xf32>,
        %gather3A_1437 = tpu.vector_load_idx %arg17[%add3A_1358, %broadcast_in_dim3A_1435] : memref<256x64xf32, #tpu.memory_space<vmem>>[vector<16xi32>, vector<16xi32>], vector<16xf32>,
        %gather3A_1438 = tpu.vector_load_idx %arg18[%add3A_1358, %broadcast_in_dim3A_1435] : memref<256x64xf32, #tpu.memory_space<vmem>>[vector<16xi32>, vector<16xi32>], vector<16xf32>,
        %mul3A_1439 = arith.mulf %gather3A_1436, %gather3A_1436 : vector<16xf32>
        %add3A_1440 = arith.addf %add3A_1424, %mul3A_1439 : vector<16xf32>
        %mul3A_1441 = arith.mulf %gather3A_1437, %gather3A_1437 : vector<16xf32>
        %add3A_1442 = arith.addf %add3A_1426, %mul3A_1441 : vector<16xf32>
        %mul3A_1443 = arith.mulf %gather3A_1438, %gather3A_1438 : vector<16xf32>
        %add3A_1444 = arith.addf %add3A_1428, %mul3A_1443 : vector<16xf32>
        %mul3A_1445 = arith.mulf %gather3A_1436, %gather3A_1437 : vector<16xf32>
        %add3A_1446 = arith.addf %add3A_1430, %mul3A_1445 : vector<16xf32>
        %mul3A_1447 = arith.mulf %gather3A_1436, %gather3A_1438 : vector<16xf32>
        %add3A_1448 = arith.addf %add3A_1432, %mul3A_1447 : vector<16xf32>
        %scan3A_1449 = arith.constant 4 : i32
        %scan3A_1450 = arith.addi %scan3A_1382, %scan3A_1449 : i32
        %broadcast_in_dim3A_1451 = vector.broadcast %scan3A_1450 : i32 to vector<16xi32>
        %gather3A_1452 = tpu.vector_load_idx %arg16[%add3A_1358, %broadcast_in_dim3A_1451] : memref<256x64xf32, #tpu.memory_space<vmem>>[vector<16xi32>, vector<16xi32>], vector<16xf32>,
        %gather3A_1453 = tpu.vector_load_idx %arg17[%add3A_1358, %broadcast_in_dim3A_1451] : memref<256x64xf32, #tpu.memory_space<vmem>>[vector<16xi32>, vector<16xi32>], vector<16xf32>,
        %gather3A_1454 = tpu.vector_load_idx %arg18[%add3A_1358, %broadcast_in_dim3A_1451] : memref<256x64xf32, #tpu.memory_space<vmem>>[vector<16xi32>, vector<16xi32>], vector<16xf32>,
        %mul3A_1455 = arith.mulf %gather3A_1452, %gather3A_1452 : vector<16xf32>
        %add3A_1456 = arith.addf %add3A_1440, %mul3A_1455 : vector<16xf32>
        %mul3A_1457 = arith.mulf %gather3A_1453, %gather3A_1453 : vector<16xf32>
        %add3A_1458 = arith.addf %add3A_1442, %mul3A_1457 : vector<16xf32>
        %mul3A_1459 = arith.mulf %gather3A_1454, %gather3A_1454 : vector<16xf32>
        %add3A_1460 = arith.addf %add3A_1444, %mul3A_1459 : vector<16xf32>
        %mul3A_1461 = arith.mulf %gather3A_1452, %gather3A_1453 : vector<16xf32>
        %add3A_1462 = arith.addf %add3A_1446, %mul3A_1461 : vector<16xf32>
        %mul3A_1463 = arith.mulf %gather3A_1452, %gather3A_1454 : vector<16xf32>
        %add3A_1464 = arith.addf %add3A_1448, %mul3A_1463 : vector<16xf32>
        %scan3A_1465 = arith.constant 5 : i32
        %scan3A_1466 = arith.addi %scan3A_1382, %scan3A_1465 : i32
        %broadcast_in_dim3A_1467 = vector.broadcast %scan3A_1466 : i32 to vector<16xi32>
        %gather3A_1468 = tpu.vector_load_idx %arg16[%add3A_1358, %broadcast_in_dim3A_1467] : memref<256x64xf32, #tpu.memory_space<vmem>>[vector<16xi32>, vector<16xi32>], vector<16xf32>,
        %gather3A_1469 = tpu.vector_load_idx %arg17[%add3A_1358, %broadcast_in_dim3A_1467] : memref<256x64xf32, #tpu.memory_space<vmem>>[vector<16xi32>, vector<16xi32>], vector<16xf32>,
        %gather3A_1470 = tpu.vector_load_idx %arg18[%add3A_1358, %broadcast_in_dim3A_1467] : memref<256x64xf32, #tpu.memory_space<vmem>>[vector<16xi32>, vector<16xi32>], vector<16xf32>,
        %mul3A_1471 = arith.mulf %gather3A_1468, %gather3A_1468 : vector<16xf32>
        %add3A_1472 = arith.addf %add3A_1456, %mul3A_1471 : vector<16xf32>
        %mul3A_1473 = arith.mulf %gather3A_1469, %gather3A_1469 : vector<16xf32>
        %add3A_1474 = arith.addf %add3A_1458, %mul3A_1473 : vector<16xf32>
        %mul3A_1475 = arith.mulf %gather3A_1470, %gather3A_1470 : vector<16xf32>
        %add3A_1476 = arith.addf %add3A_1460, %mul3A_1475 : vector<16xf32>
        %mul3A_1477 = arith.mulf %gather3A_1468, %gather3A_1469 : vector<16xf32>
        %add3A_1478 = arith.addf %add3A_1462, %mul3A_1477 : vector<16xf32>
        %mul3A_1479 = arith.mulf %gather3A_1468, %gather3A_1470 : vector<16xf32>
        %add3A_1480 = arith.addf %add3A_1464, %mul3A_1479 : vector<16xf32>
        %scan3A_1481 = arith.constant 6 : i32
        %scan3A_1482 = arith.addi %scan3A_1382, %scan3A_1481 : i32
        %broadcast_in_dim3A_1483 = vector.broadcast %scan3A_1482 : i32 to vector<16xi32>
        %gather3A_1484 = tpu.vector_load_idx %arg16[%add3A_1358, %broadcast_in_dim3A_1483] : memref<256x64xf32, #tpu.memory_space<vmem>>[vector<16xi32>, vector<16xi32>], vector<16xf32>,
        %gather3A_1485 = tpu.vector_load_idx %arg17[%add3A_1358, %broadcast_in_dim3A_1483] : memref<256x64xf32, #tpu.memory_space<vmem>>[vector<16xi32>, vector<16xi32>], vector<16xf32>,
        %gather3A_1486 = tpu.vector_load_idx %arg18[%add3A_1358, %broadcast_in_dim3A_1483] : memref<256x64xf32, #tpu.memory_space<vmem>>[vector<16xi32>, vector<16xi32>], vector<16xf32>,
        %mul3A_1487 = arith.mulf %gather3A_1484, %gather3A_1484 : vector<16xf32>
        %add3A_1488 = arith.addf %add3A_1472, %mul3A_1487 : vector<16xf32>
        %mul3A_1489 = arith.mulf %gather3A_1485, %gather3A_1485 : vector<16xf32>
        %add3A_1490 = arith.addf %add3A_1474, %mul3A_1489 : vector<16xf32>
        %mul3A_1491 = arith.mulf %gather3A_1486, %gather3A_1486 : vector<16xf32>
        %add3A_1492 = arith.addf %add3A_1476, %mul3A_1491 : vector<16xf32>
        %mul3A_1493 = arith.mulf %gather3A_1484, %gather3A_1485 : vector<16xf32>
        %add3A_1494 = arith.addf %add3A_1478, %mul3A_1493 : vector<16xf32>
        %mul3A_1495 = arith.mulf %gather3A_1484, %gather3A_1486 : vector<16xf32>
        %add3A_1496 = arith.addf %add3A_1480, %mul3A_1495 : vector<16xf32>
        %scan3A_1497 = arith.constant 7 : i32
        %scan3A_1498 = arith.addi %scan3A_1382, %scan3A_1497 : i32
        %broadcast_in_dim3A_1499 = vector.broadcast %scan3A_1498 : i32 to vector<16xi32>
        %gather3A_1500 = tpu.vector_load_idx %arg16[%add3A_1358, %broadcast_in_dim3A_1499] : memref<256x64xf32, #tpu.memory_space<vmem>>[vector<16xi32>, vector<16xi32>], vector<16xf32>,
        %gather3A_1501 = tpu.vector_load_idx %arg17[%add3A_1358, %broadcast_in_dim3A_1499] : memref<256x64xf32, #tpu.memory_space<vmem>>[vector<16xi32>, vector<16xi32>], vector<16xf32>,
        %gather3A_1502 = tpu.vector_load_idx %arg18[%add3A_1358, %broadcast_in_dim3A_1499] : memref<256x64xf32, #tpu.memory_space<vmem>>[vector<16xi32>, vector<16xi32>], vector<16xf32>,
        %mul3A_1503 = arith.mulf %gather3A_1500, %gather3A_1500 : vector<16xf32>
        %add3A_1504 = arith.addf %add3A_1488, %mul3A_1503 : vector<16xf32>
        %mul3A_1505 = arith.mulf %gather3A_1501, %gather3A_1501 : vector<16xf32>
        %add3A_1506 = arith.addf %add3A_1490, %mul3A_1505 : vector<16xf32>
        %mul3A_1507 = arith.mulf %gather3A_1502, %gather3A_1502 : vector<16xf32>
        %add3A_1508 = arith.addf %add3A_1492, %mul3A_1507 : vector<16xf32>
        %mul3A_1509 = arith.mulf %gather3A_1500, %gather3A_1501 : vector<16xf32>
        %add3A_1510 = arith.addf %add3A_1494, %mul3A_1509 : vector<16xf32>
        %mul3A_1511 = arith.mulf %gather3A_1500, %gather3A_1502 : vector<16xf32>
        %add3A_1512 = arith.addf %add3A_1496, %mul3A_1511 : vector<16xf32>
        scf.yield %add3A_1504, %add3A_1506, %add3A_1508, %add3A_1510, %add3A_1512 : vector<16xf32>, vector<16xf32>, vector<16xf32>, vector<16xf32>, vector<16xf32>
      }
      %scan3A_1364 = arith.constant 64 : i32
      %mul3A_1365 = arith.constant 16 : i32
      %mul3A_1366 = arith.muli %scan3A_1349, %mul3A_1365 : i32
      %add3A_1367 = arith.constant 0 : i32
      %add3A_1368 = arith.addi %add3A_1367, %mul3A_1366 : i32
      %get3A_1369 = arith.index_cast %add3A_1368 : i32 to index
      %get3A_1370 = tpu.vector_load %arg19[%get3A_1369] {strides = array<i32>} : memref<512xf32, #tpu.memory_space<vmem>>, vector<16xf32>,
      %sub3A = arith.subf %scan3A_1363#3, %get3A_1370 : vector<16xf32>
      %mul3A_1371 = arith.constant 16 : i32
      %mul3A_1372 = arith.muli %scan3A_1349, %mul3A_1371 : i32
      %add3A_1373 = arith.constant 0 : i32
      %add3A_1374 = arith.addi %add3A_1373, %mul3A_1372 : i32
      %get3A_1375 = arith.index_cast %add3A_1374 : i32 to index
      %get3A_1376 = tpu.vector_load %arg20[%get3A_1375] {strides = array<i32>} : memref<512xf32, #tpu.memory_space<vmem>>, vector<16xf32>,
      %sub3A_1377 = arith.subf %scan3A_1363#4, %get3A_1376 : vector<16xf32>
      %mul3A_1378 = arith.mulf %sub3A, %sub3A : vector<16xf32>
      %add3A_1379 = arith.addf %scan3A_1353, %mul3A_1378 : vector<16xf32>
      %mul3A_1380 = arith.mulf %sub3A_1377, %sub3A_1377 : vector<16xf32>
      %add3A_1381 = arith.addf %scan3A_1354, %mul3A_1380 : vector<16xf32>
      scf.yield %scan3A_1363#0, %scan3A_1363#1, %scan3A_1363#2, %add3A_1379, %add3A_1381 : vector<16xf32>, vector<16xf32>, vector<16xf32>, vector<16xf32>, vector<16xf32>
    }
    %scan3A_661 = arith.constant 16 : i32
    %dma_wait3A_662 = arith.constant 0 : i32
    %dma_wait3A_663 = tpu.memref_slice %arg9[%add3A_643, %dma_wait3A_662] : memref<16384x64xf32, #tpu.memory_space<hbm>> -> memref<256x64xf32, #tpu.memory_space<hbm>>
    %dma_wait3A_664 = arith.constant 0 : i32
    %dma_wait3A_665 = tpu.memref_slice %arg9[%add3A_643, %dma_wait3A_664] : memref<16384x64xf32, #tpu.memory_space<hbm>> -> memref<256x64xf32, #tpu.memory_space<hbm>>
    tpu.wait_dma2 semaphore(%arg23 : memref<!tpu.dma_semaphore, #tpu.memory_space<semaphore_mem>>) src(%arg16 : memref<256x64xf32, #tpu.memory_space<vmem>>) dst(%dma_wait3A_665 : memref<256x64xf32, #tpu.memory_space<hbm>>)
    %dma_wait3A_666 = arith.constant 0 : i32
    %dma_wait3A_667 = tpu.memref_slice %arg10[%add3A_643, %dma_wait3A_666] : memref<16384x64xf32, #tpu.memory_space<hbm>> -> memref<256x64xf32, #tpu.memory_space<hbm>>
    %dma_wait3A_668 = arith.constant 0 : i32
    %dma_wait3A_669 = tpu.memref_slice %arg10[%add3A_643, %dma_wait3A_668] : memref<16384x64xf32, #tpu.memory_space<hbm>> -> memref<256x64xf32, #tpu.memory_space<hbm>>
    tpu.wait_dma2 semaphore(%arg23 : memref<!tpu.dma_semaphore, #tpu.memory_space<semaphore_mem>>) src(%arg17 : memref<256x64xf32, #tpu.memory_space<vmem>>) dst(%dma_wait3A_669 : memref<256x64xf32, #tpu.memory_space<hbm>>)
    %dma_wait3A_670 = arith.constant 0 : i32
    %dma_wait3A_671 = tpu.memref_slice %arg11[%add3A_643, %dma_wait3A_670] : memref<16384x64xf32, #tpu.memory_space<hbm>> -> memref<256x64xf32, #tpu.memory_space<hbm>>
    %dma_wait3A_672 = arith.constant 0 : i32
    %dma_wait3A_673 = tpu.memref_slice %arg11[%add3A_643, %dma_wait3A_672] : memref<16384x64xf32, #tpu.memory_space<hbm>> -> memref<256x64xf32, #tpu.memory_space<hbm>>
    tpu.wait_dma2 semaphore(%arg23 : memref<!tpu.dma_semaphore, #tpu.memory_space<semaphore_mem>>) src(%arg18 : memref<256x64xf32, #tpu.memory_space<vmem>>) dst(%dma_wait3A_673 : memref<256x64xf32, #tpu.memory_space<hbm>>)
    %get3A_674 = arith.constant 256 : index
    %get3A_675 = tpu.vector_load %arg13[%get3A_674] {strides = array<i32>} : memref<512xi32, #tpu.memory_space<vmem>>, vector<16xi32>,
    %get3A_676 = arith.constant 256 : index
    %get3A_677 = tpu.vector_load %arg14[%get3A_676] {strides = array<i32>} : memref<512xi32, #tpu.memory_space<vmem>>, vector<16xi32>,
    %get3A_678 = arith.constant 256 : index
    %get3A_679 = tpu.vector_load %arg15[%get3A_678] {strides = array<i32>} : memref<512xi32, #tpu.memory_space<vmem>>, vector<16xi32>,
    %slice3A_680 = vector.extract_strided_slice %get3A_675 {offsets = [0], sizes = [1], strides = [1]} : vector<16xi32> to vector<1xi32>
    %squeeze3A_681 = vector.extract %slice3A_680[0] : i32 from vector<1xi32>
    %dma_start3A_682 = arith.constant 0 : i32
    %dma_start3A_683 = arith.constant 0 : i32
    %dma_start3A_684 = tpu.memref_slice %arg16[%dma_start3A_682, %dma_start3A_683] : memref<256x64xf32, #tpu.memory_space<vmem>> -> memref<1x64xf32, #tpu.memory_space<vmem>>
    %dma_start3A_685 = arith.constant 0 : i32
    %dma_start3A_686 = tpu.memref_slice %arg7[%squeeze3A_681, %dma_start3A_685] : memref<100000x64xf32, #tpu.memory_space<hbm>> -> memref<1x64xf32, #tpu.memory_space<hbm>>
    %dma_start3A_687 = arith.constant 0 : i32
    %dma_start3A_688 = arith.constant 0 : i32
    %dma_start3A_689 = tpu.memref_slice %arg16[%dma_start3A_687, %dma_start3A_688] : memref<256x64xf32, #tpu.memory_space<vmem>> -> memref<1x64xf32, #tpu.memory_space<vmem>>
    %dma_start3A_690 = arith.constant 0 : i32
    %dma_start3A_691 = tpu.memref_slice %arg7[%squeeze3A_681, %dma_start3A_690] : memref<100000x64xf32, #tpu.memory_space<hbm>> -> memref<1x64xf32, #tpu.memory_space<hbm>>
    tpu.enqueue_dma source(%dma_start3A_691 : memref<1x64xf32, #tpu.memory_space<hbm>>) target(%dma_start3A_689 : memref<1x64xf32, #tpu.memory_space<vmem>>) target_semaphore(%arg22 : memref<!tpu.dma_semaphore, #tpu.memory_space<semaphore_mem>>)
    %slice3A_692 = vector.extract_strided_slice %get3A_677 {offsets = [0], sizes = [1], strides = [1]} : vector<16xi32> to vector<1xi32>
    %squeeze3A_693 = vector.extract %slice3A_692[0] : i32 from vector<1xi32>
    %dma_start3A_694 = arith.constant 0 : i32
    %dma_start3A_695 = arith.constant 0 : i32
    %dma_start3A_696 = tpu.memref_slice %arg17[%dma_start3A_694, %dma_start3A_695] : memref<256x64xf32, #tpu.memory_space<vmem>> -> memref<1x64xf32, #tpu.memory_space<vmem>>
    %dma_start3A_697 = arith.constant 0 : i32
    %dma_start3A_698 = tpu.memref_slice %arg8[%squeeze3A_693, %dma_start3A_697] : memref<100000x64xf32, #tpu.memory_space<hbm>> -> memref<1x64xf32, #tpu.memory_space<hbm>>
    %dma_start3A_699 = arith.constant 0 : i32
    %dma_start3A_700 = arith.constant 0 : i32
    %dma_start3A_701 = tpu.memref_slice %arg17[%dma_start3A_699, %dma_start3A_700] : memref<256x64xf32, #tpu.memory_space<vmem>> -> memref<1x64xf32, #tpu.memory_space<vmem>>
    %dma_start3A_702 = arith.constant 0 : i32
    %dma_start3A_703 = tpu.memref_slice %arg8[%squeeze3A_693, %dma_start3A_702] : memref<100000x64xf32, #tpu.memory_space<hbm>> -> memref<1x64xf32, #tpu.memory_space<hbm>>
    tpu.enqueue_dma source(%dma_start3A_703 : memref<1x64xf32, #tpu.memory_space<hbm>>) target(%dma_start3A_701 : memref<1x64xf32, #tpu.memory_space<vmem>>) target_semaphore(%arg22 : memref<!tpu.dma_semaphore, #tpu.memory_space<semaphore_mem>>)
    %slice3A_704 = vector.extract_strided_slice %get3A_679 {offsets = [0], sizes = [1], strides = [1]} : vector<16xi32> to vector<1xi32>
    %squeeze3A_705 = vector.extract %slice3A_704[0] : i32 from vector<1xi32>
    %dma_start3A_706 = arith.constant 0 : i32
    %dma_start3A_707 = arith.constant 0 : i32
    %dma_start3A_708 = tpu.memref_slice %arg18[%dma_start3A_706, %dma_start3A_707] : memref<256x64xf32, #tpu.memory_space<vmem>> -> memref<1x64xf32, #tpu.memory_space<vmem>>
    %dma_start3A_709 = arith.constant 0 : i32
    %dma_start3A_710 = tpu.memref_slice %arg8[%squeeze3A_705, %dma_start3A_709] : memref<100000x64xf32, #tpu.memory_space<hbm>> -> memref<1x64xf32, #tpu.memory_space<hbm>>
    %dma_start3A_711 = arith.constant 0 : i32
    %dma_start3A_712 = arith.constant 0 : i32
    %dma_start3A_713 = tpu.memref_slice %arg18[%dma_start3A_711, %dma_start3A_712] : memref<256x64xf32, #tpu.memory_space<vmem>> -> memref<1x64xf32, #tpu.memory_space<vmem>>
    %dma_start3A_714 = arith.constant 0 : i32
    %dma_start3A_715 = tpu.memref_slice %arg8[%squeeze3A_705, %dma_start3A_714] : memref<100000x64xf32, #tpu.memory_space<hbm>> -> memref<1x64xf32, #tpu.memory_space<hbm>>
    tpu.enqueue_dma source(%dma_start3A_715 : memref<1x64xf32, #tpu.memory_space<hbm>>) target(%dma_start3A_713 : memref<1x64xf32, #tpu.memory_space<vmem>>) target_semaphore(%arg22 : memref<!tpu.dma_semaphore, #tpu.memory_space<semaphore_mem>>)
    %slice3A_716 = vector.extract_strided_slice %get3A_675 {offsets = [1], sizes = [1], strides = [1]} : vector<16xi32> to vector<1xi32>
    %squeeze3A_717 = vector.extract %slice3A_716[0] : i32 from vector<1xi32>
    %dma_start3A_718 = arith.constant 1 : i32
    %dma_start3A_719 = arith.constant 0 : i32
    %dma_start3A_720 = tpu.memref_slice %arg16[%dma_start3A_718, %dma_start3A_719] : memref<256x64xf32, #tpu.memory_space<vmem>> -> memref<1x64xf32, #tpu.memory_space<vmem>>
    %dma_start3A_721 = arith.constant 0 : i32
    %dma_start3A_722 = tpu.memref_slice %arg7[%squeeze3A_717, %dma_start3A_721] : memref<100000x64xf32, #tpu.memory_space<hbm>> -> memref<1x64xf32, #tpu.memory_space<hbm>>
    %dma_start3A_723 = arith.constant 1 : i32
    %dma_start3A_724 = arith.constant 0 : i32
    %dma_start3A_725 = tpu.memref_slice %arg16[%dma_start3A_723, %dma_start3A_724] : memref<256x64xf32, #tpu.memory_space<vmem>> -> memref<1x64xf32, #tpu.memory_space<vmem>>
    %dma_start3A_726 = arith.constant 0 : i32
    %dma_start3A_727 = tpu.memref_slice %arg7[%squeeze3A_717, %dma_start3A_726] : memref<100000x64xf32, #tpu.memory_space<hbm>> -> memref<1x64xf32, #tpu.memory_space<hbm>>
    tpu.enqueue_dma source(%dma_start3A_727 : memref<1x64xf32, #tpu.memory_space<hbm>>) target(%dma_start3A_725 : memref<1x64xf32, #tpu.memory_space<vmem>>) target_semaphore(%arg22 : memref<!tpu.dma_semaphore, #tpu.memory_space<semaphore_mem>>)
    %slice3A_728 = vector.extract_strided_slice %get3A_677 {offsets = [1], sizes = [1], strides = [1]} : vector<16xi32> to vector<1xi32>
    %squeeze3A_729 = vector.extract %slice3A_728[0] : i32 from vector<1xi32>
    %dma_start3A_730 = arith.constant 1 : i32
    %dma_start3A_731 = arith.constant 0 : i32
    %dma_start3A_732 = tpu.memref_slice %arg17[%dma_start3A_730, %dma_start3A_731] : memref<256x64xf32, #tpu.memory_space<vmem>> -> memref<1x64xf32, #tpu.memory_space<vmem>>
    %dma_start3A_733 = arith.constant 0 : i32
    %dma_start3A_734 = tpu.memref_slice %arg8[%squeeze3A_729, %dma_start3A_733] : memref<100000x64xf32, #tpu.memory_space<hbm>> -> memref<1x64xf32, #tpu.memory_space<hbm>>
    %dma_start3A_735 = arith.constant 1 : i32
    %dma_start3A_736 = arith.constant 0 : i32
    %dma_start3A_737 = tpu.memref_slice %arg17[%dma_start3A_735, %dma_start3A_736] : memref<256x64xf32, #tpu.memory_space<vmem>> -> memref<1x64xf32, #tpu.memory_space<vmem>>
    %dma_start3A_738 = arith.constant 0 : i32
    %dma_start3A_739 = tpu.memref_slice %arg8[%squeeze3A_729, %dma_start3A_738] : memref<100000x64xf32, #tpu.memory_space<hbm>> -> memref<1x64xf32, #tpu.memory_space<hbm>>
    tpu.enqueue_dma source(%dma_start3A_739 : memref<1x64xf32, #tpu.memory_space<hbm>>) target(%dma_start3A_737 : memref<1x64xf32, #tpu.memory_space<vmem>>) target_semaphore(%arg22 : memref<!tpu.dma_semaphore, #tpu.memory_space<semaphore_mem>>)
    %slice3A_740 = vector.extract_strided_slice %get3A_679 {offsets = [1], sizes = [1], strides = [1]} : vector<16xi32> to vector<1xi32>
    %squeeze3A_741 = vector.extract %slice3A_740[0] : i32 from vector<1xi32>
    %dma_start3A_742 = arith.constant 1 : i32
    %dma_start3A_743 = arith.constant 0 : i32
    %dma_start3A_744 = tpu.memref_slice %arg18[%dma_start3A_742, %dma_start3A_743] : memref<256x64xf32, #tpu.memory_space<vmem>> -> memref<1x64xf32, #tpu.memory_space<vmem>>
    %dma_start3A_745 = arith.constant 0 : i32
    %dma_start3A_746 = tpu.memref_slice %arg8[%squeeze3A_741, %dma_start3A_745] : memref<100000x64xf32, #tpu.memory_space<hbm>> -> memref<1x64xf32, #tpu.memory_space<hbm>>
    %dma_start3A_747 = arith.constant 1 : i32
    %dma_start3A_748 = arith.constant 0 : i32
    %dma_start3A_749 = tpu.memref_slice %arg18[%dma_start3A_747, %dma_start3A_748] : memref<256x64xf32, #tpu.memory_space<vmem>> -> memref<1x64xf32, #tpu.memory_space<vmem>>
    %dma_start3A_750 = arith.constant 0 : i32
    %dma_start3A_751 = tpu.memref_slice %arg8[%squeeze3A_741, %dma_start3A_750] : memref<100000x64xf32, #tpu.memory_space<hbm>> -> memref<1x64xf32, #tpu.memory_space<hbm>>
    tpu.enqueue_dma source(%dma_start3A_751 : memref<1x64xf32, #tpu.memory_space<hbm>>) target(%dma_start3A_749 : memref<1x64xf32, #tpu.memory_space<vmem>>) target_semaphore(%arg22 : memref<!tpu.dma_semaphore, #tpu.memory_space<semaphore_mem>>)
    %slice3A_752 = vector.extract_strided_slice %get3A_675 {offsets = [2], sizes = [1], strides = [1]} : vector<16xi32> to vector<1xi32>
    %squeeze3A_753 = vector.extract %slice3A_752[0] : i32 from vector<1xi32>
    %dma_start3A_754 = arith.constant 2 : i32
    %dma_start3A_755 = arith.constant 0 : i32
    %dma_start3A_756 = tpu.memref_slice %arg16[%dma_start3A_754, %dma_start3A_755] : memref<256x64xf32, #tpu.memory_space<vmem>> -> memref<1x64xf32, #tpu.memory_space<vmem>>
    %dma_start3A_757 = arith.constant 0 : i32
    %dma_start3A_758 = tpu.memref_slice %arg7[%squeeze3A_753, %dma_start3A_757] : memref<100000x64xf32, #tpu.memory_space<hbm>> -> memref<1x64xf32, #tpu.memory_space<hbm>>
    %dma_start3A_759 = arith.constant 2 : i32
    %dma_start3A_760 = arith.constant 0 : i32
    %dma_start3A_761 = tpu.memref_slice %arg16[%dma_start3A_759, %dma_start3A_760] : memref<256x64xf32, #tpu.memory_space<vmem>> -> memref<1x64xf32, #tpu.memory_space<vmem>>
    %dma_start3A_762 = arith.constant 0 : i32
    %dma_start3A_763 = tpu.memref_slice %arg7[%squeeze3A_753, %dma_start3A_762] : memref<100000x64xf32, #tpu.memory_space<hbm>> -> memref<1x64xf32, #tpu.memory_space<hbm>>
    tpu.enqueue_dma source(%dma_start3A_763 : memref<1x64xf32, #tpu.memory_space<hbm>>) target(%dma_start3A_761 : memref<1x64xf32, #tpu.memory_space<vmem>>) target_semaphore(%arg22 : memref<!tpu.dma_semaphore, #tpu.memory_space<semaphore_mem>>)
    %slice3A_764 = vector.extract_strided_slice %get3A_677 {offsets = [2], sizes = [1], strides = [1]} : vector<16xi32> to vector<1xi32>
    %squeeze3A_765 = vector.extract %slice3A_764[0] : i32 from vector<1xi32>
    %dma_start3A_766 = arith.constant 2 : i32
    %dma_start3A_767 = arith.constant 0 : i32
    %dma_start3A_768 = tpu.memref_slice %arg17[%dma_start3A_766, %dma_start3A_767] : memref<256x64xf32, #tpu.memory_space<vmem>> -> memref<1x64xf32, #tpu.memory_space<vmem>>
    %dma_start3A_769 = arith.constant 0 : i32
    %dma_start3A_770 = tpu.memref_slice %arg8[%squeeze3A_765, %dma_start3A_769] : memref<100000x64xf32, #tpu.memory_space<hbm>> -> memref<1x64xf32, #tpu.memory_space<hbm>>
    %dma_start3A_771 = arith.constant 2 : i32
    %dma_start3A_772 = arith.constant 0 : i32
    %dma_start3A_773 = tpu.memref_slice %arg17[%dma_start3A_771, %dma_start3A_772] : memref<256x64xf32, #tpu.memory_space<vmem>> -> memref<1x64xf32, #tpu.memory_space<vmem>>
    %dma_start3A_774 = arith.constant 0 : i32
    %dma_start3A_775 = tpu.memref_slice %arg8[%squeeze3A_765, %dma_start3A_774] : memref<100000x64xf32, #tpu.memory_space<hbm>> -> memref<1x64xf32, #tpu.memory_space<hbm>>
    tpu.enqueue_dma source(%dma_start3A_775 : memref<1x64xf32, #tpu.memory_space<hbm>>) target(%dma_start3A_773 : memref<1x64xf32, #tpu.memory_space<vmem>>) target_semaphore(%arg22 : memref<!tpu.dma_semaphore, #tpu.memory_space<semaphore_mem>>)
    %slice3A_776 = vector.extract_strided_slice %get3A_679 {offsets = [2], sizes = [1], strides = [1]} : vector<16xi32> to vector<1xi32>
    %squeeze3A_777 = vector.extract %slice3A_776[0] : i32 from vector<1xi32>
    %dma_start3A_778 = arith.constant 2 : i32
    %dma_start3A_779 = arith.constant 0 : i32
    %dma_start3A_780 = tpu.memref_slice %arg18[%dma_start3A_778, %dma_start3A_779] : memref<256x64xf32, #tpu.memory_space<vmem>> -> memref<1x64xf32, #tpu.memory_space<vmem>>
    %dma_start3A_781 = arith.constant 0 : i32
    %dma_start3A_782 = tpu.memref_slice %arg8[%squeeze3A_777, %dma_start3A_781] : memref<100000x64xf32, #tpu.memory_space<hbm>> -> memref<1x64xf32, #tpu.memory_space<hbm>>
    %dma_start3A_783 = arith.constant 2 : i32
    %dma_start3A_784 = arith.constant 0 : i32
    %dma_start3A_785 = tpu.memref_slice %arg18[%dma_start3A_783, %dma_start3A_784] : memref<256x64xf32, #tpu.memory_space<vmem>> -> memref<1x64xf32, #tpu.memory_space<vmem>>
    %dma_start3A_786 = arith.constant 0 : i32
    %dma_start3A_787 = tpu.memref_slice %arg8[%squeeze3A_777, %dma_start3A_786] : memref<100000x64xf32, #tpu.memory_space<hbm>> -> memref<1x64xf32, #tpu.memory_space<hbm>>
    tpu.enqueue_dma source(%dma_start3A_787 : memref<1x64xf32, #tpu.memory_space<hbm>>) target(%dma_start3A_785 : memref<1x64xf32, #tpu.memory_space<vmem>>) target_semaphore(%arg22 : memref<!tpu.dma_semaphore, #tpu.memory_space<semaphore_mem>>)
    %slice3A_788 = vector.extract_strided_slice %get3A_675 {offsets = [3], sizes = [1], strides = [1]} : vector<16xi32> to vector<1xi32>
    %squeeze3A_789 = vector.extract %slice3A_788[0] : i32 from vector<1xi32>
    %dma_start3A_790 = arith.constant 3 : i32
    %dma_start3A_791 = arith.constant 0 : i32
    %dma_start3A_792 = tpu.memref_slice %arg16[%dma_start3A_790, %dma_start3A_791] : memref<256x64xf32, #tpu.memory_space<vmem>> -> memref<1x64xf32, #tpu.memory_space<vmem>>
    %dma_start3A_793 = arith.constant 0 : i32
    %dma_start3A_794 = tpu.memref_slice %arg7[%squeeze3A_789, %dma_start3A_793] : memref<100000x64xf32, #tpu.memory_space<hbm>> -> memref<1x64xf32, #tpu.memory_space<hbm>>
    %dma_start3A_795 = arith.constant 3 : i32
    %dma_start3A_796 = arith.constant 0 : i32
    %dma_start3A_797 = tpu.memref_slice %arg16[%dma_start3A_795, %dma_start3A_796] : memref<256x64xf32, #tpu.memory_space<vmem>> -> memref<1x64xf32, #tpu.memory_space<vmem>>
    %dma_start3A_798 = arith.constant 0 : i32
    %dma_start3A_799 = tpu.memref_slice %arg7[%squeeze3A_789, %dma_start3A_798] : memref<100000x64xf32, #tpu.memory_space<hbm>> -> memref<1x64xf32, #tpu.memory_space<hbm>>
    tpu.enqueue_dma source(%dma_start3A_799 : memref<1x64xf32, #tpu.memory_space<hbm>>) target(%dma_start3A_797 : memref<1x64xf32, #tpu.memory_space<vmem>>) target_semaphore(%arg22 : memref<!tpu.dma_semaphore, #tpu.memory_space<semaphore_mem>>)
    %slice3A_800 = vector.extract_strided_slice %get3A_677 {offsets = [3], sizes = [1], strides = [1]} : vector<16xi32> to vector<1xi32>
    %squeeze3A_801 = vector.extract %slice3A_800[0] : i32 from vector<1xi32>
    %dma_start3A_802 = arith.constant 3 : i32
    %dma_start3A_803 = arith.constant 0 : i32
    %dma_start3A_804 = tpu.memref_slice %arg17[%dma_start3A_802, %dma_start3A_803] : memref<256x64xf32, #tpu.memory_space<vmem>> -> memref<1x64xf32, #tpu.memory_space<vmem>>
    %dma_start3A_805 = arith.constant 0 : i32
    %dma_start3A_806 = tpu.memref_slice %arg8[%squeeze3A_801, %dma_start3A_805] : memref<100000x64xf32, #tpu.memory_space<hbm>> -> memref<1x64xf32, #tpu.memory_space<hbm>>
    %dma_start3A_807 = arith.constant 3 : i32
    %dma_start3A_808 = arith.constant 0 : i32
    %dma_start3A_809 = tpu.memref_slice %arg17[%dma_start3A_807, %dma_start3A_808] : memref<256x64xf32, #tpu.memory_space<vmem>> -> memref<1x64xf32, #tpu.memory_space<vmem>>
    %dma_start3A_810 = arith.constant 0 : i32
    %dma_start3A_811 = tpu.memref_slice %arg8[%squeeze3A_801, %dma_start3A_810] : memref<100000x64xf32, #tpu.memory_space<hbm>> -> memref<1x64xf32, #tpu.memory_space<hbm>>
    tpu.enqueue_dma source(%dma_start3A_811 : memref<1x64xf32, #tpu.memory_space<hbm>>) target(%dma_start3A_809 : memref<1x64xf32, #tpu.memory_space<vmem>>) target_semaphore(%arg22 : memref<!tpu.dma_semaphore, #tpu.memory_space<semaphore_mem>>)
    %slice3A_812 = vector.extract_strided_slice %get3A_679 {offsets = [3], sizes = [1], strides = [1]} : vector<16xi32> to vector<1xi32>
    %squeeze3A_813 = vector.extract %slice3A_812[0] : i32 from vector<1xi32>
    %dma_start3A_814 = arith.constant 3 : i32
    %dma_start3A_815 = arith.constant 0 : i32
    %dma_start3A_816 = tpu.memref_slice %arg18[%dma_start3A_814, %dma_start3A_815] : memref<256x64xf32, #tpu.memory_space<vmem>> -> memref<1x64xf32, #tpu.memory_space<vmem>>
    %dma_start3A_817 = arith.constant 0 : i32
    %dma_start3A_818 = tpu.memref_slice %arg8[%squeeze3A_813, %dma_start3A_817] : memref<100000x64xf32, #tpu.memory_space<hbm>> -> memref<1x64xf32, #tpu.memory_space<hbm>>
    %dma_start3A_819 = arith.constant 3 : i32
    %dma_start3A_820 = arith.constant 0 : i32
    %dma_start3A_821 = tpu.memref_slice %arg18[%dma_start3A_819, %dma_start3A_820] : memref<256x64xf32, #tpu.memory_space<vmem>> -> memref<1x64xf32, #tpu.memory_space<vmem>>
    %dma_start3A_822 = arith.constant 0 : i32
    %dma_start3A_823 = tpu.memref_slice %arg8[%squeeze3A_813, %dma_start3A_822] : memref<100000x64xf32, #tpu.memory_space<hbm>> -> memref<1x64xf32, #tpu.memory_space<hbm>>
    tpu.enqueue_dma source(%dma_start3A_823 : memref<1x64xf32, #tpu.memory_space<hbm>>) target(%dma_start3A_821 : memref<1x64xf32, #tpu.memory_space<vmem>>) target_semaphore(%arg22 : memref<!tpu.dma_semaphore, #tpu.memory_space<semaphore_mem>>)
    %slice3A_824 = vector.extract_strided_slice %get3A_675 {offsets = [4], sizes = [1], strides = [1]} : vector<16xi32> to vector<1xi32>
    %squeeze3A_825 = vector.extract %slice3A_824[0] : i32 from vector<1xi32>
    %dma_start3A_826 = arith.constant 4 : i32
    %dma_start3A_827 = arith.constant 0 : i32
    %dma_start3A_828 = tpu.memref_slice %arg16[%dma_start3A_826, %dma_start3A_827] : memref<256x64xf32, #tpu.memory_space<vmem>> -> memref<1x64xf32, #tpu.memory_space<vmem>>
    %dma_start3A_829 = arith.constant 0 : i32
    %dma_start3A_830 = tpu.memref_slice %arg7[%squeeze3A_825, %dma_start3A_829] : memref<100000x64xf32, #tpu.memory_space<hbm>> -> memref<1x64xf32, #tpu.memory_space<hbm>>
    %dma_start3A_831 = arith.constant 4 : i32
    %dma_start3A_832 = arith.constant 0 : i32
    %dma_start3A_833 = tpu.memref_slice %arg16[%dma_start3A_831, %dma_start3A_832] : memref<256x64xf32, #tpu.memory_space<vmem>> -> memref<1x64xf32, #tpu.memory_space<vmem>>
    %dma_start3A_834 = arith.constant 0 : i32
    %dma_start3A_835 = tpu.memref_slice %arg7[%squeeze3A_825, %dma_start3A_834] : memref<100000x64xf32, #tpu.memory_space<hbm>> -> memref<1x64xf32, #tpu.memory_space<hbm>>
    tpu.enqueue_dma source(%dma_start3A_835 : memref<1x64xf32, #tpu.memory_space<hbm>>) target(%dma_start3A_833 : memref<1x64xf32, #tpu.memory_space<vmem>>) target_semaphore(%arg22 : memref<!tpu.dma_semaphore, #tpu.memory_space<semaphore_mem>>)
    %slice3A_836 = vector.extract_strided_slice %get3A_677 {offsets = [4], sizes = [1], strides = [1]} : vector<16xi32> to vector<1xi32>
    %squeeze3A_837 = vector.extract %slice3A_836[0] : i32 from vector<1xi32>
    %dma_start3A_838 = arith.constant 4 : i32
    %dma_start3A_839 = arith.constant 0 : i32
    %dma_start3A_840 = tpu.memref_slice %arg17[%dma_start3A_838, %dma_start3A_839] : memref<256x64xf32, #tpu.memory_space<vmem>> -> memref<1x64xf32, #tpu.memory_space<vmem>>
    %dma_start3A_841 = arith.constant 0 : i32
    %dma_start3A_842 = tpu.memref_slice %arg8[%squeeze3A_837, %dma_start3A_841] : memref<100000x64xf32, #tpu.memory_space<hbm>> -> memref<1x64xf32, #tpu.memory_space<hbm>>
    %dma_start3A_843 = arith.constant 4 : i32
    %dma_start3A_844 = arith.constant 0 : i32
    %dma_start3A_845 = tpu.memref_slice %arg17[%dma_start3A_843, %dma_start3A_844] : memref<256x64xf32, #tpu.memory_space<vmem>> -> memref<1x64xf32, #tpu.memory_space<vmem>>
    %dma_start3A_846 = arith.constant 0 : i32
    %dma_start3A_847 = tpu.memref_slice %arg8[%squeeze3A_837, %dma_start3A_846] : memref<100000x64xf32, #tpu.memory_space<hbm>> -> memref<1x64xf32, #tpu.memory_space<hbm>>
    tpu.enqueue_dma source(%dma_start3A_847 : memref<1x64xf32, #tpu.memory_space<hbm>>) target(%dma_start3A_845 : memref<1x64xf32, #tpu.memory_space<vmem>>) target_semaphore(%arg22 : memref<!tpu.dma_semaphore, #tpu.memory_space<semaphore_mem>>)
    %slice3A_848 = vector.extract_strided_slice %get3A_679 {offsets = [4], sizes = [1], strides = [1]} : vector<16xi32> to vector<1xi32>
    %squeeze3A_849 = vector.extract %slice3A_848[0] : i32 from vector<1xi32>
    %dma_start3A_850 = arith.constant 4 : i32
    %dma_start3A_851 = arith.constant 0 : i32
    %dma_start3A_852 = tpu.memref_slice %arg18[%dma_start3A_850, %dma_start3A_851] : memref<256x64xf32, #tpu.memory_space<vmem>> -> memref<1x64xf32, #tpu.memory_space<vmem>>
    %dma_start3A_853 = arith.constant 0 : i32
    %dma_start3A_854 = tpu.memref_slice %arg8[%squeeze3A_849, %dma_start3A_853] : memref<100000x64xf32, #tpu.memory_space<hbm>> -> memref<1x64xf32, #tpu.memory_space<hbm>>
    %dma_start3A_855 = arith.constant 4 : i32
    %dma_start3A_856 = arith.constant 0 : i32
    %dma_start3A_857 = tpu.memref_slice %arg18[%dma_start3A_855, %dma_start3A_856] : memref<256x64xf32, #tpu.memory_space<vmem>> -> memref<1x64xf32, #tpu.memory_space<vmem>>
    %dma_start3A_858 = arith.constant 0 : i32
    %dma_start3A_859 = tpu.memref_slice %arg8[%squeeze3A_849, %dma_start3A_858] : memref<100000x64xf32, #tpu.memory_space<hbm>> -> memref<1x64xf32, #tpu.memory_space<hbm>>
    tpu.enqueue_dma source(%dma_start3A_859 : memref<1x64xf32, #tpu.memory_space<hbm>>) target(%dma_start3A_857 : memref<1x64xf32, #tpu.memory_space<vmem>>) target_semaphore(%arg22 : memref<!tpu.dma_semaphore, #tpu.memory_space<semaphore_mem>>)
    %slice3A_860 = vector.extract_strided_slice %get3A_675 {offsets = [5], sizes = [1], strides = [1]} : vector<16xi32> to vector<1xi32>
    %squeeze3A_861 = vector.extract %slice3A_860[0] : i32 from vector<1xi32>
    %dma_start3A_862 = arith.constant 5 : i32
    %dma_start3A_863 = arith.constant 0 : i32
    %dma_start3A_864 = tpu.memref_slice %arg16[%dma_start3A_862, %dma_start3A_863] : memref<256x64xf32, #tpu.memory_space<vmem>> -> memref<1x64xf32, #tpu.memory_space<vmem>>
    %dma_start3A_865 = arith.constant 0 : i32
    %dma_start3A_866 = tpu.memref_slice %arg7[%squeeze3A_861, %dma_start3A_865] : memref<100000x64xf32, #tpu.memory_space<hbm>> -> memref<1x64xf32, #tpu.memory_space<hbm>>
    %dma_start3A_867 = arith.constant 5 : i32
    %dma_start3A_868 = arith.constant 0 : i32
    %dma_start3A_869 = tpu.memref_slice %arg16[%dma_start3A_867, %dma_start3A_868] : memref<256x64xf32, #tpu.memory_space<vmem>> -> memref<1x64xf32, #tpu.memory_space<vmem>>
    %dma_start3A_870 = arith.constant 0 : i32
    %dma_start3A_871 = tpu.memref_slice %arg7[%squeeze3A_861, %dma_start3A_870] : memref<100000x64xf32, #tpu.memory_space<hbm>> -> memref<1x64xf32, #tpu.memory_space<hbm>>
    tpu.enqueue_dma source(%dma_start3A_871 : memref<1x64xf32, #tpu.memory_space<hbm>>) target(%dma_start3A_869 : memref<1x64xf32, #tpu.memory_space<vmem>>) target_semaphore(%arg22 : memref<!tpu.dma_semaphore, #tpu.memory_space<semaphore_mem>>)
    %slice3A_872 = vector.extract_strided_slice %get3A_677 {offsets = [5], sizes = [1], strides = [1]} : vector<16xi32> to vector<1xi32>
    %squeeze3A_873 = vector.extract %slice3A_872[0] : i32 from vector<1xi32>
    %dma_start3A_874 = arith.constant 5 : i32
    %dma_start3A_875 = arith.constant 0 : i32
    %dma_start3A_876 = tpu.memref_slice %arg17[%dma_start3A_874, %dma_start3A_875] : memref<256x64xf32, #tpu.memory_space<vmem>> -> memref<1x64xf32, #tpu.memory_space<vmem>>
    %dma_start3A_877 = arith.constant 0 : i32
    %dma_start3A_878 = tpu.memref_slice %arg8[%squeeze3A_873, %dma_start3A_877] : memref<100000x64xf32, #tpu.memory_space<hbm>> -> memref<1x64xf32, #tpu.memory_space<hbm>>
    %dma_start3A_879 = arith.constant 5 : i32
    %dma_start3A_880 = arith.constant 0 : i32
    %dma_start3A_881 = tpu.memref_slice %arg17[%dma_start3A_879, %dma_start3A_880] : memref<256x64xf32, #tpu.memory_space<vmem>> -> memref<1x64xf32, #tpu.memory_space<vmem>>
    %dma_start3A_882 = arith.constant 0 : i32
    %dma_start3A_883 = tpu.memref_slice %arg8[%squeeze3A_873, %dma_start3A_882] : memref<100000x64xf32, #tpu.memory_space<hbm>> -> memref<1x64xf32, #tpu.memory_space<hbm>>
    tpu.enqueue_dma source(%dma_start3A_883 : memref<1x64xf32, #tpu.memory_space<hbm>>) target(%dma_start3A_881 : memref<1x64xf32, #tpu.memory_space<vmem>>) target_semaphore(%arg22 : memref<!tpu.dma_semaphore, #tpu.memory_space<semaphore_mem>>)
    %slice3A_884 = vector.extract_strided_slice %get3A_679 {offsets = [5], sizes = [1], strides = [1]} : vector<16xi32> to vector<1xi32>
    %squeeze3A_885 = vector.extract %slice3A_884[0] : i32 from vector<1xi32>
    %dma_start3A_886 = arith.constant 5 : i32
    %dma_start3A_887 = arith.constant 0 : i32
    %dma_start3A_888 = tpu.memref_slice %arg18[%dma_start3A_886, %dma_start3A_887] : memref<256x64xf32, #tpu.memory_space<vmem>> -> memref<1x64xf32, #tpu.memory_space<vmem>>
    %dma_start3A_889 = arith.constant 0 : i32
    %dma_start3A_890 = tpu.memref_slice %arg8[%squeeze3A_885, %dma_start3A_889] : memref<100000x64xf32, #tpu.memory_space<hbm>> -> memref<1x64xf32, #tpu.memory_space<hbm>>
    %dma_start3A_891 = arith.constant 5 : i32
    %dma_start3A_892 = arith.constant 0 : i32
    %dma_start3A_893 = tpu.memref_slice %arg18[%dma_start3A_891, %dma_start3A_892] : memref<256x64xf32, #tpu.memory_space<vmem>> -> memref<1x64xf32, #tpu.memory_space<vmem>>
    %dma_start3A_894 = arith.constant 0 : i32
    %dma_start3A_895 = tpu.memref_slice %arg8[%squeeze3A_885, %dma_start3A_894] : memref<100000x64xf32, #tpu.memory_space<hbm>> -> memref<1x64xf32, #tpu.memory_space<hbm>>
    tpu.enqueue_dma source(%dma_start3A_895 : memref<1x64xf32, #tpu.memory_space<hbm>>) target(%dma_start3A_893 : memref<1x64xf32, #tpu.memory_space<vmem>>) target_semaphore(%arg22 : memref<!tpu.dma_semaphore, #tpu.memory_space<semaphore_mem>>)
    %slice3A_896 = vector.extract_strided_slice %get3A_675 {offsets = [6], sizes = [1], strides = [1]} : vector<16xi32> to vector<1xi32>
    %squeeze3A_897 = vector.extract %slice3A_896[0] : i32 from vector<1xi32>
    %dma_start3A_898 = arith.constant 6 : i32
    %dma_start3A_899 = arith.constant 0 : i32
    %dma_start3A_900 = tpu.memref_slice %arg16[%dma_start3A_898, %dma_start3A_899] : memref<256x64xf32, #tpu.memory_space<vmem>> -> memref<1x64xf32, #tpu.memory_space<vmem>>
    %dma_start3A_901 = arith.constant 0 : i32
    %dma_start3A_902 = tpu.memref_slice %arg7[%squeeze3A_897, %dma_start3A_901] : memref<100000x64xf32, #tpu.memory_space<hbm>> -> memref<1x64xf32, #tpu.memory_space<hbm>>
    %dma_start3A_903 = arith.constant 6 : i32
    %dma_start3A_904 = arith.constant 0 : i32
    %dma_start3A_905 = tpu.memref_slice %arg16[%dma_start3A_903, %dma_start3A_904] : memref<256x64xf32, #tpu.memory_space<vmem>> -> memref<1x64xf32, #tpu.memory_space<vmem>>
    %dma_start3A_906 = arith.constant 0 : i32
    %dma_start3A_907 = tpu.memref_slice %arg7[%squeeze3A_897, %dma_start3A_906] : memref<100000x64xf32, #tpu.memory_space<hbm>> -> memref<1x64xf32, #tpu.memory_space<hbm>>
    tpu.enqueue_dma source(%dma_start3A_907 : memref<1x64xf32, #tpu.memory_space<hbm>>) target(%dma_start3A_905 : memref<1x64xf32, #tpu.memory_space<vmem>>) target_semaphore(%arg22 : memref<!tpu.dma_semaphore, #tpu.memory_space<semaphore_mem>>)
    %slice3A_908 = vector.extract_strided_slice %get3A_677 {offsets = [6], sizes = [1], strides = [1]} : vector<16xi32> to vector<1xi32>
    %squeeze3A_909 = vector.extract %slice3A_908[0] : i32 from vector<1xi32>
    %dma_start3A_910 = arith.constant 6 : i32
    %dma_start3A_911 = arith.constant 0 : i32
    %dma_start3A_912 = tpu.memref_slice %arg17[%dma_start3A_910, %dma_start3A_911] : memref<256x64xf32, #tpu.memory_space<vmem>> -> memref<1x64xf32, #tpu.memory_space<vmem>>
    %dma_start3A_913 = arith.constant 0 : i32
    %dma_start3A_914 = tpu.memref_slice %arg8[%squeeze3A_909, %dma_start3A_913] : memref<100000x64xf32, #tpu.memory_space<hbm>> -> memref<1x64xf32, #tpu.memory_space<hbm>>
    %dma_start3A_915 = arith.constant 6 : i32
    %dma_start3A_916 = arith.constant 0 : i32
    %dma_start3A_917 = tpu.memref_slice %arg17[%dma_start3A_915, %dma_start3A_916] : memref<256x64xf32, #tpu.memory_space<vmem>> -> memref<1x64xf32, #tpu.memory_space<vmem>>
    %dma_start3A_918 = arith.constant 0 : i32
    %dma_start3A_919 = tpu.memref_slice %arg8[%squeeze3A_909, %dma_start3A_918] : memref<100000x64xf32, #tpu.memory_space<hbm>> -> memref<1x64xf32, #tpu.memory_space<hbm>>
    tpu.enqueue_dma source(%dma_start3A_919 : memref<1x64xf32, #tpu.memory_space<hbm>>) target(%dma_start3A_917 : memref<1x64xf32, #tpu.memory_space<vmem>>) target_semaphore(%arg22 : memref<!tpu.dma_semaphore, #tpu.memory_space<semaphore_mem>>)
    %slice3A_920 = vector.extract_strided_slice %get3A_679 {offsets = [6], sizes = [1], strides = [1]} : vector<16xi32> to vector<1xi32>
    %squeeze3A_921 = vector.extract %slice3A_920[0] : i32 from vector<1xi32>
    %dma_start3A_922 = arith.constant 6 : i32
    %dma_start3A_923 = arith.constant 0 : i32
    %dma_start3A_924 = tpu.memref_slice %arg18[%dma_start3A_922, %dma_start3A_923] : memref<256x64xf32, #tpu.memory_space<vmem>> -> memref<1x64xf32, #tpu.memory_space<vmem>>
    %dma_start3A_925 = arith.constant 0 : i32
    %dma_start3A_926 = tpu.memref_slice %arg8[%squeeze3A_921, %dma_start3A_925] : memref<100000x64xf32, #tpu.memory_space<hbm>> -> memref<1x64xf32, #tpu.memory_space<hbm>>
    %dma_start3A_927 = arith.constant 6 : i32
    %dma_start3A_928 = arith.constant 0 : i32
    %dma_start3A_929 = tpu.memref_slice %arg18[%dma_start3A_927, %dma_start3A_928] : memref<256x64xf32, #tpu.memory_space<vmem>> -> memref<1x64xf32, #tpu.memory_space<vmem>>
    %dma_start3A_930 = arith.constant 0 : i32
    %dma_start3A_931 = tpu.memref_slice %arg8[%squeeze3A_921, %dma_start3A_930] : memref<100000x64xf32, #tpu.memory_space<hbm>> -> memref<1x64xf32, #tpu.memory_space<hbm>>
    tpu.enqueue_dma source(%dma_start3A_931 : memref<1x64xf32, #tpu.memory_space<hbm>>) target(%dma_start3A_929 : memref<1x64xf32, #tpu.memory_space<vmem>>) target_semaphore(%arg22 : memref<!tpu.dma_semaphore, #tpu.memory_space<semaphore_mem>>)
    %slice3A_932 = vector.extract_strided_slice %get3A_675 {offsets = [7], sizes = [1], strides = [1]} : vector<16xi32> to vector<1xi32>
    %squeeze3A_933 = vector.extract %slice3A_932[0] : i32 from vector<1xi32>
    %dma_start3A_934 = arith.constant 7 : i32
    %dma_start3A_935 = arith.constant 0 : i32
    %dma_start3A_936 = tpu.memref_slice %arg16[%dma_start3A_934, %dma_start3A_935] : memref<256x64xf32, #tpu.memory_space<vmem>> -> memref<1x64xf32, #tpu.memory_space<vmem>>
    %dma_start3A_937 = arith.constant 0 : i32
    %dma_start3A_938 = tpu.memref_slice %arg7[%squeeze3A_933, %dma_start3A_937] : memref<100000x64xf32, #tpu.memory_space<hbm>> -> memref<1x64xf32, #tpu.memory_space<hbm>>
    %dma_start3A_939 = arith.constant 7 : i32
    %dma_start3A_940 = arith.constant 0 : i32
    %dma_start3A_941 = tpu.memref_slice %arg16[%dma_start3A_939, %dma_start3A_940] : memref<256x64xf32, #tpu.memory_space<vmem>> -> memref<1x64xf32, #tpu.memory_space<vmem>>
    %dma_start3A_942 = arith.constant 0 : i32
    %dma_start3A_943 = tpu.memref_slice %arg7[%squeeze3A_933, %dma_start3A_942] : memref<100000x64xf32, #tpu.memory_space<hbm>> -> memref<1x64xf32, #tpu.memory_space<hbm>>
    tpu.enqueue_dma source(%dma_start3A_943 : memref<1x64xf32, #tpu.memory_space<hbm>>) target(%dma_start3A_941 : memref<1x64xf32, #tpu.memory_space<vmem>>) target_semaphore(%arg22 : memref<!tpu.dma_semaphore, #tpu.memory_space<semaphore_mem>>)
    %slice3A_944 = vector.extract_strided_slice %get3A_677 {offsets = [7], sizes = [1], strides = [1]} : vector<16xi32> to vector<1xi32>
    %squeeze3A_945 = vector.extract %slice3A_944[0] : i32 from vector<1xi32>
    %dma_start3A_946 = arith.constant 7 : i32
    %dma_start3A_947 = arith.constant 0 : i32
    %dma_start3A_948 = tpu.memref_slice %arg17[%dma_start3A_946, %dma_start3A_947] : memref<256x64xf32, #tpu.memory_space<vmem>> -> memref<1x64xf32, #tpu.memory_space<vmem>>
    %dma_start3A_949 = arith.constant 0 : i32
    %dma_start3A_950 = tpu.memref_slice %arg8[%squeeze3A_945, %dma_start3A_949] : memref<100000x64xf32, #tpu.memory_space<hbm>> -> memref<1x64xf32, #tpu.memory_space<hbm>>
    %dma_start3A_951 = arith.constant 7 : i32
    %dma_start3A_952 = arith.constant 0 : i32
    %dma_start3A_953 = tpu.memref_slice %arg17[%dma_start3A_951, %dma_start3A_952] : memref<256x64xf32, #tpu.memory_space<vmem>> -> memref<1x64xf32, #tpu.memory_space<vmem>>
    %dma_start3A_954 = arith.constant 0 : i32
    %dma_start3A_955 = tpu.memref_slice %arg8[%squeeze3A_945, %dma_start3A_954] : memref<100000x64xf32, #tpu.memory_space<hbm>> -> memref<1x64xf32, #tpu.memory_space<hbm>>
    tpu.enqueue_dma source(%dma_start3A_955 : memref<1x64xf32, #tpu.memory_space<hbm>>) target(%dma_start3A_953 : memref<1x64xf32, #tpu.memory_space<vmem>>) target_semaphore(%arg22 : memref<!tpu.dma_semaphore, #tpu.memory_space<semaphore_mem>>)
    %slice3A_956 = vector.extract_strided_slice %get3A_679 {offsets = [7], sizes = [1], strides = [1]} : vector<16xi32> to vector<1xi32>
    %squeeze3A_957 = vector.extract %slice3A_956[0] : i32 from vector<1xi32>
    %dma_start3A_958 = arith.constant 7 : i32
    %dma_start3A_959 = arith.constant 0 : i32
    %dma_start3A_960 = tpu.memref_slice %arg18[%dma_start3A_958, %dma_start3A_959] : memref<256x64xf32, #tpu.memory_space<vmem>> -> memref<1x64xf32, #tpu.memory_space<vmem>>
    %dma_start3A_961 = arith.constant 0 : i32
    %dma_start3A_962 = tpu.memref_slice %arg8[%squeeze3A_957, %dma_start3A_961] : memref<100000x64xf32, #tpu.memory_space<hbm>> -> memref<1x64xf32, #tpu.memory_space<hbm>>
    %dma_start3A_963 = arith.constant 7 : i32
    %dma_start3A_964 = arith.constant 0 : i32
    %dma_start3A_965 = tpu.memref_slice %arg18[%dma_start3A_963, %dma_start3A_964] : memref<256x64xf32, #tpu.memory_space<vmem>> -> memref<1x64xf32, #tpu.memory_space<vmem>>
    %dma_start3A_966 = arith.constant 0 : i32
    %dma_start3A_967 = tpu.memref_slice %arg8[%squeeze3A_957, %dma_start3A_966] : memref<100000x64xf32, #tpu.memory_space<hbm>> -> memref<1x64xf32, #tpu.memory_space<hbm>>
    tpu.enqueue_dma source(%dma_start3A_967 : memref<1x64xf32, #tpu.memory_space<hbm>>) target(%dma_start3A_965 : memref<1x64xf32, #tpu.memory_space<vmem>>) target_semaphore(%arg22 : memref<!tpu.dma_semaphore, #tpu.memory_space<semaphore_mem>>)
    %slice3A_968 = vector.extract_strided_slice %get3A_675 {offsets = [8], sizes = [1], strides = [1]} : vector<16xi32> to vector<1xi32>
    %squeeze3A_969 = vector.extract %slice3A_968[0] : i32 from vector<1xi32>
    %dma_start3A_970 = arith.constant 8 : i32
    %dma_start3A_971 = arith.constant 0 : i32
    %dma_start3A_972 = tpu.memref_slice %arg16[%dma_start3A_970, %dma_start3A_971] : memref<256x64xf32, #tpu.memory_space<vmem>> -> memref<1x64xf32, #tpu.memory_space<vmem>>
    %dma_start3A_973 = arith.constant 0 : i32
    %dma_start3A_974 = tpu.memref_slice %arg7[%squeeze3A_969, %dma_start3A_973] : memref<100000x64xf32, #tpu.memory_space<hbm>> -> memref<1x64xf32, #tpu.memory_space<hbm>>
    %dma_start3A_975 = arith.constant 8 : i32
    %dma_start3A_976 = arith.constant 0 : i32
    %dma_start3A_977 = tpu.memref_slice %arg16[%dma_start3A_975, %dma_start3A_976] : memref<256x64xf32, #tpu.memory_space<vmem>> -> memref<1x64xf32, #tpu.memory_space<vmem>>
    %dma_start3A_978 = arith.constant 0 : i32
    %dma_start3A_979 = tpu.memref_slice %arg7[%squeeze3A_969, %dma_start3A_978] : memref<100000x64xf32, #tpu.memory_space<hbm>> -> memref<1x64xf32, #tpu.memory_space<hbm>>
    tpu.enqueue_dma source(%dma_start3A_979 : memref<1x64xf32, #tpu.memory_space<hbm>>) target(%dma_start3A_977 : memref<1x64xf32, #tpu.memory_space<vmem>>) target_semaphore(%arg22 : memref<!tpu.dma_semaphore, #tpu.memory_space<semaphore_mem>>)
    %slice3A_980 = vector.extract_strided_slice %get3A_677 {offsets = [8], sizes = [1], strides = [1]} : vector<16xi32> to vector<1xi32>
    %squeeze3A_981 = vector.extract %slice3A_980[0] : i32 from vector<1xi32>
    %dma_start3A_982 = arith.constant 8 : i32
    %dma_start3A_983 = arith.constant 0 : i32
    %dma_start3A_984 = tpu.memref_slice %arg17[%dma_start3A_982, %dma_start3A_983] : memref<256x64xf32, #tpu.memory_space<vmem>> -> memref<1x64xf32, #tpu.memory_space<vmem>>
    %dma_start3A_985 = arith.constant 0 : i32
    %dma_start3A_986 = tpu.memref_slice %arg8[%squeeze3A_981, %dma_start3A_985] : memref<100000x64xf32, #tpu.memory_space<hbm>> -> memref<1x64xf32, #tpu.memory_space<hbm>>
    %dma_start3A_987 = arith.constant 8 : i32
    %dma_start3A_988 = arith.constant 0 : i32
    %dma_start3A_989 = tpu.memref_slice %arg17[%dma_start3A_987, %dma_start3A_988] : memref<256x64xf32, #tpu.memory_space<vmem>> -> memref<1x64xf32, #tpu.memory_space<vmem>>
    %dma_start3A_990 = arith.constant 0 : i32
    %dma_start3A_991 = tpu.memref_slice %arg8[%squeeze3A_981, %dma_start3A_990] : memref<100000x64xf32, #tpu.memory_space<hbm>> -> memref<1x64xf32, #tpu.memory_space<hbm>>
    tpu.enqueue_dma source(%dma_start3A_991 : memref<1x64xf32, #tpu.memory_space<hbm>>) target(%dma_start3A_989 : memref<1x64xf32, #tpu.memory_space<vmem>>) target_semaphore(%arg22 : memref<!tpu.dma_semaphore, #tpu.memory_space<semaphore_mem>>)
    %slice3A_992 = vector.extract_strided_slice %get3A_679 {offsets = [8], sizes = [1], strides = [1]} : vector<16xi32> to vector<1xi32>
    %squeeze3A_993 = vector.extract %slice3A_992[0] : i32 from vector<1xi32>
    %dma_start3A_994 = arith.constant 8 : i32
    %dma_start3A_995 = arith.constant 0 : i32
    %dma_start3A_996 = tpu.memref_slice %arg18[%dma_start3A_994, %dma_start3A_995] : memref<256x64xf32, #tpu.memory_space<vmem>> -> memref<1x64xf32, #tpu.memory_space<vmem>>
    %dma_start3A_997 = arith.constant 0 : i32
    %dma_start3A_998 = tpu.memref_slice %arg8[%squeeze3A_993, %dma_start3A_997] : memref<100000x64xf32, #tpu.memory_space<hbm>> -> memref<1x64xf32, #tpu.memory_space<hbm>>
    %dma_start3A_999 = arith.constant 8 : i32
    %dma_start3A_1000 = arith.constant 0 : i32
    %dma_start3A_1001 = tpu.memref_slice %arg18[%dma_start3A_999, %dma_start3A_1000] : memref<256x64xf32, #tpu.memory_space<vmem>> -> memref<1x64xf32, #tpu.memory_space<vmem>>
    %dma_start3A_1002 = arith.constant 0 : i32
    %dma_start3A_1003 = tpu.memref_slice %arg8[%squeeze3A_993, %dma_start3A_1002] : memref<100000x64xf32, #tpu.memory_space<hbm>> -> memref<1x64xf32, #tpu.memory_space<hbm>>
    tpu.enqueue_dma source(%dma_start3A_1003 : memref<1x64xf32, #tpu.memory_space<hbm>>) target(%dma_start3A_1001 : memref<1x64xf32, #tpu.memory_space<vmem>>) target_semaphore(%arg22 : memref<!tpu.dma_semaphore, #tpu.memory_space<semaphore_mem>>)
    %slice3A_1004 = vector.extract_strided_slice %get3A_675 {offsets = [9], sizes = [1], strides = [1]} : vector<16xi32> to vector<1xi32>
    %squeeze3A_1005 = vector.extract %slice3A_1004[0] : i32 from vector<1xi32>
    %dma_start3A_1006 = arith.constant 9 : i32
    %dma_start3A_1007 = arith.constant 0 : i32
    %dma_start3A_1008 = tpu.memref_slice %arg16[%dma_start3A_1006, %dma_start3A_1007] : memref<256x64xf32, #tpu.memory_space<vmem>> -> memref<1x64xf32, #tpu.memory_space<vmem>>
    %dma_start3A_1009 = arith.constant 0 : i32
    %dma_start3A_1010 = tpu.memref_slice %arg7[%squeeze3A_1005, %dma_start3A_1009] : memref<100000x64xf32, #tpu.memory_space<hbm>> -> memref<1x64xf32, #tpu.memory_space<hbm>>
    %dma_start3A_1011 = arith.constant 9 : i32
    %dma_start3A_1012 = arith.constant 0 : i32
    %dma_start3A_1013 = tpu.memref_slice %arg16[%dma_start3A_1011, %dma_start3A_1012] : memref<256x64xf32, #tpu.memory_space<vmem>> -> memref<1x64xf32, #tpu.memory_space<vmem>>
    %dma_start3A_1014 = arith.constant 0 : i32
    %dma_start3A_1015 = tpu.memref_slice %arg7[%squeeze3A_1005, %dma_start3A_1014] : memref<100000x64xf32, #tpu.memory_space<hbm>> -> memref<1x64xf32, #tpu.memory_space<hbm>>
    tpu.enqueue_dma source(%dma_start3A_1015 : memref<1x64xf32, #tpu.memory_space<hbm>>) target(%dma_start3A_1013 : memref<1x64xf32, #tpu.memory_space<vmem>>) target_semaphore(%arg22 : memref<!tpu.dma_semaphore, #tpu.memory_space<semaphore_mem>>)
    %slice3A_1016 = vector.extract_strided_slice %get3A_677 {offsets = [9], sizes = [1], strides = [1]} : vector<16xi32> to vector<1xi32>
    %squeeze3A_1017 = vector.extract %slice3A_1016[0] : i32 from vector<1xi32>
    %dma_start3A_1018 = arith.constant 9 : i32
    %dma_start3A_1019 = arith.constant 0 : i32
    %dma_start3A_1020 = tpu.memref_slice %arg17[%dma_start3A_1018, %dma_start3A_1019] : memref<256x64xf32, #tpu.memory_space<vmem>> -> memref<1x64xf32, #tpu.memory_space<vmem>>
    %dma_start3A_1021 = arith.constant 0 : i32
    %dma_start3A_1022 = tpu.memref_slice %arg8[%squeeze3A_1017, %dma_start3A_1021] : memref<100000x64xf32, #tpu.memory_space<hbm>> -> memref<1x64xf32, #tpu.memory_space<hbm>>
    %dma_start3A_1023 = arith.constant 9 : i32
    %dma_start3A_1024 = arith.constant 0 : i32
    %dma_start3A_1025 = tpu.memref_slice %arg17[%dma_start3A_1023, %dma_start3A_1024] : memref<256x64xf32, #tpu.memory_space<vmem>> -> memref<1x64xf32, #tpu.memory_space<vmem>>
    %dma_start3A_1026 = arith.constant 0 : i32
    %dma_start3A_1027 = tpu.memref_slice %arg8[%squeeze3A_1017, %dma_start3A_1026] : memref<100000x64xf32, #tpu.memory_space<hbm>> -> memref<1x64xf32, #tpu.memory_space<hbm>>
    tpu.enqueue_dma source(%dma_start3A_1027 : memref<1x64xf32, #tpu.memory_space<hbm>>) target(%dma_start3A_1025 : memref<1x64xf32, #tpu.memory_space<vmem>>) target_semaphore(%arg22 : memref<!tpu.dma_semaphore, #tpu.memory_space<semaphore_mem>>)
    %slice3A_1028 = vector.extract_strided_slice %get3A_679 {offsets = [9], sizes = [1], strides = [1]} : vector<16xi32> to vector<1xi32>
    %squeeze3A_1029 = vector.extract %slice3A_1028[0] : i32 from vector<1xi32>
    %dma_start3A_1030 = arith.constant 9 : i32
    %dma_start3A_1031 = arith.constant 0 : i32
    %dma_start3A_1032 = tpu.memref_slice %arg18[%dma_start3A_1030, %dma_start3A_1031] : memref<256x64xf32, #tpu.memory_space<vmem>> -> memref<1x64xf32, #tpu.memory_space<vmem>>
    %dma_start3A_1033 = arith.constant 0 : i32
    %dma_start3A_1034 = tpu.memref_slice %arg8[%squeeze3A_1029, %dma_start3A_1033] : memref<100000x64xf32, #tpu.memory_space<hbm>> -> memref<1x64xf32, #tpu.memory_space<hbm>>
    %dma_start3A_1035 = arith.constant 9 : i32
    %dma_start3A_1036 = arith.constant 0 : i32
    %dma_start3A_1037 = tpu.memref_slice %arg18[%dma_start3A_1035, %dma_start3A_1036] : memref<256x64xf32, #tpu.memory_space<vmem>> -> memref<1x64xf32, #tpu.memory_space<vmem>>
    %dma_start3A_1038 = arith.constant 0 : i32
    %dma_start3A_1039 = tpu.memref_slice %arg8[%squeeze3A_1029, %dma_start3A_1038] : memref<100000x64xf32, #tpu.memory_space<hbm>> -> memref<1x64xf32, #tpu.memory_space<hbm>>
    tpu.enqueue_dma source(%dma_start3A_1039 : memref<1x64xf32, #tpu.memory_space<hbm>>) target(%dma_start3A_1037 : memref<1x64xf32, #tpu.memory_space<vmem>>) target_semaphore(%arg22 : memref<!tpu.dma_semaphore, #tpu.memory_space<semaphore_mem>>)
    %slice3A_1040 = vector.extract_strided_slice %get3A_675 {offsets = [10], sizes = [1], strides = [1]} : vector<16xi32> to vector<1xi32>
    %squeeze3A_1041 = vector.extract %slice3A_1040[0] : i32 from vector<1xi32>
    %dma_start3A_1042 = arith.constant 10 : i32
    %dma_start3A_1043 = arith.constant 0 : i32
    %dma_start3A_1044 = tpu.memref_slice %arg16[%dma_start3A_1042, %dma_start3A_1043] : memref<256x64xf32, #tpu.memory_space<vmem>> -> memref<1x64xf32, #tpu.memory_space<vmem>>
    %dma_start3A_1045 = arith.constant 0 : i32
    %dma_start3A_1046 = tpu.memref_slice %arg7[%squeeze3A_1041, %dma_start3A_1045] : memref<100000x64xf32, #tpu.memory_space<hbm>> -> memref<1x64xf32, #tpu.memory_space<hbm>>
    %dma_start3A_1047 = arith.constant 10 : i32
    %dma_start3A_1048 = arith.constant 0 : i32
    %dma_start3A_1049 = tpu.memref_slice %arg16[%dma_start3A_1047, %dma_start3A_1048] : memref<256x64xf32, #tpu.memory_space<vmem>> -> memref<1x64xf32, #tpu.memory_space<vmem>>
    %dma_start3A_1050 = arith.constant 0 : i32
    %dma_start3A_1051 = tpu.memref_slice %arg7[%squeeze3A_1041, %dma_start3A_1050] : memref<100000x64xf32, #tpu.memory_space<hbm>> -> memref<1x64xf32, #tpu.memory_space<hbm>>
    tpu.enqueue_dma source(%dma_start3A_1051 : memref<1x64xf32, #tpu.memory_space<hbm>>) target(%dma_start3A_1049 : memref<1x64xf32, #tpu.memory_space<vmem>>) target_semaphore(%arg22 : memref<!tpu.dma_semaphore, #tpu.memory_space<semaphore_mem>>)
    %slice3A_1052 = vector.extract_strided_slice %get3A_677 {offsets = [10], sizes = [1], strides = [1]} : vector<16xi32> to vector<1xi32>
    %squeeze3A_1053 = vector.extract %slice3A_1052[0] : i32 from vector<1xi32>
    %dma_start3A_1054 = arith.constant 10 : i32
    %dma_start3A_1055 = arith.constant 0 : i32
    %dma_start3A_1056 = tpu.memref_slice %arg17[%dma_start3A_1054, %dma_start3A_1055] : memref<256x64xf32, #tpu.memory_space<vmem>> -> memref<1x64xf32, #tpu.memory_space<vmem>>
    %dma_start3A_1057 = arith.constant 0 : i32
    %dma_start3A_1058 = tpu.memref_slice %arg8[%squeeze3A_1053, %dma_start3A_1057] : memref<100000x64xf32, #tpu.memory_space<hbm>> -> memref<1x64xf32, #tpu.memory_space<hbm>>
    %dma_start3A_1059 = arith.constant 10 : i32
    %dma_start3A_1060 = arith.constant 0 : i32
    %dma_start3A_1061 = tpu.memref_slice %arg17[%dma_start3A_1059, %dma_start3A_1060] : memref<256x64xf32, #tpu.memory_space<vmem>> -> memref<1x64xf32, #tpu.memory_space<vmem>>
    %dma_start3A_1062 = arith.constant 0 : i32
    %dma_start3A_1063 = tpu.memref_slice %arg8[%squeeze3A_1053, %dma_start3A_1062] : memref<100000x64xf32, #tpu.memory_space<hbm>> -> memref<1x64xf32, #tpu.memory_space<hbm>>
    tpu.enqueue_dma source(%dma_start3A_1063 : memref<1x64xf32, #tpu.memory_space<hbm>>) target(%dma_start3A_1061 : memref<1x64xf32, #tpu.memory_space<vmem>>) target_semaphore(%arg22 : memref<!tpu.dma_semaphore, #tpu.memory_space<semaphore_mem>>)
    %slice3A_1064 = vector.extract_strided_slice %get3A_679 {offsets = [10], sizes = [1], strides = [1]} : vector<16xi32> to vector<1xi32>
    %squeeze3A_1065 = vector.extract %slice3A_1064[0] : i32 from vector<1xi32>
    %dma_start3A_1066 = arith.constant 10 : i32
    %dma_start3A_1067 = arith.constant 0 : i32
    %dma_start3A_1068 = tpu.memref_slice %arg18[%dma_start3A_1066, %dma_start3A_1067] : memref<256x64xf32, #tpu.memory_space<vmem>> -> memref<1x64xf32, #tpu.memory_space<vmem>>
    %dma_start3A_1069 = arith.constant 0 : i32
    %dma_start3A_1070 = tpu.memref_slice %arg8[%squeeze3A_1065, %dma_start3A_1069] : memref<100000x64xf32, #tpu.memory_space<hbm>> -> memref<1x64xf32, #tpu.memory_space<hbm>>
    %dma_start3A_1071 = arith.constant 10 : i32
    %dma_start3A_1072 = arith.constant 0 : i32
    %dma_start3A_1073 = tpu.memref_slice %arg18[%dma_start3A_1071, %dma_start3A_1072] : memref<256x64xf32, #tpu.memory_space<vmem>> -> memref<1x64xf32, #tpu.memory_space<vmem>>
    %dma_start3A_1074 = arith.constant 0 : i32
    %dma_start3A_1075 = tpu.memref_slice %arg8[%squeeze3A_1065, %dma_start3A_1074] : memref<100000x64xf32, #tpu.memory_space<hbm>> -> memref<1x64xf32, #tpu.memory_space<hbm>>
    tpu.enqueue_dma source(%dma_start3A_1075 : memref<1x64xf32, #tpu.memory_space<hbm>>) target(%dma_start3A_1073 : memref<1x64xf32, #tpu.memory_space<vmem>>) target_semaphore(%arg22 : memref<!tpu.dma_semaphore, #tpu.memory_space<semaphore_mem>>)
    %slice3A_1076 = vector.extract_strided_slice %get3A_675 {offsets = [11], sizes = [1], strides = [1]} : vector<16xi32> to vector<1xi32>
    %squeeze3A_1077 = vector.extract %slice3A_1076[0] : i32 from vector<1xi32>
    %dma_start3A_1078 = arith.constant 11 : i32
    %dma_start3A_1079 = arith.constant 0 : i32
    %dma_start3A_1080 = tpu.memref_slice %arg16[%dma_start3A_1078, %dma_start3A_1079] : memref<256x64xf32, #tpu.memory_space<vmem>> -> memref<1x64xf32, #tpu.memory_space<vmem>>
    %dma_start3A_1081 = arith.constant 0 : i32
    %dma_start3A_1082 = tpu.memref_slice %arg7[%squeeze3A_1077, %dma_start3A_1081] : memref<100000x64xf32, #tpu.memory_space<hbm>> -> memref<1x64xf32, #tpu.memory_space<hbm>>
    %dma_start3A_1083 = arith.constant 11 : i32
    %dma_start3A_1084 = arith.constant 0 : i32
    %dma_start3A_1085 = tpu.memref_slice %arg16[%dma_start3A_1083, %dma_start3A_1084] : memref<256x64xf32, #tpu.memory_space<vmem>> -> memref<1x64xf32, #tpu.memory_space<vmem>>
    %dma_start3A_1086 = arith.constant 0 : i32
    %dma_start3A_1087 = tpu.memref_slice %arg7[%squeeze3A_1077, %dma_start3A_1086] : memref<100000x64xf32, #tpu.memory_space<hbm>> -> memref<1x64xf32, #tpu.memory_space<hbm>>
    tpu.enqueue_dma source(%dma_start3A_1087 : memref<1x64xf32, #tpu.memory_space<hbm>>) target(%dma_start3A_1085 : memref<1x64xf32, #tpu.memory_space<vmem>>) target_semaphore(%arg22 : memref<!tpu.dma_semaphore, #tpu.memory_space<semaphore_mem>>)
    %slice3A_1088 = vector.extract_strided_slice %get3A_677 {offsets = [11], sizes = [1], strides = [1]} : vector<16xi32> to vector<1xi32>
    %squeeze3A_1089 = vector.extract %slice3A_1088[0] : i32 from vector<1xi32>
    %dma_start3A_1090 = arith.constant 11 : i32
    %dma_start3A_1091 = arith.constant 0 : i32
    %dma_start3A_1092 = tpu.memref_slice %arg17[%dma_start3A_1090, %dma_start3A_1091] : memref<256x64xf32, #tpu.memory_space<vmem>> -> memref<1x64xf32, #tpu.memory_space<vmem>>
    %dma_start3A_1093 = arith.constant 0 : i32
    %dma_start3A_1094 = tpu.memref_slice %arg8[%squeeze3A_1089, %dma_start3A_1093] : memref<100000x64xf32, #tpu.memory_space<hbm>> -> memref<1x64xf32, #tpu.memory_space<hbm>>
    %dma_start3A_1095 = arith.constant 11 : i32
    %dma_start3A_1096 = arith.constant 0 : i32
    %dma_start3A_1097 = tpu.memref_slice %arg17[%dma_start3A_1095, %dma_start3A_1096] : memref<256x64xf32, #tpu.memory_space<vmem>> -> memref<1x64xf32, #tpu.memory_space<vmem>>
    %dma_start3A_1098 = arith.constant 0 : i32
    %dma_start3A_1099 = tpu.memref_slice %arg8[%squeeze3A_1089, %dma_start3A_1098] : memref<100000x64xf32, #tpu.memory_space<hbm>> -> memref<1x64xf32, #tpu.memory_space<hbm>>
    tpu.enqueue_dma source(%dma_start3A_1099 : memref<1x64xf32, #tpu.memory_space<hbm>>) target(%dma_start3A_1097 : memref<1x64xf32, #tpu.memory_space<vmem>>) target_semaphore(%arg22 : memref<!tpu.dma_semaphore, #tpu.memory_space<semaphore_mem>>)
    %slice3A_1100 = vector.extract_strided_slice %get3A_679 {offsets = [11], sizes = [1], strides = [1]} : vector<16xi32> to vector<1xi32>
    %squeeze3A_1101 = vector.extract %slice3A_1100[0] : i32 from vector<1xi32>
    %dma_start3A_1102 = arith.constant 11 : i32
    %dma_start3A_1103 = arith.constant 0 : i32
    %dma_start3A_1104 = tpu.memref_slice %arg18[%dma_start3A_1102, %dma_start3A_1103] : memref<256x64xf32, #tpu.memory_space<vmem>> -> memref<1x64xf32, #tpu.memory_space<vmem>>
    %dma_start3A_1105 = arith.constant 0 : i32
    %dma_start3A_1106 = tpu.memref_slice %arg8[%squeeze3A_1101, %dma_start3A_1105] : memref<100000x64xf32, #tpu.memory_space<hbm>> -> memref<1x64xf32, #tpu.memory_space<hbm>>
    %dma_start3A_1107 = arith.constant 11 : i32
    %dma_start3A_1108 = arith.constant 0 : i32
    %dma_start3A_1109 = tpu.memref_slice %arg18[%dma_start3A_1107, %dma_start3A_1108] : memref<256x64xf32, #tpu.memory_space<vmem>> -> memref<1x64xf32, #tpu.memory_space<vmem>>
    %dma_start3A_1110 = arith.constant 0 : i32
    %dma_start3A_1111 = tpu.memref_slice %arg8[%squeeze3A_1101, %dma_start3A_1110] : memref<100000x64xf32, #tpu.memory_space<hbm>> -> memref<1x64xf32, #tpu.memory_space<hbm>>
    tpu.enqueue_dma source(%dma_start3A_1111 : memref<1x64xf32, #tpu.memory_space<hbm>>) target(%dma_start3A_1109 : memref<1x64xf32, #tpu.memory_space<vmem>>) target_semaphore(%arg22 : memref<!tpu.dma_semaphore, #tpu.memory_space<semaphore_mem>>)
    %slice3A_1112 = vector.extract_strided_slice %get3A_675 {offsets = [12], sizes = [1], strides = [1]} : vector<16xi32> to vector<1xi32>
    %squeeze3A_1113 = vector.extract %slice3A_1112[0] : i32 from vector<1xi32>
    %dma_start3A_1114 = arith.constant 12 : i32
    %dma_start3A_1115 = arith.constant 0 : i32
    %dma_start3A_1116 = tpu.memref_slice %arg16[%dma_start3A_1114, %dma_start3A_1115] : memref<256x64xf32, #tpu.memory_space<vmem>> -> memref<1x64xf32, #tpu.memory_space<vmem>>
    %dma_start3A_1117 = arith.constant 0 : i32
    %dma_start3A_1118 = tpu.memref_slice %arg7[%squeeze3A_1113, %dma_start3A_1117] : memref<100000x64xf32, #tpu.memory_space<hbm>> -> memref<1x64xf32, #tpu.memory_space<hbm>>
    %dma_start3A_1119 = arith.constant 12 : i32
    %dma_start3A_1120 = arith.constant 0 : i32
    %dma_start3A_1121 = tpu.memref_slice %arg16[%dma_start3A_1119, %dma_start3A_1120] : memref<256x64xf32, #tpu.memory_space<vmem>> -> memref<1x64xf32, #tpu.memory_space<vmem>>
    %dma_start3A_1122 = arith.constant 0 : i32
    %dma_start3A_1123 = tpu.memref_slice %arg7[%squeeze3A_1113, %dma_start3A_1122] : memref<100000x64xf32, #tpu.memory_space<hbm>> -> memref<1x64xf32, #tpu.memory_space<hbm>>
    tpu.enqueue_dma source(%dma_start3A_1123 : memref<1x64xf32, #tpu.memory_space<hbm>>) target(%dma_start3A_1121 : memref<1x64xf32, #tpu.memory_space<vmem>>) target_semaphore(%arg22 : memref<!tpu.dma_semaphore, #tpu.memory_space<semaphore_mem>>)
    %slice3A_1124 = vector.extract_strided_slice %get3A_677 {offsets = [12], sizes = [1], strides = [1]} : vector<16xi32> to vector<1xi32>
    %squeeze3A_1125 = vector.extract %slice3A_1124[0] : i32 from vector<1xi32>
    %dma_start3A_1126 = arith.constant 12 : i32
    %dma_start3A_1127 = arith.constant 0 : i32
    %dma_start3A_1128 = tpu.memref_slice %arg17[%dma_start3A_1126, %dma_start3A_1127] : memref<256x64xf32, #tpu.memory_space<vmem>> -> memref<1x64xf32, #tpu.memory_space<vmem>>
    %dma_start3A_1129 = arith.constant 0 : i32
    %dma_start3A_1130 = tpu.memref_slice %arg8[%squeeze3A_1125, %dma_start3A_1129] : memref<100000x64xf32, #tpu.memory_space<hbm>> -> memref<1x64xf32, #tpu.memory_space<hbm>>
    %dma_start3A_1131 = arith.constant 12 : i32
    %dma_start3A_1132 = arith.constant 0 : i32
    %dma_start3A_1133 = tpu.memref_slice %arg17[%dma_start3A_1131, %dma_start3A_1132] : memref<256x64xf32, #tpu.memory_space<vmem>> -> memref<1x64xf32, #tpu.memory_space<vmem>>
    %dma_start3A_1134 = arith.constant 0 : i32
    %dma_start3A_1135 = tpu.memref_slice %arg8[%squeeze3A_1125, %dma_start3A_1134] : memref<100000x64xf32, #tpu.memory_space<hbm>> -> memref<1x64xf32, #tpu.memory_space<hbm>>
    tpu.enqueue_dma source(%dma_start3A_1135 : memref<1x64xf32, #tpu.memory_space<hbm>>) target(%dma_start3A_1133 : memref<1x64xf32, #tpu.memory_space<vmem>>) target_semaphore(%arg22 : memref<!tpu.dma_semaphore, #tpu.memory_space<semaphore_mem>>)
    %slice3A_1136 = vector.extract_strided_slice %get3A_679 {offsets = [12], sizes = [1], strides = [1]} : vector<16xi32> to vector<1xi32>
    %squeeze3A_1137 = vector.extract %slice3A_1136[0] : i32 from vector<1xi32>
    %dma_start3A_1138 = arith.constant 12 : i32
    %dma_start3A_1139 = arith.constant 0 : i32
    %dma_start3A_1140 = tpu.memref_slice %arg18[%dma_start3A_1138, %dma_start3A_1139] : memref<256x64xf32, #tpu.memory_space<vmem>> -> memref<1x64xf32, #tpu.memory_space<vmem>>
    %dma_start3A_1141 = arith.constant 0 : i32
    %dma_start3A_1142 = tpu.memref_slice %arg8[%squeeze3A_1137, %dma_start3A_1141] : memref<100000x64xf32, #tpu.memory_space<hbm>> -> memref<1x64xf32, #tpu.memory_space<hbm>>
    %dma_start3A_1143 = arith.constant 12 : i32
    %dma_start3A_1144 = arith.constant 0 : i32
    %dma_start3A_1145 = tpu.memref_slice %arg18[%dma_start3A_1143, %dma_start3A_1144] : memref<256x64xf32, #tpu.memory_space<vmem>> -> memref<1x64xf32, #tpu.memory_space<vmem>>
    %dma_start3A_1146 = arith.constant 0 : i32
    %dma_start3A_1147 = tpu.memref_slice %arg8[%squeeze3A_1137, %dma_start3A_1146] : memref<100000x64xf32, #tpu.memory_space<hbm>> -> memref<1x64xf32, #tpu.memory_space<hbm>>
    tpu.enqueue_dma source(%dma_start3A_1147 : memref<1x64xf32, #tpu.memory_space<hbm>>) target(%dma_start3A_1145 : memref<1x64xf32, #tpu.memory_space<vmem>>) target_semaphore(%arg22 : memref<!tpu.dma_semaphore, #tpu.memory_space<semaphore_mem>>)
    %slice3A_1148 = vector.extract_strided_slice %get3A_675 {offsets = [13], sizes = [1], strides = [1]} : vector<16xi32> to vector<1xi32>
    %squeeze3A_1149 = vector.extract %slice3A_1148[0] : i32 from vector<1xi32>
    %dma_start3A_1150 = arith.constant 13 : i32
    %dma_start3A_1151 = arith.constant 0 : i32
    %dma_start3A_1152 = tpu.memref_slice %arg16[%dma_start3A_1150, %dma_start3A_1151] : memref<256x64xf32, #tpu.memory_space<vmem>> -> memref<1x64xf32, #tpu.memory_space<vmem>>
    %dma_start3A_1153 = arith.constant 0 : i32
    %dma_start3A_1154 = tpu.memref_slice %arg7[%squeeze3A_1149, %dma_start3A_1153] : memref<100000x64xf32, #tpu.memory_space<hbm>> -> memref<1x64xf32, #tpu.memory_space<hbm>>
    %dma_start3A_1155 = arith.constant 13 : i32
    %dma_start3A_1156 = arith.constant 0 : i32
    %dma_start3A_1157 = tpu.memref_slice %arg16[%dma_start3A_1155, %dma_start3A_1156] : memref<256x64xf32, #tpu.memory_space<vmem>> -> memref<1x64xf32, #tpu.memory_space<vmem>>
    %dma_start3A_1158 = arith.constant 0 : i32
    %dma_start3A_1159 = tpu.memref_slice %arg7[%squeeze3A_1149, %dma_start3A_1158] : memref<100000x64xf32, #tpu.memory_space<hbm>> -> memref<1x64xf32, #tpu.memory_space<hbm>>
    tpu.enqueue_dma source(%dma_start3A_1159 : memref<1x64xf32, #tpu.memory_space<hbm>>) target(%dma_start3A_1157 : memref<1x64xf32, #tpu.memory_space<vmem>>) target_semaphore(%arg22 : memref<!tpu.dma_semaphore, #tpu.memory_space<semaphore_mem>>)
    %slice3A_1160 = vector.extract_strided_slice %get3A_677 {offsets = [13], sizes = [1], strides = [1]} : vector<16xi32> to vector<1xi32>
    %squeeze3A_1161 = vector.extract %slice3A_1160[0] : i32 from vector<1xi32>
    %dma_start3A_1162 = arith.constant 13 : i32
    %dma_start3A_1163 = arith.constant 0 : i32
    %dma_start3A_1164 = tpu.memref_slice %arg17[%dma_start3A_1162, %dma_start3A_1163] : memref<256x64xf32, #tpu.memory_space<vmem>> -> memref<1x64xf32, #tpu.memory_space<vmem>>
    %dma_start3A_1165 = arith.constant 0 : i32
    %dma_start3A_1166 = tpu.memref_slice %arg8[%squeeze3A_1161, %dma_start3A_1165] : memref<100000x64xf32, #tpu.memory_space<hbm>> -> memref<1x64xf32, #tpu.memory_space<hbm>>
    %dma_start3A_1167 = arith.constant 13 : i32
    %dma_start3A_1168 = arith.constant 0 : i32
    %dma_start3A_1169 = tpu.memref_slice %arg17[%dma_start3A_1167, %dma_start3A_1168] : memref<256x64xf32, #tpu.memory_space<vmem>> -> memref<1x64xf32, #tpu.memory_space<vmem>>
    %dma_start3A_1170 = arith.constant 0 : i32
    %dma_start3A_1171 = tpu.memref_slice %arg8[%squeeze3A_1161, %dma_start3A_1170] : memref<100000x64xf32, #tpu.memory_space<hbm>> -> memref<1x64xf32, #tpu.memory_space<hbm>>
    tpu.enqueue_dma source(%dma_start3A_1171 : memref<1x64xf32, #tpu.memory_space<hbm>>) target(%dma_start3A_1169 : memref<1x64xf32, #tpu.memory_space<vmem>>) target_semaphore(%arg22 : memref<!tpu.dma_semaphore, #tpu.memory_space<semaphore_mem>>)
    %slice3A_1172 = vector.extract_strided_slice %get3A_679 {offsets = [13], sizes = [1], strides = [1]} : vector<16xi32> to vector<1xi32>
    %squeeze3A_1173 = vector.extract %slice3A_1172[0] : i32 from vector<1xi32>
    %dma_start3A_1174 = arith.constant 13 : i32
    %dma_start3A_1175 = arith.constant 0 : i32
    %dma_start3A_1176 = tpu.memref_slice %arg18[%dma_start3A_1174, %dma_start3A_1175] : memref<256x64xf32, #tpu.memory_space<vmem>> -> memref<1x64xf32, #tpu.memory_space<vmem>>
    %dma_start3A_1177 = arith.constant 0 : i32
    %dma_start3A_1178 = tpu.memref_slice %arg8[%squeeze3A_1173, %dma_start3A_1177] : memref<100000x64xf32, #tpu.memory_space<hbm>> -> memref<1x64xf32, #tpu.memory_space<hbm>>
    %dma_start3A_1179 = arith.constant 13 : i32
    %dma_start3A_1180 = arith.constant 0 : i32
    %dma_start3A_1181 = tpu.memref_slice %arg18[%dma_start3A_1179, %dma_start3A_1180] : memref<256x64xf32, #tpu.memory_space<vmem>> -> memref<1x64xf32, #tpu.memory_space<vmem>>
    %dma_start3A_1182 = arith.constant 0 : i32
    %dma_start3A_1183 = tpu.memref_slice %arg8[%squeeze3A_1173, %dma_start3A_1182] : memref<100000x64xf32, #tpu.memory_space<hbm>> -> memref<1x64xf32, #tpu.memory_space<hbm>>
    tpu.enqueue_dma source(%dma_start3A_1183 : memref<1x64xf32, #tpu.memory_space<hbm>>) target(%dma_start3A_1181 : memref<1x64xf32, #tpu.memory_space<vmem>>) target_semaphore(%arg22 : memref<!tpu.dma_semaphore, #tpu.memory_space<semaphore_mem>>)
    %slice3A_1184 = vector.extract_strided_slice %get3A_675 {offsets = [14], sizes = [1], strides = [1]} : vector<16xi32> to vector<1xi32>
    %squeeze3A_1185 = vector.extract %slice3A_1184[0] : i32 from vector<1xi32>
    %dma_start3A_1186 = arith.constant 14 : i32
    %dma_start3A_1187 = arith.constant 0 : i32
    %dma_start3A_1188 = tpu.memref_slice %arg16[%dma_start3A_1186, %dma_start3A_1187] : memref<256x64xf32, #tpu.memory_space<vmem>> -> memref<1x64xf32, #tpu.memory_space<vmem>>
    %dma_start3A_1189 = arith.constant 0 : i32
    %dma_start3A_1190 = tpu.memref_slice %arg7[%squeeze3A_1185, %dma_start3A_1189] : memref<100000x64xf32, #tpu.memory_space<hbm>> -> memref<1x64xf32, #tpu.memory_space<hbm>>
    %dma_start3A_1191 = arith.constant 14 : i32
    %dma_start3A_1192 = arith.constant 0 : i32
    %dma_start3A_1193 = tpu.memref_slice %arg16[%dma_start3A_1191, %dma_start3A_1192] : memref<256x64xf32, #tpu.memory_space<vmem>> -> memref<1x64xf32, #tpu.memory_space<vmem>>
    %dma_start3A_1194 = arith.constant 0 : i32
    %dma_start3A_1195 = tpu.memref_slice %arg7[%squeeze3A_1185, %dma_start3A_1194] : memref<100000x64xf32, #tpu.memory_space<hbm>> -> memref<1x64xf32, #tpu.memory_space<hbm>>
    tpu.enqueue_dma source(%dma_start3A_1195 : memref<1x64xf32, #tpu.memory_space<hbm>>) target(%dma_start3A_1193 : memref<1x64xf32, #tpu.memory_space<vmem>>) target_semaphore(%arg22 : memref<!tpu.dma_semaphore, #tpu.memory_space<semaphore_mem>>)
    %slice3A_1196 = vector.extract_strided_slice %get3A_677 {offsets = [14], sizes = [1], strides = [1]} : vector<16xi32> to vector<1xi32>
    %squeeze3A_1197 = vector.extract %slice3A_1196[0] : i32 from vector<1xi32>
    %dma_start3A_1198 = arith.constant 14 : i32
    %dma_start3A_1199 = arith.constant 0 : i32
    %dma_start3A_1200 = tpu.memref_slice %arg17[%dma_start3A_1198, %dma_start3A_1199] : memref<256x64xf32, #tpu.memory_space<vmem>> -> memref<1x64xf32, #tpu.memory_space<vmem>>
    %dma_start3A_1201 = arith.constant 0 : i32
    %dma_start3A_1202 = tpu.memref_slice %arg8[%squeeze3A_1197, %dma_start3A_1201] : memref<100000x64xf32, #tpu.memory_space<hbm>> -> memref<1x64xf32, #tpu.memory_space<hbm>>
    %dma_start3A_1203 = arith.constant 14 : i32
    %dma_start3A_1204 = arith.constant 0 : i32
    %dma_start3A_1205 = tpu.memref_slice %arg17[%dma_start3A_1203, %dma_start3A_1204] : memref<256x64xf32, #tpu.memory_space<vmem>> -> memref<1x64xf32, #tpu.memory_space<vmem>>
    %dma_start3A_1206 = arith.constant 0 : i32
    %dma_start3A_1207 = tpu.memref_slice %arg8[%squeeze3A_1197, %dma_start3A_1206] : memref<100000x64xf32, #tpu.memory_space<hbm>> -> memref<1x64xf32, #tpu.memory_space<hbm>>
    tpu.enqueue_dma source(%dma_start3A_1207 : memref<1x64xf32, #tpu.memory_space<hbm>>) target(%dma_start3A_1205 : memref<1x64xf32, #tpu.memory_space<vmem>>) target_semaphore(%arg22 : memref<!tpu.dma_semaphore, #tpu.memory_space<semaphore_mem>>)
    %slice3A_1208 = vector.extract_strided_slice %get3A_679 {offsets = [14], sizes = [1], strides = [1]} : vector<16xi32> to vector<1xi32>
    %squeeze3A_1209 = vector.extract %slice3A_1208[0] : i32 from vector<1xi32>
    %dma_start3A_1210 = arith.constant 14 : i32
    %dma_start3A_1211 = arith.constant 0 : i32
    %dma_start3A_1212 = tpu.memref_slice %arg18[%dma_start3A_1210, %dma_start3A_1211] : memref<256x64xf32, #tpu.memory_space<vmem>> -> memref<1x64xf32, #tpu.memory_space<vmem>>
    %dma_start3A_1213 = arith.constant 0 : i32
    %dma_start3A_1214 = tpu.memref_slice %arg8[%squeeze3A_1209, %dma_start3A_1213] : memref<100000x64xf32, #tpu.memory_space<hbm>> -> memref<1x64xf32, #tpu.memory_space<hbm>>
    %dma_start3A_1215 = arith.constant 14 : i32
    %dma_start3A_1216 = arith.constant 0 : i32
    %dma_start3A_1217 = tpu.memref_slice %arg18[%dma_start3A_1215, %dma_start3A_1216] : memref<256x64xf32, #tpu.memory_space<vmem>> -> memref<1x64xf32, #tpu.memory_space<vmem>>
    %dma_start3A_1218 = arith.constant 0 : i32
    %dma_start3A_1219 = tpu.memref_slice %arg8[%squeeze3A_1209, %dma_start3A_1218] : memref<100000x64xf32, #tpu.memory_space<hbm>> -> memref<1x64xf32, #tpu.memory_space<hbm>>
    tpu.enqueue_dma source(%dma_start3A_1219 : memref<1x64xf32, #tpu.memory_space<hbm>>) target(%dma_start3A_1217 : memref<1x64xf32, #tpu.memory_space<vmem>>) target_semaphore(%arg22 : memref<!tpu.dma_semaphore, #tpu.memory_space<semaphore_mem>>)
    %slice3A_1220 = vector.extract_strided_slice %get3A_675 {offsets = [15], sizes = [1], strides = [1]} : vector<16xi32> to vector<1xi32>
    %squeeze3A_1221 = vector.extract %slice3A_1220[0] : i32 from vector<1xi32>
    %dma_start3A_1222 = arith.constant 15 : i32
    %dma_start3A_1223 = arith.constant 0 : i32
    %dma_start3A_1224 = tpu.memref_slice %arg16[%dma_start3A_1222, %dma_start3A_1223] : memref<256x64xf32, #tpu.memory_space<vmem>> -> memref<1x64xf32, #tpu.memory_space<vmem>>
    %dma_start3A_1225 = arith.constant 0 : i32
    %dma_start3A_1226 = tpu.memref_slice %arg7[%squeeze3A_1221, %dma_start3A_1225] : memref<100000x64xf32, #tpu.memory_space<hbm>> -> memref<1x64xf32, #tpu.memory_space<hbm>>
    %dma_start3A_1227 = arith.constant 15 : i32
    %dma_start3A_1228 = arith.constant 0 : i32
    %dma_start3A_1229 = tpu.memref_slice %arg16[%dma_start3A_1227, %dma_start3A_1228] : memref<256x64xf32, #tpu.memory_space<vmem>> -> memref<1x64xf32, #tpu.memory_space<vmem>>
    %dma_start3A_1230 = arith.constant 0 : i32
    %dma_start3A_1231 = tpu.memref_slice %arg7[%squeeze3A_1221, %dma_start3A_1230] : memref<100000x64xf32, #tpu.memory_space<hbm>> -> memref<1x64xf32, #tpu.memory_space<hbm>>
    tpu.enqueue_dma source(%dma_start3A_1231 : memref<1x64xf32, #tpu.memory_space<hbm>>) target(%dma_start3A_1229 : memref<1x64xf32, #tpu.memory_space<vmem>>) target_semaphore(%arg22 : memref<!tpu.dma_semaphore, #tpu.memory_space<semaphore_mem>>)
    %slice3A_1232 = vector.extract_strided_slice %get3A_677 {offsets = [15], sizes = [1], strides = [1]} : vector<16xi32> to vector<1xi32>
    %squeeze3A_1233 = vector.extract %slice3A_1232[0] : i32 from vector<1xi32>
    %dma_start3A_1234 = arith.constant 15 : i32
    %dma_start3A_1235 = arith.constant 0 : i32
    %dma_start3A_1236 = tpu.memref_slice %arg17[%dma_start3A_1234, %dma_start3A_1235] : memref<256x64xf32, #tpu.memory_space<vmem>> -> memref<1x64xf32, #tpu.memory_space<vmem>>
    %dma_start3A_1237 = arith.constant 0 : i32
    %dma_start3A_1238 = tpu.memref_slice %arg8[%squeeze3A_1233, %dma_start3A_1237] : memref<100000x64xf32, #tpu.memory_space<hbm>> -> memref<1x64xf32, #tpu.memory_space<hbm>>
    %dma_start3A_1239 = arith.constant 15 : i32
    %dma_start3A_1240 = arith.constant 0 : i32
    %dma_start3A_1241 = tpu.memref_slice %arg17[%dma_start3A_1239, %dma_start3A_1240] : memref<256x64xf32, #tpu.memory_space<vmem>> -> memref<1x64xf32, #tpu.memory_space<vmem>>
    %dma_start3A_1242 = arith.constant 0 : i32
    %dma_start3A_1243 = tpu.memref_slice %arg8[%squeeze3A_1233, %dma_start3A_1242] : memref<100000x64xf32, #tpu.memory_space<hbm>> -> memref<1x64xf32, #tpu.memory_space<hbm>>
    tpu.enqueue_dma source(%dma_start3A_1243 : memref<1x64xf32, #tpu.memory_space<hbm>>) target(%dma_start3A_1241 : memref<1x64xf32, #tpu.memory_space<vmem>>) target_semaphore(%arg22 : memref<!tpu.dma_semaphore, #tpu.memory_space<semaphore_mem>>)
    %slice3A_1244 = vector.extract_strided_slice %get3A_679 {offsets = [15], sizes = [1], strides = [1]} : vector<16xi32> to vector<1xi32>
    %squeeze3A_1245 = vector.extract %slice3A_1244[0] : i32 from vector<1xi32>
    %dma_start3A_1246 = arith.constant 15 : i32
    %dma_start3A_1247 = arith.constant 0 : i32
    %dma_start3A_1248 = tpu.memref_slice %arg18[%dma_start3A_1246, %dma_start3A_1247] : memref<256x64xf32, #tpu.memory_space<vmem>> -> memref<1x64xf32, #tpu.memory_space<vmem>>
    %dma_start3A_1249 = arith.constant 0 : i32
    %dma_start3A_1250 = tpu.memref_slice %arg8[%squeeze3A_1245, %dma_start3A_1249] : memref<100000x64xf32, #tpu.memory_space<hbm>> -> memref<1x64xf32, #tpu.memory_space<hbm>>
    %dma_start3A_1251 = arith.constant 15 : i32
    %dma_start3A_1252 = arith.constant 0 : i32
    %dma_start3A_1253 = tpu.memref_slice %arg18[%dma_start3A_1251, %dma_start3A_1252] : memref<256x64xf32, #tpu.memory_space<vmem>> -> memref<1x64xf32, #tpu.memory_space<vmem>>
    %dma_start3A_1254 = arith.constant 0 : i32
    %dma_start3A_1255 = tpu.memref_slice %arg8[%squeeze3A_1245, %dma_start3A_1254] : memref<100000x64xf32, #tpu.memory_space<hbm>> -> memref<1x64xf32, #tpu.memory_space<hbm>>
    tpu.enqueue_dma source(%dma_start3A_1255 : memref<1x64xf32, #tpu.memory_space<hbm>>) target(%dma_start3A_1253 : memref<1x64xf32, #tpu.memory_space<vmem>>) target_semaphore(%arg22 : memref<!tpu.dma_semaphore, #tpu.memory_space<semaphore_mem>>)
    %scan3A_1256 = arith.constant 0 : i32
    %scan3A_1257 = arith.constant 1 : i32
    %scan3A_1258 = arith.constant 15 : i32
    %scan3A_1259 = arith.addi %scan3A_1257, %scan3A_1258 : i32
    %scan3A_1260 = arith.constant 1 : i32
    scf.for %scan3A_1349 = %scan3A_1257 to %scan3A_1259 step %scan3A_1260  : i32 {
      %mul3A_1350 = arith.constant 16 : i32
      %mul3A_1351 = arith.muli %scan3A_1349, %mul3A_1350 : i32
      %add3A_1352 = arith.constant 256 : i32
      %add3A_1353 = arith.addi %add3A_1352, %mul3A_1351 : i32
      %get3A_1354 = arith.index_cast %add3A_1353 : i32 to index
      %get3A_1355 = tpu.vector_load %arg13[%get3A_1354] {strides = array<i32>} : memref<512xi32, #tpu.memory_space<vmem>>, vector<16xi32>,
      %get3A_1356 = arith.index_cast %add3A_1353 : i32 to index
      %get3A_1357 = tpu.vector_load %arg14[%get3A_1356] {strides = array<i32>} : memref<512xi32, #tpu.memory_space<vmem>>, vector<16xi32>,
      %get3A_1358 = arith.index_cast %add3A_1353 : i32 to index
      %get3A_1359 = tpu.vector_load %arg15[%get3A_1358] {strides = array<i32>} : memref<512xi32, #tpu.memory_space<vmem>>, vector<16xi32>,
      %mul3A_1360 = arith.constant 16 : i32
      %mul3A_1361 = arith.muli %scan3A_1349, %mul3A_1360 : i32
      %slice3A_1362 = vector.extract_strided_slice %get3A_1355 {offsets = [0], sizes = [1], strides = [1]} : vector<16xi32> to vector<1xi32>
      %squeeze3A_1363 = vector.extract %slice3A_1362[0] : i32 from vector<1xi32>
      %add3A_1364 = arith.constant 0 : i32
      %add3A_1365 = arith.addi %mul3A_1361, %add3A_1364 : i32
      %dma_start3A_1366 = arith.constant 0 : i32
      %dma_start3A_1367 = tpu.memref_slice %arg16[%add3A_1365, %dma_start3A_1366] : memref<256x64xf32, #tpu.memory_space<vmem>> -> memref<1x64xf32, #tpu.memory_space<vmem>>
      %dma_start3A_1368 = arith.constant 0 : i32
      %dma_start3A_1369 = tpu.memref_slice %arg7[%squeeze3A_1363, %dma_start3A_1368] : memref<100000x64xf32, #tpu.memory_space<hbm>> -> memref<1x64xf32, #tpu.memory_space<hbm>>
      %dma_start3A_1370 = arith.constant 0 : i32
      %dma_start3A_1371 = tpu.memref_slice %arg16[%add3A_1365, %dma_start3A_1370] : memref<256x64xf32, #tpu.memory_space<vmem>> -> memref<1x64xf32, #tpu.memory_space<vmem>>
      %dma_start3A_1372 = arith.constant 0 : i32
      %dma_start3A_1373 = tpu.memref_slice %arg7[%squeeze3A_1363, %dma_start3A_1372] : memref<100000x64xf32, #tpu.memory_space<hbm>> -> memref<1x64xf32, #tpu.memory_space<hbm>>
      tpu.enqueue_dma source(%dma_start3A_1373 : memref<1x64xf32, #tpu.memory_space<hbm>>) target(%dma_start3A_1371 : memref<1x64xf32, #tpu.memory_space<vmem>>) target_semaphore(%arg22 : memref<!tpu.dma_semaphore, #tpu.memory_space<semaphore_mem>>)
      %slice3A_1374 = vector.extract_strided_slice %get3A_1357 {offsets = [0], sizes = [1], strides = [1]} : vector<16xi32> to vector<1xi32>
      %squeeze3A_1375 = vector.extract %slice3A_1374[0] : i32 from vector<1xi32>
      %add3A_1376 = arith.constant 0 : i32
      %add3A_1377 = arith.addi %mul3A_1361, %add3A_1376 : i32
      %dma_start3A_1378 = arith.constant 0 : i32
      %dma_start3A_1379 = tpu.memref_slice %arg17[%add3A_1377, %dma_start3A_1378] : memref<256x64xf32, #tpu.memory_space<vmem>> -> memref<1x64xf32, #tpu.memory_space<vmem>>
      %dma_start3A_1380 = arith.constant 0 : i32
      %dma_start3A_1381 = tpu.memref_slice %arg8[%squeeze3A_1375, %dma_start3A_1380] : memref<100000x64xf32, #tpu.memory_space<hbm>> -> memref<1x64xf32, #tpu.memory_space<hbm>>
      %dma_start3A_1382 = arith.constant 0 : i32
      %dma_start3A_1383 = tpu.memref_slice %arg17[%add3A_1377, %dma_start3A_1382] : memref<256x64xf32, #tpu.memory_space<vmem>> -> memref<1x64xf32, #tpu.memory_space<vmem>>
      %dma_start3A_1384 = arith.constant 0 : i32
      %dma_start3A_1385 = tpu.memref_slice %arg8[%squeeze3A_1375, %dma_start3A_1384] : memref<100000x64xf32, #tpu.memory_space<hbm>> -> memref<1x64xf32, #tpu.memory_space<hbm>>
      tpu.enqueue_dma source(%dma_start3A_1385 : memref<1x64xf32, #tpu.memory_space<hbm>>) target(%dma_start3A_1383 : memref<1x64xf32, #tpu.memory_space<vmem>>) target_semaphore(%arg22 : memref<!tpu.dma_semaphore, #tpu.memory_space<semaphore_mem>>)
      %slice3A_1386 = vector.extract_strided_slice %get3A_1359 {offsets = [0], sizes = [1], strides = [1]} : vector<16xi32> to vector<1xi32>
      %squeeze3A_1387 = vector.extract %slice3A_1386[0] : i32 from vector<1xi32>
      %add3A_1388 = arith.constant 0 : i32
      %add3A_1389 = arith.addi %mul3A_1361, %add3A_1388 : i32
      %dma_start3A_1390 = arith.constant 0 : i32
      %dma_start3A_1391 = tpu.memref_slice %arg18[%add3A_1389, %dma_start3A_1390] : memref<256x64xf32, #tpu.memory_space<vmem>> -> memref<1x64xf32, #tpu.memory_space<vmem>>
      %dma_start3A_1392 = arith.constant 0 : i32
      %dma_start3A_1393 = tpu.memref_slice %arg8[%squeeze3A_1387, %dma_start3A_1392] : memref<100000x64xf32, #tpu.memory_space<hbm>> -> memref<1x64xf32, #tpu.memory_space<hbm>>
      %dma_start3A_1394 = arith.constant 0 : i32
      %dma_start3A_1395 = tpu.memref_slice %arg18[%add3A_1389, %dma_start3A_1394] : memref<256x64xf32, #tpu.memory_space<vmem>> -> memref<1x64xf32, #tpu.memory_space<vmem>>
      %dma_start3A_1396 = arith.constant 0 : i32
      %dma_start3A_1397 = tpu.memref_slice %arg8[%squeeze3A_1387, %dma_start3A_1396] : memref<100000x64xf32, #tpu.memory_space<hbm>> -> memref<1x64xf32, #tpu.memory_space<hbm>>
      tpu.enqueue_dma source(%dma_start3A_1397 : memref<1x64xf32, #tpu.memory_space<hbm>>) target(%dma_start3A_1395 : memref<1x64xf32, #tpu.memory_space<vmem>>) target_semaphore(%arg22 : memref<!tpu.dma_semaphore, #tpu.memory_space<semaphore_mem>>)
      %slice3A_1398 = vector.extract_strided_slice %get3A_1355 {offsets = [1], sizes = [1], strides = [1]} : vector<16xi32> to vector<1xi32>
      %squeeze3A_1399 = vector.extract %slice3A_1398[0] : i32 from vector<1xi32>
      %add3A_1400 = arith.constant 1 : i32
      %add3A_1401 = arith.addi %mul3A_1361, %add3A_1400 : i32
      %dma_start3A_1402 = arith.constant 0 : i32
      %dma_start3A_1403 = tpu.memref_slice %arg16[%add3A_1401, %dma_start3A_1402] : memref<256x64xf32, #tpu.memory_space<vmem>> -> memref<1x64xf32, #tpu.memory_space<vmem>>
      %dma_start3A_1404 = arith.constant 0 : i32
      %dma_start3A_1405 = tpu.memref_slice %arg7[%squeeze3A_1399, %dma_start3A_1404] : memref<100000x64xf32, #tpu.memory_space<hbm>> -> memref<1x64xf32, #tpu.memory_space<hbm>>
      %dma_start3A_1406 = arith.constant 0 : i32
      %dma_start3A_1407 = tpu.memref_slice %arg16[%add3A_1401, %dma_start3A_1406] : memref<256x64xf32, #tpu.memory_space<vmem>> -> memref<1x64xf32, #tpu.memory_space<vmem>>
      %dma_start3A_1408 = arith.constant 0 : i32
      %dma_start3A_1409 = tpu.memref_slice %arg7[%squeeze3A_1399, %dma_start3A_1408] : memref<100000x64xf32, #tpu.memory_space<hbm>> -> memref<1x64xf32, #tpu.memory_space<hbm>>
      tpu.enqueue_dma source(%dma_start3A_1409 : memref<1x64xf32, #tpu.memory_space<hbm>>) target(%dma_start3A_1407 : memref<1x64xf32, #tpu.memory_space<vmem>>) target_semaphore(%arg22 : memref<!tpu.dma_semaphore, #tpu.memory_space<semaphore_mem>>)
      %slice3A_1410 = vector.extract_strided_slice %get3A_1357 {offsets = [1], sizes = [1], strides = [1]} : vector<16xi32> to vector<1xi32>
      %squeeze3A_1411 = vector.extract %slice3A_1410[0] : i32 from vector<1xi32>
      %add3A_1412 = arith.constant 1 : i32
      %add3A_1413 = arith.addi %mul3A_1361, %add3A_1412 : i32
      %dma_start3A_1414 = arith.constant 0 : i32
      %dma_start3A_1415 = tpu.memref_slice %arg17[%add3A_1413, %dma_start3A_1414] : memref<256x64xf32, #tpu.memory_space<vmem>> -> memref<1x64xf32, #tpu.memory_space<vmem>>
      %dma_start3A_1416 = arith.constant 0 : i32
      %dma_start3A_1417 = tpu.memref_slice %arg8[%squeeze3A_1411, %dma_start3A_1416] : memref<100000x64xf32, #tpu.memory_space<hbm>> -> memref<1x64xf32, #tpu.memory_space<hbm>>
      %dma_start3A_1418 = arith.constant 0 : i32
      %dma_start3A_1419 = tpu.memref_slice %arg17[%add3A_1413, %dma_start3A_1418] : memref<256x64xf32, #tpu.memory_space<vmem>> -> memref<1x64xf32, #tpu.memory_space<vmem>>
      %dma_start3A_1420 = arith.constant 0 : i32
      %dma_start3A_1421 = tpu.memref_slice %arg8[%squeeze3A_1411, %dma_start3A_1420] : memref<100000x64xf32, #tpu.memory_space<hbm>> -> memref<1x64xf32, #tpu.memory_space<hbm>>
      tpu.enqueue_dma source(%dma_start3A_1421 : memref<1x64xf32, #tpu.memory_space<hbm>>) target(%dma_start3A_1419 : memref<1x64xf32, #tpu.memory_space<vmem>>) target_semaphore(%arg22 : memref<!tpu.dma_semaphore, #tpu.memory_space<semaphore_mem>>)
      %slice3A_1422 = vector.extract_strided_slice %get3A_1359 {offsets = [1], sizes = [1], strides = [1]} : vector<16xi32> to vector<1xi32>
      %squeeze3A_1423 = vector.extract %slice3A_1422[0] : i32 from vector<1xi32>
      %add3A_1424 = arith.constant 1 : i32
      %add3A_1425 = arith.addi %mul3A_1361, %add3A_1424 : i32
      %dma_start3A_1426 = arith.constant 0 : i32
      %dma_start3A_1427 = tpu.memref_slice %arg18[%add3A_1425, %dma_start3A_1426] : memref<256x64xf32, #tpu.memory_space<vmem>> -> memref<1x64xf32, #tpu.memory_space<vmem>>
      %dma_start3A_1428 = arith.constant 0 : i32
      %dma_start3A_1429 = tpu.memref_slice %arg8[%squeeze3A_1423, %dma_start3A_1428] : memref<100000x64xf32, #tpu.memory_space<hbm>> -> memref<1x64xf32, #tpu.memory_space<hbm>>
      %dma_start3A_1430 = arith.constant 0 : i32
      %dma_start3A_1431 = tpu.memref_slice %arg18[%add3A_1425, %dma_start3A_1430] : memref<256x64xf32, #tpu.memory_space<vmem>> -> memref<1x64xf32, #tpu.memory_space<vmem>>
      %dma_start3A_1432 = arith.constant 0 : i32
      %dma_start3A_1433 = tpu.memref_slice %arg8[%squeeze3A_1423, %dma_start3A_1432] : memref<100000x64xf32, #tpu.memory_space<hbm>> -> memref<1x64xf32, #tpu.memory_space<hbm>>
      tpu.enqueue_dma source(%dma_start3A_1433 : memref<1x64xf32, #tpu.memory_space<hbm>>) target(%dma_start3A_1431 : memref<1x64xf32, #tpu.memory_space<vmem>>) target_semaphore(%arg22 : memref<!tpu.dma_semaphore, #tpu.memory_space<semaphore_mem>>)
      %slice3A_1434 = vector.extract_strided_slice %get3A_1355 {offsets = [2], sizes = [1], strides = [1]} : vector<16xi32> to vector<1xi32>
      %squeeze3A_1435 = vector.extract %slice3A_1434[0] : i32 from vector<1xi32>
      %add3A_1436 = arith.constant 2 : i32
      %add3A_1437 = arith.addi %mul3A_1361, %add3A_1436 : i32
      %dma_start3A_1438 = arith.constant 0 : i32
      %dma_start3A_1439 = tpu.memref_slice %arg16[%add3A_1437, %dma_start3A_1438] : memref<256x64xf32, #tpu.memory_space<vmem>> -> memref<1x64xf32, #tpu.memory_space<vmem>>
      %dma_start3A_1440 = arith.constant 0 : i32
      %dma_start3A_1441 = tpu.memref_slice %arg7[%squeeze3A_1435, %dma_start3A_1440] : memref<100000x64xf32, #tpu.memory_space<hbm>> -> memref<1x64xf32, #tpu.memory_space<hbm>>
      %dma_start3A_1442 = arith.constant 0 : i32
      %dma_start3A_1443 = tpu.memref_slice %arg16[%add3A_1437, %dma_start3A_1442] : memref<256x64xf32, #tpu.memory_space<vmem>> -> memref<1x64xf32, #tpu.memory_space<vmem>>
      %dma_start3A_1444 = arith.constant 0 : i32
      %dma_start3A_1445 = tpu.memref_slice %arg7[%squeeze3A_1435, %dma_start3A_1444] : memref<100000x64xf32, #tpu.memory_space<hbm>> -> memref<1x64xf32, #tpu.memory_space<hbm>>
      tpu.enqueue_dma source(%dma_start3A_1445 : memref<1x64xf32, #tpu.memory_space<hbm>>) target(%dma_start3A_1443 : memref<1x64xf32, #tpu.memory_space<vmem>>) target_semaphore(%arg22 : memref<!tpu.dma_semaphore, #tpu.memory_space<semaphore_mem>>)
      %slice3A_1446 = vector.extract_strided_slice %get3A_1357 {offsets = [2], sizes = [1], strides = [1]} : vector<16xi32> to vector<1xi32>
      %squeeze3A_1447 = vector.extract %slice3A_1446[0] : i32 from vector<1xi32>
      %add3A_1448 = arith.constant 2 : i32
      %add3A_1449 = arith.addi %mul3A_1361, %add3A_1448 : i32
      %dma_start3A_1450 = arith.constant 0 : i32
      %dma_start3A_1451 = tpu.memref_slice %arg17[%add3A_1449, %dma_start3A_1450] : memref<256x64xf32, #tpu.memory_space<vmem>> -> memref<1x64xf32, #tpu.memory_space<vmem>>
      %dma_start3A_1452 = arith.constant 0 : i32
      %dma_start3A_1453 = tpu.memref_slice %arg8[%squeeze3A_1447, %dma_start3A_1452] : memref<100000x64xf32, #tpu.memory_space<hbm>> -> memref<1x64xf32, #tpu.memory_space<hbm>>
      %dma_start3A_1454 = arith.constant 0 : i32
      %dma_start3A_1455 = tpu.memref_slice %arg17[%add3A_1449, %dma_start3A_1454] : memref<256x64xf32, #tpu.memory_space<vmem>> -> memref<1x64xf32, #tpu.memory_space<vmem>>
      %dma_start3A_1456 = arith.constant 0 : i32
      %dma_start3A_1457 = tpu.memref_slice %arg8[%squeeze3A_1447, %dma_start3A_1456] : memref<100000x64xf32, #tpu.memory_space<hbm>> -> memref<1x64xf32, #tpu.memory_space<hbm>>
      tpu.enqueue_dma source(%dma_start3A_1457 : memref<1x64xf32, #tpu.memory_space<hbm>>) target(%dma_start3A_1455 : memref<1x64xf32, #tpu.memory_space<vmem>>) target_semaphore(%arg22 : memref<!tpu.dma_semaphore, #tpu.memory_space<semaphore_mem>>)
      %slice3A_1458 = vector.extract_strided_slice %get3A_1359 {offsets = [2], sizes = [1], strides = [1]} : vector<16xi32> to vector<1xi32>
      %squeeze3A_1459 = vector.extract %slice3A_1458[0] : i32 from vector<1xi32>
      %add3A_1460 = arith.constant 2 : i32
      %add3A_1461 = arith.addi %mul3A_1361, %add3A_1460 : i32
      %dma_start3A_1462 = arith.constant 0 : i32
      %dma_start3A_1463 = tpu.memref_slice %arg18[%add3A_1461, %dma_start3A_1462] : memref<256x64xf32, #tpu.memory_space<vmem>> -> memref<1x64xf32, #tpu.memory_space<vmem>>
      %dma_start3A_1464 = arith.constant 0 : i32
      %dma_start3A_1465 = tpu.memref_slice %arg8[%squeeze3A_1459, %dma_start3A_1464] : memref<100000x64xf32, #tpu.memory_space<hbm>> -> memref<1x64xf32, #tpu.memory_space<hbm>>
      %dma_start3A_1466 = arith.constant 0 : i32
      %dma_start3A_1467 = tpu.memref_slice %arg18[%add3A_1461, %dma_start3A_1466] : memref<256x64xf32, #tpu.memory_space<vmem>> -> memref<1x64xf32, #tpu.memory_space<vmem>>
      %dma_start3A_1468 = arith.constant 0 : i32
      %dma_start3A_1469 = tpu.memref_slice %arg8[%squeeze3A_1459, %dma_start3A_1468] : memref<100000x64xf32, #tpu.memory_space<hbm>> -> memref<1x64xf32, #tpu.memory_space<hbm>>
      tpu.enqueue_dma source(%dma_start3A_1469 : memref<1x64xf32, #tpu.memory_space<hbm>>) target(%dma_start3A_1467 : memref<1x64xf32, #tpu.memory_space<vmem>>) target_semaphore(%arg22 : memref<!tpu.dma_semaphore, #tpu.memory_space<semaphore_mem>>)
      %slice3A_1470 = vector.extract_strided_slice %get3A_1355 {offsets = [3], sizes = [1], strides = [1]} : vector<16xi32> to vector<1xi32>
      %squeeze3A_1471 = vector.extract %slice3A_1470[0] : i32 from vector<1xi32>
      %add3A_1472 = arith.constant 3 : i32
      %add3A_1473 = arith.addi %mul3A_1361, %add3A_1472 : i32
      %dma_start3A_1474 = arith.constant 0 : i32
      %dma_start3A_1475 = tpu.memref_slice %arg16[%add3A_1473, %dma_start3A_1474] : memref<256x64xf32, #tpu.memory_space<vmem>> -> memref<1x64xf32, #tpu.memory_space<vmem>>
      %dma_start3A_1476 = arith.constant 0 : i32
      %dma_start3A_1477 = tpu.memref_slice %arg7[%squeeze3A_1471, %dma_start3A_1476] : memref<100000x64xf32, #tpu.memory_space<hbm>> -> memref<1x64xf32, #tpu.memory_space<hbm>>
      %dma_start3A_1478 = arith.constant 0 : i32
      %dma_start3A_1479 = tpu.memref_slice %arg16[%add3A_1473, %dma_start3A_1478] : memref<256x64xf32, #tpu.memory_space<vmem>> -> memref<1x64xf32, #tpu.memory_space<vmem>>
      %dma_start3A_1480 = arith.constant 0 : i32
      %dma_start3A_1481 = tpu.memref_slice %arg7[%squeeze3A_1471, %dma_start3A_1480] : memref<100000x64xf32, #tpu.memory_space<hbm>> -> memref<1x64xf32, #tpu.memory_space<hbm>>
      tpu.enqueue_dma source(%dma_start3A_1481 : memref<1x64xf32, #tpu.memory_space<hbm>>) target(%dma_start3A_1479 : memref<1x64xf32, #tpu.memory_space<vmem>>) target_semaphore(%arg22 : memref<!tpu.dma_semaphore, #tpu.memory_space<semaphore_mem>>)
      %slice3A_1482 = vector.extract_strided_slice %get3A_1357 {offsets = [3], sizes = [1], strides = [1]} : vector<16xi32> to vector<1xi32>
      %squeeze3A_1483 = vector.extract %slice3A_1482[0] : i32 from vector<1xi32>
      %add3A_1484 = arith.constant 3 : i32
      %add3A_1485 = arith.addi %mul3A_1361, %add3A_1484 : i32
      %dma_start3A_1486 = arith.constant 0 : i32
      %dma_start3A_1487 = tpu.memref_slice %arg17[%add3A_1485, %dma_start3A_1486] : memref<256x64xf32, #tpu.memory_space<vmem>> -> memref<1x64xf32, #tpu.memory_space<vmem>>
      %dma_start3A_1488 = arith.constant 0 : i32
      %dma_start3A_1489 = tpu.memref_slice %arg8[%squeeze3A_1483, %dma_start3A_1488] : memref<100000x64xf32, #tpu.memory_space<hbm>> -> memref<1x64xf32, #tpu.memory_space<hbm>>
      %dma_start3A_1490 = arith.constant 0 : i32
      %dma_start3A_1491 = tpu.memref_slice %arg17[%add3A_1485, %dma_start3A_1490] : memref<256x64xf32, #tpu.memory_space<vmem>> -> memref<1x64xf32, #tpu.memory_space<vmem>>
      %dma_start3A_1492 = arith.constant 0 : i32
      %dma_start3A_1493 = tpu.memref_slice %arg8[%squeeze3A_1483, %dma_start3A_1492] : memref<100000x64xf32, #tpu.memory_space<hbm>> -> memref<1x64xf32, #tpu.memory_space<hbm>>
      tpu.enqueue_dma source(%dma_start3A_1493 : memref<1x64xf32, #tpu.memory_space<hbm>>) target(%dma_start3A_1491 : memref<1x64xf32, #tpu.memory_space<vmem>>) target_semaphore(%arg22 : memref<!tpu.dma_semaphore, #tpu.memory_space<semaphore_mem>>)
      %slice3A_1494 = vector.extract_strided_slice %get3A_1359 {offsets = [3], sizes = [1], strides = [1]} : vector<16xi32> to vector<1xi32>
      %squeeze3A_1495 = vector.extract %slice3A_1494[0] : i32 from vector<1xi32>
      %add3A_1496 = arith.constant 3 : i32
      %add3A_1497 = arith.addi %mul3A_1361, %add3A_1496 : i32
      %dma_start3A_1498 = arith.constant 0 : i32
      %dma_start3A_1499 = tpu.memref_slice %arg18[%add3A_1497, %dma_start3A_1498] : memref<256x64xf32, #tpu.memory_space<vmem>> -> memref<1x64xf32, #tpu.memory_space<vmem>>
      %dma_start3A_1500 = arith.constant 0 : i32
      %dma_start3A_1501 = tpu.memref_slice %arg8[%squeeze3A_1495, %dma_start3A_1500] : memref<100000x64xf32, #tpu.memory_space<hbm>> -> memref<1x64xf32, #tpu.memory_space<hbm>>
      %dma_start3A_1502 = arith.constant 0 : i32
      %dma_start3A_1503 = tpu.memref_slice %arg18[%add3A_1497, %dma_start3A_1502] : memref<256x64xf32, #tpu.memory_space<vmem>> -> memref<1x64xf32, #tpu.memory_space<vmem>>
      %dma_start3A_1504 = arith.constant 0 : i32
      %dma_start3A_1505 = tpu.memref_slice %arg8[%squeeze3A_1495, %dma_start3A_1504] : memref<100000x64xf32, #tpu.memory_space<hbm>> -> memref<1x64xf32, #tpu.memory_space<hbm>>
      tpu.enqueue_dma source(%dma_start3A_1505 : memref<1x64xf32, #tpu.memory_space<hbm>>) target(%dma_start3A_1503 : memref<1x64xf32, #tpu.memory_space<vmem>>) target_semaphore(%arg22 : memref<!tpu.dma_semaphore, #tpu.memory_space<semaphore_mem>>)
      %slice3A_1506 = vector.extract_strided_slice %get3A_1355 {offsets = [4], sizes = [1], strides = [1]} : vector<16xi32> to vector<1xi32>
      %squeeze3A_1507 = vector.extract %slice3A_1506[0] : i32 from vector<1xi32>
      %add3A_1508 = arith.constant 4 : i32
      %add3A_1509 = arith.addi %mul3A_1361, %add3A_1508 : i32
      %dma_start3A_1510 = arith.constant 0 : i32
      %dma_start3A_1511 = tpu.memref_slice %arg16[%add3A_1509, %dma_start3A_1510] : memref<256x64xf32, #tpu.memory_space<vmem>> -> memref<1x64xf32, #tpu.memory_space<vmem>>
      %dma_start3A_1512 = arith.constant 0 : i32
      %dma_start3A_1513 = tpu.memref_slice %arg7[%squeeze3A_1507, %dma_start3A_1512] : memref<100000x64xf32, #tpu.memory_space<hbm>> -> memref<1x64xf32, #tpu.memory_space<hbm>>
      %dma_start3A_1514 = arith.constant 0 : i32
      %dma_start3A_1515 = tpu.memref_slice %arg16[%add3A_1509, %dma_start3A_1514] : memref<256x64xf32, #tpu.memory_space<vmem>> -> memref<1x64xf32, #tpu.memory_space<vmem>>
      %dma_start3A_1516 = arith.constant 0 : i32
      %dma_start3A_1517 = tpu.memref_slice %arg7[%squeeze3A_1507, %dma_start3A_1516] : memref<100000x64xf32, #tpu.memory_space<hbm>> -> memref<1x64xf32, #tpu.memory_space<hbm>>
      tpu.enqueue_dma source(%dma_start3A_1517 : memref<1x64xf32, #tpu.memory_space<hbm>>) target(%dma_start3A_1515 : memref<1x64xf32, #tpu.memory_space<vmem>>) target_semaphore(%arg22 : memref<!tpu.dma_semaphore, #tpu.memory_space<semaphore_mem>>)
      %slice3A_1518 = vector.extract_strided_slice %get3A_1357 {offsets = [4], sizes = [1], strides = [1]} : vector<16xi32> to vector<1xi32>
      %squeeze3A_1519 = vector.extract %slice3A_1518[0] : i32 from vector<1xi32>
      %add3A_1520 = arith.constant 4 : i32
      %add3A_1521 = arith.addi %mul3A_1361, %add3A_1520 : i32
      %dma_start3A_1522 = arith.constant 0 : i32
      %dma_start3A_1523 = tpu.memref_slice %arg17[%add3A_1521, %dma_start3A_1522] : memref<256x64xf32, #tpu.memory_space<vmem>> -> memref<1x64xf32, #tpu.memory_space<vmem>>
      %dma_start3A_1524 = arith.constant 0 : i32
      %dma_start3A_1525 = tpu.memref_slice %arg8[%squeeze3A_1519, %dma_start3A_1524] : memref<100000x64xf32, #tpu.memory_space<hbm>> -> memref<1x64xf32, #tpu.memory_space<hbm>>
      %dma_start3A_1526 = arith.constant 0 : i32
      %dma_start3A_1527 = tpu.memref_slice %arg17[%add3A_1521, %dma_start3A_1526] : memref<256x64xf32, #tpu.memory_space<vmem>> -> memref<1x64xf32, #tpu.memory_space<vmem>>
      %dma_start3A_1528 = arith.constant 0 : i32
      %dma_start3A_1529 = tpu.memref_slice %arg8[%squeeze3A_1519, %dma_start3A_1528] : memref<100000x64xf32, #tpu.memory_space<hbm>> -> memref<1x64xf32, #tpu.memory_space<hbm>>
      tpu.enqueue_dma source(%dma_start3A_1529 : memref<1x64xf32, #tpu.memory_space<hbm>>) target(%dma_start3A_1527 : memref<1x64xf32, #tpu.memory_space<vmem>>) target_semaphore(%arg22 : memref<!tpu.dma_semaphore, #tpu.memory_space<semaphore_mem>>)
      %slice3A_1530 = vector.extract_strided_slice %get3A_1359 {offsets = [4], sizes = [1], strides = [1]} : vector<16xi32> to vector<1xi32>
      %squeeze3A_1531 = vector.extract %slice3A_1530[0] : i32 from vector<1xi32>
      %add3A_1532 = arith.constant 4 : i32
      %add3A_1533 = arith.addi %mul3A_1361, %add3A_1532 : i32
      %dma_start3A_1534 = arith.constant 0 : i32
      %dma_start3A_1535 = tpu.memref_slice %arg18[%add3A_1533, %dma_start3A_1534] : memref<256x64xf32, #tpu.memory_space<vmem>> -> memref<1x64xf32, #tpu.memory_space<vmem>>
      %dma_start3A_1536 = arith.constant 0 : i32
      %dma_start3A_1537 = tpu.memref_slice %arg8[%squeeze3A_1531, %dma_start3A_1536] : memref<100000x64xf32, #tpu.memory_space<hbm>> -> memref<1x64xf32, #tpu.memory_space<hbm>>
      %dma_start3A_1538 = arith.constant 0 : i32
      %dma_start3A_1539 = tpu.memref_slice %arg18[%add3A_1533, %dma_start3A_1538] : memref<256x64xf32, #tpu.memory_space<vmem>> -> memref<1x64xf32, #tpu.memory_space<vmem>>
      %dma_start3A_1540 = arith.constant 0 : i32
      %dma_start3A_1541 = tpu.memref_slice %arg8[%squeeze3A_1531, %dma_start3A_1540] : memref<100000x64xf32, #tpu.memory_space<hbm>> -> memref<1x64xf32, #tpu.memory_space<hbm>>
      tpu.enqueue_dma source(%dma_start3A_1541 : memref<1x64xf32, #tpu.memory_space<hbm>>) target(%dma_start3A_1539 : memref<1x64xf32, #tpu.memory_space<vmem>>) target_semaphore(%arg22 : memref<!tpu.dma_semaphore, #tpu.memory_space<semaphore_mem>>)
      %slice3A_1542 = vector.extract_strided_slice %get3A_1355 {offsets = [5], sizes = [1], strides = [1]} : vector<16xi32> to vector<1xi32>
      %squeeze3A_1543 = vector.extract %slice3A_1542[0] : i32 from vector<1xi32>
      %add3A_1544 = arith.constant 5 : i32
      %add3A_1545 = arith.addi %mul3A_1361, %add3A_1544 : i32
      %dma_start3A_1546 = arith.constant 0 : i32
      %dma_start3A_1547 = tpu.memref_slice %arg16[%add3A_1545, %dma_start3A_1546] : memref<256x64xf32, #tpu.memory_space<vmem>> -> memref<1x64xf32, #tpu.memory_space<vmem>>
      %dma_start3A_1548 = arith.constant 0 : i32
      %dma_start3A_1549 = tpu.memref_slice %arg7[%squeeze3A_1543, %dma_start3A_1548] : memref<100000x64xf32, #tpu.memory_space<hbm>> -> memref<1x64xf32, #tpu.memory_space<hbm>>
      %dma_start3A_1550 = arith.constant 0 : i32
      %dma_start3A_1551 = tpu.memref_slice %arg16[%add3A_1545, %dma_start3A_1550] : memref<256x64xf32, #tpu.memory_space<vmem>> -> memref<1x64xf32, #tpu.memory_space<vmem>>
      %dma_start3A_1552 = arith.constant 0 : i32
      %dma_start3A_1553 = tpu.memref_slice %arg7[%squeeze3A_1543, %dma_start3A_1552] : memref<100000x64xf32, #tpu.memory_space<hbm>> -> memref<1x64xf32, #tpu.memory_space<hbm>>
      tpu.enqueue_dma source(%dma_start3A_1553 : memref<1x64xf32, #tpu.memory_space<hbm>>) target(%dma_start3A_1551 : memref<1x64xf32, #tpu.memory_space<vmem>>) target_semaphore(%arg22 : memref<!tpu.dma_semaphore, #tpu.memory_space<semaphore_mem>>)
      %slice3A_1554 = vector.extract_strided_slice %get3A_1357 {offsets = [5], sizes = [1], strides = [1]} : vector<16xi32> to vector<1xi32>
      %squeeze3A_1555 = vector.extract %slice3A_1554[0] : i32 from vector<1xi32>
      %add3A_1556 = arith.constant 5 : i32
      %add3A_1557 = arith.addi %mul3A_1361, %add3A_1556 : i32
      %dma_start3A_1558 = arith.constant 0 : i32
      %dma_start3A_1559 = tpu.memref_slice %arg17[%add3A_1557, %dma_start3A_1558] : memref<256x64xf32, #tpu.memory_space<vmem>> -> memref<1x64xf32, #tpu.memory_space<vmem>>
      %dma_start3A_1560 = arith.constant 0 : i32
      %dma_start3A_1561 = tpu.memref_slice %arg8[%squeeze3A_1555, %dma_start3A_1560] : memref<100000x64xf32, #tpu.memory_space<hbm>> -> memref<1x64xf32, #tpu.memory_space<hbm>>
      %dma_start3A_1562 = arith.constant 0 : i32
      %dma_start3A_1563 = tpu.memref_slice %arg17[%add3A_1557, %dma_start3A_1562] : memref<256x64xf32, #tpu.memory_space<vmem>> -> memref<1x64xf32, #tpu.memory_space<vmem>>
      %dma_start3A_1564 = arith.constant 0 : i32
      %dma_start3A_1565 = tpu.memref_slice %arg8[%squeeze3A_1555, %dma_start3A_1564] : memref<100000x64xf32, #tpu.memory_space<hbm>> -> memref<1x64xf32, #tpu.memory_space<hbm>>
      tpu.enqueue_dma source(%dma_start3A_1565 : memref<1x64xf32, #tpu.memory_space<hbm>>) target(%dma_start3A_1563 : memref<1x64xf32, #tpu.memory_space<vmem>>) target_semaphore(%arg22 : memref<!tpu.dma_semaphore, #tpu.memory_space<semaphore_mem>>)
      %slice3A_1566 = vector.extract_strided_slice %get3A_1359 {offsets = [5], sizes = [1], strides = [1]} : vector<16xi32> to vector<1xi32>
      %squeeze3A_1567 = vector.extract %slice3A_1566[0] : i32 from vector<1xi32>
      %add3A_1568 = arith.constant 5 : i32
      %add3A_1569 = arith.addi %mul3A_1361, %add3A_1568 : i32
      %dma_start3A_1570 = arith.constant 0 : i32
      %dma_start3A_1571 = tpu.memref_slice %arg18[%add3A_1569, %dma_start3A_1570] : memref<256x64xf32, #tpu.memory_space<vmem>> -> memref<1x64xf32, #tpu.memory_space<vmem>>
      %dma_start3A_1572 = arith.constant 0 : i32
      %dma_start3A_1573 = tpu.memref_slice %arg8[%squeeze3A_1567, %dma_start3A_1572] : memref<100000x64xf32, #tpu.memory_space<hbm>> -> memref<1x64xf32, #tpu.memory_space<hbm>>
      %dma_start3A_1574 = arith.constant 0 : i32
      %dma_start3A_1575 = tpu.memref_slice %arg18[%add3A_1569, %dma_start3A_1574] : memref<256x64xf32, #tpu.memory_space<vmem>> -> memref<1x64xf32, #tpu.memory_space<vmem>>
      %dma_start3A_1576 = arith.constant 0 : i32
      %dma_start3A_1577 = tpu.memref_slice %arg8[%squeeze3A_1567, %dma_start3A_1576] : memref<100000x64xf32, #tpu.memory_space<hbm>> -> memref<1x64xf32, #tpu.memory_space<hbm>>
      tpu.enqueue_dma source(%dma_start3A_1577 : memref<1x64xf32, #tpu.memory_space<hbm>>) target(%dma_start3A_1575 : memref<1x64xf32, #tpu.memory_space<vmem>>) target_semaphore(%arg22 : memref<!tpu.dma_semaphore, #tpu.memory_space<semaphore_mem>>)
      %slice3A_1578 = vector.extract_strided_slice %get3A_1355 {offsets = [6], sizes = [1], strides = [1]} : vector<16xi32> to vector<1xi32>
      %squeeze3A_1579 = vector.extract %slice3A_1578[0] : i32 from vector<1xi32>
      %add3A_1580 = arith.constant 6 : i32
      %add3A_1581 = arith.addi %mul3A_1361, %add3A_1580 : i32
      %dma_start3A_1582 = arith.constant 0 : i32
      %dma_start3A_1583 = tpu.memref_slice %arg16[%add3A_1581, %dma_start3A_1582] : memref<256x64xf32, #tpu.memory_space<vmem>> -> memref<1x64xf32, #tpu.memory_space<vmem>>
      %dma_start3A_1584 = arith.constant 0 : i32
      %dma_start3A_1585 = tpu.memref_slice %arg7[%squeeze3A_1579, %dma_start3A_1584] : memref<100000x64xf32, #tpu.memory_space<hbm>> -> memref<1x64xf32, #tpu.memory_space<hbm>>
      %dma_start3A_1586 = arith.constant 0 : i32
      %dma_start3A_1587 = tpu.memref_slice %arg16[%add3A_1581, %dma_start3A_1586] : memref<256x64xf32, #tpu.memory_space<vmem>> -> memref<1x64xf32, #tpu.memory_space<vmem>>
      %dma_start3A_1588 = arith.constant 0 : i32
      %dma_start3A_1589 = tpu.memref_slice %arg7[%squeeze3A_1579, %dma_start3A_1588] : memref<100000x64xf32, #tpu.memory_space<hbm>> -> memref<1x64xf32, #tpu.memory_space<hbm>>
      tpu.enqueue_dma source(%dma_start3A_1589 : memref<1x64xf32, #tpu.memory_space<hbm>>) target(%dma_start3A_1587 : memref<1x64xf32, #tpu.memory_space<vmem>>) target_semaphore(%arg22 : memref<!tpu.dma_semaphore, #tpu.memory_space<semaphore_mem>>)
      %slice3A_1590 = vector.extract_strided_slice %get3A_1357 {offsets = [6], sizes = [1], strides = [1]} : vector<16xi32> to vector<1xi32>
      %squeeze3A_1591 = vector.extract %slice3A_1590[0] : i32 from vector<1xi32>
      %add3A_1592 = arith.constant 6 : i32
      %add3A_1593 = arith.addi %mul3A_1361, %add3A_1592 : i32
      %dma_start3A_1594 = arith.constant 0 : i32
      %dma_start3A_1595 = tpu.memref_slice %arg17[%add3A_1593, %dma_start3A_1594] : memref<256x64xf32, #tpu.memory_space<vmem>> -> memref<1x64xf32, #tpu.memory_space<vmem>>
      %dma_start3A_1596 = arith.constant 0 : i32
      %dma_start3A_1597 = tpu.memref_slice %arg8[%squeeze3A_1591, %dma_start3A_1596] : memref<100000x64xf32, #tpu.memory_space<hbm>> -> memref<1x64xf32, #tpu.memory_space<hbm>>
      %dma_start3A_1598 = arith.constant 0 : i32
      %dma_start3A_1599 = tpu.memref_slice %arg17[%add3A_1593, %dma_start3A_1598] : memref<256x64xf32, #tpu.memory_space<vmem>> -> memref<1x64xf32, #tpu.memory_space<vmem>>
      %dma_start3A_1600 = arith.constant 0 : i32
      %dma_start3A_1601 = tpu.memref_slice %arg8[%squeeze3A_1591, %dma_start3A_1600] : memref<100000x64xf32, #tpu.memory_space<hbm>> -> memref<1x64xf32, #tpu.memory_space<hbm>>
      tpu.enqueue_dma source(%dma_start3A_1601 : memref<1x64xf32, #tpu.memory_space<hbm>>) target(%dma_start3A_1599 : memref<1x64xf32, #tpu.memory_space<vmem>>) target_semaphore(%arg22 : memref<!tpu.dma_semaphore, #tpu.memory_space<semaphore_mem>>)
      %slice3A_1602 = vector.extract_strided_slice %get3A_1359 {offsets = [6], sizes = [1], strides = [1]} : vector<16xi32> to vector<1xi32>
      %squeeze3A_1603 = vector.extract %slice3A_1602[0] : i32 from vector<1xi32>
      %add3A_1604 = arith.constant 6 : i32
      %add3A_1605 = arith.addi %mul3A_1361, %add3A_1604 : i32
      %dma_start3A_1606 = arith.constant 0 : i32
      %dma_start3A_1607 = tpu.memref_slice %arg18[%add3A_1605, %dma_start3A_1606] : memref<256x64xf32, #tpu.memory_space<vmem>> -> memref<1x64xf32, #tpu.memory_space<vmem>>
      %dma_start3A_1608 = arith.constant 0 : i32
      %dma_start3A_1609 = tpu.memref_slice %arg8[%squeeze3A_1603, %dma_start3A_1608] : memref<100000x64xf32, #tpu.memory_space<hbm>> -> memref<1x64xf32, #tpu.memory_space<hbm>>
      %dma_start3A_1610 = arith.constant 0 : i32
      %dma_start3A_1611 = tpu.memref_slice %arg18[%add3A_1605, %dma_start3A_1610] : memref<256x64xf32, #tpu.memory_space<vmem>> -> memref<1x64xf32, #tpu.memory_space<vmem>>
      %dma_start3A_1612 = arith.constant 0 : i32
      %dma_start3A_1613 = tpu.memref_slice %arg8[%squeeze3A_1603, %dma_start3A_1612] : memref<100000x64xf32, #tpu.memory_space<hbm>> -> memref<1x64xf32, #tpu.memory_space<hbm>>
      tpu.enqueue_dma source(%dma_start3A_1613 : memref<1x64xf32, #tpu.memory_space<hbm>>) target(%dma_start3A_1611 : memref<1x64xf32, #tpu.memory_space<vmem>>) target_semaphore(%arg22 : memref<!tpu.dma_semaphore, #tpu.memory_space<semaphore_mem>>)
      %slice3A_1614 = vector.extract_strided_slice %get3A_1355 {offsets = [7], sizes = [1], strides = [1]} : vector<16xi32> to vector<1xi32>
      %squeeze3A_1615 = vector.extract %slice3A_1614[0] : i32 from vector<1xi32>
      %add3A_1616 = arith.constant 7 : i32
      %add3A_1617 = arith.addi %mul3A_1361, %add3A_1616 : i32
      %dma_start3A_1618 = arith.constant 0 : i32
      %dma_start3A_1619 = tpu.memref_slice %arg16[%add3A_1617, %dma_start3A_1618] : memref<256x64xf32, #tpu.memory_space<vmem>> -> memref<1x64xf32, #tpu.memory_space<vmem>>
      %dma_start3A_1620 = arith.constant 0 : i32
      %dma_start3A_1621 = tpu.memref_slice %arg7[%squeeze3A_1615, %dma_start3A_1620] : memref<100000x64xf32, #tpu.memory_space<hbm>> -> memref<1x64xf32, #tpu.memory_space<hbm>>
      %dma_start3A_1622 = arith.constant 0 : i32
      %dma_start3A_1623 = tpu.memref_slice %arg16[%add3A_1617, %dma_start3A_1622] : memref<256x64xf32, #tpu.memory_space<vmem>> -> memref<1x64xf32, #tpu.memory_space<vmem>>
      %dma_start3A_1624 = arith.constant 0 : i32
      %dma_start3A_1625 = tpu.memref_slice %arg7[%squeeze3A_1615, %dma_start3A_1624] : memref<100000x64xf32, #tpu.memory_space<hbm>> -> memref<1x64xf32, #tpu.memory_space<hbm>>
      tpu.enqueue_dma source(%dma_start3A_1625 : memref<1x64xf32, #tpu.memory_space<hbm>>) target(%dma_start3A_1623 : memref<1x64xf32, #tpu.memory_space<vmem>>) target_semaphore(%arg22 : memref<!tpu.dma_semaphore, #tpu.memory_space<semaphore_mem>>)
      %slice3A_1626 = vector.extract_strided_slice %get3A_1357 {offsets = [7], sizes = [1], strides = [1]} : vector<16xi32> to vector<1xi32>
      %squeeze3A_1627 = vector.extract %slice3A_1626[0] : i32 from vector<1xi32>
      %add3A_1628 = arith.constant 7 : i32
      %add3A_1629 = arith.addi %mul3A_1361, %add3A_1628 : i32
      %dma_start3A_1630 = arith.constant 0 : i32
      %dma_start3A_1631 = tpu.memref_slice %arg17[%add3A_1629, %dma_start3A_1630] : memref<256x64xf32, #tpu.memory_space<vmem>> -> memref<1x64xf32, #tpu.memory_space<vmem>>
      %dma_start3A_1632 = arith.constant 0 : i32
      %dma_start3A_1633 = tpu.memref_slice %arg8[%squeeze3A_1627, %dma_start3A_1632] : memref<100000x64xf32, #tpu.memory_space<hbm>> -> memref<1x64xf32, #tpu.memory_space<hbm>>
      %dma_start3A_1634 = arith.constant 0 : i32
      %dma_start3A_1635 = tpu.memref_slice %arg17[%add3A_1629, %dma_start3A_1634] : memref<256x64xf32, #tpu.memory_space<vmem>> -> memref<1x64xf32, #tpu.memory_space<vmem>>
      %dma_start3A_1636 = arith.constant 0 : i32
      %dma_start3A_1637 = tpu.memref_slice %arg8[%squeeze3A_1627, %dma_start3A_1636] : memref<100000x64xf32, #tpu.memory_space<hbm>> -> memref<1x64xf32, #tpu.memory_space<hbm>>
      tpu.enqueue_dma source(%dma_start3A_1637 : memref<1x64xf32, #tpu.memory_space<hbm>>) target(%dma_start3A_1635 : memref<1x64xf32, #tpu.memory_space<vmem>>) target_semaphore(%arg22 : memref<!tpu.dma_semaphore, #tpu.memory_space<semaphore_mem>>)
      %slice3A_1638 = vector.extract_strided_slice %get3A_1359 {offsets = [7], sizes = [1], strides = [1]} : vector<16xi32> to vector<1xi32>
      %squeeze3A_1639 = vector.extract %slice3A_1638[0] : i32 from vector<1xi32>
      %add3A_1640 = arith.constant 7 : i32
      %add3A_1641 = arith.addi %mul3A_1361, %add3A_1640 : i32
      %dma_start3A_1642 = arith.constant 0 : i32
      %dma_start3A_1643 = tpu.memref_slice %arg18[%add3A_1641, %dma_start3A_1642] : memref<256x64xf32, #tpu.memory_space<vmem>> -> memref<1x64xf32, #tpu.memory_space<vmem>>
      %dma_start3A_1644 = arith.constant 0 : i32
      %dma_start3A_1645 = tpu.memref_slice %arg8[%squeeze3A_1639, %dma_start3A_1644] : memref<100000x64xf32, #tpu.memory_space<hbm>> -> memref<1x64xf32, #tpu.memory_space<hbm>>
      %dma_start3A_1646 = arith.constant 0 : i32
      %dma_start3A_1647 = tpu.memref_slice %arg18[%add3A_1641, %dma_start3A_1646] : memref<256x64xf32, #tpu.memory_space<vmem>> -> memref<1x64xf32, #tpu.memory_space<vmem>>
      %dma_start3A_1648 = arith.constant 0 : i32
      %dma_start3A_1649 = tpu.memref_slice %arg8[%squeeze3A_1639, %dma_start3A_1648] : memref<100000x64xf32, #tpu.memory_space<hbm>> -> memref<1x64xf32, #tpu.memory_space<hbm>>
      tpu.enqueue_dma source(%dma_start3A_1649 : memref<1x64xf32, #tpu.memory_space<hbm>>) target(%dma_start3A_1647 : memref<1x64xf32, #tpu.memory_space<vmem>>) target_semaphore(%arg22 : memref<!tpu.dma_semaphore, #tpu.memory_space<semaphore_mem>>)
      %slice3A_1650 = vector.extract_strided_slice %get3A_1355 {offsets = [8], sizes = [1], strides = [1]} : vector<16xi32> to vector<1xi32>
      %squeeze3A_1651 = vector.extract %slice3A_1650[0] : i32 from vector<1xi32>
      %add3A_1652 = arith.constant 8 : i32
      %add3A_1653 = arith.addi %mul3A_1361, %add3A_1652 : i32
      %dma_start3A_1654 = arith.constant 0 : i32
      %dma_start3A_1655 = tpu.memref_slice %arg16[%add3A_1653, %dma_start3A_1654] : memref<256x64xf32, #tpu.memory_space<vmem>> -> memref<1x64xf32, #tpu.memory_space<vmem>>
      %dma_start3A_1656 = arith.constant 0 : i32
      %dma_start3A_1657 = tpu.memref_slice %arg7[%squeeze3A_1651, %dma_start3A_1656] : memref<100000x64xf32, #tpu.memory_space<hbm>> -> memref<1x64xf32, #tpu.memory_space<hbm>>
      %dma_start3A_1658 = arith.constant 0 : i32
      %dma_start3A_1659 = tpu.memref_slice %arg16[%add3A_1653, %dma_start3A_1658] : memref<256x64xf32, #tpu.memory_space<vmem>> -> memref<1x64xf32, #tpu.memory_space<vmem>>
      %dma_start3A_1660 = arith.constant 0 : i32
      %dma_start3A_1661 = tpu.memref_slice %arg7[%squeeze3A_1651, %dma_start3A_1660] : memref<100000x64xf32, #tpu.memory_space<hbm>> -> memref<1x64xf32, #tpu.memory_space<hbm>>
      tpu.enqueue_dma source(%dma_start3A_1661 : memref<1x64xf32, #tpu.memory_space<hbm>>) target(%dma_start3A_1659 : memref<1x64xf32, #tpu.memory_space<vmem>>) target_semaphore(%arg22 : memref<!tpu.dma_semaphore, #tpu.memory_space<semaphore_mem>>)
      %slice3A_1662 = vector.extract_strided_slice %get3A_1357 {offsets = [8], sizes = [1], strides = [1]} : vector<16xi32> to vector<1xi32>
      %squeeze3A_1663 = vector.extract %slice3A_1662[0] : i32 from vector<1xi32>
      %add3A_1664 = arith.constant 8 : i32
      %add3A_1665 = arith.addi %mul3A_1361, %add3A_1664 : i32
      %dma_start3A_1666 = arith.constant 0 : i32
      %dma_start3A_1667 = tpu.memref_slice %arg17[%add3A_1665, %dma_start3A_1666] : memref<256x64xf32, #tpu.memory_space<vmem>> -> memref<1x64xf32, #tpu.memory_space<vmem>>
      %dma_start3A_1668 = arith.constant 0 : i32
      %dma_start3A_1669 = tpu.memref_slice %arg8[%squeeze3A_1663, %dma_start3A_1668] : memref<100000x64xf32, #tpu.memory_space<hbm>> -> memref<1x64xf32, #tpu.memory_space<hbm>>
      %dma_start3A_1670 = arith.constant 0 : i32
      %dma_start3A_1671 = tpu.memref_slice %arg17[%add3A_1665, %dma_start3A_1670] : memref<256x64xf32, #tpu.memory_space<vmem>> -> memref<1x64xf32, #tpu.memory_space<vmem>>
      %dma_start3A_1672 = arith.constant 0 : i32
      %dma_start3A_1673 = tpu.memref_slice %arg8[%squeeze3A_1663, %dma_start3A_1672] : memref<100000x64xf32, #tpu.memory_space<hbm>> -> memref<1x64xf32, #tpu.memory_space<hbm>>
      tpu.enqueue_dma source(%dma_start3A_1673 : memref<1x64xf32, #tpu.memory_space<hbm>>) target(%dma_start3A_1671 : memref<1x64xf32, #tpu.memory_space<vmem>>) target_semaphore(%arg22 : memref<!tpu.dma_semaphore, #tpu.memory_space<semaphore_mem>>)
      %slice3A_1674 = vector.extract_strided_slice %get3A_1359 {offsets = [8], sizes = [1], strides = [1]} : vector<16xi32> to vector<1xi32>
      %squeeze3A_1675 = vector.extract %slice3A_1674[0] : i32 from vector<1xi32>
      %add3A_1676 = arith.constant 8 : i32
      %add3A_1677 = arith.addi %mul3A_1361, %add3A_1676 : i32
      %dma_start3A_1678 = arith.constant 0 : i32
      %dma_start3A_1679 = tpu.memref_slice %arg18[%add3A_1677, %dma_start3A_1678] : memref<256x64xf32, #tpu.memory_space<vmem>> -> memref<1x64xf32, #tpu.memory_space<vmem>>
      %dma_start3A_1680 = arith.constant 0 : i32
      %dma_start3A_1681 = tpu.memref_slice %arg8[%squeeze3A_1675, %dma_start3A_1680] : memref<100000x64xf32, #tpu.memory_space<hbm>> -> memref<1x64xf32, #tpu.memory_space<hbm>>
      %dma_start3A_1682 = arith.constant 0 : i32
      %dma_start3A_1683 = tpu.memref_slice %arg18[%add3A_1677, %dma_start3A_1682] : memref<256x64xf32, #tpu.memory_space<vmem>> -> memref<1x64xf32, #tpu.memory_space<vmem>>
      %dma_start3A_1684 = arith.constant 0 : i32
      %dma_start3A_1685 = tpu.memref_slice %arg8[%squeeze3A_1675, %dma_start3A_1684] : memref<100000x64xf32, #tpu.memory_space<hbm>> -> memref<1x64xf32, #tpu.memory_space<hbm>>
      tpu.enqueue_dma source(%dma_start3A_1685 : memref<1x64xf32, #tpu.memory_space<hbm>>) target(%dma_start3A_1683 : memref<1x64xf32, #tpu.memory_space<vmem>>) target_semaphore(%arg22 : memref<!tpu.dma_semaphore, #tpu.memory_space<semaphore_mem>>)
      %slice3A_1686 = vector.extract_strided_slice %get3A_1355 {offsets = [9], sizes = [1], strides = [1]} : vector<16xi32> to vector<1xi32>
      %squeeze3A_1687 = vector.extract %slice3A_1686[0] : i32 from vector<1xi32>
      %add3A_1688 = arith.constant 9 : i32
      %add3A_1689 = arith.addi %mul3A_1361, %add3A_1688 : i32
      %dma_start3A_1690 = arith.constant 0 : i32
      %dma_start3A_1691 = tpu.memref_slice %arg16[%add3A_1689, %dma_start3A_1690] : memref<256x64xf32, #tpu.memory_space<vmem>> -> memref<1x64xf32, #tpu.memory_space<vmem>>
      %dma_start3A_1692 = arith.constant 0 : i32
      %dma_start3A_1693 = tpu.memref_slice %arg7[%squeeze3A_1687, %dma_start3A_1692] : memref<100000x64xf32, #tpu.memory_space<hbm>> -> memref<1x64xf32, #tpu.memory_space<hbm>>
      %dma_start3A_1694 = arith.constant 0 : i32
      %dma_start3A_1695 = tpu.memref_slice %arg16[%add3A_1689, %dma_start3A_1694] : memref<256x64xf32, #tpu.memory_space<vmem>> -> memref<1x64xf32, #tpu.memory_space<vmem>>
      %dma_start3A_1696 = arith.constant 0 : i32
      %dma_start3A_1697 = tpu.memref_slice %arg7[%squeeze3A_1687, %dma_start3A_1696] : memref<100000x64xf32, #tpu.memory_space<hbm>> -> memref<1x64xf32, #tpu.memory_space<hbm>>
      tpu.enqueue_dma source(%dma_start3A_1697 : memref<1x64xf32, #tpu.memory_space<hbm>>) target(%dma_start3A_1695 : memref<1x64xf32, #tpu.memory_space<vmem>>) target_semaphore(%arg22 : memref<!tpu.dma_semaphore, #tpu.memory_space<semaphore_mem>>)
      %slice3A_1698 = vector.extract_strided_slice %get3A_1357 {offsets = [9], sizes = [1], strides = [1]} : vector<16xi32> to vector<1xi32>
      %squeeze3A_1699 = vector.extract %slice3A_1698[0] : i32 from vector<1xi32>
      %add3A_1700 = arith.constant 9 : i32
      %add3A_1701 = arith.addi %mul3A_1361, %add3A_1700 : i32
      %dma_start3A_1702 = arith.constant 0 : i32
      %dma_start3A_1703 = tpu.memref_slice %arg17[%add3A_1701, %dma_start3A_1702] : memref<256x64xf32, #tpu.memory_space<vmem>> -> memref<1x64xf32, #tpu.memory_space<vmem>>
      %dma_start3A_1704 = arith.constant 0 : i32
      %dma_start3A_1705 = tpu.memref_slice %arg8[%squeeze3A_1699, %dma_start3A_1704] : memref<100000x64xf32, #tpu.memory_space<hbm>> -> memref<1x64xf32, #tpu.memory_space<hbm>>
      %dma_start3A_1706 = arith.constant 0 : i32
      %dma_start3A_1707 = tpu.memref_slice %arg17[%add3A_1701, %dma_start3A_1706] : memref<256x64xf32, #tpu.memory_space<vmem>> -> memref<1x64xf32, #tpu.memory_space<vmem>>
      %dma_start3A_1708 = arith.constant 0 : i32
      %dma_start3A_1709 = tpu.memref_slice %arg8[%squeeze3A_1699, %dma_start3A_1708] : memref<100000x64xf32, #tpu.memory_space<hbm>> -> memref<1x64xf32, #tpu.memory_space<hbm>>
      tpu.enqueue_dma source(%dma_start3A_1709 : memref<1x64xf32, #tpu.memory_space<hbm>>) target(%dma_start3A_1707 : memref<1x64xf32, #tpu.memory_space<vmem>>) target_semaphore(%arg22 : memref<!tpu.dma_semaphore, #tpu.memory_space<semaphore_mem>>)
      %slice3A_1710 = vector.extract_strided_slice %get3A_1359 {offsets = [9], sizes = [1], strides = [1]} : vector<16xi32> to vector<1xi32>
      %squeeze3A_1711 = vector.extract %slice3A_1710[0] : i32 from vector<1xi32>
      %add3A_1712 = arith.constant 9 : i32
      %add3A_1713 = arith.addi %mul3A_1361, %add3A_1712 : i32
      %dma_start3A_1714 = arith.constant 0 : i32
      %dma_start3A_1715 = tpu.memref_slice %arg18[%add3A_1713, %dma_start3A_1714] : memref<256x64xf32, #tpu.memory_space<vmem>> -> memref<1x64xf32, #tpu.memory_space<vmem>>
      %dma_start3A_1716 = arith.constant 0 : i32
      %dma_start3A_1717 = tpu.memref_slice %arg8[%squeeze3A_1711, %dma_start3A_1716] : memref<100000x64xf32, #tpu.memory_space<hbm>> -> memref<1x64xf32, #tpu.memory_space<hbm>>
      %dma_start3A_1718 = arith.constant 0 : i32
      %dma_start3A_1719 = tpu.memref_slice %arg18[%add3A_1713, %dma_start3A_1718] : memref<256x64xf32, #tpu.memory_space<vmem>> -> memref<1x64xf32, #tpu.memory_space<vmem>>
      %dma_start3A_1720 = arith.constant 0 : i32
      %dma_start3A_1721 = tpu.memref_slice %arg8[%squeeze3A_1711, %dma_start3A_1720] : memref<100000x64xf32, #tpu.memory_space<hbm>> -> memref<1x64xf32, #tpu.memory_space<hbm>>
      tpu.enqueue_dma source(%dma_start3A_1721 : memref<1x64xf32, #tpu.memory_space<hbm>>) target(%dma_start3A_1719 : memref<1x64xf32, #tpu.memory_space<vmem>>) target_semaphore(%arg22 : memref<!tpu.dma_semaphore, #tpu.memory_space<semaphore_mem>>)
      %slice3A_1722 = vector.extract_strided_slice %get3A_1355 {offsets = [10], sizes = [1], strides = [1]} : vector<16xi32> to vector<1xi32>
      %squeeze3A_1723 = vector.extract %slice3A_1722[0] : i32 from vector<1xi32>
      %add3A_1724 = arith.constant 10 : i32
      %add3A_1725 = arith.addi %mul3A_1361, %add3A_1724 : i32
      %dma_start3A_1726 = arith.constant 0 : i32
      %dma_start3A_1727 = tpu.memref_slice %arg16[%add3A_1725, %dma_start3A_1726] : memref<256x64xf32, #tpu.memory_space<vmem>> -> memref<1x64xf32, #tpu.memory_space<vmem>>
      %dma_start3A_1728 = arith.constant 0 : i32
      %dma_start3A_1729 = tpu.memref_slice %arg7[%squeeze3A_1723, %dma_start3A_1728] : memref<100000x64xf32, #tpu.memory_space<hbm>> -> memref<1x64xf32, #tpu.memory_space<hbm>>
      %dma_start3A_1730 = arith.constant 0 : i32
      %dma_start3A_1731 = tpu.memref_slice %arg16[%add3A_1725, %dma_start3A_1730] : memref<256x64xf32, #tpu.memory_space<vmem>> -> memref<1x64xf32, #tpu.memory_space<vmem>>
      %dma_start3A_1732 = arith.constant 0 : i32
      %dma_start3A_1733 = tpu.memref_slice %arg7[%squeeze3A_1723, %dma_start3A_1732] : memref<100000x64xf32, #tpu.memory_space<hbm>> -> memref<1x64xf32, #tpu.memory_space<hbm>>
      tpu.enqueue_dma source(%dma_start3A_1733 : memref<1x64xf32, #tpu.memory_space<hbm>>) target(%dma_start3A_1731 : memref<1x64xf32, #tpu.memory_space<vmem>>) target_semaphore(%arg22 : memref<!tpu.dma_semaphore, #tpu.memory_space<semaphore_mem>>)
      %slice3A_1734 = vector.extract_strided_slice %get3A_1357 {offsets = [10], sizes = [1], strides = [1]} : vector<16xi32> to vector<1xi32>
      %squeeze3A_1735 = vector.extract %slice3A_1734[0] : i32 from vector<1xi32>
      %add3A_1736 = arith.constant 10 : i32
      %add3A_1737 = arith.addi %mul3A_1361, %add3A_1736 : i32
      %dma_start3A_1738 = arith.constant 0 : i32
      %dma_start3A_1739 = tpu.memref_slice %arg17[%add3A_1737, %dma_start3A_1738] : memref<256x64xf32, #tpu.memory_space<vmem>> -> memref<1x64xf32, #tpu.memory_space<vmem>>
      %dma_start3A_1740 = arith.constant 0 : i32
      %dma_start3A_1741 = tpu.memref_slice %arg8[%squeeze3A_1735, %dma_start3A_1740] : memref<100000x64xf32, #tpu.memory_space<hbm>> -> memref<1x64xf32, #tpu.memory_space<hbm>>
      %dma_start3A_1742 = arith.constant 0 : i32
      %dma_start3A_1743 = tpu.memref_slice %arg17[%add3A_1737, %dma_start3A_1742] : memref<256x64xf32, #tpu.memory_space<vmem>> -> memref<1x64xf32, #tpu.memory_space<vmem>>
      %dma_start3A_1744 = arith.constant 0 : i32
      %dma_start3A_1745 = tpu.memref_slice %arg8[%squeeze3A_1735, %dma_start3A_1744] : memref<100000x64xf32, #tpu.memory_space<hbm>> -> memref<1x64xf32, #tpu.memory_space<hbm>>
      tpu.enqueue_dma source(%dma_start3A_1745 : memref<1x64xf32, #tpu.memory_space<hbm>>) target(%dma_start3A_1743 : memref<1x64xf32, #tpu.memory_space<vmem>>) target_semaphore(%arg22 : memref<!tpu.dma_semaphore, #tpu.memory_space<semaphore_mem>>)
      %slice3A_1746 = vector.extract_strided_slice %get3A_1359 {offsets = [10], sizes = [1], strides = [1]} : vector<16xi32> to vector<1xi32>
      %squeeze3A_1747 = vector.extract %slice3A_1746[0] : i32 from vector<1xi32>
      %add3A_1748 = arith.constant 10 : i32
      %add3A_1749 = arith.addi %mul3A_1361, %add3A_1748 : i32
      %dma_start3A_1750 = arith.constant 0 : i32
      %dma_start3A_1751 = tpu.memref_slice %arg18[%add3A_1749, %dma_start3A_1750] : memref<256x64xf32, #tpu.memory_space<vmem>> -> memref<1x64xf32, #tpu.memory_space<vmem>>
      %dma_start3A_1752 = arith.constant 0 : i32
      %dma_start3A_1753 = tpu.memref_slice %arg8[%squeeze3A_1747, %dma_start3A_1752] : memref<100000x64xf32, #tpu.memory_space<hbm>> -> memref<1x64xf32, #tpu.memory_space<hbm>>
      %dma_start3A_1754 = arith.constant 0 : i32
      %dma_start3A_1755 = tpu.memref_slice %arg18[%add3A_1749, %dma_start3A_1754] : memref<256x64xf32, #tpu.memory_space<vmem>> -> memref<1x64xf32, #tpu.memory_space<vmem>>
      %dma_start3A_1756 = arith.constant 0 : i32
      %dma_start3A_1757 = tpu.memref_slice %arg8[%squeeze3A_1747, %dma_start3A_1756] : memref<100000x64xf32, #tpu.memory_space<hbm>> -> memref<1x64xf32, #tpu.memory_space<hbm>>
      tpu.enqueue_dma source(%dma_start3A_1757 : memref<1x64xf32, #tpu.memory_space<hbm>>) target(%dma_start3A_1755 : memref<1x64xf32, #tpu.memory_space<vmem>>) target_semaphore(%arg22 : memref<!tpu.dma_semaphore, #tpu.memory_space<semaphore_mem>>)
      %slice3A_1758 = vector.extract_strided_slice %get3A_1355 {offsets = [11], sizes = [1], strides = [1]} : vector<16xi32> to vector<1xi32>
      %squeeze3A_1759 = vector.extract %slice3A_1758[0] : i32 from vector<1xi32>
      %add3A_1760 = arith.constant 11 : i32
      %add3A_1761 = arith.addi %mul3A_1361, %add3A_1760 : i32
      %dma_start3A_1762 = arith.constant 0 : i32
      %dma_start3A_1763 = tpu.memref_slice %arg16[%add3A_1761, %dma_start3A_1762] : memref<256x64xf32, #tpu.memory_space<vmem>> -> memref<1x64xf32, #tpu.memory_space<vmem>>
      %dma_start3A_1764 = arith.constant 0 : i32
      %dma_start3A_1765 = tpu.memref_slice %arg7[%squeeze3A_1759, %dma_start3A_1764] : memref<100000x64xf32, #tpu.memory_space<hbm>> -> memref<1x64xf32, #tpu.memory_space<hbm>>
      %dma_start3A_1766 = arith.constant 0 : i32
      %dma_start3A_1767 = tpu.memref_slice %arg16[%add3A_1761, %dma_start3A_1766] : memref<256x64xf32, #tpu.memory_space<vmem>> -> memref<1x64xf32, #tpu.memory_space<vmem>>
      %dma_start3A_1768 = arith.constant 0 : i32
      %dma_start3A_1769 = tpu.memref_slice %arg7[%squeeze3A_1759, %dma_start3A_1768] : memref<100000x64xf32, #tpu.memory_space<hbm>> -> memref<1x64xf32, #tpu.memory_space<hbm>>
      tpu.enqueue_dma source(%dma_start3A_1769 : memref<1x64xf32, #tpu.memory_space<hbm>>) target(%dma_start3A_1767 : memref<1x64xf32, #tpu.memory_space<vmem>>) target_semaphore(%arg22 : memref<!tpu.dma_semaphore, #tpu.memory_space<semaphore_mem>>)
      %slice3A_1770 = vector.extract_strided_slice %get3A_1357 {offsets = [11], sizes = [1], strides = [1]} : vector<16xi32> to vector<1xi32>
      %squeeze3A_1771 = vector.extract %slice3A_1770[0] : i32 from vector<1xi32>
      %add3A_1772 = arith.constant 11 : i32
      %add3A_1773 = arith.addi %mul3A_1361, %add3A_1772 : i32
      %dma_start3A_1774 = arith.constant 0 : i32
      %dma_start3A_1775 = tpu.memref_slice %arg17[%add3A_1773, %dma_start3A_1774] : memref<256x64xf32, #tpu.memory_space<vmem>> -> memref<1x64xf32, #tpu.memory_space<vmem>>
      %dma_start3A_1776 = arith.constant 0 : i32
      %dma_start3A_1777 = tpu.memref_slice %arg8[%squeeze3A_1771, %dma_start3A_1776] : memref<100000x64xf32, #tpu.memory_space<hbm>> -> memref<1x64xf32, #tpu.memory_space<hbm>>
      %dma_start3A_1778 = arith.constant 0 : i32
      %dma_start3A_1779 = tpu.memref_slice %arg17[%add3A_1773, %dma_start3A_1778] : memref<256x64xf32, #tpu.memory_space<vmem>> -> memref<1x64xf32, #tpu.memory_space<vmem>>
      %dma_start3A_1780 = arith.constant 0 : i32
      %dma_start3A_1781 = tpu.memref_slice %arg8[%squeeze3A_1771, %dma_start3A_1780] : memref<100000x64xf32, #tpu.memory_space<hbm>> -> memref<1x64xf32, #tpu.memory_space<hbm>>
      tpu.enqueue_dma source(%dma_start3A_1781 : memref<1x64xf32, #tpu.memory_space<hbm>>) target(%dma_start3A_1779 : memref<1x64xf32, #tpu.memory_space<vmem>>) target_semaphore(%arg22 : memref<!tpu.dma_semaphore, #tpu.memory_space<semaphore_mem>>)
      %slice3A_1782 = vector.extract_strided_slice %get3A_1359 {offsets = [11], sizes = [1], strides = [1]} : vector<16xi32> to vector<1xi32>
      %squeeze3A_1783 = vector.extract %slice3A_1782[0] : i32 from vector<1xi32>
      %add3A_1784 = arith.constant 11 : i32
      %add3A_1785 = arith.addi %mul3A_1361, %add3A_1784 : i32
      %dma_start3A_1786 = arith.constant 0 : i32
      %dma_start3A_1787 = tpu.memref_slice %arg18[%add3A_1785, %dma_start3A_1786] : memref<256x64xf32, #tpu.memory_space<vmem>> -> memref<1x64xf32, #tpu.memory_space<vmem>>
      %dma_start3A_1788 = arith.constant 0 : i32
      %dma_start3A_1789 = tpu.memref_slice %arg8[%squeeze3A_1783, %dma_start3A_1788] : memref<100000x64xf32, #tpu.memory_space<hbm>> -> memref<1x64xf32, #tpu.memory_space<hbm>>
      %dma_start3A_1790 = arith.constant 0 : i32
      %dma_start3A_1791 = tpu.memref_slice %arg18[%add3A_1785, %dma_start3A_1790] : memref<256x64xf32, #tpu.memory_space<vmem>> -> memref<1x64xf32, #tpu.memory_space<vmem>>
      %dma_start3A_1792 = arith.constant 0 : i32
      %dma_start3A_1793 = tpu.memref_slice %arg8[%squeeze3A_1783, %dma_start3A_1792] : memref<100000x64xf32, #tpu.memory_space<hbm>> -> memref<1x64xf32, #tpu.memory_space<hbm>>
      tpu.enqueue_dma source(%dma_start3A_1793 : memref<1x64xf32, #tpu.memory_space<hbm>>) target(%dma_start3A_1791 : memref<1x64xf32, #tpu.memory_space<vmem>>) target_semaphore(%arg22 : memref<!tpu.dma_semaphore, #tpu.memory_space<semaphore_mem>>)
      %slice3A_1794 = vector.extract_strided_slice %get3A_1355 {offsets = [12], sizes = [1], strides = [1]} : vector<16xi32> to vector<1xi32>
      %squeeze3A_1795 = vector.extract %slice3A_1794[0] : i32 from vector<1xi32>
      %add3A_1796 = arith.constant 12 : i32
      %add3A_1797 = arith.addi %mul3A_1361, %add3A_1796 : i32
      %dma_start3A_1798 = arith.constant 0 : i32
      %dma_start3A_1799 = tpu.memref_slice %arg16[%add3A_1797, %dma_start3A_1798] : memref<256x64xf32, #tpu.memory_space<vmem>> -> memref<1x64xf32, #tpu.memory_space<vmem>>
      %dma_start3A_1800 = arith.constant 0 : i32
      %dma_start3A_1801 = tpu.memref_slice %arg7[%squeeze3A_1795, %dma_start3A_1800] : memref<100000x64xf32, #tpu.memory_space<hbm>> -> memref<1x64xf32, #tpu.memory_space<hbm>>
      %dma_start3A_1802 = arith.constant 0 : i32
      %dma_start3A_1803 = tpu.memref_slice %arg16[%add3A_1797, %dma_start3A_1802] : memref<256x64xf32, #tpu.memory_space<vmem>> -> memref<1x64xf32, #tpu.memory_space<vmem>>
      %dma_start3A_1804 = arith.constant 0 : i32
      %dma_start3A_1805 = tpu.memref_slice %arg7[%squeeze3A_1795, %dma_start3A_1804] : memref<100000x64xf32, #tpu.memory_space<hbm>> -> memref<1x64xf32, #tpu.memory_space<hbm>>
      tpu.enqueue_dma source(%dma_start3A_1805 : memref<1x64xf32, #tpu.memory_space<hbm>>) target(%dma_start3A_1803 : memref<1x64xf32, #tpu.memory_space<vmem>>) target_semaphore(%arg22 : memref<!tpu.dma_semaphore, #tpu.memory_space<semaphore_mem>>)
      %slice3A_1806 = vector.extract_strided_slice %get3A_1357 {offsets = [12], sizes = [1], strides = [1]} : vector<16xi32> to vector<1xi32>
      %squeeze3A_1807 = vector.extract %slice3A_1806[0] : i32 from vector<1xi32>
      %add3A_1808 = arith.constant 12 : i32
      %add3A_1809 = arith.addi %mul3A_1361, %add3A_1808 : i32
      %dma_start3A_1810 = arith.constant 0 : i32
      %dma_start3A_1811 = tpu.memref_slice %arg17[%add3A_1809, %dma_start3A_1810] : memref<256x64xf32, #tpu.memory_space<vmem>> -> memref<1x64xf32, #tpu.memory_space<vmem>>
      %dma_start3A_1812 = arith.constant 0 : i32
      %dma_start3A_1813 = tpu.memref_slice %arg8[%squeeze3A_1807, %dma_start3A_1812] : memref<100000x64xf32, #tpu.memory_space<hbm>> -> memref<1x64xf32, #tpu.memory_space<hbm>>
      %dma_start3A_1814 = arith.constant 0 : i32
      %dma_start3A_1815 = tpu.memref_slice %arg17[%add3A_1809, %dma_start3A_1814] : memref<256x64xf32, #tpu.memory_space<vmem>> -> memref<1x64xf32, #tpu.memory_space<vmem>>
      %dma_start3A_1816 = arith.constant 0 : i32
      %dma_start3A_1817 = tpu.memref_slice %arg8[%squeeze3A_1807, %dma_start3A_1816] : memref<100000x64xf32, #tpu.memory_space<hbm>> -> memref<1x64xf32, #tpu.memory_space<hbm>>
      tpu.enqueue_dma source(%dma_start3A_1817 : memref<1x64xf32, #tpu.memory_space<hbm>>) target(%dma_start3A_1815 : memref<1x64xf32, #tpu.memory_space<vmem>>) target_semaphore(%arg22 : memref<!tpu.dma_semaphore, #tpu.memory_space<semaphore_mem>>)
      %slice3A_1818 = vector.extract_strided_slice %get3A_1359 {offsets = [12], sizes = [1], strides = [1]} : vector<16xi32> to vector<1xi32>
      %squeeze3A_1819 = vector.extract %slice3A_1818[0] : i32 from vector<1xi32>
      %add3A_1820 = arith.constant 12 : i32
      %add3A_1821 = arith.addi %mul3A_1361, %add3A_1820 : i32
      %dma_start3A_1822 = arith.constant 0 : i32
      %dma_start3A_1823 = tpu.memref_slice %arg18[%add3A_1821, %dma_start3A_1822] : memref<256x64xf32, #tpu.memory_space<vmem>> -> memref<1x64xf32, #tpu.memory_space<vmem>>
      %dma_start3A_1824 = arith.constant 0 : i32
      %dma_start3A_1825 = tpu.memref_slice %arg8[%squeeze3A_1819, %dma_start3A_1824] : memref<100000x64xf32, #tpu.memory_space<hbm>> -> memref<1x64xf32, #tpu.memory_space<hbm>>
      %dma_start3A_1826 = arith.constant 0 : i32
      %dma_start3A_1827 = tpu.memref_slice %arg18[%add3A_1821, %dma_start3A_1826] : memref<256x64xf32, #tpu.memory_space<vmem>> -> memref<1x64xf32, #tpu.memory_space<vmem>>
      %dma_start3A_1828 = arith.constant 0 : i32
      %dma_start3A_1829 = tpu.memref_slice %arg8[%squeeze3A_1819, %dma_start3A_1828] : memref<100000x64xf32, #tpu.memory_space<hbm>> -> memref<1x64xf32, #tpu.memory_space<hbm>>
      tpu.enqueue_dma source(%dma_start3A_1829 : memref<1x64xf32, #tpu.memory_space<hbm>>) target(%dma_start3A_1827 : memref<1x64xf32, #tpu.memory_space<vmem>>) target_semaphore(%arg22 : memref<!tpu.dma_semaphore, #tpu.memory_space<semaphore_mem>>)
      %slice3A_1830 = vector.extract_strided_slice %get3A_1355 {offsets = [13], sizes = [1], strides = [1]} : vector<16xi32> to vector<1xi32>
      %squeeze3A_1831 = vector.extract %slice3A_1830[0] : i32 from vector<1xi32>
      %add3A_1832 = arith.constant 13 : i32
      %add3A_1833 = arith.addi %mul3A_1361, %add3A_1832 : i32
      %dma_start3A_1834 = arith.constant 0 : i32
      %dma_start3A_1835 = tpu.memref_slice %arg16[%add3A_1833, %dma_start3A_1834] : memref<256x64xf32, #tpu.memory_space<vmem>> -> memref<1x64xf32, #tpu.memory_space<vmem>>
      %dma_start3A_1836 = arith.constant 0 : i32
      %dma_start3A_1837 = tpu.memref_slice %arg7[%squeeze3A_1831, %dma_start3A_1836] : memref<100000x64xf32, #tpu.memory_space<hbm>> -> memref<1x64xf32, #tpu.memory_space<hbm>>
      %dma_start3A_1838 = arith.constant 0 : i32
      %dma_start3A_1839 = tpu.memref_slice %arg16[%add3A_1833, %dma_start3A_1838] : memref<256x64xf32, #tpu.memory_space<vmem>> -> memref<1x64xf32, #tpu.memory_space<vmem>>
      %dma_start3A_1840 = arith.constant 0 : i32
      %dma_start3A_1841 = tpu.memref_slice %arg7[%squeeze3A_1831, %dma_start3A_1840] : memref<100000x64xf32, #tpu.memory_space<hbm>> -> memref<1x64xf32, #tpu.memory_space<hbm>>
      tpu.enqueue_dma source(%dma_start3A_1841 : memref<1x64xf32, #tpu.memory_space<hbm>>) target(%dma_start3A_1839 : memref<1x64xf32, #tpu.memory_space<vmem>>) target_semaphore(%arg22 : memref<!tpu.dma_semaphore, #tpu.memory_space<semaphore_mem>>)
      %slice3A_1842 = vector.extract_strided_slice %get3A_1357 {offsets = [13], sizes = [1], strides = [1]} : vector<16xi32> to vector<1xi32>
      %squeeze3A_1843 = vector.extract %slice3A_1842[0] : i32 from vector<1xi32>
      %add3A_1844 = arith.constant 13 : i32
      %add3A_1845 = arith.addi %mul3A_1361, %add3A_1844 : i32
      %dma_start3A_1846 = arith.constant 0 : i32
      %dma_start3A_1847 = tpu.memref_slice %arg17[%add3A_1845, %dma_start3A_1846] : memref<256x64xf32, #tpu.memory_space<vmem>> -> memref<1x64xf32, #tpu.memory_space<vmem>>
      %dma_start3A_1848 = arith.constant 0 : i32
      %dma_start3A_1849 = tpu.memref_slice %arg8[%squeeze3A_1843, %dma_start3A_1848] : memref<100000x64xf32, #tpu.memory_space<hbm>> -> memref<1x64xf32, #tpu.memory_space<hbm>>
      %dma_start3A_1850 = arith.constant 0 : i32
      %dma_start3A_1851 = tpu.memref_slice %arg17[%add3A_1845, %dma_start3A_1850] : memref<256x64xf32, #tpu.memory_space<vmem>> -> memref<1x64xf32, #tpu.memory_space<vmem>>
      %dma_start3A_1852 = arith.constant 0 : i32
      %dma_start3A_1853 = tpu.memref_slice %arg8[%squeeze3A_1843, %dma_start3A_1852] : memref<100000x64xf32, #tpu.memory_space<hbm>> -> memref<1x64xf32, #tpu.memory_space<hbm>>
      tpu.enqueue_dma source(%dma_start3A_1853 : memref<1x64xf32, #tpu.memory_space<hbm>>) target(%dma_start3A_1851 : memref<1x64xf32, #tpu.memory_space<vmem>>) target_semaphore(%arg22 : memref<!tpu.dma_semaphore, #tpu.memory_space<semaphore_mem>>)
      %slice3A_1854 = vector.extract_strided_slice %get3A_1359 {offsets = [13], sizes = [1], strides = [1]} : vector<16xi32> to vector<1xi32>
      %squeeze3A_1855 = vector.extract %slice3A_1854[0] : i32 from vector<1xi32>
      %add3A_1856 = arith.constant 13 : i32
      %add3A_1857 = arith.addi %mul3A_1361, %add3A_1856 : i32
      %dma_start3A_1858 = arith.constant 0 : i32
      %dma_start3A_1859 = tpu.memref_slice %arg18[%add3A_1857, %dma_start3A_1858] : memref<256x64xf32, #tpu.memory_space<vmem>> -> memref<1x64xf32, #tpu.memory_space<vmem>>
      %dma_start3A_1860 = arith.constant 0 : i32
      %dma_start3A_1861 = tpu.memref_slice %arg8[%squeeze3A_1855, %dma_start3A_1860] : memref<100000x64xf32, #tpu.memory_space<hbm>> -> memref<1x64xf32, #tpu.memory_space<hbm>>
      %dma_start3A_1862 = arith.constant 0 : i32
      %dma_start3A_1863 = tpu.memref_slice %arg18[%add3A_1857, %dma_start3A_1862] : memref<256x64xf32, #tpu.memory_space<vmem>> -> memref<1x64xf32, #tpu.memory_space<vmem>>
      %dma_start3A_1864 = arith.constant 0 : i32
      %dma_start3A_1865 = tpu.memref_slice %arg8[%squeeze3A_1855, %dma_start3A_1864] : memref<100000x64xf32, #tpu.memory_space<hbm>> -> memref<1x64xf32, #tpu.memory_space<hbm>>
      tpu.enqueue_dma source(%dma_start3A_1865 : memref<1x64xf32, #tpu.memory_space<hbm>>) target(%dma_start3A_1863 : memref<1x64xf32, #tpu.memory_space<vmem>>) target_semaphore(%arg22 : memref<!tpu.dma_semaphore, #tpu.memory_space<semaphore_mem>>)
      %slice3A_1866 = vector.extract_strided_slice %get3A_1355 {offsets = [14], sizes = [1], strides = [1]} : vector<16xi32> to vector<1xi32>
      %squeeze3A_1867 = vector.extract %slice3A_1866[0] : i32 from vector<1xi32>
      %add3A_1868 = arith.constant 14 : i32
      %add3A_1869 = arith.addi %mul3A_1361, %add3A_1868 : i32
      %dma_start3A_1870 = arith.constant 0 : i32
      %dma_start3A_1871 = tpu.memref_slice %arg16[%add3A_1869, %dma_start3A_1870] : memref<256x64xf32, #tpu.memory_space<vmem>> -> memref<1x64xf32, #tpu.memory_space<vmem>>
      %dma_start3A_1872 = arith.constant 0 : i32
      %dma_start3A_1873 = tpu.memref_slice %arg7[%squeeze3A_1867, %dma_start3A_1872] : memref<100000x64xf32, #tpu.memory_space<hbm>> -> memref<1x64xf32, #tpu.memory_space<hbm>>
      %dma_start3A_1874 = arith.constant 0 : i32
      %dma_start3A_1875 = tpu.memref_slice %arg16[%add3A_1869, %dma_start3A_1874] : memref<256x64xf32, #tpu.memory_space<vmem>> -> memref<1x64xf32, #tpu.memory_space<vmem>>
      %dma_start3A_1876 = arith.constant 0 : i32
      %dma_start3A_1877 = tpu.memref_slice %arg7[%squeeze3A_1867, %dma_start3A_1876] : memref<100000x64xf32, #tpu.memory_space<hbm>> -> memref<1x64xf32, #tpu.memory_space<hbm>>
      tpu.enqueue_dma source(%dma_start3A_1877 : memref<1x64xf32, #tpu.memory_space<hbm>>) target(%dma_start3A_1875 : memref<1x64xf32, #tpu.memory_space<vmem>>) target_semaphore(%arg22 : memref<!tpu.dma_semaphore, #tpu.memory_space<semaphore_mem>>)
      %slice3A_1878 = vector.extract_strided_slice %get3A_1357 {offsets = [14], sizes = [1], strides = [1]} : vector<16xi32> to vector<1xi32>
      %squeeze3A_1879 = vector.extract %slice3A_1878[0] : i32 from vector<1xi32>
      %add3A_1880 = arith.constant 14 : i32
      %add3A_1881 = arith.addi %mul3A_1361, %add3A_1880 : i32
      %dma_start3A_1882 = arith.constant 0 : i32
      %dma_start3A_1883 = tpu.memref_slice %arg17[%add3A_1881, %dma_start3A_1882] : memref<256x64xf32, #tpu.memory_space<vmem>> -> memref<1x64xf32, #tpu.memory_space<vmem>>
      %dma_start3A_1884 = arith.constant 0 : i32
      %dma_start3A_1885 = tpu.memref_slice %arg8[%squeeze3A_1879, %dma_start3A_1884] : memref<100000x64xf32, #tpu.memory_space<hbm>> -> memref<1x64xf32, #tpu.memory_space<hbm>>
      %dma_start3A_1886 = arith.constant 0 : i32
      %dma_start3A_1887 = tpu.memref_slice %arg17[%add3A_1881, %dma_start3A_1886] : memref<256x64xf32, #tpu.memory_space<vmem>> -> memref<1x64xf32, #tpu.memory_space<vmem>>
      %dma_start3A_1888 = arith.constant 0 : i32
      %dma_start3A_1889 = tpu.memref_slice %arg8[%squeeze3A_1879, %dma_start3A_1888] : memref<100000x64xf32, #tpu.memory_space<hbm>> -> memref<1x64xf32, #tpu.memory_space<hbm>>
      tpu.enqueue_dma source(%dma_start3A_1889 : memref<1x64xf32, #tpu.memory_space<hbm>>) target(%dma_start3A_1887 : memref<1x64xf32, #tpu.memory_space<vmem>>) target_semaphore(%arg22 : memref<!tpu.dma_semaphore, #tpu.memory_space<semaphore_mem>>)
      %slice3A_1890 = vector.extract_strided_slice %get3A_1359 {offsets = [14], sizes = [1], strides = [1]} : vector<16xi32> to vector<1xi32>
      %squeeze3A_1891 = vector.extract %slice3A_1890[0] : i32 from vector<1xi32>
      %add3A_1892 = arith.constant 14 : i32
      %add3A_1893 = arith.addi %mul3A_1361, %add3A_1892 : i32
      %dma_start3A_1894 = arith.constant 0 : i32
      %dma_start3A_1895 = tpu.memref_slice %arg18[%add3A_1893, %dma_start3A_1894] : memref<256x64xf32, #tpu.memory_space<vmem>> -> memref<1x64xf32, #tpu.memory_space<vmem>>
      %dma_start3A_1896 = arith.constant 0 : i32
      %dma_start3A_1897 = tpu.memref_slice %arg8[%squeeze3A_1891, %dma_start3A_1896] : memref<100000x64xf32, #tpu.memory_space<hbm>> -> memref<1x64xf32, #tpu.memory_space<hbm>>
      %dma_start3A_1898 = arith.constant 0 : i32
      %dma_start3A_1899 = tpu.memref_slice %arg18[%add3A_1893, %dma_start3A_1898] : memref<256x64xf32, #tpu.memory_space<vmem>> -> memref<1x64xf32, #tpu.memory_space<vmem>>
      %dma_start3A_1900 = arith.constant 0 : i32
      %dma_start3A_1901 = tpu.memref_slice %arg8[%squeeze3A_1891, %dma_start3A_1900] : memref<100000x64xf32, #tpu.memory_space<hbm>> -> memref<1x64xf32, #tpu.memory_space<hbm>>
      tpu.enqueue_dma source(%dma_start3A_1901 : memref<1x64xf32, #tpu.memory_space<hbm>>) target(%dma_start3A_1899 : memref<1x64xf32, #tpu.memory_space<vmem>>) target_semaphore(%arg22 : memref<!tpu.dma_semaphore, #tpu.memory_space<semaphore_mem>>)
      %slice3A_1902 = vector.extract_strided_slice %get3A_1355 {offsets = [15], sizes = [1], strides = [1]} : vector<16xi32> to vector<1xi32>
      %squeeze3A_1903 = vector.extract %slice3A_1902[0] : i32 from vector<1xi32>
      %add3A_1904 = arith.constant 15 : i32
      %add3A_1905 = arith.addi %mul3A_1361, %add3A_1904 : i32
      %dma_start3A_1906 = arith.constant 0 : i32
      %dma_start3A_1907 = tpu.memref_slice %arg16[%add3A_1905, %dma_start3A_1906] : memref<256x64xf32, #tpu.memory_space<vmem>> -> memref<1x64xf32, #tpu.memory_space<vmem>>
      %dma_start3A_1908 = arith.constant 0 : i32
      %dma_start3A_1909 = tpu.memref_slice %arg7[%squeeze3A_1903, %dma_start3A_1908] : memref<100000x64xf32, #tpu.memory_space<hbm>> -> memref<1x64xf32, #tpu.memory_space<hbm>>
      %dma_start3A_1910 = arith.constant 0 : i32
      %dma_start3A_1911 = tpu.memref_slice %arg16[%add3A_1905, %dma_start3A_1910] : memref<256x64xf32, #tpu.memory_space<vmem>> -> memref<1x64xf32, #tpu.memory_space<vmem>>
      %dma_start3A_1912 = arith.constant 0 : i32
      %dma_start3A_1913 = tpu.memref_slice %arg7[%squeeze3A_1903, %dma_start3A_1912] : memref<100000x64xf32, #tpu.memory_space<hbm>> -> memref<1x64xf32, #tpu.memory_space<hbm>>
      tpu.enqueue_dma source(%dma_start3A_1913 : memref<1x64xf32, #tpu.memory_space<hbm>>) target(%dma_start3A_1911 : memref<1x64xf32, #tpu.memory_space<vmem>>) target_semaphore(%arg22 : memref<!tpu.dma_semaphore, #tpu.memory_space<semaphore_mem>>)
      %slice3A_1914 = vector.extract_strided_slice %get3A_1357 {offsets = [15], sizes = [1], strides = [1]} : vector<16xi32> to vector<1xi32>
      %squeeze3A_1915 = vector.extract %slice3A_1914[0] : i32 from vector<1xi32>
      %add3A_1916 = arith.constant 15 : i32
      %add3A_1917 = arith.addi %mul3A_1361, %add3A_1916 : i32
      %dma_start3A_1918 = arith.constant 0 : i32
      %dma_start3A_1919 = tpu.memref_slice %arg17[%add3A_1917, %dma_start3A_1918] : memref<256x64xf32, #tpu.memory_space<vmem>> -> memref<1x64xf32, #tpu.memory_space<vmem>>
      %dma_start3A_1920 = arith.constant 0 : i32
      %dma_start3A_1921 = tpu.memref_slice %arg8[%squeeze3A_1915, %dma_start3A_1920] : memref<100000x64xf32, #tpu.memory_space<hbm>> -> memref<1x64xf32, #tpu.memory_space<hbm>>
      %dma_start3A_1922 = arith.constant 0 : i32
      %dma_start3A_1923 = tpu.memref_slice %arg17[%add3A_1917, %dma_start3A_1922] : memref<256x64xf32, #tpu.memory_space<vmem>> -> memref<1x64xf32, #tpu.memory_space<vmem>>
      %dma_start3A_1924 = arith.constant 0 : i32
      %dma_start3A_1925 = tpu.memref_slice %arg8[%squeeze3A_1915, %dma_start3A_1924] : memref<100000x64xf32, #tpu.memory_space<hbm>> -> memref<1x64xf32, #tpu.memory_space<hbm>>
      tpu.enqueue_dma source(%dma_start3A_1925 : memref<1x64xf32, #tpu.memory_space<hbm>>) target(%dma_start3A_1923 : memref<1x64xf32, #tpu.memory_space<vmem>>) target_semaphore(%arg22 : memref<!tpu.dma_semaphore, #tpu.memory_space<semaphore_mem>>)
      %slice3A_1926 = vector.extract_strided_slice %get3A_1359 {offsets = [15], sizes = [1], strides = [1]} : vector<16xi32> to vector<1xi32>
      %squeeze3A_1927 = vector.extract %slice3A_1926[0] : i32 from vector<1xi32>
      %add3A_1928 = arith.constant 15 : i32
      %add3A_1929 = arith.addi %mul3A_1361, %add3A_1928 : i32
      %dma_start3A_1930 = arith.constant 0 : i32
      %dma_start3A_1931 = tpu.memref_slice %arg18[%add3A_1929, %dma_start3A_1930] : memref<256x64xf32, #tpu.memory_space<vmem>> -> memref<1x64xf32, #tpu.memory_space<vmem>>
      %dma_start3A_1932 = arith.constant 0 : i32
      %dma_start3A_1933 = tpu.memref_slice %arg8[%squeeze3A_1927, %dma_start3A_1932] : memref<100000x64xf32, #tpu.memory_space<hbm>> -> memref<1x64xf32, #tpu.memory_space<hbm>>
      %dma_start3A_1934 = arith.constant 0 : i32
      %dma_start3A_1935 = tpu.memref_slice %arg18[%add3A_1929, %dma_start3A_1934] : memref<256x64xf32, #tpu.memory_space<vmem>> -> memref<1x64xf32, #tpu.memory_space<vmem>>
      %dma_start3A_1936 = arith.constant 0 : i32
      %dma_start3A_1937 = tpu.memref_slice %arg8[%squeeze3A_1927, %dma_start3A_1936] : memref<100000x64xf32, #tpu.memory_space<hbm>> -> memref<1x64xf32, #tpu.memory_space<hbm>>
      tpu.enqueue_dma source(%dma_start3A_1937 : memref<1x64xf32, #tpu.memory_space<hbm>>) target(%dma_start3A_1935 : memref<1x64xf32, #tpu.memory_space<vmem>>) target_semaphore(%arg22 : memref<!tpu.dma_semaphore, #tpu.memory_space<semaphore_mem>>)
      %sub3A = arith.constant 1 : i32
      %sub3A_1938 = arith.subi %scan3A_1349, %sub3A : i32
      %mul3A_1939 = arith.constant 16 : i32
      %mul3A_1940 = arith.muli %sub3A_1938, %mul3A_1939 : i32
      %dma_wait3A_1941 = arith.constant 0 : i32
      %dma_wait3A_1942 = tpu.memref_slice %arg16[%mul3A_1940, %dma_wait3A_1941] : memref<256x64xf32, #tpu.memory_space<vmem>> -> memref<16x64xf32, #tpu.memory_space<vmem>>
      %dma_wait3A_1943 = arith.constant 0 : i32
      %dma_wait3A_1944 = arith.constant 0 : i32
      %dma_wait3A_1945 = tpu.memref_slice %arg7[%dma_wait3A_1943, %dma_wait3A_1944] : memref<100000x64xf32, #tpu.memory_space<hbm>> -> memref<16x64xf32, #tpu.memory_space<hbm>>
      %dma_wait3A_1946 = arith.constant 0 : i32
      %dma_wait3A_1947 = tpu.memref_slice %arg16[%mul3A_1940, %dma_wait3A_1946] : memref<256x64xf32, #tpu.memory_space<vmem>> -> memref<16x64xf32, #tpu.memory_space<vmem>>
      %dma_wait3A_1948 = arith.constant 0 : i32
      %dma_wait3A_1949 = arith.constant 0 : i32
      %dma_wait3A_1950 = tpu.memref_slice %arg7[%dma_wait3A_1948, %dma_wait3A_1949] : memref<100000x64xf32, #tpu.memory_space<hbm>> -> memref<16x64xf32, #tpu.memory_space<hbm>>
      tpu.wait_dma2 semaphore(%arg22 : memref<!tpu.dma_semaphore, #tpu.memory_space<semaphore_mem>>) src(%dma_wait3A_1950 : memref<16x64xf32, #tpu.memory_space<hbm>>) dst(%dma_wait3A_1947 : memref<16x64xf32, #tpu.memory_space<vmem>>)
      %dma_wait3A_1951 = arith.constant 0 : i32
      %dma_wait3A_1952 = tpu.memref_slice %arg17[%mul3A_1940, %dma_wait3A_1951] : memref<256x64xf32, #tpu.memory_space<vmem>> -> memref<16x64xf32, #tpu.memory_space<vmem>>
      %dma_wait3A_1953 = arith.constant 0 : i32
      %dma_wait3A_1954 = arith.constant 0 : i32
      %dma_wait3A_1955 = tpu.memref_slice %arg7[%dma_wait3A_1953, %dma_wait3A_1954] : memref<100000x64xf32, #tpu.memory_space<hbm>> -> memref<16x64xf32, #tpu.memory_space<hbm>>
      %dma_wait3A_1956 = arith.constant 0 : i32
      %dma_wait3A_1957 = tpu.memref_slice %arg17[%mul3A_1940, %dma_wait3A_1956] : memref<256x64xf32, #tpu.memory_space<vmem>> -> memref<16x64xf32, #tpu.memory_space<vmem>>
      %dma_wait3A_1958 = arith.constant 0 : i32
      %dma_wait3A_1959 = arith.constant 0 : i32
      %dma_wait3A_1960 = tpu.memref_slice %arg7[%dma_wait3A_1958, %dma_wait3A_1959] : memref<100000x64xf32, #tpu.memory_space<hbm>> -> memref<16x64xf32, #tpu.memory_space<hbm>>
      tpu.wait_dma2 semaphore(%arg22 : memref<!tpu.dma_semaphore, #tpu.memory_space<semaphore_mem>>) src(%dma_wait3A_1960 : memref<16x64xf32, #tpu.memory_space<hbm>>) dst(%dma_wait3A_1957 : memref<16x64xf32, #tpu.memory_space<vmem>>)
      %dma_wait3A_1961 = arith.constant 0 : i32
      %dma_wait3A_1962 = tpu.memref_slice %arg18[%mul3A_1940, %dma_wait3A_1961] : memref<256x64xf32, #tpu.memory_space<vmem>> -> memref<16x64xf32, #tpu.memory_space<vmem>>
      %dma_wait3A_1963 = arith.constant 0 : i32
      %dma_wait3A_1964 = arith.constant 0 : i32
      %dma_wait3A_1965 = tpu.memref_slice %arg7[%dma_wait3A_1963, %dma_wait3A_1964] : memref<100000x64xf32, #tpu.memory_space<hbm>> -> memref<16x64xf32, #tpu.memory_space<hbm>>
      %dma_wait3A_1966 = arith.constant 0 : i32
      %dma_wait3A_1967 = tpu.memref_slice %arg18[%mul3A_1940, %dma_wait3A_1966] : memref<256x64xf32, #tpu.memory_space<vmem>> -> memref<16x64xf32, #tpu.memory_space<vmem>>
      %dma_wait3A_1968 = arith.constant 0 : i32
      %dma_wait3A_1969 = arith.constant 0 : i32
      %dma_wait3A_1970 = tpu.memref_slice %arg7[%dma_wait3A_1968, %dma_wait3A_1969] : memref<100000x64xf32, #tpu.memory_space<hbm>> -> memref<16x64xf32, #tpu.memory_space<hbm>>
      tpu.wait_dma2 semaphore(%arg22 : memref<!tpu.dma_semaphore, #tpu.memory_space<semaphore_mem>>) src(%dma_wait3A_1970 : memref<16x64xf32, #tpu.memory_space<hbm>>) dst(%dma_wait3A_1967 : memref<16x64xf32, #tpu.memory_space<vmem>>)
    }
    %scan3A_1261 = arith.constant 15 : i32
    %dma_wait3A_1262 = arith.constant 240 : i32
    %dma_wait3A_1263 = arith.constant 0 : i32
    %dma_wait3A_1264 = tpu.memref_slice %arg16[%dma_wait3A_1262, %dma_wait3A_1263] : memref<256x64xf32, #tpu.memory_space<vmem>> -> memref<16x64xf32, #tpu.memory_space<vmem>>
    %dma_wait3A_1265 = arith.constant 0 : i32
    %dma_wait3A_1266 = arith.constant 0 : i32
    %dma_wait3A_1267 = tpu.memref_slice %arg7[%dma_wait3A_1265, %dma_wait3A_1266] : memref<100000x64xf32, #tpu.memory_space<hbm>> -> memref<16x64xf32, #tpu.memory_space<hbm>>
    %dma_wait3A_1268 = arith.constant 240 : i32
    %dma_wait3A_1269 = arith.constant 0 : i32
    %dma_wait3A_1270 = tpu.memref_slice %arg16[%dma_wait3A_1268, %dma_wait3A_1269] : memref<256x64xf32, #tpu.memory_space<vmem>> -> memref<16x64xf32, #tpu.memory_space<vmem>>
    %dma_wait3A_1271 = arith.constant 0 : i32
    %dma_wait3A_1272 = arith.constant 0 : i32
    %dma_wait3A_1273 = tpu.memref_slice %arg7[%dma_wait3A_1271, %dma_wait3A_1272] : memref<100000x64xf32, #tpu.memory_space<hbm>> -> memref<16x64xf32, #tpu.memory_space<hbm>>
    tpu.wait_dma2 semaphore(%arg22 : memref<!tpu.dma_semaphore, #tpu.memory_space<semaphore_mem>>) src(%dma_wait3A_1273 : memref<16x64xf32, #tpu.memory_space<hbm>>) dst(%dma_wait3A_1270 : memref<16x64xf32, #tpu.memory_space<vmem>>)
    %dma_wait3A_1274 = arith.constant 240 : i32
    %dma_wait3A_1275 = arith.constant 0 : i32
    %dma_wait3A_1276 = tpu.memref_slice %arg17[%dma_wait3A_1274, %dma_wait3A_1275] : memref<256x64xf32, #tpu.memory_space<vmem>> -> memref<16x64xf32, #tpu.memory_space<vmem>>
    %dma_wait3A_1277 = arith.constant 0 : i32
    %dma_wait3A_1278 = arith.constant 0 : i32
    %dma_wait3A_1279 = tpu.memref_slice %arg7[%dma_wait3A_1277, %dma_wait3A_1278] : memref<100000x64xf32, #tpu.memory_space<hbm>> -> memref<16x64xf32, #tpu.memory_space<hbm>>
    %dma_wait3A_1280 = arith.constant 240 : i32
    %dma_wait3A_1281 = arith.constant 0 : i32
    %dma_wait3A_1282 = tpu.memref_slice %arg17[%dma_wait3A_1280, %dma_wait3A_1281] : memref<256x64xf32, #tpu.memory_space<vmem>> -> memref<16x64xf32, #tpu.memory_space<vmem>>
    %dma_wait3A_1283 = arith.constant 0 : i32
    %dma_wait3A_1284 = arith.constant 0 : i32
    %dma_wait3A_1285 = tpu.memref_slice %arg7[%dma_wait3A_1283, %dma_wait3A_1284] : memref<100000x64xf32, #tpu.memory_space<hbm>> -> memref<16x64xf32, #tpu.memory_space<hbm>>
    tpu.wait_dma2 semaphore(%arg22 : memref<!tpu.dma_semaphore, #tpu.memory_space<semaphore_mem>>) src(%dma_wait3A_1285 : memref<16x64xf32, #tpu.memory_space<hbm>>) dst(%dma_wait3A_1282 : memref<16x64xf32, #tpu.memory_space<vmem>>)
    %dma_wait3A_1286 = arith.constant 240 : i32
    %dma_wait3A_1287 = arith.constant 0 : i32
    %dma_wait3A_1288 = tpu.memref_slice %arg18[%dma_wait3A_1286, %dma_wait3A_1287] : memref<256x64xf32, #tpu.memory_space<vmem>> -> memref<16x64xf32, #tpu.memory_space<vmem>>
    %dma_wait3A_1289 = arith.constant 0 : i32
    %dma_wait3A_1290 = arith.constant 0 : i32
    %dma_wait3A_1291 = tpu.memref_slice %arg7[%dma_wait3A_1289, %dma_wait3A_1290] : memref<100000x64xf32, #tpu.memory_space<hbm>> -> memref<16x64xf32, #tpu.memory_space<hbm>>
    %dma_wait3A_1292 = arith.constant 240 : i32
    %dma_wait3A_1293 = arith.constant 0 : i32
    %dma_wait3A_1294 = tpu.memref_slice %arg18[%dma_wait3A_1292, %dma_wait3A_1293] : memref<256x64xf32, #tpu.memory_space<vmem>> -> memref<16x64xf32, #tpu.memory_space<vmem>>
    %dma_wait3A_1295 = arith.constant 0 : i32
    %dma_wait3A_1296 = arith.constant 0 : i32
    %dma_wait3A_1297 = tpu.memref_slice %arg7[%dma_wait3A_1295, %dma_wait3A_1296] : memref<100000x64xf32, #tpu.memory_space<hbm>> -> memref<16x64xf32, #tpu.memory_space<hbm>>
    tpu.wait_dma2 semaphore(%arg22 : memref<!tpu.dma_semaphore, #tpu.memory_space<semaphore_mem>>) src(%dma_wait3A_1297 : memref<16x64xf32, #tpu.memory_space<hbm>>) dst(%dma_wait3A_1294 : memref<16x64xf32, #tpu.memory_space<vmem>>)
    %add3A_1298 = arith.constant 256 : i32
    %add3A_1299 = arith.addi %mul3A_2, %add3A_1298 : i32
    %dma_start3A_1300 = arith.constant 0 : i32
    %dma_start3A_1301 = tpu.memref_slice %arg9[%add3A_1299, %dma_start3A_1300] : memref<16384x64xf32, #tpu.memory_space<hbm>> -> memref<256x64xf32, #tpu.memory_space<hbm>>
    %dma_start3A_1302 = arith.constant 0 : i32
    %dma_start3A_1303 = tpu.memref_slice %arg9[%add3A_1299, %dma_start3A_1302] : memref<16384x64xf32, #tpu.memory_space<hbm>> -> memref<256x64xf32, #tpu.memory_space<hbm>>
    tpu.enqueue_dma source(%arg16 : memref<256x64xf32, #tpu.memory_space<vmem>>) target(%dma_start3A_1303 : memref<256x64xf32, #tpu.memory_space<hbm>>) target_semaphore(%arg23 : memref<!tpu.dma_semaphore, #tpu.memory_space<semaphore_mem>>)
    %dma_start3A_1304 = arith.constant 0 : i32
    %dma_start3A_1305 = tpu.memref_slice %arg10[%add3A_1299, %dma_start3A_1304] : memref<16384x64xf32, #tpu.memory_space<hbm>> -> memref<256x64xf32, #tpu.memory_space<hbm>>
    %dma_start3A_1306 = arith.constant 0 : i32
    %dma_start3A_1307 = tpu.memref_slice %arg10[%add3A_1299, %dma_start3A_1306] : memref<16384x64xf32, #tpu.memory_space<hbm>> -> memref<256x64xf32, #tpu.memory_space<hbm>>
    tpu.enqueue_dma source(%arg17 : memref<256x64xf32, #tpu.memory_space<vmem>>) target(%dma_start3A_1307 : memref<256x64xf32, #tpu.memory_space<hbm>>) target_semaphore(%arg23 : memref<!tpu.dma_semaphore, #tpu.memory_space<semaphore_mem>>)
    %dma_start3A_1308 = arith.constant 0 : i32
    %dma_start3A_1309 = tpu.memref_slice %arg11[%add3A_1299, %dma_start3A_1308] : memref<16384x64xf32, #tpu.memory_space<hbm>> -> memref<256x64xf32, #tpu.memory_space<hbm>>
    %dma_start3A_1310 = arith.constant 0 : i32
    %dma_start3A_1311 = tpu.memref_slice %arg11[%add3A_1299, %dma_start3A_1310] : memref<16384x64xf32, #tpu.memory_space<hbm>> -> memref<256x64xf32, #tpu.memory_space<hbm>>
    tpu.enqueue_dma source(%arg18 : memref<256x64xf32, #tpu.memory_space<vmem>>) target(%dma_start3A_1311 : memref<256x64xf32, #tpu.memory_space<hbm>>) target_semaphore(%arg23 : memref<!tpu.dma_semaphore, #tpu.memory_space<semaphore_mem>>)
    %scan3A_1312 = arith.constant 0 : i32
    %scan3A_1313 = arith.constant 16 : i32
    %scan3A_1314 = arith.addi %scan3A_1312, %scan3A_1313 : i32
    %scan3A_1315 = arith.constant 1 : i32
    %scan3A_1316:5 = scf.for %scan3A_1349 = %scan3A_1312 to %scan3A_1314 step %scan3A_1315 iter_args(%scan3A_1350 = %scan3A_660#0, %scan3A_1351 = %scan3A_660#1, %scan3A_1352 = %scan3A_660#2, %scan3A_1353 = %scan3A_660#3, %scan3A_1354 = %scan3A_660#4) -> (vector<16xf32>, vector<16xf32>, vector<16xf32>, vector<16xf32>, vector<16xf32>)  : i32 {
      %mul3A_1355 = arith.constant 16 : i32
      %mul3A_1356 = arith.muli %scan3A_1349, %mul3A_1355 : i32
      %add3A_1357 = vector.broadcast %mul3A_1356 : i32 to vector<16xi32>
      %add3A_1358 = arith.addi %add3A_1357, %iota3A : vector<16xi32>
      %scan3A_1359 = arith.constant 0 : i32
      %scan3A_1360 = arith.constant 64 : i32
      %scan3A_1361 = arith.addi %scan3A_1359, %scan3A_1360 : i32
      %scan3A_1362 = arith.constant 8 : i32
      %scan3A_1363:5 = scf.for %scan3A_1382 = %scan3A_1359 to %scan3A_1361 step %scan3A_1362 iter_args(%scan3A_1383 = %scan3A_1350, %scan3A_1384 = %scan3A_1351, %scan3A_1385 = %scan3A_1352, %scan3A_1386 = %broadcast_in_dim3A_21, %scan3A_1387 = %broadcast_in_dim3A_21) -> (vector<16xf32>, vector<16xf32>, vector<16xf32>, vector<16xf32>, vector<16xf32>)  : i32 {
        %broadcast_in_dim3A_1388 = vector.broadcast %scan3A_1382 : i32 to vector<16xi32>
        %gather3A = tpu.vector_load_idx %arg16[%add3A_1358, %broadcast_in_dim3A_1388] : memref<256x64xf32, #tpu.memory_space<vmem>>[vector<16xi32>, vector<16xi32>], vector<16xf32>,
        %gather3A_1389 = tpu.vector_load_idx %arg17[%add3A_1358, %broadcast_in_dim3A_1388] : memref<256x64xf32, #tpu.memory_space<vmem>>[vector<16xi32>, vector<16xi32>], vector<16xf32>,
        %gather3A_1390 = tpu.vector_load_idx %arg18[%add3A_1358, %broadcast_in_dim3A_1388] : memref<256x64xf32, #tpu.memory_space<vmem>>[vector<16xi32>, vector<16xi32>], vector<16xf32>,
        %mul3A_1391 = arith.mulf %gather3A, %gather3A : vector<16xf32>
        %add3A_1392 = arith.addf %scan3A_1383, %mul3A_1391 : vector<16xf32>
        %mul3A_1393 = arith.mulf %gather3A_1389, %gather3A_1389 : vector<16xf32>
        %add3A_1394 = arith.addf %scan3A_1384, %mul3A_1393 : vector<16xf32>
        %mul3A_1395 = arith.mulf %gather3A_1390, %gather3A_1390 : vector<16xf32>
        %add3A_1396 = arith.addf %scan3A_1385, %mul3A_1395 : vector<16xf32>
        %mul3A_1397 = arith.mulf %gather3A, %gather3A_1389 : vector<16xf32>
        %add3A_1398 = arith.addf %scan3A_1386, %mul3A_1397 : vector<16xf32>
        %mul3A_1399 = arith.mulf %gather3A, %gather3A_1390 : vector<16xf32>
        %add3A_1400 = arith.addf %scan3A_1387, %mul3A_1399 : vector<16xf32>
        %scan3A_1401 = arith.constant 1 : i32
        %scan3A_1402 = arith.addi %scan3A_1382, %scan3A_1401 : i32
        %broadcast_in_dim3A_1403 = vector.broadcast %scan3A_1402 : i32 to vector<16xi32>
        %gather3A_1404 = tpu.vector_load_idx %arg16[%add3A_1358, %broadcast_in_dim3A_1403] : memref<256x64xf32, #tpu.memory_space<vmem>>[vector<16xi32>, vector<16xi32>], vector<16xf32>,
        %gather3A_1405 = tpu.vector_load_idx %arg17[%add3A_1358, %broadcast_in_dim3A_1403] : memref<256x64xf32, #tpu.memory_space<vmem>>[vector<16xi32>, vector<16xi32>], vector<16xf32>,
        %gather3A_1406 = tpu.vector_load_idx %arg18[%add3A_1358, %broadcast_in_dim3A_1403] : memref<256x64xf32, #tpu.memory_space<vmem>>[vector<16xi32>, vector<16xi32>], vector<16xf32>,
        %mul3A_1407 = arith.mulf %gather3A_1404, %gather3A_1404 : vector<16xf32>
        %add3A_1408 = arith.addf %add3A_1392, %mul3A_1407 : vector<16xf32>
        %mul3A_1409 = arith.mulf %gather3A_1405, %gather3A_1405 : vector<16xf32>
        %add3A_1410 = arith.addf %add3A_1394, %mul3A_1409 : vector<16xf32>
        %mul3A_1411 = arith.mulf %gather3A_1406, %gather3A_1406 : vector<16xf32>
        %add3A_1412 = arith.addf %add3A_1396, %mul3A_1411 : vector<16xf32>
        %mul3A_1413 = arith.mulf %gather3A_1404, %gather3A_1405 : vector<16xf32>
        %add3A_1414 = arith.addf %add3A_1398, %mul3A_1413 : vector<16xf32>
        %mul3A_1415 = arith.mulf %gather3A_1404, %gather3A_1406 : vector<16xf32>
        %add3A_1416 = arith.addf %add3A_1400, %mul3A_1415 : vector<16xf32>
        %scan3A_1417 = arith.constant 2 : i32
        %scan3A_1418 = arith.addi %scan3A_1382, %scan3A_1417 : i32
        %broadcast_in_dim3A_1419 = vector.broadcast %scan3A_1418 : i32 to vector<16xi32>
        %gather3A_1420 = tpu.vector_load_idx %arg16[%add3A_1358, %broadcast_in_dim3A_1419] : memref<256x64xf32, #tpu.memory_space<vmem>>[vector<16xi32>, vector<16xi32>], vector<16xf32>,
        %gather3A_1421 = tpu.vector_load_idx %arg17[%add3A_1358, %broadcast_in_dim3A_1419] : memref<256x64xf32, #tpu.memory_space<vmem>>[vector<16xi32>, vector<16xi32>], vector<16xf32>,
        %gather3A_1422 = tpu.vector_load_idx %arg18[%add3A_1358, %broadcast_in_dim3A_1419] : memref<256x64xf32, #tpu.memory_space<vmem>>[vector<16xi32>, vector<16xi32>], vector<16xf32>,
        %mul3A_1423 = arith.mulf %gather3A_1420, %gather3A_1420 : vector<16xf32>
        %add3A_1424 = arith.addf %add3A_1408, %mul3A_1423 : vector<16xf32>
        %mul3A_1425 = arith.mulf %gather3A_1421, %gather3A_1421 : vector<16xf32>
        %add3A_1426 = arith.addf %add3A_1410, %mul3A_1425 : vector<16xf32>
        %mul3A_1427 = arith.mulf %gather3A_1422, %gather3A_1422 : vector<16xf32>
        %add3A_1428 = arith.addf %add3A_1412, %mul3A_1427 : vector<16xf32>
        %mul3A_1429 = arith.mulf %gather3A_1420, %gather3A_1421 : vector<16xf32>
        %add3A_1430 = arith.addf %add3A_1414, %mul3A_1429 : vector<16xf32>
        %mul3A_1431 = arith.mulf %gather3A_1420, %gather3A_1422 : vector<16xf32>
        %add3A_1432 = arith.addf %add3A_1416, %mul3A_1431 : vector<16xf32>
        %scan3A_1433 = arith.constant 3 : i32
        %scan3A_1434 = arith.addi %scan3A_1382, %scan3A_1433 : i32
        %broadcast_in_dim3A_1435 = vector.broadcast %scan3A_1434 : i32 to vector<16xi32>
        %gather3A_1436 = tpu.vector_load_idx %arg16[%add3A_1358, %broadcast_in_dim3A_1435] : memref<256x64xf32, #tpu.memory_space<vmem>>[vector<16xi32>, vector<16xi32>], vector<16xf32>,
        %gather3A_1437 = tpu.vector_load_idx %arg17[%add3A_1358, %broadcast_in_dim3A_1435] : memref<256x64xf32, #tpu.memory_space<vmem>>[vector<16xi32>, vector<16xi32>], vector<16xf32>,
        %gather3A_1438 = tpu.vector_load_idx %arg18[%add3A_1358, %broadcast_in_dim3A_1435] : memref<256x64xf32, #tpu.memory_space<vmem>>[vector<16xi32>, vector<16xi32>], vector<16xf32>,
        %mul3A_1439 = arith.mulf %gather3A_1436, %gather3A_1436 : vector<16xf32>
        %add3A_1440 = arith.addf %add3A_1424, %mul3A_1439 : vector<16xf32>
        %mul3A_1441 = arith.mulf %gather3A_1437, %gather3A_1437 : vector<16xf32>
        %add3A_1442 = arith.addf %add3A_1426, %mul3A_1441 : vector<16xf32>
        %mul3A_1443 = arith.mulf %gather3A_1438, %gather3A_1438 : vector<16xf32>
        %add3A_1444 = arith.addf %add3A_1428, %mul3A_1443 : vector<16xf32>
        %mul3A_1445 = arith.mulf %gather3A_1436, %gather3A_1437 : vector<16xf32>
        %add3A_1446 = arith.addf %add3A_1430, %mul3A_1445 : vector<16xf32>
        %mul3A_1447 = arith.mulf %gather3A_1436, %gather3A_1438 : vector<16xf32>
        %add3A_1448 = arith.addf %add3A_1432, %mul3A_1447 : vector<16xf32>
        %scan3A_1449 = arith.constant 4 : i32
        %scan3A_1450 = arith.addi %scan3A_1382, %scan3A_1449 : i32
        %broadcast_in_dim3A_1451 = vector.broadcast %scan3A_1450 : i32 to vector<16xi32>
        %gather3A_1452 = tpu.vector_load_idx %arg16[%add3A_1358, %broadcast_in_dim3A_1451] : memref<256x64xf32, #tpu.memory_space<vmem>>[vector<16xi32>, vector<16xi32>], vector<16xf32>,
        %gather3A_1453 = tpu.vector_load_idx %arg17[%add3A_1358, %broadcast_in_dim3A_1451] : memref<256x64xf32, #tpu.memory_space<vmem>>[vector<16xi32>, vector<16xi32>], vector<16xf32>,
        %gather3A_1454 = tpu.vector_load_idx %arg18[%add3A_1358, %broadcast_in_dim3A_1451] : memref<256x64xf32, #tpu.memory_space<vmem>>[vector<16xi32>, vector<16xi32>], vector<16xf32>,
        %mul3A_1455 = arith.mulf %gather3A_1452, %gather3A_1452 : vector<16xf32>
        %add3A_1456 = arith.addf %add3A_1440, %mul3A_1455 : vector<16xf32>
        %mul3A_1457 = arith.mulf %gather3A_1453, %gather3A_1453 : vector<16xf32>
        %add3A_1458 = arith.addf %add3A_1442, %mul3A_1457 : vector<16xf32>
        %mul3A_1459 = arith.mulf %gather3A_1454, %gather3A_1454 : vector<16xf32>
        %add3A_1460 = arith.addf %add3A_1444, %mul3A_1459 : vector<16xf32>
        %mul3A_1461 = arith.mulf %gather3A_1452, %gather3A_1453 : vector<16xf32>
        %add3A_1462 = arith.addf %add3A_1446, %mul3A_1461 : vector<16xf32>
        %mul3A_1463 = arith.mulf %gather3A_1452, %gather3A_1454 : vector<16xf32>
        %add3A_1464 = arith.addf %add3A_1448, %mul3A_1463 : vector<16xf32>
        %scan3A_1465 = arith.constant 5 : i32
        %scan3A_1466 = arith.addi %scan3A_1382, %scan3A_1465 : i32
        %broadcast_in_dim3A_1467 = vector.broadcast %scan3A_1466 : i32 to vector<16xi32>
        %gather3A_1468 = tpu.vector_load_idx %arg16[%add3A_1358, %broadcast_in_dim3A_1467] : memref<256x64xf32, #tpu.memory_space<vmem>>[vector<16xi32>, vector<16xi32>], vector<16xf32>,
        %gather3A_1469 = tpu.vector_load_idx %arg17[%add3A_1358, %broadcast_in_dim3A_1467] : memref<256x64xf32, #tpu.memory_space<vmem>>[vector<16xi32>, vector<16xi32>], vector<16xf32>,
        %gather3A_1470 = tpu.vector_load_idx %arg18[%add3A_1358, %broadcast_in_dim3A_1467] : memref<256x64xf32, #tpu.memory_space<vmem>>[vector<16xi32>, vector<16xi32>], vector<16xf32>,
        %mul3A_1471 = arith.mulf %gather3A_1468, %gather3A_1468 : vector<16xf32>
        %add3A_1472 = arith.addf %add3A_1456, %mul3A_1471 : vector<16xf32>
        %mul3A_1473 = arith.mulf %gather3A_1469, %gather3A_1469 : vector<16xf32>
        %add3A_1474 = arith.addf %add3A_1458, %mul3A_1473 : vector<16xf32>
        %mul3A_1475 = arith.mulf %gather3A_1470, %gather3A_1470 : vector<16xf32>
        %add3A_1476 = arith.addf %add3A_1460, %mul3A_1475 : vector<16xf32>
        %mul3A_1477 = arith.mulf %gather3A_1468, %gather3A_1469 : vector<16xf32>
        %add3A_1478 = arith.addf %add3A_1462, %mul3A_1477 : vector<16xf32>
        %mul3A_1479 = arith.mulf %gather3A_1468, %gather3A_1470 : vector<16xf32>
        %add3A_1480 = arith.addf %add3A_1464, %mul3A_1479 : vector<16xf32>
        %scan3A_1481 = arith.constant 6 : i32
        %scan3A_1482 = arith.addi %scan3A_1382, %scan3A_1481 : i32
        %broadcast_in_dim3A_1483 = vector.broadcast %scan3A_1482 : i32 to vector<16xi32>
        %gather3A_1484 = tpu.vector_load_idx %arg16[%add3A_1358, %broadcast_in_dim3A_1483] : memref<256x64xf32, #tpu.memory_space<vmem>>[vector<16xi32>, vector<16xi32>], vector<16xf32>,
        %gather3A_1485 = tpu.vector_load_idx %arg17[%add3A_1358, %broadcast_in_dim3A_1483] : memref<256x64xf32, #tpu.memory_space<vmem>>[vector<16xi32>, vector<16xi32>], vector<16xf32>,
        %gather3A_1486 = tpu.vector_load_idx %arg18[%add3A_1358, %broadcast_in_dim3A_1483] : memref<256x64xf32, #tpu.memory_space<vmem>>[vector<16xi32>, vector<16xi32>], vector<16xf32>,
        %mul3A_1487 = arith.mulf %gather3A_1484, %gather3A_1484 : vector<16xf32>
        %add3A_1488 = arith.addf %add3A_1472, %mul3A_1487 : vector<16xf32>
        %mul3A_1489 = arith.mulf %gather3A_1485, %gather3A_1485 : vector<16xf32>
        %add3A_1490 = arith.addf %add3A_1474, %mul3A_1489 : vector<16xf32>
        %mul3A_1491 = arith.mulf %gather3A_1486, %gather3A_1486 : vector<16xf32>
        %add3A_1492 = arith.addf %add3A_1476, %mul3A_1491 : vector<16xf32>
        %mul3A_1493 = arith.mulf %gather3A_1484, %gather3A_1485 : vector<16xf32>
        %add3A_1494 = arith.addf %add3A_1478, %mul3A_1493 : vector<16xf32>
        %mul3A_1495 = arith.mulf %gather3A_1484, %gather3A_1486 : vector<16xf32>
        %add3A_1496 = arith.addf %add3A_1480, %mul3A_1495 : vector<16xf32>
        %scan3A_1497 = arith.constant 7 : i32
        %scan3A_1498 = arith.addi %scan3A_1382, %scan3A_1497 : i32
        %broadcast_in_dim3A_1499 = vector.broadcast %scan3A_1498 : i32 to vector<16xi32>
        %gather3A_1500 = tpu.vector_load_idx %arg16[%add3A_1358, %broadcast_in_dim3A_1499] : memref<256x64xf32, #tpu.memory_space<vmem>>[vector<16xi32>, vector<16xi32>], vector<16xf32>,
        %gather3A_1501 = tpu.vector_load_idx %arg17[%add3A_1358, %broadcast_in_dim3A_1499] : memref<256x64xf32, #tpu.memory_space<vmem>>[vector<16xi32>, vector<16xi32>], vector<16xf32>,
        %gather3A_1502 = tpu.vector_load_idx %arg18[%add3A_1358, %broadcast_in_dim3A_1499] : memref<256x64xf32, #tpu.memory_space<vmem>>[vector<16xi32>, vector<16xi32>], vector<16xf32>,
        %mul3A_1503 = arith.mulf %gather3A_1500, %gather3A_1500 : vector<16xf32>
        %add3A_1504 = arith.addf %add3A_1488, %mul3A_1503 : vector<16xf32>
        %mul3A_1505 = arith.mulf %gather3A_1501, %gather3A_1501 : vector<16xf32>
        %add3A_1506 = arith.addf %add3A_1490, %mul3A_1505 : vector<16xf32>
        %mul3A_1507 = arith.mulf %gather3A_1502, %gather3A_1502 : vector<16xf32>
        %add3A_1508 = arith.addf %add3A_1492, %mul3A_1507 : vector<16xf32>
        %mul3A_1509 = arith.mulf %gather3A_1500, %gather3A_1501 : vector<16xf32>
        %add3A_1510 = arith.addf %add3A_1494, %mul3A_1509 : vector<16xf32>
        %mul3A_1511 = arith.mulf %gather3A_1500, %gather3A_1502 : vector<16xf32>
        %add3A_1512 = arith.addf %add3A_1496, %mul3A_1511 : vector<16xf32>
        scf.yield %add3A_1504, %add3A_1506, %add3A_1508, %add3A_1510, %add3A_1512 : vector<16xf32>, vector<16xf32>, vector<16xf32>, vector<16xf32>, vector<16xf32>
      }
      %scan3A_1364 = arith.constant 64 : i32
      %mul3A_1365 = arith.constant 16 : i32
      %mul3A_1366 = arith.muli %scan3A_1349, %mul3A_1365 : i32
      %add3A_1367 = arith.constant 256 : i32
      %add3A_1368 = arith.addi %add3A_1367, %mul3A_1366 : i32
      %get3A_1369 = arith.index_cast %add3A_1368 : i32 to index
      %get3A_1370 = tpu.vector_load %arg19[%get3A_1369] {strides = array<i32>} : memref<512xf32, #tpu.memory_space<vmem>>, vector<16xf32>,
      %sub3A = arith.subf %scan3A_1363#3, %get3A_1370 : vector<16xf32>
      %mul3A_1371 = arith.constant 16 : i32
      %mul3A_1372 = arith.muli %scan3A_1349, %mul3A_1371 : i32
      %add3A_1373 = arith.constant 256 : i32
      %add3A_1374 = arith.addi %add3A_1373, %mul3A_1372 : i32
      %get3A_1375 = arith.index_cast %add3A_1374 : i32 to index
      %get3A_1376 = tpu.vector_load %arg20[%get3A_1375] {strides = array<i32>} : memref<512xf32, #tpu.memory_space<vmem>>, vector<16xf32>,
      %sub3A_1377 = arith.subf %scan3A_1363#4, %get3A_1376 : vector<16xf32>
      %mul3A_1378 = arith.mulf %sub3A, %sub3A : vector<16xf32>
      %add3A_1379 = arith.addf %scan3A_1353, %mul3A_1378 : vector<16xf32>
      %mul3A_1380 = arith.mulf %sub3A_1377, %sub3A_1377 : vector<16xf32>
      %add3A_1381 = arith.addf %scan3A_1354, %mul3A_1380 : vector<16xf32>
      scf.yield %scan3A_1363#0, %scan3A_1363#1, %scan3A_1363#2, %add3A_1379, %add3A_1381 : vector<16xf32>, vector<16xf32>, vector<16xf32>, vector<16xf32>, vector<16xf32>
    }
    %scan3A_1317 = arith.constant 16 : i32
    %swap3A = arith.constant 0 : i32
    %swap3A_1318 = arith.index_cast %swap3A : i32 to index
    %swap3A_1319 = arith.constant 0 : index
    %swap3A_1320 = tpu.vector_load %arg21[%swap3A_1318, %swap3A_1319] {strides = array<i32>} : memref<5x16xf32, #tpu.memory_space<vmem>>, vector<16xf32>,
    tpu.vector_store %arg21[%swap3A_1318, %swap3A_1319], %scan3A_1316#0 {strides = array<i32>} : memref<5x16xf32, #tpu.memory_space<vmem>>, vector<16xf32>,
    %swap3A_1321 = arith.constant 1 : i32
    %swap3A_1322 = arith.index_cast %swap3A_1321 : i32 to index
    %swap3A_1323 = arith.constant 0 : index
    %swap3A_1324 = tpu.vector_load %arg21[%swap3A_1322, %swap3A_1323] {strides = array<i32>} : memref<5x16xf32, #tpu.memory_space<vmem>>, vector<16xf32>,
    tpu.vector_store %arg21[%swap3A_1322, %swap3A_1323], %scan3A_1316#1 {strides = array<i32>} : memref<5x16xf32, #tpu.memory_space<vmem>>, vector<16xf32>,
    %swap3A_1325 = arith.constant 2 : i32
    %swap3A_1326 = arith.index_cast %swap3A_1325 : i32 to index
    %swap3A_1327 = arith.constant 0 : index
    %swap3A_1328 = tpu.vector_load %arg21[%swap3A_1326, %swap3A_1327] {strides = array<i32>} : memref<5x16xf32, #tpu.memory_space<vmem>>, vector<16xf32>,
    tpu.vector_store %arg21[%swap3A_1326, %swap3A_1327], %scan3A_1316#2 {strides = array<i32>} : memref<5x16xf32, #tpu.memory_space<vmem>>, vector<16xf32>,
    %swap3A_1329 = arith.constant 3 : i32
    %swap3A_1330 = arith.index_cast %swap3A_1329 : i32 to index
    %swap3A_1331 = arith.constant 0 : index
    %swap3A_1332 = tpu.vector_load %arg21[%swap3A_1330, %swap3A_1331] {strides = array<i32>} : memref<5x16xf32, #tpu.memory_space<vmem>>, vector<16xf32>,
    tpu.vector_store %arg21[%swap3A_1330, %swap3A_1331], %scan3A_1316#3 {strides = array<i32>} : memref<5x16xf32, #tpu.memory_space<vmem>>, vector<16xf32>,
    %swap3A_1333 = arith.constant 4 : i32
    %swap3A_1334 = arith.index_cast %swap3A_1333 : i32 to index
    %swap3A_1335 = arith.constant 0 : index
    %swap3A_1336 = tpu.vector_load %arg21[%swap3A_1334, %swap3A_1335] {strides = array<i32>} : memref<5x16xf32, #tpu.memory_space<vmem>>, vector<16xf32>,
    tpu.vector_store %arg21[%swap3A_1334, %swap3A_1335], %scan3A_1316#4 {strides = array<i32>} : memref<5x16xf32, #tpu.memory_space<vmem>>, vector<16xf32>,
    "tpu.region"() ({
      %run_scoped3A = tpu.sem_alloc : memref<!tpu.dma_semaphore, #tpu.memory_space<semaphore_mem>>
      %dma_start3A_1349 = arith.constant 0 : i32
      %dma_start3A_1350 = arith.constant 0 : i32
      %dma_start3A_1351 = tpu.memref_slice %arg12[%add3A, %dma_start3A_1349, %dma_start3A_1350] : memref<32x5x16xf32, #tpu.memory_space<hbm>> -> memref<1x5x16xf32, #tpu.memory_space<hbm>>
      %dma_start3A_1352 = tpu.memref_squeeze %dma_start3A_1351 : memref<1x5x16xf32, #tpu.memory_space<hbm>> -> memref<5x16xf32, #tpu.memory_space<hbm>>
      %dma_start3A_1353 = arith.constant 0 : i32
      %dma_start3A_1354 = arith.constant 0 : i32
      %dma_start3A_1355 = tpu.memref_slice %arg12[%add3A, %dma_start3A_1353, %dma_start3A_1354] : memref<32x5x16xf32, #tpu.memory_space<hbm>> -> memref<1x5x16xf32, #tpu.memory_space<hbm>>
      %dma_start3A_1356 = tpu.memref_squeeze %dma_start3A_1355 : memref<1x5x16xf32, #tpu.memory_space<hbm>> -> memref<5x16xf32, #tpu.memory_space<hbm>>
      tpu.enqueue_dma source(%arg21 : memref<5x16xf32, #tpu.memory_space<vmem>>) target(%dma_start3A_1356 : memref<5x16xf32, #tpu.memory_space<hbm>>) target_semaphore(%run_scoped3A : memref<!tpu.dma_semaphore, #tpu.memory_space<semaphore_mem>>)
      %dma_wait3A_1357 = arith.constant 0 : i32
      %dma_wait3A_1358 = arith.constant 0 : i32
      %dma_wait3A_1359 = tpu.memref_slice %arg12[%add3A, %dma_wait3A_1357, %dma_wait3A_1358] : memref<32x5x16xf32, #tpu.memory_space<hbm>> -> memref<1x5x16xf32, #tpu.memory_space<hbm>>
      %dma_wait3A_1360 = tpu.memref_squeeze %dma_wait3A_1359 : memref<1x5x16xf32, #tpu.memory_space<hbm>> -> memref<5x16xf32, #tpu.memory_space<hbm>>
      %dma_wait3A_1361 = arith.constant 0 : i32
      %dma_wait3A_1362 = arith.constant 0 : i32
      %dma_wait3A_1363 = tpu.memref_slice %arg12[%add3A, %dma_wait3A_1361, %dma_wait3A_1362] : memref<32x5x16xf32, #tpu.memory_space<hbm>> -> memref<1x5x16xf32, #tpu.memory_space<hbm>>
      %dma_wait3A_1364 = tpu.memref_squeeze %dma_wait3A_1363 : memref<1x5x16xf32, #tpu.memory_space<hbm>> -> memref<5x16xf32, #tpu.memory_space<hbm>>
      tpu.wait_dma2 semaphore(%run_scoped3A : memref<!tpu.dma_semaphore, #tpu.memory_space<semaphore_mem>>) src(%arg21 : memref<5x16xf32, #tpu.memory_space<vmem>>) dst(%dma_wait3A_1364 : memref<5x16xf32, #tpu.memory_space<hbm>>)
      tpu.yield
    }) : () -> ()
    %dma_wait3A_1337 = arith.constant 0 : i32
    %dma_wait3A_1338 = tpu.memref_slice %arg9[%add3A_1299, %dma_wait3A_1337] : memref<16384x64xf32, #tpu.memory_space<hbm>> -> memref<256x64xf32, #tpu.memory_space<hbm>>
    %dma_wait3A_1339 = arith.constant 0 : i32
    %dma_wait3A_1340 = tpu.memref_slice %arg9[%add3A_1299, %dma_wait3A_1339] : memref<16384x64xf32, #tpu.memory_space<hbm>> -> memref<256x64xf32, #tpu.memory_space<hbm>>
    tpu.wait_dma2 semaphore(%arg23 : memref<!tpu.dma_semaphore, #tpu.memory_space<semaphore_mem>>) src(%arg16 : memref<256x64xf32, #tpu.memory_space<vmem>>) dst(%dma_wait3A_1340 : memref<256x64xf32, #tpu.memory_space<hbm>>)
    %dma_wait3A_1341 = arith.constant 0 : i32
    %dma_wait3A_1342 = tpu.memref_slice %arg10[%add3A_1299, %dma_wait3A_1341] : memref<16384x64xf32, #tpu.memory_space<hbm>> -> memref<256x64xf32, #tpu.memory_space<hbm>>
    %dma_wait3A_1343 = arith.constant 0 : i32
    %dma_wait3A_1344 = tpu.memref_slice %arg10[%add3A_1299, %dma_wait3A_1343] : memref<16384x64xf32, #tpu.memory_space<hbm>> -> memref<256x64xf32, #tpu.memory_space<hbm>>
    tpu.wait_dma2 semaphore(%arg23 : memref<!tpu.dma_semaphore, #tpu.memory_space<semaphore_mem>>) src(%arg17 : memref<256x64xf32, #tpu.memory_space<vmem>>) dst(%dma_wait3A_1344 : memref<256x64xf32, #tpu.memory_space<hbm>>)
    %dma_wait3A_1345 = arith.constant 0 : i32
    %dma_wait3A_1346 = tpu.memref_slice %arg11[%add3A_1299, %dma_wait3A_1345] : memref<16384x64xf32, #tpu.memory_space<hbm>> -> memref<256x64xf32, #tpu.memory_space<hbm>>
    %dma_wait3A_1347 = arith.constant 0 : i32
    %dma_wait3A_1348 = tpu.memref_slice %arg11[%add3A_1299, %dma_wait3A_1347] : memref<16384x64xf32, #tpu.memory_space<hbm>> -> memref<256x64xf32, #tpu.memory_space<hbm>>
    tpu.wait_dma2 semaphore(%arg23 : memref<!tpu.dma_semaphore, #tpu.memory_space<semaphore_mem>>) src(%arg18 : memref<256x64xf32, #tpu.memory_space<vmem>>) dst(%dma_wait3A_1348 : memref<256x64xf32, #tpu.memory_space<hbm>>)
    return
  }
}

</mosaic_0001>

<sc_bundles>
// kernel: mf_sc_kernel.3.cloned.1.call-start
scs
__scs_entry_jumppad:
0x0: {  	(pc) =	sbr.rel $0x88, $3  }
0x1: {  	(tag) =	ssettag $0x0;
	lr =	simm.s32 $0x1  }
0x2: {  	[smem:$0x3F9A] =	sst lr;
	_ =	strace $0xD0000000  }
0x3: {  	_ = 	snop  }
0x4: {  	_ = 	snop  }
0x5: {  	_ = 	snop  }
0x6: {  	_ = 	snop  }
0x7: {  	_ = 	snop  }
__scs_overlays_trampoline_lowered:
0x8: {  	[smem:$0x3FA9] =	sst s0  }
0x9: {  	[smem:$0x3FAA] =	sst s1  }
0xa: {  	[smem:$0x3FAB] =	sst s2  }
0xb: {  	[smem:$0x3FAC] =	sst s3  }
0xc: {  	[smem:$0x3FAD] =	sst s4  }
0xd: {  	[smem:$0x3FAE] =	sst s5  }
0xe: {  	[smem:$0x3FAF] =	sst s6  }
0xf: {  	[smem:$0x3FB0] =	sst s7  }
0x10: {  	[smem:$0x3FB1] =	sst s8  }
0x11: {  	[smem:$0x3FB2] =	sst s9;
	s0 =	simm.s32 @!p0 $0x0  }
0x12: {  	s1 =	sld [smem:$0x3F98];
	s0 =	simm.s32 @p0 $0x1  }
0x13: {  	[smem:$0x3FB3] =	sst s0;
	s0 =	simm.s32 @!p1 $0x0  }
0x14: {  	s2 =	sld [smem:$0x3F97];
	s0 =	simm.s32 @p1 $0x1  }
0x15: {  	[smem:$0x3FB4] =	sst s0;
	s0 =	simm.s32 @!p2 $0x0  }
0x16: {  	s3 =	sld [smem:$0x3FDB];
	s0 =	simm.s32 @p2 $0x1  }
0x17: {  	s4 =	simm.s32 $0x1BF5;
	[smem:$0x3FB6] =	sst s0  }
0x18: {  	s0 =	sld [smem:$0x3F99];
	_ =	swait.ge [sflag:s4], $0x0  }
0x19: {  	s7 =	sld [smem:$0x3F9A]  }
0x1a: {  	s8 =	sadd.s32 $0xFFFFE003, lr  }
0x1b: {  	s9 =	sadd.s32 $0xFFFFFEF7, lr;
	s5 =	simm.s32 $0xFFFFFFFF;
	p2 =	slt.u32 s8, $0xFFFFF086  }
0x1c: {  	p1 =	slt.u32 s9, $0xF7A;
	s5 =	simm.s32 @!p2 $0x0  }
0x1d: {  	s5 =	simm.s32 @p1 $0x1;
	p0 =	seq.s32 s7, s2  }
0x1e: {  	s7 =	smul.u32 @!p0 $0xF7A, s2;
	p2 =	seq.s32 @!p0 s5, $0x0  }
0x1f: {  	s9 =	smul.u32 $0xF7A, s1;
	s8 =	simm.s32 @!p0 $0x1BF5;
	p2 =	por !p2, p0  }
0x20: {  	[sflag:s8] =	ssyncset.s32 @!p0 $0xFFFFF086;
	s6 =	sadd.s32 @!p0 s3, s7;
	s7 =	simm.s32 @!p0 $0x108  }
0x21: {  	s3 =	sadd.s32 s3, s9;
	s6 =	sadd.s32 @!p0 $0x88, s6;
	s7 =	simm.s32 @p2 $0x1082  }
0x22: {  	[simem:s7], [sflag:s8] =	dma.local @!p0 [hbm:s6], $0xF7A  }
0x23: {  	s9 =	sor.u32 $0xD0000000, s2;
	s6 =	simm.s32 $0x108;
	_ =	swait.ge @!p0 [sflag:s8], $0x0  }
0x24: {  	s3 =	sadd.s32 $0x88, s3;
	s6 =	simm.s32 @!p1 $0x1082;
	[sflag:s4] =	ssyncset.s32 $0xFFFFF086  }
0x25: {  	[simem:s6], [sflag:s4] =	dma.local [hbm:s3], $0xF7A  }
0x26: {  	[smem:$0x3F9A] =	sst s1;
	(tag) =	ssettag s2;
	_ =	strace s9  }
0x27: {  	s1 =	sld [smem:$0x3FAA]  }
0x28: {  	s2 =	sld [smem:$0x3FAB]  }
0x29: {  	s4 =	sld [smem:$0x3FAD]  }
0x2a: {  	p0 =	seq.s32 s5, $0x0;
	s5 =	sld [smem:$0x3FAE]  }
0x2b: {  	s6 =	sld [smem:$0x3FAF]  }
0x2c: {  	s7 =	sld [smem:$0x3FB0]  }
0x2d: {  	s3 =	simm.s32 $0x108;
	s8 =	sld [smem:$0x3FB1]  }
0x2e: {  	s3 =	simm.s32 @!p0 $0x1082;
	s9 =	sld [smem:$0x3FB2]  }
0x2f: {  	lr =	sadd.s32 s0, s3;
	s0 =	sld [smem:$0x3FA9]  }
0x30: {  	s3 =	sld [smem:$0x3FAC]  }
0x31: {  	[smem:$0x3FB5] =	sst s10  }
0x32: {  	s10 =	sld [smem:$0x3FB3];
	_ =	sdelay $0x3  }
0x33: {  	p0 =	seq.s32 s10, $0x1;
	s10 =	sld [smem:$0x3FB5];
	_ =	sdelay $0x3  }
0x34: {  	[smem:$0x3FB5] =	sst s10  }
0x35: {  	s10 =	sld [smem:$0x3FB4];
	_ =	sdelay $0x3  }
0x36: {  	p1 =	seq.s32 s10, $0x1;
	s10 =	sld [smem:$0x3FB5];
	_ =	sdelay $0x3  }
0x37: {  	[smem:$0x3FB5] =	sst s10  }
0x38: {  	s10 =	sld [smem:$0x3FB6]  }
0x39: {  	_ = 	snop;
	(pc) =	sbr.ind lr, $3  }
0x3a: {  	_ = 	snop  }
0x3b: {  	_ = 	snop  }
0x3c: {  	p2 =	seq.s32 s10, $0x1;
	s10 =	sld [smem:$0x3FB5]  }
0x3d: {  	_ =	shalt  }
0x3e: {  	_ =	shalt  }
0x3f: {  	_ =	shalt  }
0x40: {  	_ =	shalt  }
0x41: {  	_ =	shalt  }
0x42: {  	_ =	shalt  }
0x43: {  	_ =	shalt  }
0x44: {  	_ =	shalt  }
0x45: {  	_ =	shalt  }
0x46: {  	_ =	shalt  }
0x47: {  	_ =	shalt  }
0x48: {  	_ =	shalt  }
0x49: {  	_ =	shalt  }
0x4a: {  	_ =	shalt  }
0x4b: {  	_ =	shalt  }
0x4c: {  	_ =	shalt  }
0x4d: {  	_ =	shalt  }
0x4e: {  	_ =	shalt  }
0x4f: {  	_ =	shalt  }
0x50: {  	_ =	shalt  }
0x51: {  	_ =	shalt  }
0x52: {  	_ =	shalt  }
0x53: {  	_ =	shalt  }
0x54: {  	_ =	shalt  }
0x55: {  	_ =	shalt  }
0x56: {  	_ =	shalt  }
0x57: {  	_ =	shalt  }
0x58: {  	_ =	shalt  }
0x59: {  	_ =	shalt  }
0x5a: {  	_ =	shalt  }
0x5b: {  	_ =	shalt  }
0x5c: {  	_ =	shalt  }
0x5d: {  	_ =	shalt  }
0x5e: {  	_ =	shalt  }
0x5f: {  	_ =	shalt  }
0x60: {  	_ =	shalt  }
0x61: {  	_ =	shalt  }
0x62: {  	_ =	shalt  }
0x63: {  	_ =	shalt  }
0x64: {  	_ =	shalt  }
0x65: {  	_ =	shalt  }
0x66: {  	_ =	shalt  }
0x67: {  	_ =	shalt  }
0x68: {  	_ =	shalt  }
0x69: {  	_ =	shalt  }
0x6a: {  	_ =	shalt  }
0x6b: {  	_ =	shalt  }
0x6c: {  	_ =	shalt  }
0x6d: {  	_ =	shalt  }
0x6e: {  	_ =	shalt  }
0x6f: {  	_ =	shalt  }
0x70: {  	_ =	shalt  }
0x71: {  	_ =	shalt  }
0x72: {  	_ =	shalt  }
0x73: {  	_ =	shalt  }
0x74: {  	_ =	shalt  }
0x75: {  	_ =	shalt  }
0x76: {  	_ =	shalt  }
0x77: {  	_ =	shalt  }
0x78: {  	_ =	shalt  }
0x79: {  	_ =	shalt  }
0x7a: {  	_ =	shalt  }
0x7b: {  	_ =	shalt  }
0x7c: {  	_ =	shalt  }
0x7d: {  	_ =	shalt  }
0x7e: {  	_ =	shalt  }
0x7f: {  	_ =	shalt  }
0x80: {  	_ =	shalt  }
0x81: {  	_ =	shalt  }
0x82: {  	_ =	shalt  }
0x83: {  	_ =	shalt  }
0x84: {  	_ =	shalt  }
0x85: {  	_ =	shalt  }
0x86: {  	_ =	shalt  }
0x87: {  	_ =	shalt  }
.Lfunc_end0:
.L_simem_size_0:
called_computation_lowered:
.L_overlay_start_0:
0x88: {  	s2 =	sld [smem:$0x3FD9]  }
0x89: {  	s3 =	sld [smem:$0x3FFE];
	_ =	sdelay $0x1  }
0x8a: {  	s1 =	srdreg.scid  }
0x8b: {  	s0 =	sand.u32 $0x1, s1  }
0x8c: {  	s14 =	sshll.u32 s0, $0xA;
	s2 =	sadd.s32 s3, s2  }
0x8d: {  	s2 =	sadd.s32 s2, s14  }
0x8e: {  	[smem:$0x3FC1] =	sst s2  }
0x8f: {  	_ = 	snop  }
0x90: {  	s2 =	sld [smem:$0x3FC9]  }
0x91: {  	s15 =	sld [smem:$0x3FC8]  }
0x92: {  	s4 =	sld [smem:$0x3FD0]  }
0x93: {  	s5 =	sld [smem:$0x3FC7]  }
0x94: {  	s6 =	sld [smem:$0x3FC6]  }
0x95: {  	s8 =	simm.s32 $0xA;
	s9 =	simm.s32 $0x10;
	s7 =	sld [smem:$0x3FC5]  }
0x96: {  	[smem:s9], [sflag:s8] =	dma.local [hbm:s4], $0x1  }
0x97: {  	_ =	swait.eq [sflag:s8], $0x1  }
0x98: {  	[sflag:s8] =	ssyncset.done $0x0  }
0x99: {  	[sflag:s8] =	ssyncadd.s32 $0xFFFFFFFF  }
0x9a: {  	s16 =	sld [smem:$0x12];
	(tm) =	ssettm $0x1  }
0x9b: {  	s17 =	sld [smem:$0x3FFB];
	_ =	sdelay $0x3  }
0x9c: {  	_ =	strace s17  }
0x9d: {  	s8 =	sld [smem:$0x3FFC];
	_ =	sdelay $0x3  }
0x9e: {  	_ =	strace s8  }
0x9f: {  	s8 =	sld [smem:$0x3FFD];
	_ =	sdelay $0x3  }
0xa0: {  	_ =	strace s8  }
0xa1: {  	_ =	strace $0x8FFFFFFF  }
0xa2: {  	s18 =	sld [smem:$0x3FDB];
	_ =	sdelay $0x1  }
0xa3: {  	s19 =	simm.s32 $_scs_section_size  }
0xa4: {  	s10 =	simm.s32 $_size__tile_overlayer_lowered;
	s11 =	simm.s32 $_tile_overlayer_lowered  }
0xa5: {  	s22 =	simm.s32 $0x1BFF;
	s21 =	sshll.u32 s11, $0x1;
	s8 =	sadd.s32 s19, s18  }
0xa6: {  	s12 =	simm.s32 $0x0;
	s20 =	sshll.u32 s10, $0x1;
	s10 =	sadd.s32 s21, s8  }
0xa7: {  	[timem:s12], [sflag:s22] =	dma.local [hbm:s10], s20  }
0xa8: {  	_ =	swait.ge [sflag:s22], s20  }
0xa9: {  	s9 =	ssub.s32 $0x0, s20;
	[sflag:s22] =	ssyncset.done $0x0  }
0xaa: {  	[sflag:s22] =	ssyncadd.s32 s9;
	_ =	sdelay $0x1  }
0xab: {  	s23 =	simm.s32 $0x1B8B  }
0xac: {  	_ =	swait.ge [sflag:s23], $0x1  }
0xad: {  	[sflag:s23] =	ssyncset.done $0x0  }
0xae: {  	s25 =	simm.s32 $0x1B8E;
	s24 =	sld [smem:$0x3FFE];
	[sflag:s23] =	ssyncadd.s32 $0xFFFFFFFF  }
0xaf: {  	s26 =	simm.s32 $execute0_lowered;
	[smem:$0x3FD2] =	sst s25  }
0xb0: {  	s10 =	sshll.u32 s26, $0x1;
	_ =	strace $0x80000046;
	[dreg:$0x1] =	wrdreg $0xFFFFFFFF  }
0xb1: {  	s28 =	simm.s32 $_size_execute0_lowered;
	s8 =	sadd.s32 s8, s10;
	[dreg:$0x0] =	wrdreg $0x0  }
0xb2: {  	s10 =	sshll.u32 s28, $0x1;
	[dreg:$0x2] =	wrdreg s8  }
0xb3: {  	[dreg:$0x3] =	wrdreg s10  }
0xb4: {  	[dreg:$0x4] =	wrdreg $0xC0  }
0xb5: {  	_ =	task [dreg:s12], $0x5FFFF  }
0xb6: {  	[dreg:$0x1] =	wrdreg $0xFFFFFFFF  }
0xb7: {  	[dreg:$0x0] =	wrdreg $0x60  }
0xb8: {  	[dreg:$0x2] =	wrdreg s2  }
0xb9: {  	[dreg:$0x3] =	wrdreg s15  }
0xba: {  	[dreg:$0x4] =	wrdreg s5  }
0xbb: {  	[dreg:$0x5] =	wrdreg s6  }
0xbc: {  	[dreg:$0x6] =	wrdreg s7  }
0xbd: {  	[dreg:$0x7] =	wrdreg s24  }
0xbe: {  	[dreg:$0x8] =	wrdreg s16  }
0xbf: {  	[dreg:$0x9] =	wrdreg $0x9  }
0xc0: {  	_ =	task.clear_ibuf [dreg:s12], $0xAFFFF;
	_ =	strace $0x90000046  }
0xc1: {  	s29 =	simm.s32 $0x9;
	_ =	strace $0x80000048  }
0xc2: {  	_ =	swait.ge [sflag:s29], $0x1  }
0xc3: {  	[sflag:s29] =	ssyncadd.s32 $0xFFFFFFFF  }
0xc4: {  	_ =	strace $0x90000048  }
0xc5: {  	_ =	sfence  }
0xc6: {  	s30 =	sld [smem:$0x0];
	_ =	sdelay $0x2  }
0xc7: {  	s31 =	sshll.u32 s1, $0xD;
	s1 =	sshrl.u32 s1, $0x2  }
0xc8: {  	s3 =	sand.u32 $0x4000, s31;
	s1 =	sadd.s32 s1, s30  }
0xc9: {  	s0 =	sor.u32 s3, s0;
	s1 =	sshll.u32 s1, $0x11  }
0xca: {  	s0 =	sor.u32 s1, s0  }
0xcb: {  	s0 =	sadd.s32 $0x8F2B, s0  }
0xcc: {  	[sflag:s0] =	ssyncadd.remote.s32 $0x1  }
0xcd: {  	_ =	sfence.sel $0xFFFF  }
0xce: {  	[dreg:$0x0] =	wrdreg $0xFFFFFFFF;
	(pc) =	sbr.abs _section_cstart, $3  }
0xcf: {  	[dreg:$0x1] =	wrdreg $0xFFFFFFFF  }
0xd0: {  	_ =	task.clear_ibuf [dreg:s12], $0x2FFFF;
	_ =	strace $0x9FFFFFFF  }
0xd1: {  	(tm) =	ssettm $0x7FFFFFFF  }
tec
execute0_lowered:
.L_overlay_start_1:
0x0: {  	(tag) =	ssettag $0x1  }
0x1: {  	s0 =	rddreg [dreg:$0x0]  }
0x2: {  	s2 =	rddreg [dreg:$0x1]  }
0x3: {  	s5 =	rddreg [dreg:$0x2]  }
0x4: {  	s6 =	rddreg [dreg:$0x3]  }
0x5: {  	s7 =	rddreg [dreg:$0x4]  }
0x6: {  	s8 =	rddreg [dreg:$0x5]  }
0x7: {  	s10 =	srdreg.scid;
	s11 =	stileid.u32  }
0x8: {  	s9 =	rddreg [dreg:$0x6];
	s10 =	sand.u32 $0x1, s10;
	s11 =	sshll.u32 s11, $0x1  }
0x9: {  	s1 =	simm.s32 $0x0;
	s13 =	ssub.s32 $0x2, s10;
	s10 =	sor.u32 s10, s11  }
0xa: {  	[smem:$0x7FF] =	sst s1;
	s3 =	sadd.s32 $0x1600, s8;
	s15 =	sshll.u32 s10, $0x6  }
0xb: {  	_ =	strace $0x80000047;
	[dreg:$0x8] =	wrdreg s3;
	s0 =	sadd.s32 s0, s15  }
0xc: {  	s4 =	sadd.s32 $0x188000, s8;
	s18 =	sadd.s32 s2, s15;
	[smem:$0x7F1] =	sst s0  }
0xd: {  	s12 =	sadd.s32 $0x30EA00, s8;
	s19 =	sadd.s32 s5, s15;
	[smem:$0x7F2] =	sst s18  }
0xe: {  	s17 =	sadd.s32 $0x34EA00, s8;
	s21 =	sadd.s32 s6, s15;
	[smem:$0x7F3] =	sst s19  }
0xf: {  	s20 =	sshll.u32 s10, $0xD;
	s22 =	sadd.s32 s7, s15;
	[smem:$0x7F4] =	sst s21  }
0x10: {  	s8 =	sadd.s32 $0x38EA00, s8;
	s23 =	sadd.s32 s12, s20;
	[smem:$0x7F5] =	sst s22  }
0x11: {  	s14 =	sshrl.u32 s13, $0x1;
	s24 =	sadd.s32 s17, s20;
	[smem:$0x7F6] =	sst s23  }
0x12: {  	s29 =	sshll.u32 s10, $0x7;
	s25 =	sadd.s32 s8, s20;
	[smem:$0x7F7] =	sst s24  }
0x13: {  	s13 =	ssub.s32 s13, s14;
	s30 =	sadd.s32 s9, s29;
	[smem:$0x7F8] =	sst s25  }
0x14: {  	s0 =	sor.u32 $0x1000, s20;
	[smem:$0x7FC] =	sst s30;
	s31 =	smax.u32 s13, $0x1  }
0x15: {  	s5 =	simm.s32 $0x0;
	s26 =	sadd.s32 s12, s0;
	[smem:$0x7FD] =	sst s31  }
0x16: {  	s18 =	simm.s32 $0x1;
	s28 =	sadd.s32 s17, s0;
	[smem:$0x7F9] =	sst s26  }
0x17: {  	v0 =	vlaneseq.u32;
	s23 =	simm.s32 $0x600;
	s0 =	sadd.s32 s8, s0;
	[smem:$0x7FA] =	sst s28  }
0x18: {  	v0 =	vmul.u32 $0x80, v0;
	s24 =	simm.s32 $0x8600;
	s25 =	simm.s32 $0x10600;
	[smem:$0x7FB] =	sst s0  }
.LBB2_1:
0x19: {  	s0 =	sld [smem:$0x7F1];
	_ =	sdelay $0x1  }
0x1a: {  	s29 =	sld [smem:$0x7F2]  }
0x1b: {  	[tilespmem:s1], [sflag:$0x1] =	stream.linear.gather [hbm4b:s0+s1], $0x200, $0x38;
	[tilespmem:$0x18E00] =	vst v63  }
0x1c: {  	s2 =	simm.s32 $0x200  }
0x1d: {  	[tilespmem:s2], [sflag:$0x1] =	stream.linear.gather [hbm4b:s29+s1], $0x200, $0x38;
	[tilespmem:$0x18E00] =	vst v63  }
0x1e: {  	s2 =	sld [smem:$0x7F3]  }
0x1f: {  	[smem:$0x7F0] =	sst s5  }
0x20: {  	s3 =	simm.s32 $0x400;
	s5 =	sld [smem:$0x7F4]  }
0x21: {  	[tilespmem:s3], [sflag:$0x1] =	stream.linear.gather [hbm4b:s2+s1], $0x200, $0x38;
	[tilespmem:$0x18E00] =	vst v63  }
0x22: {  	s6 =	simm.s32 $0x18600;
	s7 =	sld [smem:$0x7F5]  }
0x23: {  	[tilespmem:s6], [sflag:$0x1] =	stream.linear.gather [hbm4b:s5+s1], $0x200, $0x38;
	[tilespmem:$0x18E00] =	vst v63  }
0x24: {  	s8 =	simm.s32 $0x18800  }
0x25: {  	[tilespmem:s8], [sflag:$0x1] =	stream.linear.gather [hbm4b:s7+s1], $0x200, $0x38;
	[tilespmem:$0x18E00] =	vst v63  }
0x26: {  	_ =	swait.ge [sflag:s18], $0x200  }
0x27: {  	[sflag:s18] =	ssyncset.done $0x0  }
0x28: {  	[sflag:s18] =	ssyncadd.s32 $0xFFFFFE00  }
0x29: {  	_ =	swait.ge [sflag:s18], $0x200  }
0x2a: {  	[sflag:s18] =	ssyncset.done $0x0  }
0x2b: {  	[sflag:s18] =	ssyncadd.s32 $0xFFFFFE00  }
0x2c: {  	_ =	swait.ge [sflag:s18], $0x200  }
0x2d: {  	[sflag:s18] =	ssyncset.done $0x0  }
0x2e: {  	[sflag:s18] =	ssyncadd.s32 $0xFFFFFE00  }
0x2f: {  	_ =	swait.ge [sflag:s18], $0x200  }
0x30: {  	[sflag:s18] =	ssyncset.done $0x0  }
0x31: {  	[sflag:s18] =	ssyncadd.s32 $0xFFFFFE00  }
0x32: {  	_ =	swait.ge [sflag:s18], $0x200  }
0x33: {  	[sflag:s18] =	ssyncset.done $0x0  }
0x34: {  	[sflag:s18] =	ssyncadd.s32 $0xFFFFFE00  }
0x35: {  	v1 =	vld [tilespmem:$0x0];
	_ =	sdelay $0x1  }
0x36: {  	v2 =	vld [tilespmem:$0x200];
	_ =	sdelay $0x2  }
0x37: {  	v3 =	vshll.u32 v1, $0x4  }
0x38: {  	(v2sf) =	vpush v3, $0x0  }
0x39: {  	v1 =	vld [tilespmem:$0x400];
	v2 =	vshll.u32 v2, $0x4  }
0x3a: {  	(v2sf) =	vpush v2, $0x0;
	_ =	sdelay $0x3  }
0x3b: {  	v1 =	vshll.u32 v1, $0x4  }
0x3c: {  	(v2sf) =	vpush v1, $0x0;
	_ =	sdelay $0x1  }
0x3d: {  	(v2sf) =	vpush v3, $0x1;
	_ =	sdelay $0x2  }
0x3e: {  	(v2sf) =	vpush v2, $0x1;
	_ =	sdelay $0x2  }
0x3f: {  	(v2sf) =	vpush v1, $0x1;
	s9 =	spop (v2sf)  }
0x40: {  	s11 =	rddreg [dreg:$0x8];
	s0 =	sand.u32 $0x1FFFFFF0, s9  }
0x41: {  	s10 =	spop (v2sf);
	s0 =	sadd.s32 s11, s0  }
0x42: {  	(v2sf) =	vpush v3, $0x2;
	[tilespmem:s23], [sflag:$0x1] =	stream.linear.gather [hbm4b:s0+s1], $0x80, $0x38;
	[tilespmem:$0x18E00] =	vst v63  }
0x43: {  	s0 =	sand.u32 $0x1FFFFFF0, s10  }
0x44: {  	s0 =	sadd.s32 s4, s0  }
0x45: {  	(v2sf) =	vpush v2, $0x2;
	[tilespmem:s24], [sflag:$0x1] =	stream.linear.gather [hbm4b:s0+s1], $0x80, $0x38;
	[tilespmem:$0x18E00] =	vst v63  }
0x46: {  	s12 =	spop (v2sf)  }
0x47: {  	s0 =	sand.u32 $0x1FFFFFF0, s12  }
0x48: {  	(v2sf) =	vpush v1, $0x2;
	s13 =	spop (v2sf);
	s0 =	sadd.s32 s4, s0  }
0x49: {  	[tilespmem:s25], [sflag:$0x1] =	stream.linear.gather [hbm4b:s0+s1], $0x80, $0x38;
	[tilespmem:$0x18E00] =	vst v63  }
0x4a: {  	s0 =	sand.u32 $0x1FFFFFF0, s13  }
0x4b: {  	s14 =	simm.s32 $0x680;
	s15 =	spop (v2sf);
	s0 =	sadd.s32 s11, s0  }
0x4c: {  	[tilespmem:s14], [sflag:$0x1] =	stream.linear.gather [hbm4b:s0+s1], $0x80, $0x38;
	[tilespmem:$0x18E00] =	vst v63  }
0x4d: {  	(v2sf) =	vpush v3, $0x3;
	s0 =	sand.u32 $0x1FFFFFF0, s15  }
0x4e: {  	s16 =	simm.s32 $0x8680;
	s17 =	spop (v2sf);
	s0 =	sadd.s32 s4, s0  }
0x4f: {  	(v2sf) =	vpush v2, $0x3;
	[tilespmem:s16], [sflag:$0x1] =	stream.linear.gather [hbm4b:s0+s1], $0x80, $0x38;
	[tilespmem:$0x18E00] =	vst v63  }
0x50: {  	s0 =	sand.u32 $0x1FFFFFF0, s17  }
0x51: {  	s19 =	simm.s32 $0x10680;
	s20 =	spop (v2sf);
	s0 =	sadd.s32 s4, s0  }
0x52: {  	(v2sf) =	vpush v1, $0x3;
	[tilespmem:s19], [sflag:$0x1] =	stream.linear.gather [hbm4b:s0+s1], $0x80, $0x38;
	[tilespmem:$0x18E00] =	vst v63  }
0x53: {  	s0 =	sand.u32 $0x1FFFFFF0, s20  }
0x54: {  	s21 =	simm.s32 $0x700;
	s22 =	spop (v2sf);
	s0 =	sadd.s32 s11, s0  }
0x55: {  	(v2sf) =	vpush v3, $0x4;
	[tilespmem:s21], [sflag:$0x1] =	stream.linear.gather [hbm4b:s0+s1], $0x80, $0x38;
	[tilespmem:$0x18E00] =	vst v63  }
0x56: {  	s0 =	sand.u32 $0x1FFFFFF0, s22  }
0x57: {  	s26 =	simm.s32 $0x8700;
	s28 =	spop (v2sf);
	s0 =	sadd.s32 s4, s0  }
0x58: {  	(v2sf) =	vpush v2, $0x4;
	[tilespmem:s26], [sflag:$0x1] =	stream.linear.gather [hbm4b:s0+s1], $0x80, $0x38;
	[tilespmem:$0x18E00] =	vst v63  }
0x59: {  	s0 =	sand.u32 $0x1FFFFFF0, s28  }
0x5a: {  	s29 =	simm.s32 $0x10700;
	s0 =	sadd.s32 s4, s0  }
0x5b: {  	[tilespmem:s29], [sflag:$0x1] =	stream.linear.gather [hbm4b:s0+s1], $0x80, $0x38;
	[tilespmem:$0x18E00] =	vst v63  }
0x5c: {  	s3 =	spop (v2sf)  }
0x5d: {  	(v2sf) =	vpush v1, $0x4;
	s0 =	sand.u32 $0x1FFFFFF0, s3  }
0x5e: {  	s5 =	simm.s32 $0x780;
	s6 =	spop (v2sf);
	s0 =	sadd.s32 s11, s0  }
0x5f: {  	(v2sf) =	vpush v3, $0x5;
	[tilespmem:s5], [sflag:$0x1] =	stream.linear.gather [hbm4b:s0+s1], $0x80, $0x38;
	[tilespmem:$0x18E00] =	vst v63  }
0x60: {  	s0 =	sand.u32 $0x1FFFFFF0, s6  }
0x61: {  	s7 =	simm.s32 $0x8780;
	s8 =	spop (v2sf);
	s0 =	sadd.s32 s4, s0  }
0x62: {  	(v2sf) =	vpush v2, $0x5;
	[tilespmem:s7], [sflag:$0x1] =	stream.linear.gather [hbm4b:s0+s1], $0x80, $0x38;
	[tilespmem:$0x18E00] =	vst v63  }
0x63: {  	s0 =	sand.u32 $0x1FFFFFF0, s8  }
0x64: {  	s9 =	simm.s32 $0x10780;
	s10 =	spop (v2sf);
	s0 =	sadd.s32 s4, s0  }
0x65: {  	(v2sf) =	vpush v1, $0x5;
	[tilespmem:s9], [sflag:$0x1] =	stream.linear.gather [hbm4b:s0+s1], $0x80, $0x38;
	[tilespmem:$0x18E00] =	vst v63  }
0x66: {  	s0 =	sand.u32 $0x1FFFFFF0, s10  }
0x67: {  	s12 =	simm.s32 $0x800;
	s13 =	spop (v2sf);
	s0 =	sadd.s32 s11, s0  }
0x68: {  	(v2sf) =	vpush v3, $0x6;
	[tilespmem:s12], [sflag:$0x1] =	stream.linear.gather [hbm4b:s0+s1], $0x80, $0x38;
	[tilespmem:$0x18E00] =	vst v63  }
0x69: {  	s0 =	sand.u32 $0x1FFFFFF0, s13  }
0x6a: {  	s14 =	simm.s32 $0x8800;
	s0 =	sadd.s32 s4, s0  }
0x6b: {  	[tilespmem:s14], [sflag:$0x1] =	stream.linear.gather [hbm4b:s0+s1], $0x80, $0x38;
	[tilespmem:$0x18E00] =	vst v63  }
0x6c: {  	s15 =	spop (v2sf)  }
0x6d: {  	(v2sf) =	vpush v2, $0x6;
	s0 =	sand.u32 $0x1FFFFFF0, s15  }
0x6e: {  	s16 =	simm.s32 $0x10800;
	s17 =	spop (v2sf);
	s0 =	sadd.s32 s4, s0  }
0x6f: {  	(v2sf) =	vpush v1, $0x6;
	[tilespmem:s16], [sflag:$0x1] =	stream.linear.gather [hbm4b:s0+s1], $0x80, $0x38;
	[tilespmem:$0x18E00] =	vst v63  }
0x70: {  	s0 =	sand.u32 $0x1FFFFFF0, s17  }
0x71: {  	s19 =	simm.s32 $0x880;
	s20 =	spop (v2sf);
	s0 =	sadd.s32 s11, s0  }
0x72: {  	(v2sf) =	vpush v3, $0x7;
	[tilespmem:s19], [sflag:$0x1] =	stream.linear.gather [hbm4b:s0+s1], $0x80, $0x38;
	[tilespmem:$0x18E00] =	vst v63  }
0x73: {  	s0 =	sand.u32 $0x1FFFFFF0, s20  }
0x74: {  	s21 =	simm.s32 $0x8880;
	s22 =	spop (v2sf);
	s0 =	sadd.s32 s4, s0  }
0x75: {  	(v2sf) =	vpush v2, $0x7;
	[tilespmem:s21], [sflag:$0x1] =	stream.linear.gather [hbm4b:s0+s1], $0x80, $0x38;
	[tilespmem:$0x18E00] =	vst v63  }
0x76: {  	s0 =	sand.u32 $0x1FFFFFF0, s22  }
0x77: {  	s26 =	simm.s32 $0x10880;
	s28 =	spop (v2sf);
	s0 =	sadd.s32 s4, s0  }
0x78: {  	(v2sf) =	vpush v1, $0x7;
	[tilespmem:s26], [sflag:$0x1] =	stream.linear.gather [hbm4b:s0+s1], $0x80, $0x38;
	[tilespmem:$0x18E00] =	vst v63  }
0x79: {  	s0 =	sand.u32 $0x1FFFFFF0, s28  }
0x7a: {  	s29 =	simm.s32 $0x900;
	s0 =	sadd.s32 s11, s0  }
0x7b: {  	[tilespmem:s29], [sflag:$0x1] =	stream.linear.gather [hbm4b:s0+s1], $0x80, $0x38;
	[tilespmem:$0x18E00] =	vst v63  }
0x7c: {  	s3 =	spop (v2sf)  }
0x7d: {  	(v2sf) =	vpush v3, $0x8;
	s0 =	sand.u32 $0x1FFFFFF0, s3  }
0x7e: {  	s5 =	simm.s32 $0x8900;
	s6 =	spop (v2sf);
	s0 =	sadd.s32 s4, s0  }
0x7f: {  	(v2sf) =	vpush v2, $0x8;
	[tilespmem:s5], [sflag:$0x1] =	stream.linear.gather [hbm4b:s0+s1], $0x80, $0x38;
	[tilespmem:$0x18E00] =	vst v63  }
0x80: {  	s0 =	sand.u32 $0x1FFFFFF0, s6  }
0x81: {  	s7 =	simm.s32 $0x10900;
	s8 =	spop (v2sf);
	s0 =	sadd.s32 s4, s0  }
0x82: {  	(v2sf) =	vpush v1, $0x8;
	[tilespmem:s7], [sflag:$0x1] =	stream.linear.gather [hbm4b:s0+s1], $0x80, $0x38;
	[tilespmem:$0x18E00] =	vst v63  }
0x83: {  	s0 =	sand.u32 $0x1FFFFFF0, s8  }
0x84: {  	s9 =	simm.s32 $0x980;
	s10 =	spop (v2sf);
	s0 =	sadd.s32 s11, s0  }
0x85: {  	(v2sf) =	vpush v3, $0x9;
	[tilespmem:s9], [sflag:$0x1] =	stream.linear.gather [hbm4b:s0+s1], $0x80, $0x38;
	[tilespmem:$0x18E00] =	vst v63  }
0x86: {  	s0 =	sand.u32 $0x1FFFFFF0, s10  }
0x87: {  	s12 =	simm.s32 $0x8980;
	s13 =	spop (v2sf);
	s0 =	sadd.s32 s4, s0  }
0x88: {  	(v2sf) =	vpush v2, $0x9;
	[tilespmem:s12], [sflag:$0x1] =	stream.linear.gather [hbm4b:s0+s1], $0x80, $0x38;
	[tilespmem:$0x18E00] =	vst v63  }
0x89: {  	s0 =	sand.u32 $0x1FFFFFF0, s13  }
0x8a: {  	s14 =	simm.s32 $0x10980;
	s0 =	sadd.s32 s4, s0  }
0x8b: {  	[tilespmem:s14], [sflag:$0x1] =	stream.linear.gather [hbm4b:s0+s1], $0x80, $0x38;
	[tilespmem:$0x18E00] =	vst v63  }
0x8c: {  	s15 =	spop (v2sf)  }
0x8d: {  	(v2sf) =	vpush v1, $0x9;
	s0 =	sand.u32 $0x1FFFFFF0, s15  }
0x8e: {  	s16 =	simm.s32 $0xA00;
	s17 =	spop (v2sf);
	s0 =	sadd.s32 s11, s0  }
0x8f: {  	(v2sf) =	vpush v3, $0xA;
	[tilespmem:s16], [sflag:$0x1] =	stream.linear.gather [hbm4b:s0+s1], $0x80, $0x38;
	[tilespmem:$0x18E00] =	vst v63  }
0x90: {  	s0 =	sand.u32 $0x1FFFFFF0, s17  }
0x91: {  	s19 =	simm.s32 $0x8A00;
	s20 =	spop (v2sf);
	s0 =	sadd.s32 s4, s0  }
0x92: {  	(v2sf) =	vpush v2, $0xA;
	[tilespmem:s19], [sflag:$0x1] =	stream.linear.gather [hbm4b:s0+s1], $0x80, $0x38;
	[tilespmem:$0x18E00] =	vst v63  }
0x93: {  	s0 =	sand.u32 $0x1FFFFFF0, s20  }
0x94: {  	s21 =	simm.s32 $0x10A00;
	s22 =	spop (v2sf);
	s0 =	sadd.s32 s4, s0  }
0x95: {  	(v2sf) =	vpush v1, $0xA;
	[tilespmem:s21], [sflag:$0x1] =	stream.linear.gather [hbm4b:s0+s1], $0x80, $0x38;
	[tilespmem:$0x18E00] =	vst v63  }
0x96: {  	s0 =	sand.u32 $0x1FFFFFF0, s22  }
0x97: {  	s26 =	simm.s32 $0xA80;
	s28 =	spop (v2sf);
	s0 =	sadd.s32 s11, s0  }
0x98: {  	(v2sf) =	vpush v3, $0xB;
	[tilespmem:s26], [sflag:$0x1] =	stream.linear.gather [hbm4b:s0+s1], $0x80, $0x38;
	[tilespmem:$0x18E00] =	vst v63  }
0x99: {  	s0 =	sand.u32 $0x1FFFFFF0, s28  }
0x9a: {  	s29 =	simm.s32 $0x8A80;
	s0 =	sadd.s32 s4, s0  }
0x9b: {  	[tilespmem:s29], [sflag:$0x1] =	stream.linear.gather [hbm4b:s0+s1], $0x80, $0x38;
	[tilespmem:$0x18E00] =	vst v63  }
0x9c: {  	s3 =	spop (v2sf)  }
0x9d: {  	(v2sf) =	vpush v2, $0xB;
	s0 =	sand.u32 $0x1FFFFFF0, s3  }
0x9e: {  	s5 =	simm.s32 $0x10A80;
	s6 =	spop (v2sf);
	s0 =	sadd.s32 s4, s0  }
0x9f: {  	(v2sf) =	vpush v1, $0xB;
	[tilespmem:s5], [sflag:$0x1] =	stream.linear.gather [hbm4b:s0+s1], $0x80, $0x38;
	[tilespmem:$0x18E00] =	vst v63  }
0xa0: {  	s0 =	sand.u32 $0x1FFFFFF0, s6  }
0xa1: {  	s7 =	simm.s32 $0xB00;
	s8 =	spop (v2sf);
	s0 =	sadd.s32 s11, s0  }
0xa2: {  	(v2sf) =	vpush v3, $0xC;
	[tilespmem:s7], [sflag:$0x1] =	stream.linear.gather [hbm4b:s0+s1], $0x80, $0x38;
	[tilespmem:$0x18E00] =	vst v63  }
0xa3: {  	s0 =	sand.u32 $0x1FFFFFF0, s8  }
0xa4: {  	s9 =	simm.s32 $0x8B00;
	s10 =	spop (v2sf);
	s0 =	sadd.s32 s4, s0  }
0xa5: {  	(v2sf) =	vpush v2, $0xC;
	[tilespmem:s9], [sflag:$0x1] =	stream.linear.gather [hbm4b:s0+s1], $0x80, $0x38;
	[tilespmem:$0x18E00] =	vst v63  }
0xa6: {  	s0 =	sand.u32 $0x1FFFFFF0, s10  }
0xa7: {  	s12 =	simm.s32 $0x10B00;
	s13 =	spop (v2sf);
	s0 =	sadd.s32 s4, s0  }
0xa8: {  	(v2sf) =	vpush v1, $0xC;
	[tilespmem:s12], [sflag:$0x1] =	stream.linear.gather [hbm4b:s0+s1], $0x80, $0x38;
	[tilespmem:$0x18E00] =	vst v63  }
0xa9: {  	s0 =	sand.u32 $0x1FFFFFF0, s13  }
0xaa: {  	s14 =	simm.s32 $0xB80;
	s0 =	sadd.s32 s11, s0  }
0xab: {  	[tilespmem:s14], [sflag:$0x1] =	stream.linear.gather [hbm4b:s0+s1], $0x80, $0x38;
	[tilespmem:$0x18E00] =	vst v63  }
0xac: {  	s15 =	spop (v2sf)  }
0xad: {  	(v2sf) =	vpush v3, $0xD;
	s0 =	sand.u32 $0x1FFFFFF0, s15  }
0xae: {  	s16 =	simm.s32 $0x8B80;
	s17 =	spop (v2sf);
	s0 =	sadd.s32 s4, s0  }
0xaf: {  	(v2sf) =	vpush v2, $0xD;
	[tilespmem:s16], [sflag:$0x1] =	stream.linear.gather [hbm4b:s0+s1], $0x80, $0x38;
	[tilespmem:$0x18E00] =	vst v63  }
0xb0: {  	s0 =	sand.u32 $0x1FFFFFF0, s17  }
0xb1: {  	s19 =	simm.s32 $0x10B80;
	s20 =	spop (v2sf);
	s0 =	sadd.s32 s4, s0  }
0xb2: {  	(v2sf) =	vpush v1, $0xD;
	[tilespmem:s19], [sflag:$0x1] =	stream.linear.gather [hbm4b:s0+s1], $0x80, $0x38;
	[tilespmem:$0x18E00] =	vst v63  }
0xb3: {  	s0 =	sand.u32 $0x1FFFFFF0, s20  }
0xb4: {  	s21 =	simm.s32 $0xC00;
	s22 =	spop (v2sf);
	s0 =	sadd.s32 s11, s0  }
0xb5: {  	(v2sf) =	vpush v3, $0xE;
	[tilespmem:s21], [sflag:$0x1] =	stream.linear.gather [hbm4b:s0+s1], $0x80, $0x38;
	[tilespmem:$0x18E00] =	vst v63  }
0xb6: {  	s0 =	sand.u32 $0x1FFFFFF0, s22  }
0xb7: {  	s26 =	simm.s32 $0x8C00;
	s28 =	spop (v2sf);
	s0 =	sadd.s32 s4, s0  }
0xb8: {  	(v2sf) =	vpush v2, $0xE;
	[tilespmem:s26], [sflag:$0x1] =	stream.linear.gather [hbm4b:s0+s1], $0x80, $0x38;
	[tilespmem:$0x18E00] =	vst v63  }
0xb9: {  	s0 =	sand.u32 $0x1FFFFFF0, s28  }
0xba: {  	s29 =	simm.s32 $0x10C00;
	s0 =	sadd.s32 s4, s0  }
0xbb: {  	[tilespmem:s29], [sflag:$0x1] =	stream.linear.gather [hbm4b:s0+s1], $0x80, $0x38;
	[tilespmem:$0x18E00] =	vst v63  }
0xbc: {  	s3 =	spop (v2sf)  }
0xbd: {  	(v2sf) =	vpush v1, $0xE;
	s0 =	sand.u32 $0x1FFFFFF0, s3  }
0xbe: {  	s5 =	simm.s32 $0xC80;
	s6 =	spop (v2sf);
	s0 =	sadd.s32 s11, s0  }
0xbf: {  	(v2sf) =	vpush v3, $0xF;
	[tilespmem:s5], [sflag:$0x1] =	stream.linear.gather [hbm4b:s0+s1], $0x80, $0x38;
	[tilespmem:$0x18E00] =	vst v63  }
0xc0: {  	s0 =	sand.u32 $0x1FFFFFF0, s6  }
0xc1: {  	s7 =	simm.s32 $0x8C80;
	s8 =	spop (v2sf);
	s0 =	sadd.s32 s4, s0  }
0xc2: {  	(v2sf) =	vpush v2, $0xF;
	[tilespmem:s7], [sflag:$0x1] =	stream.linear.gather [hbm4b:s0+s1], $0x80, $0x38;
	[tilespmem:$0x18E00] =	vst v63  }
0xc3: {  	s0 =	sand.u32 $0x1FFFFFF0, s8  }
0xc4: {  	s9 =	simm.s32 $0x10C80;
	s10 =	spop (v2sf);
	s0 =	sadd.s32 s4, s0  }
0xc5: {  	(v2sf) =	vpush v1, $0xF;
	[tilespmem:s9], [sflag:$0x1] =	stream.linear.gather [hbm4b:s0+s1], $0x80, $0x38;
	[tilespmem:$0x18E00] =	vst v63  }
0xc6: {  	s0 =	sand.u32 $0x1FFFFFF0, s10  }
0xc7: {  	s12 =	simm.s32 $0xD00;
	s13 =	spop (v2sf);
	s0 =	sadd.s32 s11, s0  }
0xc8: {  	[tilespmem:s12], [sflag:$0x1] =	stream.linear.gather [hbm4b:s0+s1], $0x80, $0x38;
	[tilespmem:$0x18E00] =	vst v63  }
0xc9: {  	s0 =	sand.u32 $0x1FFFFFF0, s13  }
0xca: {  	s14 =	simm.s32 $0x8D00;
	s0 =	sadd.s32 s4, s0  }
0xcb: {  	[tilespmem:s14], [sflag:$0x1] =	stream.linear.gather [hbm4b:s0+s1], $0x80, $0x38;
	[tilespmem:$0x18E00] =	vst v63  }
0xcc: {  	s15 =	spop (v2sf)  }
0xcd: {  	s0 =	sand.u32 $0x1FFFFFF0, s15  }
0xce: {  	s16 =	simm.s32 $0x10D00;
	s17 =	spop (v2sf);
	s0 =	sadd.s32 s4, s0  }
0xcf: {  	[tilespmem:s16], [sflag:$0x1] =	stream.linear.gather [hbm4b:s0+s1], $0x80, $0x38;
	[tilespmem:$0x18E00] =	vst v63  }
0xd0: {  	s0 =	sand.u32 $0x1FFFFFF0, s17  }
0xd1: {  	s19 =	simm.s32 $0xD80;
	s20 =	spop (v2sf);
	s0 =	sadd.s32 s11, s0  }
0xd2: {  	[tilespmem:s19], [sflag:$0x1] =	stream.linear.gather [hbm4b:s0+s1], $0x80, $0x38;
	[tilespmem:$0x18E00] =	vst v63  }
0xd3: {  	s0 =	sand.u32 $0x1FFFFFF0, s20  }
0xd4: {  	s21 =	simm.s32 $0x8D80;
	s22 =	spop (v2sf);
	s0 =	sadd.s32 s4, s0  }
0xd5: {  	[tilespmem:s21], [sflag:$0x1] =	stream.linear.gather [hbm4b:s0+s1], $0x80, $0x38;
	[tilespmem:$0x18E00] =	vst v63  }
0xd6: {  	s0 =	sand.u32 $0x1FFFFFF0, s22  }
0xd7: {  	s26 =	simm.s32 $0x10D80;
	s28 =	simm.s32 $0x10;
	s0 =	sadd.s32 s4, s0  }
0xd8: {  	[tilespmem:s26], [sflag:$0x1] =	stream.linear.gather [hbm4b:s0+s1], $0x80, $0x38;
	[tilespmem:$0x18E00] =	vst v63  }
0xd9: {  	v1 =	vld [tilespmem:s28+$0x0]  }
0xda: {  	s29 =	simm.s32 $0x210  }
0xdb: {  	v2 =	vld [tilespmem:s29+$0x0]  }
0xdc: {  	s2 =	simm.s32 $0x410  }
0xdd: {  	v4 =	vld [tilespmem:s2+$0x0]  }
0xde: {  	v3 =	vshll.u32 v1, $0x4  }
0xdf: {  	(v2sf) =	vpush v3, $0x0  }
0xe0: {  	v2 =	vshll.u32 v2, $0x4  }
0xe1: {  	(v2sf) =	vpush v2, $0x0  }
0xe2: {  	v1 =	vshll.u32 v4, $0x4  }
0xe3: {  	(v2sf) =	vpush v1, $0x0  }
0xe4: {  	(v2sf) =	vpush v3, $0x1;
	_ =	sdelay $0x1  }
0xe5: {  	(v2sf) =	vpush v2, $0x1;
	_ =	sdelay $0x1  }
0xe6: {  	(v2sf) =	vpush v1, $0x1;
	_ =	sdelay $0x1  }
0xe7: {  	s30 =	simm.s32 $0x9500;
	(v2sf) =	vpush v3, $0x2  }
0xe8: {  	s31 =	simm.s32 $0x1580;
	s3 =	simm.s32 $0x10E00;
	s6 =	simm.s32 $0x11300  }
0xe9: {  	s5 =	simm.s32 $0x11400;
	s7 =	simm.s32 $0xE00;
	s12 =	simm.s32 $0x220  }
0xea: {  	s13 =	simm.s32 $0x420;
	s14 =	simm.s32 $0x0;
	s16 =	simm.s32 $0x2000  }
0xeb: {  	s19 =	simm.s32 $0xE80;
	s21 =	simm.s32 $0x8E80;
	(v2sf) =	vpush v2, $0x2;
	s8 =	spop (v2sf)  }
0xec: {  	s2 =	simm.s32 $0x8F80;
	s28 =	simm.s32 $0xF80;
	s0 =	sand.u32 $0x1FFFFFF0, s8  }
0xed: {  	(v2sf) =	vpush v1, $0x2;
	s8 =	simm.s32 $0x8E00;
	s9 =	spop (v2sf);
	s0 =	sadd.s32 s11, s0  }
0xee: {  	(v2sf) =	vpush v3, $0x3;
	[tilespmem:s7], [sflag:$0x1] =	stream.linear.gather [hbm4b:s0+s1], $0x80, $0x38;
	[tilespmem:$0x18E00] =	vst v63  }
0xef: {  	s9 =	sand.u32 $0x1FFFFFF0, s9;
	s10 =	spop (v2sf);
	s0 =	simm.s32 $0x9380  }
0xf0: {  	s7 =	sadd.s32 s4, s9;
	s9 =	sand.u32 $0x1FFFFFF0, s10;
	s10 =	spop (v2sf)  }
0xf1: {  	(v2sf) =	vpush v2, $0x3;
	[tilespmem:s8], [sflag:$0x1] =	stream.linear.gather [hbm4b:s7+s1], $0x80, $0x38;
	[tilespmem:$0x18E00] =	vst v63  }
0xf2: {  	s15 =	sadd.s32 s4, s9;
	s17 =	sand.u32 $0x1FFFFFF0, s10;
	s20 =	spop (v2sf)  }
0xf3: {  	(v2sf) =	vpush v1, $0x3;
	[tilespmem:s3], [sflag:$0x1] =	stream.linear.gather [hbm4b:s15+s1], $0x80, $0x38;
	[tilespmem:$0x18E00] =	vst v63  }
0xf4: {  	s9 =	sadd.s32 s11, s17;
	(v2sf) =	vpush v3, $0x4;
	s8 =	sand.u32 $0x1FFFFFF0, s20;
	s22 =	spop (v2sf)  }
0xf5: {  	[tilespmem:s19], [sflag:$0x1] =	stream.linear.gather [hbm4b:s9+s1], $0x80, $0x38;
	[tilespmem:$0x18E00] =	vst v63  }
0xf6: {  	s8 =	sadd.s32 s4, s8;
	s26 =	spop (v2sf);
	(v2sf) =	vpush v2, $0x4;
	s9 =	sand.u32 $0x1FFFFFF0, s22  }
0xf7: {  	[tilespmem:s21], [sflag:$0x1] =	stream.linear.gather [hbm4b:s8+s1], $0x80, $0x38;
	[tilespmem:$0x18E00] =	vst v63  }
0xf8: {  	s7 =	simm.s32 $0x10E80;
	s3 =	sand.u32 $0x1FFFFFF0, s26;
	s29 =	sadd.s32 s4, s9  }
0xf9: {  	[tilespmem:s7], [sflag:$0x1] =	stream.linear.gather [hbm4b:s29+s1], $0x80, $0x38;
	[tilespmem:$0x18E00] =	vst v63  }
0xfa: {  	s10 =	spop (v2sf);
	(v2sf) =	vpush v1, $0x4;
	s9 =	sadd.s32 s11, s3;
	s7 =	simm.s32 $0xF00  }
0xfb: {  	[tilespmem:s7], [sflag:$0x1] =	stream.linear.gather [hbm4b:s9+s1], $0x80, $0x38;
	[tilespmem:$0x18E00] =	vst v63  }
0xfc: {  	s15 =	simm.s32 $0x8F00;
	(v2sf) =	vpush v3, $0x5;
	s7 =	sand.u32 $0x1FFFFFF0, s10;
	s17 =	spop (v2sf)  }
0xfd: {  	s7 =	sadd.s32 s4, s7;
	s9 =	sand.u32 $0x1FFFFFF0, s17;
	s19 =	spop (v2sf)  }
0xfe: {  	[tilespmem:s15], [sflag:$0x1] =	stream.linear.gather [hbm4b:s7+s1], $0x80, $0x38;
	[tilespmem:$0x18E00] =	vst v63  }
0xff: {  	s20 =	simm.s32 $0x10F00;
	(v2sf) =	vpush v2, $0x5;
	s21 =	sadd.s32 s4, s9;
	s22 =	sand.u32 $0x1FFFFFF0, s19  }
0x100: {  	s26 =	spop (v2sf);
	s15 =	simm.s32 $0x1000;
	s19 =	simm.s32 $0x9000  }
0x101: {  	(v2sf) =	vpush v1, $0x5;
	[tilespmem:s20], [sflag:$0x1] =	stream.linear.gather [hbm4b:s21+s1], $0x80, $0x38;
	[tilespmem:$0x18E00] =	vst v63  }
0x102: {  	(v2sf) =	vpush v3, $0x6;
	s9 =	sadd.s32 s11, s22;
	s7 =	sand.u32 $0x1FFFFFF0, s26;
	s29 =	spop (v2sf)  }
0x103: {  	s22 =	simm.s32 $0x11000;
	s7 =	sadd.s32 s4, s7;
	s3 =	spop (v2sf)  }
0x104: {  	(v2sf) =	vpush v2, $0x6;
	[tilespmem:s28], [sflag:$0x1] =	stream.linear.gather [hbm4b:s9+s1], $0x80, $0x38;
	[tilespmem:$0x18E00] =	vst v63  }
0x105: {  	s28 =	simm.s32 $0x10F80;
	s9 =	sand.u32 $0x1FFFFFF0, s29;
	s17 =	spop (v2sf)  }
0x106: {  	(v2sf) =	vpush v1, $0x6;
	[tilespmem:s2], [sflag:$0x1] =	stream.linear.gather [hbm4b:s7+s1], $0x80, $0x38;
	[tilespmem:$0x18E00] =	vst v63  }
0x107: {  	s10 =	sand.u32 $0x1FFFFFF0, s3;
	s29 =	simm.s32 $0x1080;
	s9 =	sadd.s32 s4, s9  }
0x108: {  	(v2sf) =	vpush v3, $0x7;
	[tilespmem:s28], [sflag:$0x1] =	stream.linear.gather [hbm4b:s9+s1], $0x80, $0x38;
	[tilespmem:$0x18E00] =	vst v63  }
0x109: {  	s8 =	sand.u32 $0x1FFFFFF0, s17;
	s20 =	spop (v2sf);
	s9 =	sadd.s32 s11, s10  }
0x10a: {  	[tilespmem:s15], [sflag:$0x1] =	stream.linear.gather [hbm4b:s9+s1], $0x80, $0x38;
	[tilespmem:$0x18E00] =	vst v63  }
0x10b: {  	s2 =	simm.s32 $0x9080;
	s21 =	spop (v2sf);
	s9 =	sand.u32 $0x1FFFFFF0, s20  }
0x10c: {  	s8 =	sadd.s32 s4, s8;
	(v2sf) =	vpush v2, $0x7;
	s28 =	sand.u32 $0x1FFFFFF0, s21;
	s26 =	sadd.s32 s4, s9  }
0x10d: {  	[tilespmem:s19], [sflag:$0x1] =	stream.linear.gather [hbm4b:s8+s1], $0x80, $0x38;
	[tilespmem:$0x18E00] =	vst v63  }
0x10e: {  	s9 =	sadd.s32 s11, s28;
	s28 =	simm.s32 $0x9100;
	s3 =	spop (v2sf)  }
0x10f: {  	[tilespmem:s22], [sflag:$0x1] =	stream.linear.gather [hbm4b:s26+s1], $0x80, $0x38;
	[tilespmem:$0x18E00] =	vst v63  }
0x110: {  	s8 =	simm.s32 $0x11480;
	s19 =	simm.s32 $0x11080;
	(v2sf) =	vpush v1, $0x7;
	s15 =	spop (v2sf)  }
0x111: {  	s10 =	sand.u32 $0x1FFFFFF0, s3;
	s22 =	simm.s32 $0x1100;
	s17 =	spop (v2sf)  }
0x112: {  	[tilespmem:s29], [sflag:$0x1] =	stream.linear.gather [hbm4b:s9+s1], $0x80, $0x38;
	[tilespmem:$0x18E00] =	vst v63  }
0x113: {  	(v2sf) =	vpush v3, $0x8;
	s7 =	sadd.s32 s4, s10;
	s9 =	sand.u32 $0x1FFFFFF0, s15;
	s26 =	spop (v2sf)  }
0x114: {  	(v2sf) =	vpush v2, $0x8;
	[tilespmem:s2], [sflag:$0x1] =	stream.linear.gather [hbm4b:s7+s1], $0x80, $0x38;
	[tilespmem:$0x18E00] =	vst v63  }
0x115: {  	s21 =	sand.u32 $0x1FFFFFF0, s17;
	(v2sf) =	vpush v1, $0x8;
	s20 =	sadd.s32 s4, s9;
	s29 =	spop (v2sf)  }
0x116: {  	[tilespmem:s19], [sflag:$0x1] =	stream.linear.gather [hbm4b:s20+s1], $0x80, $0x38;
	[tilespmem:$0x18E00] =	vst v63  }
0x117: {  	s9 =	sadd.s32 s11, s21;
	(v2sf) =	vpush v3, $0x9;
	s7 =	sand.u32 $0x1FFFFFF0, s26;
	s3 =	spop (v2sf)  }
0x118: {  	[tilespmem:s22], [sflag:$0x1] =	stream.linear.gather [hbm4b:s9+s1], $0x80, $0x38;
	[tilespmem:$0x18E00] =	vst v63  }
0x119: {  	s7 =	sadd.s32 s4, s7;
	(v2sf) =	vpush v2, $0x9;
	s10 =	sand.u32 $0x1FFFFFF0, s3;
	s9 =	sand.u32 $0x1FFFFFF0, s29  }
0x11a: {  	(v2sf) =	vpush v1, $0x9;
	[tilespmem:s28], [sflag:$0x1] =	stream.linear.gather [hbm4b:s7+s1], $0x80, $0x38;
	[tilespmem:$0x18E00] =	vst v63  }
0x11b: {  	s17 =	spop (v2sf);
	s9 =	sadd.s32 s4, s9;
	s7 =	simm.s32 $0x11100  }
0x11c: {  	(v2sf) =	vpush v3, $0xA;
	[tilespmem:s7], [sflag:$0x1] =	stream.linear.gather [hbm4b:s9+s1], $0x80, $0x38;
	[tilespmem:$0x18E00] =	vst v63  }
0x11d: {  	s15 =	simm.s32 $0x1180;
	s19 =	simm.s32 $0x9180;
	s9 =	sadd.s32 s11, s10  }
0x11e: {  	[tilespmem:s15], [sflag:$0x1] =	stream.linear.gather [hbm4b:s9+s1], $0x80, $0x38;
	[tilespmem:$0x18E00] =	vst v63  }
0x11f: {  	s22 =	simm.s32 $0x11180;
	s7 =	sand.u32 $0x1FFFFFF0, s17;
	s20 =	spop (v2sf)  }
0x120: {  	s29 =	simm.s32 $0x1200;
	s7 =	sadd.s32 s4, s7;
	s9 =	sand.u32 $0x1FFFFFF0, s20  }
0x121: {  	[tilespmem:s19], [sflag:$0x1] =	stream.linear.gather [hbm4b:s7+s1], $0x80, $0x38;
	[tilespmem:$0x18E00] =	vst v63  }
0x122: {  	s10 =	simm.s32 $0x9200;
	(v2sf) =	vpush v2, $0xA;
	s21 =	spop (v2sf);
	s26 =	sadd.s32 s4, s9  }
0x123: {  	s28 =	sand.u32 $0x1FFFFFF0, s21;
	s3 =	spop (v2sf);
	s19 =	simm.s32 $0x11200  }
0x124: {  	(v2sf) =	vpush v1, $0xA;
	s9 =	sadd.s32 s11, s28;
	s7 =	sand.u32 $0x1FFFFFF0, s3;
	s15 =	spop (v2sf)  }
0x125: {  	[tilespmem:s22], [sflag:$0x1] =	stream.linear.gather [hbm4b:s26+s1], $0x80, $0x38;
	[tilespmem:$0x18E00] =	vst v63  }
0x126: {  	(v2sf) =	vpush v3, $0xB;
	s28 =	simm.s32 $0x9280;
	s7 =	sadd.s32 s4, s7;
	s17 =	spop (v2sf)  }
0x127: {  	[tilespmem:s29], [sflag:$0x1] =	stream.linear.gather [hbm4b:s9+s1], $0x80, $0x38;
	[tilespmem:$0x18E00] =	vst v63  }
0x128: {  	(v2sf) =	vpush v2, $0xB;
	s22 =	simm.s32 $0x1280;
	s21 =	sand.u32 $0x1FFFFFF0, s17;
	s26 =	spop (v2sf)  }
0x129: {  	s17 =	simm.s32 $0x1300;
	s9 =	sand.u32 $0x1FFFFFF0, s15;
	s29 =	spop (v2sf)  }
0x12a: {  	[tilespmem:s10], [sflag:$0x1] =	stream.linear.gather [hbm4b:s7+s1], $0x80, $0x38;
	[tilespmem:$0x18E00] =	vst v63  }
0x12b: {  	s20 =	sadd.s32 s4, s9;
	s7 =	sand.u32 $0x1FFFFFF0, s26;
	s3 =	spop (v2sf)  }
0x12c: {  	(v2sf) =	vpush v1, $0xB;
	[tilespmem:s19], [sflag:$0x1] =	stream.linear.gather [hbm4b:s20+s1], $0x80, $0x38;
	[tilespmem:$0x18E00] =	vst v63  }
0x12d: {  	(v2sf) =	vpush v3, $0xC;
	s9 =	sadd.s32 s11, s21;
	s7 =	sadd.s32 s4, s7;
	s15 =	sand.u32 $0x1FFFFFF0, s3  }
0x12e: {  	[tilespmem:s22], [sflag:$0x1] =	stream.linear.gather [hbm4b:s9+s1], $0x80, $0x38;
	[tilespmem:$0x18E00] =	vst v63  }
0x12f: {  	s20 =	simm.s32 $0x9300;
	s9 =	sand.u32 $0x1FFFFFF0, s29;
	s29 =	simm.s32 $0x1380  }
0x130: {  	[tilespmem:s28], [sflag:$0x1] =	stream.linear.gather [hbm4b:s7+s1], $0x80, $0x38;
	[tilespmem:$0x18E00] =	vst v63  }
0x131: {  	(v2sf) =	vpush v2, $0xC;
	s9 =	sadd.s32 s4, s9;
	s7 =	simm.s32 $0x11280;
	s19 =	spop (v2sf)  }
0x132: {  	[tilespmem:s7], [sflag:$0x1] =	stream.linear.gather [hbm4b:s9+s1], $0x80, $0x38;
	[tilespmem:$0x18E00] =	vst v63  }
0x133: {  	(v2sf) =	vpush v1, $0xC;
	s9 =	sadd.s32 s11, s15;
	s7 =	sand.u32 $0x1FFFFFF0, s19;
	s21 =	spop (v2sf)  }
0x134: {  	(v2sf) =	vpush v3, $0xD;
	[tilespmem:s17], [sflag:$0x1] =	stream.linear.gather [hbm4b:s9+s1], $0x80, $0x38;
	[tilespmem:$0x18E00] =	vst v63  }
0x135: {  	s7 =	sadd.s32 s4, s7;
	s9 =	sand.u32 $0x1FFFFFF0, s21;
	s22 =	spop (v2sf)  }
0x136: {  	(v2sf) =	vpush v2, $0xD;
	[tilespmem:s20], [sflag:$0x1] =	stream.linear.gather [hbm4b:s7+s1], $0x80, $0x38;
	[tilespmem:$0x18E00] =	vst v63  }
0x137: {  	s26 =	sadd.s32 s4, s9;
	s28 =	sand.u32 $0x1FFFFFF0, s22;
	s3 =	spop (v2sf)  }
0x138: {  	(v2sf) =	vpush v1, $0xD;
	[tilespmem:s6], [sflag:$0x1] =	stream.linear.gather [hbm4b:s26+s1], $0x80, $0x38;
	[tilespmem:$0x18E00] =	vst v63  }
0x139: {  	s17 =	simm.s32 $0x11380;
	s21 =	simm.s32 $0x1400;
	s7 =	sadd.s32 s11, s28;
	(v2sf) =	vpush v3, $0xE  }
0x13a: {  	[tilespmem:s29], [sflag:$0x1] =	stream.linear.gather [hbm4b:s7+s1], $0x80, $0x38;
	[tilespmem:$0x18E00] =	vst v63  }
0x13b: {  	s9 =	simm.s32 $0x11500;
	s10 =	spop (v2sf);
	(v2sf) =	vpush v2, $0xE;
	s7 =	sand.u32 $0x1FFFFFF0, s3  }
0x13c: {  	s15 =	spop (v2sf);
	s6 =	sand.u32 $0x1FFFFFF0, s10;
	s2 =	sadd.s32 s4, s7  }
0x13d: {  	(v2sf) =	vpush v1, $0xE;
	[tilespmem:s0], [sflag:$0x1] =	stream.linear.gather [hbm4b:s2+s1], $0x80, $0x38;
	[tilespmem:$0x18E00] =	vst v63  }
0x13e: {  	s20 =	sand.u32 $0x1FFFFFF0, s15;
	s26 =	simm.s32 $0x9400;
	s19 =	sadd.s32 s4, s6  }
0x13f: {  	[tilespmem:s17], [sflag:$0x1] =	stream.linear.gather [hbm4b:s19+s1], $0x80, $0x38;
	[tilespmem:$0x18E00] =	vst v63  }
0x140: {  	s15 =	simm.s32 $0x9480;
	s22 =	spop (v2sf);
	s6 =	sadd.s32 s11, s20  }
0x141: {  	(v2sf) =	vpush v3, $0xF;
	[tilespmem:s21], [sflag:$0x1] =	stream.linear.gather [hbm4b:s6+s1], $0x80, $0x38;
	[tilespmem:$0x18E00] =	vst v63  }
0x142: {  	s7 =	simm.s32 $0x1480;
	s2 =	sand.u32 $0x1FFFFFF0, s22;
	s28 =	spop (v2sf)  }
0x143: {  	s2 =	sadd.s32 s4, s2;
	s6 =	sand.u32 $0x1FFFFFF0, s28;
	s29 =	spop (v2sf)  }
0x144: {  	[tilespmem:s26], [sflag:$0x1] =	stream.linear.gather [hbm4b:s2+s1], $0x80, $0x38;
	[tilespmem:$0x18E00] =	vst v63  }
0x145: {  	s3 =	sadd.s32 s4, s6;
	s6 =	sand.u32 $0x1FFFFFF0, s29;
	s10 =	spop (v2sf)  }
0x146: {  	[tilespmem:s5], [sflag:$0x1] =	stream.linear.gather [hbm4b:s3+s1], $0x80, $0x38;
	[tilespmem:$0x18E00] =	vst v63  }
0x147: {  	s21 =	simm.s32 $0x1500;
	s2 =	sadd.s32 s11, s6;
	s19 =	spop (v2sf)  }
0x148: {  	s17 =	sand.u32 $0x1FFFFFF0, s10;
	s5 =	sand.u32 $0x1FFFFFF0, s19;
	s20 =	spop (v2sf)  }
0x149: {  	[tilespmem:s7], [sflag:$0x1] =	stream.linear.gather [hbm4b:s2+s1], $0x80, $0x38;
	[tilespmem:$0x18E00] =	vst v63  }
0x14a: {  	s2 =	sadd.s32 s4, s17;
	s22 =	sadd.s32 s4, s5;
	s26 =	spop (v2sf)  }
0x14b: {  	[tilespmem:s15], [sflag:$0x1] =	stream.linear.gather [hbm4b:s2+s1], $0x80, $0x38;
	[tilespmem:$0x18E00] =	vst v63  }
0x14c: {  	s6 =	sand.u32 $0x1FFFFFF0, s20;
	s17 =	simm.s32 $0x20;
	s29 =	spop (v2sf)  }
0x14d: {  	[tilespmem:s8], [sflag:$0x1] =	stream.linear.gather [hbm4b:s22+s1], $0x80, $0x38;
	[tilespmem:$0x18E00] =	vst v63  }
0x14e: {  	s6 =	sadd.s32 s11, s6;
	s28 =	sand.u32 $0x1FFFFFF0, s26;
	s0 =	sand.u32 $0x1FFFFFF0, s29  }
0x14f: {  	(v2sf) =	vpush v2, $0xF;
	[tilespmem:s21], [sflag:$0x1] =	stream.linear.gather [hbm4b:s6+s1], $0x80, $0x38;
	[tilespmem:$0x18E00] =	vst v63  }
0x150: {  	(v2sf) =	vpush v1, $0xF;
	s2 =	spop (v2sf);
	s8 =	simm.s32 $0x9580;
	s6 =	sadd.s32 s4, s28  }
.LBB2_2:
0x151: {  	_ =	sdelay $0x7  }
0x152: {  	[tilespmem:s30], [sflag:$0x1] =	stream.linear.gather [hbm4b:s6+s1], $0x80, $0x38;
	[tilespmem:$0x18E00] =	vst v63  }
0x153: {  	s0 =	sadd.s32 s4, s0;
	s2 =	sand.u32 $0x1FFFFFF0, s2;
	s5 =	rddreg [dreg:$0x8]  }
0x154: {  	[tilespmem:s9], [sflag:$0x1] =	stream.linear.gather [hbm4b:s0+s1], $0x80, $0x38;
	[tilespmem:$0x18E00] =	vst v63  }
0x155: {  	s26 =	sadd.s32 s5, s2  }
0x156: {  	[tilespmem:s31], [sflag:$0x1] =	stream.linear.gather [hbm4b:s26+s1], $0x80, $0x38;
	[tilespmem:$0x18E00] =	vst v63  }
0x157: {  	s7 =	spop (v2sf)  }
0x158: {  	s28 =	sand.u32 $0x1FFFFFF0, s7;
	s29 =	spop (v2sf)  }
0x159: {  	s2 =	sadd.s32 s4, s28;
	s7 =	sand.u32 $0x1FFFFFF0, s29  }
0x15a: {  	[tilespmem:s8], [sflag:$0x1] =	stream.linear.gather [hbm4b:s2+s1], $0x80, $0x38;
	[tilespmem:$0x18E00] =	vst v63  }
0x15b: {  	s3 =	sadd.s32 $0x11580, s14;
	s7 =	sadd.s32 s4, s7  }
0x15c: {  	[tilespmem:s3], [sflag:$0x1] =	stream.linear.gather [hbm4b:s7+s1], $0x80, $0x38;
	[tilespmem:$0x18E00] =	vst v63  }
0x15d: {  	_ =	swait.ge [sflag:s18], $0x800  }
0x15e: {  	[sflag:s18] =	ssyncset.done $0x0  }
0x15f: {  	[sflag:s18] =	ssyncadd.s32 $0xFFFFF800  }
0x160: {  	s22 =	smov.u32 s16;
	_ =	swait.ge [sflag:s18], $0x800  }
0x161: {  	s14 =	sshra.s32 s22, $0x2;
	[sflag:s18] =	ssyncset.done $0x0  }
0x162: {  	s9 =	sadd.s32 $0x11300, s14;
	[sflag:s18] =	ssyncadd.s32 $0xFFFFF800  }
0x163: {  	s10 =	sadd.s32 $0x9380, s14;
	_ =	swait.ge [sflag:s18], $0x800;
	[dreg:$0x13] =	wrdreg s9  }
0x164: {  	s11 =	sadd.s32 $0x11400, s14;
	[dreg:$0xf] =	wrdreg s10  }
0x165: {  	s19 =	sadd.s32 $0x11480, s14;
	[dreg:$0xb] =	wrdreg s11  }
0x166: {  	s29 =	sadd.s32 $0x9280, s14;
	[dreg:$0x9] =	wrdreg s19;
	[sflag:s18] =	ssyncset.done $0x0  }
0x167: {  	s8 =	sadd.s32 $0x8F80, s14;
	[dreg:$0x1d] =	wrdreg s29;
	[sflag:s18] =	ssyncadd.s32 $0xFFFFF800  }
0x168: {  	s20 =	sadd.s32 $0x9000, s14;
	[smem:$0x7DE] =	sst s8;
	v1 =	vld [tilespmem:s17+$0x0]  }
0x169: {  	p0 =	sne.s32 s16, $0x1C000;
	s22 =	sadd.s32 $0x11000, s14;
	[smem:$0x7DF] =	sst s20  }
0x16a: {  	s16 =	sadd.s32 $0x2000, s16;
	s28 =	sadd.s32 $0x9100, s14;
	[smem:$0x7E0] =	sst s22;
	v2 =	vld [tilespmem:s12+$0x0]  }
0x16b: {  	s6 =	sadd.s32 $0xE00, s14;
	s3 =	sadd.s32 $0x11100, s14;
	[smem:$0x7E4] =	sst s28  }
0x16c: {  	s15 =	sadd.s32 $0x8E00, s14;
	s11 =	sadd.s32 $0x11200, s14;
	[smem:$0x7E5] =	sst s3;
	v4 =	vld [tilespmem:s13+$0x0]  }
0x16d: {  	s21 =	sadd.s32 $0x10E80, s14;
	s19 =	sadd.s32 $0x9180, s14;
	[smem:$0x7EB] =	sst s11;
	v3 =	vshll.u32 v1, $0x4  }
0x16e: {  	s30 =	sadd.s32 $0x9500, s14;
	s29 =	sadd.s32 $0x1200, s14;
	[smem:$0x7E7] =	sst s19;
	(v2sf) =	vpush v3, $0x0  }
0x16f: {  	s0 =	sadd.s32 $0x8E80, s14;
	s8 =	sadd.s32 $0x9200, s14;
	[smem:$0x7E9] =	sst s29;
	v2 =	vshll.u32 v2, $0x4  }
0x170: {  	s26 =	sadd.s32 $0x10F80, s14;
	s20 =	sadd.s32 $0x11180, s14;
	[smem:$0x7EA] =	sst s8;
	(v2sf) =	vpush v2, $0x0  }
0x171: {  	s31 =	sadd.s32 $0x1580, s14;
	s28 =	sadd.s32 $0x1080, s14;
	[smem:$0x7E8] =	sst s20;
	v1 =	vshll.u32 v4, $0x4  }
0x172: {  	s2 =	sadd.s32 $0x10F00, s14;
	s3 =	sadd.s32 $0x11080, s14;
	[smem:$0x7E1] =	sst s28;
	(v2sf) =	vpush v1, $0x0  }
0x173: {  	s7 =	sadd.s32 $0x10E00, s14;
	s11 =	sadd.s32 $0x1500, s14;
	[smem:$0x7E3] =	sst s3  }
0x174: {  	s10 =	sadd.s32 $0xF80, s14;
	s19 =	sadd.s32 $0x1480, s14;
	[dreg:$0xd] =	wrdreg s11;
	(v2sf) =	vpush v3, $0x1  }
0x175: {  	s9 =	sadd.s32 $0x11500, s14;
	s29 =	sadd.s32 $0x1400, s14;
	[dreg:$0x15] =	wrdreg s19  }
0x176: {  	s22 =	sadd.s32 $0x1000, s14;
	s8 =	sadd.s32 $0x1280, s14;
	[dreg:$0x17] =	wrdreg s29;
	(v2sf) =	vpush v2, $0x1  }
0x177: {  	s18 =	sadd.s32 $0x10, s13;
	s28 =	sadd.s32 $0x9480, s14;
	[smem:$0x7EC] =	sst s8  }
0x178: {  	s20 =	sadd.s32 $0xE80, s14;
	s3 =	sadd.s32 $0x1300, s14;
	[dreg:$0x11] =	wrdreg s28  }
0x179: {  	s11 =	sadd.s32 $0x1380, s14;
	s12 =	sadd.s32 $0x10, s12;
	[smem:$0x7EE] =	sst s3;
	(v2sf) =	vpush v1, $0x1  }
0x17a: {  	s13 =	sadd.s32 $0x9080, s14;
	s8 =	sadd.s32 $0x9300, s14;
	[dreg:$0x1b] =	wrdreg s11  }
0x17b: {  	s17 =	sadd.s32 $0x10, s17;
	[smem:$0x7E2] =	sst s13;
	s13 =	sadd.s32 $0x1180, s14;
	(v2sf) =	vpush v3, $0x2  }
0x17c: {  	s28 =	sadd.s32 $0xF00, s14;
	[smem:$0x7E6] =	sst s13;
	s13 =	sadd.s32 $0x11280, s14  }
0x17d: {  	s11 =	sadd.s32 $0x1100, s14;
	[smem:$0x7ED] =	sst s13;
	(v2sf) =	vpush v2, $0x2;
	s13 =	spop (v2sf)  }
0x17e: {  	s3 =	smov.u32 s5;
	s5 =	smov.u32 s16;
	s19 =	sand.u32 $0x1FFFFFF0, s13  }
0x17f: {  	s16 =	sadd.s32 $0x8F00, s14;
	(v2sf) =	vpush v1, $0x2;
	s29 =	spop (v2sf);
	s13 =	sadd.s32 s3, s19  }
0x180: {  	[tilespmem:s6], [sflag:$0x1] =	stream.linear.gather [hbm4b:s13+s1], $0x80, $0x38;
	[tilespmem:$0x18E00] =	vst v63  }
0x181: {  	s29 =	sand.u32 $0x1FFFFFF0, s29;
	s19 =	spop (v2sf);
	(v2sf) =	vpush v3, $0x3;
	s13 =	sadd.s32 $0x11380, s14  }
0x182: {  	s29 =	sadd.s32 s4, s29;
	[dreg:$0x1f] =	wrdreg s13;
	s13 =	sadd.s32 $0x9400, s14  }
0x183: {  	s19 =	sand.u32 $0x1FFFFFF0, s19;
	(v2sf) =	vpush v2, $0x3;
	[dreg:$0x19] =	wrdreg s13;
	s13 =	spop (v2sf)  }
0x184: {  	[tilespmem:s15], [sflag:$0x1] =	stream.linear.gather [hbm4b:s29+s1], $0x80, $0x38;
	[tilespmem:$0x18E00] =	vst v63  }
0x185: {  	[smem:$0x7EF] =	sst s8;
	s19 =	sadd.s32 s4, s19;
	(v2sf) =	vpush v1, $0x3;
	s29 =	spop (v2sf)  }
0x186: {  	[tilespmem:s7], [sflag:$0x1] =	stream.linear.gather [hbm4b:s19+s1], $0x80, $0x38;
	[tilespmem:$0x18E00] =	vst v63  }
0x187: {  	s8 =	sadd.s32 $0x9580, s14;
	s6 =	sand.u32 $0x1FFFFFF0, s13;
	s13 =	sand.u32 $0x1FFFFFF0, s29  }
0x188: {  	(v2sf) =	vpush v3, $0x4;
	s6 =	sadd.s32 s3, s6;
	s15 =	spop (v2sf);
	s19 =	sadd.s32 s4, s13  }
0x189: {  	(v2sf) =	vpush v2, $0x4;
	[tilespmem:s20], [sflag:$0x1] =	stream.linear.gather [hbm4b:s6+s1], $0x80, $0x38;
	[tilespmem:$0x18E00] =	vst v63  }
0x18a: {  	s29 =	spop (v2sf);
	s13 =	smov.u32 s18;
	s20 =	sand.u32 $0x1FFFFFF0, s15  }
0x18b: {  	(v2sf) =	vpush v1, $0x4;
	[tilespmem:s0], [sflag:$0x1] =	stream.linear.gather [hbm4b:s19+s1], $0x80, $0x38;
	[tilespmem:$0x18E00] =	vst v63  }
0x18c: {  	s15 =	sand.u32 $0x1FFFFFF0, s29;
	s7 =	sadd.s32 s4, s20;
	s19 =	spop (v2sf)  }
0x18d: {  	(v2sf) =	vpush v3, $0x5;
	[tilespmem:s21], [sflag:$0x1] =	stream.linear.gather [hbm4b:s7+s1], $0x80, $0x38;
	[tilespmem:$0x18E00] =	vst v63  }
0x18e: {  	s20 =	sadd.s32 s3, s15;
	s21 =	sand.u32 $0x1FFFFFF0, s19;
	s29 =	spop (v2sf)  }
0x18f: {  	[tilespmem:s28], [sflag:$0x1] =	stream.linear.gather [hbm4b:s20+s1], $0x80, $0x38;
	[tilespmem:$0x18E00] =	vst v63  }
0x190: {  	s6 =	sadd.s32 s4, s21;
	s15 =	sand.u32 $0x1FFFFFF0, s29;
	s18 =	spop (v2sf)  }
0x191: {  	(v2sf) =	vpush v2, $0x5;
	[tilespmem:s16], [sflag:$0x1] =	stream.linear.gather [hbm4b:s6+s1], $0x80, $0x38;
	[tilespmem:$0x18E00] =	vst v63  }
0x192: {  	s19 =	sadd.s32 s4, s15;
	s20 =	sand.u32 $0x1FFFFFF0, s18;
	s21 =	spop (v2sf)  }
0x193: {  	(v2sf) =	vpush v1, $0x5;
	[tilespmem:s2], [sflag:$0x1] =	stream.linear.gather [hbm4b:s19+s1], $0x80, $0x38;
	[tilespmem:$0x18E00] =	vst v63  }
0x194: {  	s16 =	smov.u32 s5;
	s28 =	sadd.s32 s3, s20;
	s5 =	spop (v2sf)  }
0x195: {  	(v2sf) =	vpush v3, $0x6;
	[tilespmem:s10], [sflag:$0x1] =	stream.linear.gather [hbm4b:s28+s1], $0x80, $0x38;
	[tilespmem:$0x18E00] =	vst v63  }
0x196: {  	s18 =	sld [smem:$0x7DE];
	s29 =	sand.u32 $0x1FFFFFF0, s21;
	s10 =	sand.u32 $0x1FFFFFF0, s5  }
0x197: {  	s7 =	sadd.s32 s4, s29;
	s15 =	spop (v2sf);
	s19 =	sadd.s32 s4, s10  }
0x198: {  	(v2sf) =	vpush v2, $0x6;
	s20 =	sand.u32 $0x1FFFFFF0, s15;
	s21 =	spop (v2sf);
	s15 =	sld [smem:$0x7DF]  }
0x199: {  	[tilespmem:s18], [sflag:$0x1] =	stream.linear.gather [hbm4b:s7+s1], $0x80, $0x38;
	[tilespmem:$0x18E00] =	vst v63  }
0x19a: {  	(v2sf) =	vpush v1, $0x6;
	s28 =	sand.u32 $0x1FFFFFF0, s21;
	s29 =	spop (v2sf);
	s21 =	sld [smem:$0x7E0]  }
0x19b: {  	[tilespmem:s26], [sflag:$0x1] =	stream.linear.gather [hbm4b:s19+s1], $0x80, $0x38;
	[tilespmem:$0x18E00] =	vst v63  }
0x19c: {  	(v2sf) =	vpush v3, $0x7;
	s5 =	sadd.s32 s4, s28;
	s26 =	sadd.s32 s3, s20;
	s10 =	spop (v2sf)  }
0x19d: {  	(v2sf) =	vpush v2, $0x7;
	[tilespmem:s22], [sflag:$0x1] =	stream.linear.gather [hbm4b:s26+s1], $0x80, $0x38;
	[tilespmem:$0x18E00] =	vst v63  }
0x19e: {  	s6 =	sand.u32 $0x1FFFFFF0, s29;
	s29 =	sld [smem:$0x7E1];
	s19 =	sand.u32 $0x1FFFFFF0, s10  }
0x19f: {  	[tilespmem:s15], [sflag:$0x1] =	stream.linear.gather [hbm4b:s5+s1], $0x80, $0x38;
	[tilespmem:$0x18E00] =	vst v63  }
0x1a0: {  	s18 =	sadd.s32 s4, s6;
	(v2sf) =	vpush v1, $0x7;
	s22 =	sadd.s32 s3, s19;
	s20 =	spop (v2sf)  }
0x1a1: {  	[tilespmem:s21], [sflag:$0x1] =	stream.linear.gather [hbm4b:s18+s1], $0x80, $0x38;
	[tilespmem:$0x18E00] =	vst v63  }
0x1a2: {  	s15 =	sld [smem:$0x7E2];
	(v2sf) =	vpush v3, $0x8;
	s26 =	sand.u32 $0x1FFFFFF0, s20;
	s28 =	spop (v2sf)  }
0x1a3: {  	[tilespmem:s29], [sflag:$0x1] =	stream.linear.gather [hbm4b:s22+s1], $0x80, $0x38;
	[tilespmem:$0x18E00] =	vst v63  }
0x1a4: {  	s18 =	simm.s32 $0x1;
	s5 =	sadd.s32 s4, s26;
	s10 =	spop (v2sf)  }
0x1a5: {  	(v2sf) =	vpush v2, $0x8;
	s6 =	sand.u32 $0x1FFFFFF0, s28;
	s22 =	sld [smem:$0x7E3];
	s20 =	sand.u32 $0x1FFFFFF0, s10  }
0x1a6: {  	[tilespmem:s15], [sflag:$0x1] =	stream.linear.gather [hbm4b:s5+s1], $0x80, $0x38;
	[tilespmem:$0x18E00] =	vst v63  }
0x1a7: {  	(v2sf) =	vpush v1, $0x8;
	s19 =	sadd.s32 s4, s6;
	s21 =	spop (v2sf);
	s26 =	sadd.s32 s3, s20  }
0x1a8: {  	[tilespmem:s22], [sflag:$0x1] =	stream.linear.gather [hbm4b:s19+s1], $0x80, $0x38;
	[tilespmem:$0x18E00] =	vst v63  }
0x1a9: {  	(v2sf) =	vpush v3, $0x9;
	s28 =	sand.u32 $0x1FFFFFF0, s21;
	s29 =	spop (v2sf);
	s21 =	sld [smem:$0x7E5]  }
0x1aa: {  	(v2sf) =	vpush v2, $0x9;
	[tilespmem:s11], [sflag:$0x1] =	stream.linear.gather [hbm4b:s26+s1], $0x80, $0x38;
	[tilespmem:$0x18E00] =	vst v63  }
0x1ab: {  	s5 =	sadd.s32 s4, s28;
	s10 =	spop (v2sf);
	s11 =	sld [smem:$0x7E4]  }
0x1ac: {  	s6 =	sand.u32 $0x1FFFFFF0, s29;
	(v2sf) =	vpush v1, $0x9;
	s29 =	sld [smem:$0x7E6];
	s20 =	spop (v2sf)  }
0x1ad: {  	s15 =	sadd.s32 s4, s6;
	s19 =	sand.u32 $0x1FFFFFF0, s10;
	s26 =	sand.u32 $0x1FFFFFF0, s20  }
0x1ae: {  	[tilespmem:s11], [sflag:$0x1] =	stream.linear.gather [hbm4b:s5+s1], $0x80, $0x38;
	[tilespmem:$0x18E00] =	vst v63  }
0x1af: {  	(v2sf) =	vpush v3, $0xA;
	s22 =	sadd.s32 s3, s19;
	s28 =	spop (v2sf);
	s5 =	sadd.s32 s4, s26  }
0x1b0: {  	[tilespmem:s21], [sflag:$0x1] =	stream.linear.gather [hbm4b:s15+s1], $0x80, $0x38;
	[tilespmem:$0x18E00] =	vst v63  }
0x1b1: {  	(v2sf) =	vpush v2, $0xA;
	s6 =	sand.u32 $0x1FFFFFF0, s28;
	s11 =	sld [smem:$0x7E7];
	s10 =	spop (v2sf)  }
0x1b2: {  	[tilespmem:s29], [sflag:$0x1] =	stream.linear.gather [hbm4b:s22+s1], $0x80, $0x38;
	[tilespmem:$0x18E00] =	vst v63  }
0x1b3: {  	s15 =	sadd.s32 s4, s6;
	s21 =	sld [smem:$0x7E8];
	s19 =	sand.u32 $0x1FFFFFF0, s10  }
0x1b4: {  	s29 =	sld [smem:$0x7E9];
	s20 =	spop (v2sf);
	s22 =	sadd.s32 s3, s19  }
0x1b5: {  	(v2sf) =	vpush v1, $0xA;
	[tilespmem:s11], [sflag:$0x1] =	stream.linear.gather [hbm4b:s5+s1], $0x80, $0x38;
	[tilespmem:$0x18E00] =	vst v63  }
0x1b6: {  	s26 =	sand.u32 $0x1FFFFFF0, s20;
	s28 =	spop (v2sf);
	s11 =	sld [smem:$0x7EA]  }
0x1b7: {  	(v2sf) =	vpush v3, $0xB;
	[tilespmem:s21], [sflag:$0x1] =	stream.linear.gather [hbm4b:s15+s1], $0x80, $0x38;
	[tilespmem:$0x18E00] =	vst v63  }
0x1b8: {  	(v2sf) =	vpush v2, $0xB;
	s5 =	sadd.s32 s4, s26;
	s6 =	sand.u32 $0x1FFFFFF0, s28;
	s10 =	spop (v2sf)  }
0x1b9: {  	s15 =	sadd.s32 s4, s6;
	s19 =	sand.u32 $0x1FFFFFF0, s10;
	s20 =	spop (v2sf)  }
0x1ba: {  	[tilespmem:s29], [sflag:$0x1] =	stream.linear.gather [hbm4b:s22+s1], $0x80, $0x38;
	[tilespmem:$0x18E00] =	vst v63  }
0x1bb: {  	s21 =	sld [smem:$0x7EB];
	s22 =	sadd.s32 s3, s19;
	s28 =	spop (v2sf)  }
0x1bc: {  	(v2sf) =	vpush v1, $0xB;
	s26 =	sand.u32 $0x1FFFFFF0, s20;
	s29 =	sld [smem:$0x7EC];
	s6 =	sand.u32 $0x1FFFFFF0, s28  }
0x1bd: {  	(v2sf) =	vpush v3, $0xC;
	[tilespmem:s11], [sflag:$0x1] =	stream.linear.gather [hbm4b:s5+s1], $0x80, $0x38;
	[tilespmem:$0x18E00] =	vst v63  }
0x1be: {  	s10 =	spop (v2sf);
	s5 =	sadd.s32 s4, s26;
	s11 =	rddreg [dreg:$0x1d]  }
0x1bf: {  	(v2sf) =	vpush v2, $0xC;
	[tilespmem:s21], [sflag:$0x1] =	stream.linear.gather [hbm4b:s15+s1], $0x80, $0x38;
	[tilespmem:$0x18E00] =	vst v63  }
0x1c0: {  	(v2sf) =	vpush v1, $0xC;
	s19 =	sand.u32 $0x1FFFFFF0, s10;
	s15 =	sadd.s32 s4, s6;
	s20 =	spop (v2sf)  }
0x1c1: {  	[tilespmem:s29], [sflag:$0x1] =	stream.linear.gather [hbm4b:s22+s1], $0x80, $0x38;
	[tilespmem:$0x18E00] =	vst v63  }
0x1c2: {  	s21 =	sld [smem:$0x7ED];
	s26 =	sand.u32 $0x1FFFFFF0, s20;
	s22 =	sadd.s32 s3, s19  }
0x1c3: {  	[tilespmem:s11], [sflag:$0x1] =	stream.linear.gather [hbm4b:s5+s1], $0x80, $0x38;
	[tilespmem:$0x18E00] =	vst v63  }
0x1c4: {  	(v2sf) =	vpush v3, $0xD;
	s29 =	sld [smem:$0x7EE];
	s28 =	spop (v2sf);
	s5 =	sadd.s32 s4, s26  }
0x1c5: {  	[tilespmem:s21], [sflag:$0x1] =	stream.linear.gather [hbm4b:s15+s1], $0x80, $0x38;
	[tilespmem:$0x18E00] =	vst v63  }
0x1c6: {  	(v2sf) =	vpush v2, $0xD;
	s11 =	sld [smem:$0x7EF];
	s6 =	sand.u32 $0x1FFFFFF0, s28;
	s10 =	spop (v2sf)  }
0x1c7: {  	s15 =	sadd.s32 s4, s6;
	s19 =	sand.u32 $0x1FFFFFF0, s10;
	s20 =	spop (v2sf)  }
0x1c8: {  	[tilespmem:s29], [sflag:$0x1] =	stream.linear.gather [hbm4b:s22+s1], $0x80, $0x38;
	[tilespmem:$0x18E00] =	vst v63  }
0x1c9: {  	s21 =	rddreg [dreg:$0x13];
	s22 =	sadd.s32 s3, s19;
	s26 =	sand.u32 $0x1FFFFFF0, s20  }
0x1ca: {  	(v2sf) =	vpush v1, $0xD;
	[tilespmem:s11], [sflag:$0x1] =	stream.linear.gather [hbm4b:s5+s1], $0x80, $0x38;
	[tilespmem:$0x18E00] =	vst v63  }
0x1cb: {  	s29 =	rddreg [dreg:$0x1b];
	s28 =	spop (v2sf);
	s5 =	sadd.s32 s4, s26  }
0x1cc: {  	(v2sf) =	vpush v3, $0xE;
	s6 =	sand.u32 $0x1FFFFFF0, s28;
	s10 =	spop (v2sf);
	s11 =	rddreg [dreg:$0xf]  }
0x1cd: {  	[tilespmem:s21], [sflag:$0x1] =	stream.linear.gather [hbm4b:s15+s1], $0x80, $0x38;
	[tilespmem:$0x18E00] =	vst v63  }
0x1ce: {  	(v2sf) =	vpush v2, $0xE;
	s19 =	sand.u32 $0x1FFFFFF0, s10;
	s20 =	spop (v2sf);
	s15 =	sadd.s32 s4, s6  }
0x1cf: {  	s21 =	rddreg [dreg:$0x1f];
	s26 =	sand.u32 $0x1FFFFFF0, s20;
	s28 =	spop (v2sf)  }
0x1d0: {  	[tilespmem:s29], [sflag:$0x1] =	stream.linear.gather [hbm4b:s22+s1], $0x80, $0x38;
	[tilespmem:$0x18E00] =	vst v63  }
0x1d1: {  	(v2sf) =	vpush v1, $0xE;
	s6 =	sand.u32 $0x1FFFFFF0, s28;
	s22 =	sadd.s32 s3, s19;
	s29 =	rddreg [dreg:$0x17]  }
0x1d2: {  	[tilespmem:s11], [sflag:$0x1] =	stream.linear.gather [hbm4b:s5+s1], $0x80, $0x38;
	[tilespmem:$0x18E00] =	vst v63  }
0x1d3: {  	(v2sf) =	vpush v3, $0xF;
	s10 =	spop (v2sf);
	s5 =	sadd.s32 s4, s26;
	s11 =	rddreg [dreg:$0x19]  }
0x1d4: {  	[tilespmem:s21], [sflag:$0x1] =	stream.linear.gather [hbm4b:s15+s1], $0x80, $0x38;
	[tilespmem:$0x18E00] =	vst v63  }
0x1d5: {  	s19 =	sand.u32 $0x1FFFFFF0, s10;
	s15 =	sadd.s32 s4, s6;
	s20 =	spop (v2sf)  }
0x1d6: {  	[tilespmem:s29], [sflag:$0x1] =	stream.linear.gather [hbm4b:s22+s1], $0x80, $0x38;
	[tilespmem:$0x18E00] =	vst v63  }
0x1d7: {  	s21 =	rddreg [dreg:$0xb];
	s22 =	sadd.s32 s3, s19;
	s26 =	sand.u32 $0x1FFFFFF0, s20  }
0x1d8: {  	[tilespmem:s11], [sflag:$0x1] =	stream.linear.gather [hbm4b:s5+s1], $0x80, $0x38;
	[tilespmem:$0x18E00] =	vst v63  }
0x1d9: {  	s29 =	rddreg [dreg:$0x15];
	s28 =	spop (v2sf);
	s5 =	sadd.s32 s4, s26  }
0x1da: {  	[tilespmem:s21], [sflag:$0x1] =	stream.linear.gather [hbm4b:s15+s1], $0x80, $0x38;
	[tilespmem:$0x18E00] =	vst v63  }
0x1db: {  	s6 =	sand.u32 $0x1FFFFFF0, s28;
	s10 =	spop (v2sf);
	s11 =	rddreg [dreg:$0x11]  }
0x1dc: {  	[tilespmem:s29], [sflag:$0x1] =	stream.linear.gather [hbm4b:s22+s1], $0x80, $0x38;
	[tilespmem:$0x18E00] =	vst v63  }
0x1dd: {  	s19 =	sand.u32 $0x1FFFFFF0, s10;
	s15 =	sadd.s32 s4, s6;
	s20 =	spop (v2sf)  }
0x1de: {  	[tilespmem:s11], [sflag:$0x1] =	stream.linear.gather [hbm4b:s5+s1], $0x80, $0x38;
	[tilespmem:$0x18E00] =	vst v63  }
.Ltmp0:
0x1df: {  	s21 =	rddreg [dreg:$0x9];
	s26 =	sand.u32 $0x1FFFFFF0, s20;
	(pc) =	sbr.rel @p0 .LBB2_2-.Ltmp0, $4  }
0x1e0: {  	s28 =	spop (v2sf);
	s22 =	sadd.s32 s3, s19;
	s29 =	rddreg [dreg:$0xd]  }
0x1e1: {  	[tilespmem:s21], [sflag:$0x1] =	stream.linear.gather [hbm4b:s15+s1], $0x80, $0x38;
	[tilespmem:$0x18E00] =	vst v63  }
0x1e2: {  	(v2sf) =	vpush v2, $0xF;
	s6 =	sadd.s32 s4, s26;
	s0 =	sand.u32 $0x1FFFFFF0, s28;
	s2 =	spop (v2sf)  }
0x1e3: {  	(v2sf) =	vpush v1, $0xF;
	[tilespmem:s29], [sflag:$0x1] =	stream.linear.gather [hbm4b:s22+s1], $0x80, $0x38;
	[tilespmem:$0x18E00] =	vst v63  }
0x1e4: {  	_ =	sdelay $0x7  }
0x1e5: {  	[tilespmem:s30], [sflag:$0x1] =	stream.linear.gather [hbm4b:s6+s1], $0x80, $0x38;
	[tilespmem:$0x18E00] =	vst v63  }
0x1e6: {  	s0 =	sadd.s32 s4, s0;
	s2 =	sand.u32 $0x1FFFFFF0, s2;
	s19 =	rddreg [dreg:$0x8]  }
0x1e7: {  	[tilespmem:s9], [sflag:$0x1] =	stream.linear.gather [hbm4b:s0+s1], $0x80, $0x38;
	[tilespmem:$0x18E00] =	vst v63  }
0x1e8: {  	s0 =	sadd.s32 s19, s2  }
0x1e9: {  	[tilespmem:s31], [sflag:$0x1] =	stream.linear.gather [hbm4b:s0+s1], $0x80, $0x38;
	[tilespmem:$0x18E00] =	vst v63  }
0x1ea: {  	s5 =	spop (v2sf)  }
0x1eb: {  	s20 =	sand.u32 $0x1FFFFFF0, s5;
	s21 =	spop (v2sf)  }
0x1ec: {  	s22 =	sadd.s32 s4, s20;
	s26 =	sand.u32 $0x1FFFFFF0, s21  }
0x1ed: {  	[tilespmem:s8], [sflag:$0x1] =	stream.linear.gather [hbm4b:s22+s1], $0x80, $0x38;
	[tilespmem:$0x18E00] =	vst v63  }
0x1ee: {  	s28 =	sadd.s32 $0x11580, s14;
	s2 =	sadd.s32 s4, s26  }
0x1ef: {  	[tilespmem:s28], [sflag:$0x1] =	stream.linear.gather [hbm4b:s2+s1], $0x80, $0x38;
	[tilespmem:$0x18E00] =	vst v63  }
0x1f0: {  	_ =	swait.ge [sflag:s18], $0x800  }
0x1f1: {  	[sflag:s18] =	ssyncset.done $0x0  }
0x1f2: {  	[sflag:s18] =	ssyncadd.s32 $0xFFFFF800  }
0x1f3: {  	_ =	swait.ge [sflag:s18], $0x800  }
0x1f4: {  	[sflag:s18] =	ssyncset.done $0x0  }
0x1f5: {  	[sflag:s18] =	ssyncadd.s32 $0xFFFFF800  }
0x1f6: {  	_ =	swait.ge [sflag:s18], $0x800  }
0x1f7: {  	[sflag:s18] =	ssyncset.done $0x0  }
0x1f8: {  	[sflag:s18] =	ssyncadd.s32 $0xFFFFF800  }
0x1f9: {  	_ =	swait.ge [sflag:s18], $0x800  }
0x1fa: {  	[sflag:s18] =	ssyncset.done $0x0  }
0x1fb: {  	[sflag:s18] =	ssyncadd.s32 $0xFFFFF800  }
0x1fc: {  	_ =	swait.ge [sflag:s18], $0x800  }
0x1fd: {  	[sflag:s18] =	ssyncset.done $0x0  }
0x1fe: {  	[sflag:s18] =	ssyncadd.s32 $0xFFFFF800  }
0x1ff: {  	_ =	swait.ge [sflag:s18], $0x800  }
0x200: {  	s29 =	sld [smem:$0x7F6]  }
0x201: {  	[sflag:s18] =	ssyncset.done $0x0  }
0x202: {  	s5 =	simm.s32 $0x0;
	s30 =	sld [smem:$0x7F7];
	[sflag:s18] =	ssyncadd.s32 $0xFFFFF800  }
0x203: {  	[hbm4b:s29+s5] =	stream.linear.scatter [tilespmem:s23], [sflag:$0x2], $0x8000, $0x38;
	[tilespmem:$0x18E00] =	vst v63  }
0x204: {  	s31 =	sld [smem:$0x7F8]  }
0x205: {  	[hbm4b:s30+s5] =	stream.linear.scatter [tilespmem:s24], [sflag:$0x2], $0x8000, $0x38;
	[tilespmem:$0x18E00] =	vst v63  }
0x206: {  	v6 =	vimm.f32 $0.0e+00;
	v1 =	vimm.f32 $0.0e+00;
	v2 =	vimm.f32 $0.0e+00;
	s6 =	simm.s32 $0x0  }
0x207: {  	v5 =	vimm.f32 $0.0e+00;
	v4 =	vimm.f32 $0.0e+00;
	v3 =	vimm.f32 $0.0e+00;
	[hbm4b:s31+s5] =	stream.linear.scatter [tilespmem:s25], [sflag:$0x2], $0x8000, $0x38;
	[tilespmem:$0x18E00] =	vst v63  }
.LBB2_4:
0x208: {  	s0 =	simm.s32 $0x1  }
0x209: {  	s7 =	sshll.u32 s6, $0x4;
	v7 =	vmov s0  }
0x20a: {  	v8 =	vmov s7;
	v7 =	vand.u32 $0x79, v7  }
0x20b: {  	s2 =	simm.s32 $0x3;
	v8 =	vshll.u32 v8, $0x7;
	v9 =	vbroadcast v7, $0x0  }
0x20c: {  	s26 =	simm.s32 $0x2;
	v10 =	vmov s2;
	v7 =	vor.u32 v0, v8  }
0x20d: {  	v10 =	vand.u32 $0x7B, v10;
	v8 =	vmov s26;
	v9 =	vor.u32 v7, v9  }
0x20e: {  	v10 =	vbroadcast v10, $0x0;
	v8 =	vand.u32 $0x7A, v8  }
0x20f: {  	s28 =	simm.s32 $0x4;
	v8 =	vbroadcast v8, $0x0  }
0x210: {  	v11 =	vmov s28;
	v13 =	vor.u32 v7, v10  }
0x211: {  	v12 =	vor.u32 v7, v8;
	v8 =	vand.u32 $0x7C, v11;
	v11 =	vmov s5  }
0x212: {  	v10 =	vand.u32 $0x78, v11;
	v11 =	vld.idx.msk [tilespmem:v9+s24+$0x0], $0xffff  }
0x213: {  	v16 =	vld.idx.msk [tilespmem:v9+s25+$0x0], $0xffff  }
0x214: {  	v10 =	vbroadcast v10, $0x0;
	v9 =	vld.idx.msk [tilespmem:v9+s23+$0x0], $0xffff  }
0x215: {  	s30 =	simm.s32 $0x6;
	v8 =	vbroadcast v8, $0x0;
	v29 =	vld.idx.msk [tilespmem:v13+s23+$0x0], $0xffff  }
0x216: {  	v14 =	vmov s30;
	v25 =	vld.idx.msk [tilespmem:v13+s24+$0x0], $0xffff;
	v10 =	vor.u32 v7, v10  }
0x217: {  	s29 =	simm.s32 $0x5;
	v14 =	vand.u32 $0x7E, v14;
	v17 =	vor.u32 v7, v8;
	v60 =	vld.idx.msk [tilespmem:v13+s25+$0x0], $0xffff  }
0x218: {  	v14 =	vbroadcast v14, $0x0;
	v8 =	vmov s29;
	v19 =	vld.idx.msk [tilespmem:v12+s24+$0x0], $0xffff  }
0x219: {  	v8 =	vand.u32 $0x7D, v8;
	v20 =	vld.idx.msk [tilespmem:v12+s23+$0x0], $0xffff  }
0x21a: {  	s31 =	simm.s32 $0x7;
	v31 =	vor.u32 v7, v14;
	v8 =	vbroadcast v8, $0x0;
	v28 =	vld.idx.msk [tilespmem:v12+s25+$0x0], $0xffff  }
0x21b: {  	v14 =	vmov s31;
	v24 =	vmul.f32 v16, v16;
	v18 =	vmul.f32 v11, v11;
	v21 =	vld.idx.msk [tilespmem:v10+s25+$0x0], $0xffff  }
0x21c: {  	v30 =	vor.u32 v7, v8;
	v26 =	vld.idx.msk [tilespmem:v17+s24+$0x0], $0xffff;
	v33 =	vmul.f32 v11, v9;
	v15 =	vmul.f32 v9, v9  }
0x21d: {  	v8 =	vld.idx.msk [tilespmem:v17+s23+$0x0], $0xffff;
	v11 =	vand.u32 $0x7F, v14;
	v14 =	vmul.f32 v25, v25;
	v35 =	vmul.f32 v16, v9  }
0x21e: {  	v16 =	vmul.f32 v29, v29;
	v32 =	vld.idx.msk [tilespmem:v10+s23+$0x0], $0xffff;
	v11 =	vbroadcast v11, $0x0  }
0x21f: {  	v23 =	vld.idx.msk [tilespmem:v31+s23+$0x0], $0xffff;
	v42 =	vmul.f32 v60, v60;
	v12 =	vmul.f32 v19, v20  }
0x220: {  	v27 =	vld.idx.msk [tilespmem:v10+s24+$0x0], $0xffff;
	v22 =	vmul.f32 v19, v19;
	v37 =	vor.u32 v7, v11;
	v34 =	vmul.f32 v21, v21  }
0x221: {  	v36 =	vld.idx.msk [tilespmem:v31+s25+$0x0], $0xffff;
	v39 =	vmul.f32 v28, v20;
	v19 =	vmul.f32 v25, v29  }
0x222: {  	v61 =	vmul.f32 v28, v28;
	v10 =	vld.idx.msk [tilespmem:v30+s23+$0x0], $0xffff;
	v9 =	vmul.f32 v26, v8;
	v5 =	vadd.f32 v34, v5  }
0x223: {  	v38 =	vmul.f32 v21, v32;
	v21 =	vmul.f32 v20, v20;
	v20 =	vld.idx.msk [tilespmem:v30+s24+$0x0], $0xffff  }
0x224: {  	v11 =	vmul.f32 v8, v8;
	v26 =	vmul.f32 v26, v26;
	v13 =	vadd.f32 v24, v5;
	v24 =	vld.idx.msk [tilespmem:v17+s25+$0x0], $0xffff  }
0x225: {  	v40 =	vmul.f32 v27, v27;
	v41 =	vmul.f32 v32, v32;
	v25 =	vadd.f32 v38, v6;
	v28 =	vld.idx.msk [tilespmem:v37+s23+$0x0], $0xffff  }
0x226: {  	v34 =	vmul.f32 v60, v29;
	v17 =	vmul.f32 v27, v32;
	v27 =	vld.idx.msk [tilespmem:v37+s24+$0x0], $0xffff  }
0x227: {  	v5 =	vmul.f32 v23, v23;
	v62 =	vadd.f32 v35, v25;
	v38 =	vadd.f32 v61, v13  }
0x228: {  	v30 =	vld.idx.msk [tilespmem:v30+s25+$0x0], $0xffff;
	v35 =	vadd.f32 v41, v3;
	v17 =	vadd.f32 v17, v6;
	v13 =	vmul.f32 v36, v23  }
0x229: {  	v25 =	vld.idx.msk [tilespmem:v31+s24+$0x0], $0xffff;
	v31 =	vadd.f32 v39, v62;
	v38 =	vadd.f32 v42, v38;
	v63 =	vmul.f32 v24, v24  }
0x22a: {  	v32 =	vadd.f32 v33, v17;
	v17 =	vmul.f32 v36, v36;
	v36 =	vadd.f32 v40, v4  }
0x22b: {  	s8 =	simm.s32 $0x8;
	v4 =	vmul.f32 v20, v10;
	v33 =	vld.idx.msk [tilespmem:v37+s25+$0x0], $0xffff;
	v3 =	vmul.f32 v27, v28;
	v29 =	vadd.f32 v63, v38  }
.LBB2_5:
0x22c: {  	s9 =	sadd.s32 $0x1, s8  }
0x22d: {  	s10 =	sadd.s32 $0x4, s8;
	v18 =	vadd.f32 v18, v36;
	v36 =	vmul.f32 v30, v10;
	v37 =	vmul.f32 v28, v28;
	s2 =	smov.u32 s8;
	s0 =	sadd.s32 $0x8, s8  }
0x22e: {  	p0 =	slt.u32 s8, $0x38;
	v23 =	vmul.f32 v25, v23;
	v38 =	vmov s9;
	v39 =	vmov s10  }
0x22f: {  	v27 =	vmul.f32 v27, v27;
	v38 =	vand.u32 $0x79, v38;
	v39 =	vand.u32 $0x7C, v39  }
0x230: {  	v15 =	vadd.f32 v15, v35;
	v20 =	vmul.f32 v20, v20;
	s8 =	sadd.s32 $0x2, s2;
	s9 =	sadd.s32 $0x3, s2;
	v38 =	vbroadcast v38, $0x0  }
0x231: {  	v35 =	vmov s8;
	v40 =	vmov s9;
	v28 =	vmul.f32 v33, v28  }
0x232: {  	v18 =	vadd.f32 v22, v18;
	v35 =	vand.u32 $0x7A, v35;
	v38 =	vor.u32 v7, v38  }
0x233: {  	v33 =	vmul.f32 v33, v33;
	v22 =	vbroadcast v35, $0x0;
	v35 =	vand.u32 $0x7B, v40  }
0x234: {  	v25 =	vmul.f32 v25, v25;
	v40 =	vmov s2;
	v35 =	vbroadcast v35, $0x0  }
0x235: {  	v14 =	vadd.f32 v14, v18;
	v40 =	vand.u32 $0x78, v40;
	v22 =	vor.u32 v7, v22  }
0x236: {  	v15 =	vadd.f32 v21, v15;
	v18 =	vbroadcast v40, $0x0;
	v35 =	vor.u32 v7, v35  }
0x237: {  	v12 =	vadd.f32 v12, v32;
	v30 =	vmul.f32 v30, v30;
	v39 =	vbroadcast v39, $0x0;
	v21 =	vld.idx.msk [tilespmem:v38+s24+$0x0], $0xffff  }
0x238: {  	v8 =	vmul.f32 v24, v8;
	v10 =	vmul.f32 v10, v10;
	s8 =	sadd.s32 $0x5, s2;
	v32 =	vor.u32 v7, v18;
	v40 =	vld.idx.msk [tilespmem:v38+s25+$0x0], $0xffff  }
0x239: {  	v14 =	vadd.f32 v26, v14;
	v18 =	vmov s8;
	v24 =	vld.idx.msk [tilespmem:v38+s23+$0x0], $0xffff;
	v38 =	vor.u32 v7, v39  }
0x23a: {  	v15 =	vadd.f32 v16, v15;
	v16 =	vadd.f32 v34, v31;
	v18 =	vand.u32 $0x7D, v18;
	v26 =	vld.idx.msk [tilespmem:v22+s24+$0x0], $0xffff  }
0x23b: {  	v12 =	vadd.f32 v19, v12;
	v19 =	vadd.f32 v30, v29;
	s8 =	sadd.s32 $0x6, s2;
	v18 =	vbroadcast v18, $0x0;
	v34 =	vld.idx.msk [tilespmem:v35+s23+$0x0], $0xffff  }
0x23c: {  	v11 =	vadd.f32 v11, v15;
	v14 =	vadd.f32 v20, v14;
	v30 =	vmov s8;
	v29 =	vld.idx.msk [tilespmem:v22+s23+$0x0], $0xffff  }
0x23d: {  	v8 =	vadd.f32 v8, v16;
	v15 =	vadd.f32 v17, v19;
	v39 =	vor.u32 v7, v18;
	v31 =	vld.idx.msk [tilespmem:v22+s25+$0x0], $0xffff  }
0x23e: {  	v10 =	vadd.f32 v10, v11;
	v16 =	vand.u32 $0x7E, v30;
	v11 =	vadd.f32 v25, v14;
	v17 =	vld.idx.msk [tilespmem:v35+s24+$0x0], $0xffff  }
0x23f: {  	s2 =	sadd.s32 $0x7, s2;
	v19 =	vadd.f32 v33, v15;
	v14 =	vbroadcast v16, $0x0;
	v16 =	vadd.f32 v36, v8;
	v30 =	vld.idx.msk [tilespmem:v38+s24+$0x0], $0xffff  }
0x240: {  	v9 =	vadd.f32 v9, v12;
	v20 =	vmov s2;
	v33 =	vmul.f32 v40, v40;
	v25 =	vld.idx.msk [tilespmem:v32+s25+$0x0], $0xffff  }
0x241: {  	v5 =	vadd.f32 v5, v10;
	v36 =	vor.u32 v7, v14;
	v13 =	vadd.f32 v13, v16;
	v8 =	vld.idx.msk [tilespmem:v38+s23+$0x0], $0xffff  }
0x242: {  	v4 =	vadd.f32 v4, v9;
	v18 =	vmul.f32 v21, v21;
	v42 =	vmul.f32 v21, v24;
	v41 =	vld.idx.msk [tilespmem:v32+s23+$0x0], $0xffff  }
0x243: {  	v9 =	vand.u32 $0x7F, v20;
	v43 =	vadd.f32 v27, v11;
	v15 =	vmul.f32 v24, v24;
	v10 =	vld.idx.msk [tilespmem:v39+s23+$0x0], $0xffff  }
0x244: {  	v4 =	vadd.f32 v23, v4;
	v9 =	vbroadcast v9, $0x0;
	v12 =	vmul.f32 v26, v29;
	v27 =	vld.idx.msk [tilespmem:v32+s24+$0x0], $0xffff  }
0x245: {  	v37 =	vadd.f32 v37, v5;
	v5 =	vadd.f32 v28, v13;
	v14 =	vmul.f32 v17, v17;
	v20 =	vld.idx.msk [tilespmem:v39+s24+$0x0], $0xffff  }
0x246: {  	v44 =	vor.u32 v7, v9;
	v40 =	vmul.f32 v40, v24;
	v11 =	vmul.f32 v25, v25;
	v23 =	vld.idx.msk [tilespmem:v36+s23+$0x0], $0xffff  }
0x247: {  	v3 =	vadd.f32 v3, v4;
	v22 =	vmul.f32 v26, v26;
	v9 =	vmul.f32 v30, v8;
	v45 =	vld.idx.msk [tilespmem:v36+s25+$0x0], $0xffff  }
0x248: {  	v4 =	vadd.f32 v11, v19;
	v13 =	vmul.f32 v25, v41;
	v11 =	vmul.f32 v8, v8;
	v46 =	vld.idx.msk [tilespmem:v35+s25+$0x0], $0xffff  }
0x249: {  	v21 =	vmul.f32 v29, v29;
	v29 =	vmul.f32 v31, v29;
	v25 =	vld.idx.msk [tilespmem:v36+s24+$0x0], $0xffff  }
0x24a: {  	v16 =	vmul.f32 v34, v34;
	v35 =	vmul.f32 v27, v27;
	v4 =	vadd.f32 v33, v4;
	v24 =	vld.idx.msk [tilespmem:v38+s25+$0x0], $0xffff  }
0x24b: {  	v19 =	vmul.f32 v17, v34;
	v26 =	vmul.f32 v27, v41;
	v33 =	vadd.f32 v13, v5;
	v27 =	vld.idx.msk [tilespmem:v44+s24+$0x0], $0xffff  }
0x24c: {  	v13 =	vmul.f32 v31, v31;
	v5 =	vmul.f32 v23, v23;
	v28 =	vld.idx.msk [tilespmem:v44+s23+$0x0], $0xffff  }
0x24d: {  	v31 =	vmul.f32 v41, v41;
	v3 =	vadd.f32 v26, v3;
	v26 =	vmul.f32 v30, v30;
	v30 =	vld.idx.msk [tilespmem:v39+s25+$0x0], $0xffff  }
.Ltmp1:
0x24e: {  	v4 =	vadd.f32 v13, v4;
	v13 =	vmul.f32 v45, v23;
	v38 =	vmul.f32 v46, v46;
	(pc) =	sbr.rel @p0 .LBB2_5-.Ltmp1, $4  }
0x24f: {  	v17 =	vmul.f32 v45, v45;
	v32 =	vadd.f32 v42, v3;
	v3 =	vadd.f32 v40, v33  }
0x250: {  	v36 =	vadd.f32 v35, v43;
	v38 =	vadd.f32 v38, v4;
	v39 =	vmul.f32 v24, v24;
	v33 =	vld.idx.msk [tilespmem:v44+s25+$0x0], $0xffff  }
0x251: {  	v35 =	vadd.f32 v31, v37;
	v31 =	vadd.f32 v29, v3;
	v4 =	vmul.f32 v20, v10  }
0x252: {  	s8 =	smov.u32 s0;
	v34 =	vmul.f32 v46, v34;
	v29 =	vadd.f32 v39, v38;
	v3 =	vmul.f32 v27, v28  }
0x253: {  	v12 =	vadd.f32 v12, v32  }
0x254: {  	v7 =	vadd.f32 v18, v36;
	v15 =	vadd.f32 v15, v35  }
0x255: {  	v8 =	vmul.f32 v24, v8;
	v49 =	vadd.f32 v34, v31;
	v12 =	vadd.f32 v19, v12  }
0x256: {  	v52 =	vmul.f32 v30, v30;
	v7 =	vadd.f32 v22, v7;
	v51 =	vadd.f32 v21, v15  }
0x257: {  	v50 =	vmul.f32 v30, v10;
	v8 =	vadd.f32 v8, v49;
	v9 =	vadd.f32 v9, v12  }
0x258: {  	v15 =	vadd.f32 v52, v29;
	v7 =	vadd.f32 v14, v7  }
0x259: {  	v53 =	vmul.f32 v25, v23;
	v54 =	vld [tilespmem:s7+$0x18600];
	v8 =	vadd.f32 v50, v8;
	v4 =	vadd.f32 v4, v9  }
0x25a: {  	v55 =	vmul.f32 v20, v20;
	v56 =	vld [tilespmem:s7+$0x18800];
	v12 =	vadd.f32 v16, v51;
	v60 =	vadd.f32 v17, v15  }
0x25b: {  	v57 =	vmul.f32 v33, v28;
	v8 =	vadd.f32 v13, v8;
	v4 =	vadd.f32 v53, v4  }
0x25c: {  	v58 =	vmul.f32 v10, v10;
	v7 =	vadd.f32 v26, v7;
	v11 =	vadd.f32 v11, v12  }
0x25d: {  	v59 =	vmul.f32 v28, v28;
	s6 =	sadd.s32 $0x1, s6;
	v8 =	vadd.f32 v57, v8;
	v3 =	vadd.f32 v3, v4  }
0x25e: {  	p0 =	sne.s32 s6, $0x10;
	v7 =	vadd.f32 v55, v7;
	v10 =	vadd.f32 v58, v11;
	v4 =	vmul.f32 v25, v25  }
.Ltmp2:
0x25f: {  	v61 =	vmul.f32 v33, v33;
	v8 =	vsub.f32 v8, v56;
	v3 =	vsub.f32 v3, v54;
	(pc) =	sbr.rel @p0 .LBB2_4-.Ltmp2, $4  }
0x260: {  	v62 =	vmul.f32 v27, v27;
	v4 =	vadd.f32 v4, v7;
	v7 =	vadd.f32 v5, v10  }
0x261: {  	v5 =	vadd.f32 v61, v60;
	v8 =	vmul.f32 v8, v8;
	v63 =	vmul.f32 v3, v3  }
0x262: {  	v4 =	vadd.f32 v62, v4;
	v3 =	vadd.f32 v59, v7  }
0x263: {  	v1 =	vadd.f32 v8, v1;
	v2 =	vadd.f32 v63, v2  }
0x264: {  	s0 =	simm.s32 $0x2  }
0x265: {  	_ =	swait.ge [sflag:s0], $0x8000  }
0x266: {  	[sflag:s0] =	ssyncset.done $0x0  }
0x267: {  	[sflag:s0] =	ssyncadd.s32 $0xFFFF8000  }
0x268: {  	_ =	swait.ge [sflag:s0], $0x8000  }
0x269: {  	[sflag:s0] =	ssyncset.done $0x0  }
0x26a: {  	[sflag:s0] =	ssyncadd.s32 $0xFFFF8000  }
0x26b: {  	_ =	swait.ge [sflag:s0], $0x8000  }
0x26c: {  	[sflag:s0] =	ssyncset.done $0x0  }
0x26d: {  	[sflag:s0] =	ssyncadd.s32 $0xFFFF8000  }
0x26e: {  	v6 =	vld [tilespmem:$0x100];
	_ =	sdelay $0x1  }
0x26f: {  	v7 =	vld [tilespmem:$0x300];
	_ =	sdelay $0x2  }
0x270: {  	v8 =	vshll.u32 v6, $0x4  }
0x271: {  	(v2sf) =	vpush v8, $0x0  }
0x272: {  	v6 =	vld [tilespmem:$0x500];
	v7 =	vshll.u32 v7, $0x4  }
0x273: {  	(v2sf) =	vpush v7, $0x0;
	_ =	sdelay $0x3  }
0x274: {  	v6 =	vshll.u32 v6, $0x4  }
0x275: {  	(v2sf) =	vpush v6, $0x0;
	_ =	sdelay $0x1  }
0x276: {  	(v2sf) =	vpush v8, $0x1;
	_ =	sdelay $0x2  }
0x277: {  	(v2sf) =	vpush v7, $0x1;
	_ =	sdelay $0x2  }
0x278: {  	(v2sf) =	vpush v6, $0x1;
	s3 =	spop (v2sf)  }
0x279: {  	s0 =	sand.u32 $0x1FFFFFF0, s3;
	s3 =	rddreg [dreg:$0x8]  }
0x27a: {  	s5 =	spop (v2sf);
	s2 =	sadd.s32 s3, s0;
	s0 =	simm.s32 $0x0  }
0x27b: {  	(v2sf) =	vpush v8, $0x2;
	[tilespmem:s23], [sflag:$0x1] =	stream.linear.gather [hbm4b:s2+s0], $0x80, $0x38;
	[tilespmem:$0x18E00] =	vst v63  }
0x27c: {  	s2 =	sand.u32 $0x1FFFFFF0, s5  }
0x27d: {  	s2 =	sadd.s32 s4, s2  }
0x27e: {  	(v2sf) =	vpush v7, $0x2;
	[tilespmem:s24], [sflag:$0x1] =	stream.linear.gather [hbm4b:s2+s0], $0x80, $0x38;
	[tilespmem:$0x18E00] =	vst v63  }
0x27f: {  	s6 =	spop (v2sf)  }
0x280: {  	s2 =	sand.u32 $0x1FFFFFF0, s6  }
0x281: {  	(v2sf) =	vpush v6, $0x2;
	s7 =	spop (v2sf);
	s2 =	sadd.s32 s4, s2  }
0x282: {  	[tilespmem:s25], [sflag:$0x1] =	stream.linear.gather [hbm4b:s2+s0], $0x80, $0x38;
	[tilespmem:$0x18E00] =	vst v63  }
0x283: {  	s2 =	sand.u32 $0x1FFFFFF0, s7  }
0x284: {  	s5 =	simm.s32 $0x680;
	s8 =	spop (v2sf);
	s2 =	sadd.s32 s3, s2  }
0x285: {  	[tilespmem:s5], [sflag:$0x1] =	stream.linear.gather [hbm4b:s2+s0], $0x80, $0x38;
	[tilespmem:$0x18E00] =	vst v63  }
0x286: {  	(v2sf) =	vpush v8, $0x3;
	s2 =	sand.u32 $0x1FFFFFF0, s8  }
0x287: {  	s9 =	simm.s32 $0x8680;
	s10 =	spop (v2sf);
	s2 =	sadd.s32 s4, s2  }
0x288: {  	(v2sf) =	vpush v7, $0x3;
	[tilespmem:s9], [sflag:$0x1] =	stream.linear.gather [hbm4b:s2+s0], $0x80, $0x38;
	[tilespmem:$0x18E00] =	vst v63  }
0x289: {  	s2 =	sand.u32 $0x1FFFFFF0, s10  }
0x28a: {  	s11 =	simm.s32 $0x10680;
	s12 =	spop (v2sf);
	s2 =	sadd.s32 s4, s2  }
0x28b: {  	(v2sf) =	vpush v6, $0x3;
	[tilespmem:s11], [sflag:$0x1] =	stream.linear.gather [hbm4b:s2+s0], $0x80, $0x38;
	[tilespmem:$0x18E00] =	vst v63  }
0x28c: {  	s2 =	sand.u32 $0x1FFFFFF0, s12  }
0x28d: {  	s13 =	simm.s32 $0x700;
	s14 =	spop (v2sf);
	s2 =	sadd.s32 s3, s2  }
0x28e: {  	(v2sf) =	vpush v8, $0x4;
	[tilespmem:s13], [sflag:$0x1] =	stream.linear.gather [hbm4b:s2+s0], $0x80, $0x38;
	[tilespmem:$0x18E00] =	vst v63  }
0x28f: {  	s2 =	sand.u32 $0x1FFFFFF0, s14  }
0x290: {  	s15 =	simm.s32 $0x8700;
	s16 =	spop (v2sf);
	s2 =	sadd.s32 s4, s2  }
0x291: {  	(v2sf) =	vpush v7, $0x4;
	[tilespmem:s15], [sflag:$0x1] =	stream.linear.gather [hbm4b:s2+s0], $0x80, $0x38;
	[tilespmem:$0x18E00] =	vst v63  }
0x292: {  	s2 =	sand.u32 $0x1FFFFFF0, s16  }
0x293: {  	s17 =	simm.s32 $0x10700;
	s2 =	sadd.s32 s4, s2  }
0x294: {  	[tilespmem:s17], [sflag:$0x1] =	stream.linear.gather [hbm4b:s2+s0], $0x80, $0x38;
	[tilespmem:$0x18E00] =	vst v63  }
0x295: {  	s19 =	spop (v2sf)  }
0x296: {  	(v2sf) =	vpush v6, $0x4;
	s2 =	sand.u32 $0x1FFFFFF0, s19  }
0x297: {  	s20 =	simm.s32 $0x780;
	s21 =	spop (v2sf);
	s2 =	sadd.s32 s3, s2  }
0x298: {  	(v2sf) =	vpush v8, $0x5;
	[tilespmem:s20], [sflag:$0x1] =	stream.linear.gather [hbm4b:s2+s0], $0x80, $0x38;
	[tilespmem:$0x18E00] =	vst v63  }
0x299: {  	s2 =	sand.u32 $0x1FFFFFF0, s21  }
0x29a: {  	s22 =	simm.s32 $0x8780;
	s26 =	spop (v2sf);
	s2 =	sadd.s32 s4, s2  }
0x29b: {  	(v2sf) =	vpush v7, $0x5;
	[tilespmem:s22], [sflag:$0x1] =	stream.linear.gather [hbm4b:s2+s0], $0x80, $0x38;
	[tilespmem:$0x18E00] =	vst v63  }
0x29c: {  	s2 =	sand.u32 $0x1FFFFFF0, s26  }
0x29d: {  	s28 =	simm.s32 $0x10780;
	s29 =	spop (v2sf);
	s2 =	sadd.s32 s4, s2  }
0x29e: {  	(v2sf) =	vpush v6, $0x5;
	[tilespmem:s28], [sflag:$0x1] =	stream.linear.gather [hbm4b:s2+s0], $0x80, $0x38;
	[tilespmem:$0x18E00] =	vst v63  }
0x29f: {  	s2 =	sand.u32 $0x1FFFFFF0, s29  }
0x2a0: {  	s31 =	simm.s32 $0x800;
	s6 =	spop (v2sf);
	s2 =	sadd.s32 s3, s2  }
0x2a1: {  	(v2sf) =	vpush v8, $0x6;
	[tilespmem:s31], [sflag:$0x1] =	stream.linear.gather [hbm4b:s2+s0], $0x80, $0x38;
	[tilespmem:$0x18E00] =	vst v63  }
0x2a2: {  	s2 =	sand.u32 $0x1FFFFFF0, s6  }
0x2a3: {  	s7 =	simm.s32 $0x8800;
	s2 =	sadd.s32 s4, s2  }
0x2a4: {  	[tilespmem:s7], [sflag:$0x1] =	stream.linear.gather [hbm4b:s2+s0], $0x80, $0x38;
	[tilespmem:$0x18E00] =	vst v63  }
0x2a5: {  	s8 =	spop (v2sf)  }
0x2a6: {  	(v2sf) =	vpush v7, $0x6;
	s2 =	sand.u32 $0x1FFFFFF0, s8  }
0x2a7: {  	s9 =	simm.s32 $0x10800;
	s10 =	spop (v2sf);
	s2 =	sadd.s32 s4, s2  }
0x2a8: {  	(v2sf) =	vpush v6, $0x6;
	[tilespmem:s9], [sflag:$0x1] =	stream.linear.gather [hbm4b:s2+s0], $0x80, $0x38;
	[tilespmem:$0x18E00] =	vst v63  }
0x2a9: {  	s2 =	sand.u32 $0x1FFFFFF0, s10  }
0x2aa: {  	s11 =	simm.s32 $0x880;
	s12 =	spop (v2sf);
	s2 =	sadd.s32 s3, s2  }
0x2ab: {  	(v2sf) =	vpush v8, $0x7;
	[tilespmem:s11], [sflag:$0x1] =	stream.linear.gather [hbm4b:s2+s0], $0x80, $0x38;
	[tilespmem:$0x18E00] =	vst v63  }
0x2ac: {  	s2 =	sand.u32 $0x1FFFFFF0, s12  }
0x2ad: {  	s13 =	simm.s32 $0x8880;
	s14 =	spop (v2sf);
	s2 =	sadd.s32 s4, s2  }
0x2ae: {  	(v2sf) =	vpush v7, $0x7;
	[tilespmem:s13], [sflag:$0x1] =	stream.linear.gather [hbm4b:s2+s0], $0x80, $0x38;
	[tilespmem:$0x18E00] =	vst v63  }
0x2af: {  	s2 =	sand.u32 $0x1FFFFFF0, s14  }
0x2b0: {  	s15 =	simm.s32 $0x10880;
	s16 =	spop (v2sf);
	s2 =	sadd.s32 s4, s2  }
0x2b1: {  	(v2sf) =	vpush v6, $0x7;
	[tilespmem:s15], [sflag:$0x1] =	stream.linear.gather [hbm4b:s2+s0], $0x80, $0x38;
	[tilespmem:$0x18E00] =	vst v63  }
0x2b2: {  	s2 =	sand.u32 $0x1FFFFFF0, s16  }
0x2b3: {  	s17 =	simm.s32 $0x900;
	s2 =	sadd.s32 s3, s2  }
0x2b4: {  	[tilespmem:s17], [sflag:$0x1] =	stream.linear.gather [hbm4b:s2+s0], $0x80, $0x38;
	[tilespmem:$0x18E00] =	vst v63  }
0x2b5: {  	s19 =	spop (v2sf)  }
0x2b6: {  	(v2sf) =	vpush v8, $0x8;
	s2 =	sand.u32 $0x1FFFFFF0, s19  }
0x2b7: {  	s20 =	simm.s32 $0x8900;
	s21 =	spop (v2sf);
	s2 =	sadd.s32 s4, s2  }
0x2b8: {  	(v2sf) =	vpush v7, $0x8;
	[tilespmem:s20], [sflag:$0x1] =	stream.linear.gather [hbm4b:s2+s0], $0x80, $0x38;
	[tilespmem:$0x18E00] =	vst v63  }
0x2b9: {  	s2 =	sand.u32 $0x1FFFFFF0, s21  }
0x2ba: {  	s22 =	simm.s32 $0x10900;
	s26 =	spop (v2sf);
	s2 =	sadd.s32 s4, s2  }
0x2bb: {  	(v2sf) =	vpush v6, $0x8;
	[tilespmem:s22], [sflag:$0x1] =	stream.linear.gather [hbm4b:s2+s0], $0x80, $0x38;
	[tilespmem:$0x18E00] =	vst v63  }
0x2bc: {  	s2 =	sand.u32 $0x1FFFFFF0, s26  }
0x2bd: {  	s28 =	simm.s32 $0x980;
	s29 =	spop (v2sf);
	s2 =	sadd.s32 s3, s2  }
0x2be: {  	(v2sf) =	vpush v8, $0x9;
	[tilespmem:s28], [sflag:$0x1] =	stream.linear.gather [hbm4b:s2+s0], $0x80, $0x38;
	[tilespmem:$0x18E00] =	vst v63  }
0x2bf: {  	s2 =	sand.u32 $0x1FFFFFF0, s29  }
0x2c0: {  	s31 =	simm.s32 $0x8980;
	s6 =	spop (v2sf);
	s2 =	sadd.s32 s4, s2  }
0x2c1: {  	(v2sf) =	vpush v7, $0x9;
	[tilespmem:s31], [sflag:$0x1] =	stream.linear.gather [hbm4b:s2+s0], $0x80, $0x38;
	[tilespmem:$0x18E00] =	vst v63  }
0x2c2: {  	s2 =	sand.u32 $0x1FFFFFF0, s6  }
0x2c3: {  	s7 =	simm.s32 $0x10980;
	s2 =	sadd.s32 s4, s2  }
0x2c4: {  	[tilespmem:s7], [sflag:$0x1] =	stream.linear.gather [hbm4b:s2+s0], $0x80, $0x38;
	[tilespmem:$0x18E00] =	vst v63  }
0x2c5: {  	s8 =	spop (v2sf)  }
0x2c6: {  	(v2sf) =	vpush v6, $0x9;
	s2 =	sand.u32 $0x1FFFFFF0, s8  }
0x2c7: {  	s9 =	simm.s32 $0xA00;
	s10 =	spop (v2sf);
	s2 =	sadd.s32 s3, s2  }
0x2c8: {  	(v2sf) =	vpush v8, $0xA;
	[tilespmem:s9], [sflag:$0x1] =	stream.linear.gather [hbm4b:s2+s0], $0x80, $0x38;
	[tilespmem:$0x18E00] =	vst v63  }
0x2c9: {  	s2 =	sand.u32 $0x1FFFFFF0, s10  }
0x2ca: {  	s11 =	simm.s32 $0x8A00;
	s12 =	spop (v2sf);
	s2 =	sadd.s32 s4, s2  }
0x2cb: {  	(v2sf) =	vpush v7, $0xA;
	[tilespmem:s11], [sflag:$0x1] =	stream.linear.gather [hbm4b:s2+s0], $0x80, $0x38;
	[tilespmem:$0x18E00] =	vst v63  }
0x2cc: {  	s2 =	sand.u32 $0x1FFFFFF0, s12  }
0x2cd: {  	s13 =	simm.s32 $0x10A00;
	s14 =	spop (v2sf);
	s2 =	sadd.s32 s4, s2  }
0x2ce: {  	(v2sf) =	vpush v6, $0xA;
	[tilespmem:s13], [sflag:$0x1] =	stream.linear.gather [hbm4b:s2+s0], $0x80, $0x38;
	[tilespmem:$0x18E00] =	vst v63  }
0x2cf: {  	s2 =	sand.u32 $0x1FFFFFF0, s14  }
0x2d0: {  	s15 =	simm.s32 $0xA80;
	s16 =	spop (v2sf);
	s2 =	sadd.s32 s3, s2  }
0x2d1: {  	(v2sf) =	vpush v8, $0xB;
	[tilespmem:s15], [sflag:$0x1] =	stream.linear.gather [hbm4b:s2+s0], $0x80, $0x38;
	[tilespmem:$0x18E00] =	vst v63  }
0x2d2: {  	s2 =	sand.u32 $0x1FFFFFF0, s16  }
0x2d3: {  	s17 =	simm.s32 $0x8A80;
	s2 =	sadd.s32 s4, s2  }
0x2d4: {  	[tilespmem:s17], [sflag:$0x1] =	stream.linear.gather [hbm4b:s2+s0], $0x80, $0x38;
	[tilespmem:$0x18E00] =	vst v63  }
0x2d5: {  	s19 =	spop (v2sf)  }
0x2d6: {  	(v2sf) =	vpush v7, $0xB;
	s2 =	sand.u32 $0x1FFFFFF0, s19  }
0x2d7: {  	s20 =	simm.s32 $0x10A80;
	s21 =	spop (v2sf);
	s2 =	sadd.s32 s4, s2  }
0x2d8: {  	(v2sf) =	vpush v6, $0xB;
	[tilespmem:s20], [sflag:$0x1] =	stream.linear.gather [hbm4b:s2+s0], $0x80, $0x38;
	[tilespmem:$0x18E00] =	vst v63  }
0x2d9: {  	s2 =	sand.u32 $0x1FFFFFF0, s21  }
0x2da: {  	s22 =	simm.s32 $0xB00;
	s26 =	spop (v2sf);
	s2 =	sadd.s32 s3, s2  }
0x2db: {  	(v2sf) =	vpush v8, $0xC;
	[tilespmem:s22], [sflag:$0x1] =	stream.linear.gather [hbm4b:s2+s0], $0x80, $0x38;
	[tilespmem:$0x18E00] =	vst v63  }
0x2dc: {  	s2 =	sand.u32 $0x1FFFFFF0, s26  }
0x2dd: {  	s28 =	simm.s32 $0x8B00;
	s29 =	spop (v2sf);
	s2 =	sadd.s32 s4, s2  }
0x2de: {  	(v2sf) =	vpush v7, $0xC;
	[tilespmem:s28], [sflag:$0x1] =	stream.linear.gather [hbm4b:s2+s0], $0x80, $0x38;
	[tilespmem:$0x18E00] =	vst v63  }
0x2df: {  	s2 =	sand.u32 $0x1FFFFFF0, s29  }
0x2e0: {  	s31 =	simm.s32 $0x10B00;
	s6 =	spop (v2sf);
	s2 =	sadd.s32 s4, s2  }
0x2e1: {  	(v2sf) =	vpush v6, $0xC;
	[tilespmem:s31], [sflag:$0x1] =	stream.linear.gather [hbm4b:s2+s0], $0x80, $0x38;
	[tilespmem:$0x18E00] =	vst v63  }
0x2e2: {  	s2 =	sand.u32 $0x1FFFFFF0, s6  }
0x2e3: {  	s7 =	simm.s32 $0xB80;
	s2 =	sadd.s32 s3, s2  }
0x2e4: {  	[tilespmem:s7], [sflag:$0x1] =	stream.linear.gather [hbm4b:s2+s0], $0x80, $0x38;
	[tilespmem:$0x18E00] =	vst v63  }
0x2e5: {  	s8 =	spop (v2sf)  }
0x2e6: {  	(v2sf) =	vpush v8, $0xD;
	s2 =	sand.u32 $0x1FFFFFF0, s8  }
0x2e7: {  	s9 =	simm.s32 $0x8B80;
	s10 =	spop (v2sf);
	s2 =	sadd.s32 s4, s2  }
0x2e8: {  	(v2sf) =	vpush v7, $0xD;
	[tilespmem:s9], [sflag:$0x1] =	stream.linear.gather [hbm4b:s2+s0], $0x80, $0x38;
	[tilespmem:$0x18E00] =	vst v63  }
0x2e9: {  	s2 =	sand.u32 $0x1FFFFFF0, s10  }
0x2ea: {  	s11 =	simm.s32 $0x10B80;
	s12 =	spop (v2sf);
	s2 =	sadd.s32 s4, s2  }
0x2eb: {  	(v2sf) =	vpush v6, $0xD;
	[tilespmem:s11], [sflag:$0x1] =	stream.linear.gather [hbm4b:s2+s0], $0x80, $0x38;
	[tilespmem:$0x18E00] =	vst v63  }
0x2ec: {  	s2 =	sand.u32 $0x1FFFFFF0, s12  }
0x2ed: {  	s13 =	simm.s32 $0xC00;
	s14 =	spop (v2sf);
	s2 =	sadd.s32 s3, s2  }
0x2ee: {  	(v2sf) =	vpush v8, $0xE;
	[tilespmem:s13], [sflag:$0x1] =	stream.linear.gather [hbm4b:s2+s0], $0x80, $0x38;
	[tilespmem:$0x18E00] =	vst v63  }
0x2ef: {  	s2 =	sand.u32 $0x1FFFFFF0, s14  }
0x2f0: {  	s15 =	simm.s32 $0x8C00;
	s16 =	spop (v2sf);
	s2 =	sadd.s32 s4, s2  }
0x2f1: {  	(v2sf) =	vpush v7, $0xE;
	[tilespmem:s15], [sflag:$0x1] =	stream.linear.gather [hbm4b:s2+s0], $0x80, $0x38;
	[tilespmem:$0x18E00] =	vst v63  }
0x2f2: {  	s2 =	sand.u32 $0x1FFFFFF0, s16  }
0x2f3: {  	s17 =	simm.s32 $0x10C00;
	s2 =	sadd.s32 s4, s2  }
0x2f4: {  	[tilespmem:s17], [sflag:$0x1] =	stream.linear.gather [hbm4b:s2+s0], $0x80, $0x38;
	[tilespmem:$0x18E00] =	vst v63  }
0x2f5: {  	s19 =	spop (v2sf)  }
0x2f6: {  	(v2sf) =	vpush v6, $0xE;
	s2 =	sand.u32 $0x1FFFFFF0, s19  }
0x2f7: {  	s20 =	simm.s32 $0xC80;
	s21 =	spop (v2sf);
	s2 =	sadd.s32 s3, s2  }
0x2f8: {  	(v2sf) =	vpush v8, $0xF;
	[tilespmem:s20], [sflag:$0x1] =	stream.linear.gather [hbm4b:s2+s0], $0x80, $0x38;
	[tilespmem:$0x18E00] =	vst v63  }
0x2f9: {  	s2 =	sand.u32 $0x1FFFFFF0, s21  }
0x2fa: {  	s22 =	simm.s32 $0x8C80;
	s26 =	spop (v2sf);
	s2 =	sadd.s32 s4, s2  }
0x2fb: {  	(v2sf) =	vpush v7, $0xF;
	[tilespmem:s22], [sflag:$0x1] =	stream.linear.gather [hbm4b:s2+s0], $0x80, $0x38;
	[tilespmem:$0x18E00] =	vst v63  }
0x2fc: {  	s2 =	sand.u32 $0x1FFFFFF0, s26  }
0x2fd: {  	s28 =	simm.s32 $0x10C80;
	s29 =	spop (v2sf);
	s2 =	sadd.s32 s4, s2  }
0x2fe: {  	(v2sf) =	vpush v6, $0xF;
	[tilespmem:s28], [sflag:$0x1] =	stream.linear.gather [hbm4b:s2+s0], $0x80, $0x38;
	[tilespmem:$0x18E00] =	vst v63  }
0x2ff: {  	s2 =	sand.u32 $0x1FFFFFF0, s29  }
0x300: {  	s31 =	simm.s32 $0xD00;
	s6 =	spop (v2sf);
	s2 =	sadd.s32 s3, s2  }
0x301: {  	[tilespmem:s31], [sflag:$0x1] =	stream.linear.gather [hbm4b:s2+s0], $0x80, $0x38;
	[tilespmem:$0x18E00] =	vst v63  }
0x302: {  	s2 =	sand.u32 $0x1FFFFFF0, s6  }
0x303: {  	s7 =	simm.s32 $0x8D00;
	s2 =	sadd.s32 s4, s2  }
0x304: {  	[tilespmem:s7], [sflag:$0x1] =	stream.linear.gather [hbm4b:s2+s0], $0x80, $0x38;
	[tilespmem:$0x18E00] =	vst v63  }
0x305: {  	s8 =	spop (v2sf)  }
0x306: {  	s2 =	sand.u32 $0x1FFFFFF0, s8  }
0x307: {  	s9 =	simm.s32 $0x10D00;
	s10 =	spop (v2sf);
	s2 =	sadd.s32 s4, s2  }
0x308: {  	[tilespmem:s9], [sflag:$0x1] =	stream.linear.gather [hbm4b:s2+s0], $0x80, $0x38;
	[tilespmem:$0x18E00] =	vst v63  }
0x309: {  	s2 =	sand.u32 $0x1FFFFFF0, s10  }
0x30a: {  	s11 =	simm.s32 $0xD80;
	s12 =	spop (v2sf);
	s2 =	sadd.s32 s3, s2  }
0x30b: {  	[tilespmem:s11], [sflag:$0x1] =	stream.linear.gather [hbm4b:s2+s0], $0x80, $0x38;
	[tilespmem:$0x18E00] =	vst v63  }
0x30c: {  	s2 =	sand.u32 $0x1FFFFFF0, s12  }
0x30d: {  	s13 =	simm.s32 $0x8D80;
	s14 =	spop (v2sf);
	s2 =	sadd.s32 s4, s2  }
0x30e: {  	[tilespmem:s13], [sflag:$0x1] =	stream.linear.gather [hbm4b:s2+s0], $0x80, $0x38;
	[tilespmem:$0x18E00] =	vst v63  }
0x30f: {  	s2 =	sand.u32 $0x1FFFFFF0, s14  }
0x310: {  	s15 =	simm.s32 $0x10D80;
	s16 =	simm.s32 $0x110;
	s2 =	sadd.s32 s4, s2  }
0x311: {  	[tilespmem:s15], [sflag:$0x1] =	stream.linear.gather [hbm4b:s2+s0], $0x80, $0x38;
	[tilespmem:$0x18E00] =	vst v63  }
0x312: {  	s17 =	simm.s32 $0x310;
	v6 =	vld [tilespmem:s16+$0x0]  }
0x313: {  	s19 =	simm.s32 $0x510;
	v7 =	vld [tilespmem:s17+$0x0]  }
0x314: {  	v9 =	vld [tilespmem:s19+$0x0];
	_ =	sdelay $0x2  }
0x315: {  	v63 =	vshll.u32 v6, $0x4  }
0x316: {  	v7 =	vshll.u32 v7, $0x4;
	(v2sf) =	vpush v63, $0x0  }
0x317: {  	v6 =	vshll.u32 v9, $0x4;
	(v2sf) =	vpush v7, $0x0  }
0x318: {  	(v2sf) =	vpush v6, $0x0;
	_ =	sdelay $0x1  }
0x319: {  	(v2sf) =	vpush v63, $0x1;
	_ =	sdelay $0x3  }
0x31a: {  	(v2sf) =	vpush v7, $0x1;
	_ =	sdelay $0x1  }
0x31b: {  	(v2sf) =	vpush v6, $0x1  }
0x31c: {  	s30 =	simm.s32 $0x9500;
	(v2sf) =	vpush v63, $0x2  }
0x31d: {  	s5 =	simm.s32 $0x11400;
	s20 =	simm.s32 $0x10E00;
	s28 =	simm.s32 $0x10E80  }
0x31e: {  	s6 =	simm.s32 $0x11300;
	s7 =	simm.s32 $0xE00;
	s8 =	simm.s32 $0x8E00;
	(v2sf) =	vpush v7, $0x2  }
0x31f: {  	s12 =	simm.s32 $0x320;
	s11 =	simm.s32 $0x8E80;
	s14 =	simm.s32 $0x0  }
0x320: {  	s13 =	simm.s32 $0x520;
	s2 =	simm.s32 $0x8F80;
	s21 =	spop (v2sf)  }
0x321: {  	s16 =	simm.s32 $0x2000;
	s0 =	sand.u32 $0x1FFFFFF0, s21;
	s9 =	spop (v2sf)  }
0x322: {  	(v2sf) =	vpush v6, $0x2;
	s0 =	sadd.s32 s3, s0;
	s22 =	sand.u32 $0x1FFFFFF0, s9;
	s26 =	spop (v2sf)  }
0x323: {  	[tilespmem:s7], [sflag:$0x1] =	stream.linear.gather [hbm4b:s0+s1], $0x80, $0x38;
	[tilespmem:$0x18E00] =	vst v63  }
0x324: {  	s7 =	sadd.s32 s4, s22;
	s9 =	sand.u32 $0x1FFFFFF0, s26;
	s10 =	spop (v2sf)  }
0x325: {  	(v2sf) =	vpush v63, $0x3;
	[tilespmem:s8], [sflag:$0x1] =	stream.linear.gather [hbm4b:s7+s1], $0x80, $0x38;
	[tilespmem:$0x18E00] =	vst v63  }
0x326: {  	s19 =	simm.s32 $0xF80;
	(v2sf) =	vpush v7, $0x3;
	s29 =	sadd.s32 s4, s9;
	s31 =	sand.u32 $0x1FFFFFF0, s10  }
0x327: {  	[tilespmem:s20], [sflag:$0x1] =	stream.linear.gather [hbm4b:s29+s1], $0x80, $0x38;
	[tilespmem:$0x18E00] =	vst v63  }
0x328: {  	s10 =	spop (v2sf);
	(v2sf) =	vpush v6, $0x3;
	s8 =	simm.s32 $0xE80;
	s9 =	sadd.s32 s3, s31  }
0x329: {  	[tilespmem:s8], [sflag:$0x1] =	stream.linear.gather [hbm4b:s9+s1], $0x80, $0x38;
	[tilespmem:$0x18E00] =	vst v63  }
0x32a: {  	s0 =	simm.s32 $0x9380;
	(v2sf) =	vpush v63, $0x4;
	s15 =	spop (v2sf);
	s8 =	sand.u32 $0x1FFFFFF0, s10  }
0x32b: {  	s17 =	spop (v2sf);
	(v2sf) =	vpush v7, $0x4;
	s9 =	sand.u32 $0x1FFFFFF0, s15;
	s8 =	sadd.s32 s4, s8  }
0x32c: {  	[tilespmem:s11], [sflag:$0x1] =	stream.linear.gather [hbm4b:s8+s1], $0x80, $0x38;
	[tilespmem:$0x18E00] =	vst v63  }
0x32d: {  	s21 =	sand.u32 $0x1FFFFFF0, s17;
	s26 =	spop (v2sf);
	(v2sf) =	vpush v6, $0x4;
	s20 =	sadd.s32 s4, s9  }
0x32e: {  	[tilespmem:s28], [sflag:$0x1] =	stream.linear.gather [hbm4b:s20+s1], $0x80, $0x38;
	[tilespmem:$0x18E00] =	vst v63  }
0x32f: {  	s22 =	simm.s32 $0xF00;
	(v2sf) =	vpush v63, $0x5;
	s7 =	sand.u32 $0x1FFFFFF0, s26;
	s9 =	sadd.s32 s3, s21  }
0x330: {  	[tilespmem:s22], [sflag:$0x1] =	stream.linear.gather [hbm4b:s9+s1], $0x80, $0x38;
	[tilespmem:$0x18E00] =	vst v63  }
0x331: {  	s7 =	sadd.s32 s4, s7;
	s15 =	simm.s32 $0x10F80;
	s29 =	spop (v2sf)  }
0x332: {  	s28 =	simm.s32 $0x8F00;
	s22 =	simm.s32 $0x1000;
	s9 =	sand.u32 $0x1FFFFFF0, s29  }
0x333: {  	[tilespmem:s28], [sflag:$0x1] =	stream.linear.gather [hbm4b:s7+s1], $0x80, $0x38;
	[tilespmem:$0x18E00] =	vst v63  }
0x334: {  	s31 =	spop (v2sf);
	s7 =	simm.s32 $0x10F00;
	s9 =	sadd.s32 s4, s9  }
0x335: {  	(v2sf) =	vpush v7, $0x5;
	s10 =	sand.u32 $0x1FFFFFF0, s31;
	s11 =	spop (v2sf);
	s28 =	simm.s32 $0x9000  }
0x336: {  	(v2sf) =	vpush v6, $0x5;
	[tilespmem:s7], [sflag:$0x1] =	stream.linear.gather [hbm4b:s9+s1], $0x80, $0x38;
	[tilespmem:$0x18E00] =	vst v63  }
0x337: {  	s9 =	sadd.s32 s3, s10;
	s7 =	sand.u32 $0x1FFFFFF0, s11;
	s17 =	spop (v2sf)  }
0x338: {  	(v2sf) =	vpush v63, $0x6;
	[tilespmem:s19], [sflag:$0x1] =	stream.linear.gather [hbm4b:s9+s1], $0x80, $0x38;
	[tilespmem:$0x18E00] =	vst v63  }
0x339: {  	s7 =	sadd.s32 s4, s7;
	s9 =	sand.u32 $0x1FFFFFF0, s17;
	s19 =	spop (v2sf)  }
0x33a: {  	s17 =	simm.s32 $0x1080;
	s20 =	sadd.s32 s4, s9;
	s26 =	spop (v2sf)  }
0x33b: {  	[tilespmem:s2], [sflag:$0x1] =	stream.linear.gather [hbm4b:s7+s1], $0x80, $0x38;
	[tilespmem:$0x18E00] =	vst v63  }
0x33c: {  	(v2sf) =	vpush v7, $0x6;
	s21 =	sand.u32 $0x1FFFFFF0, s19;
	s2 =	simm.s32 $0x9080;
	s29 =	spop (v2sf)  }
0x33d: {  	[tilespmem:s15], [sflag:$0x1] =	stream.linear.gather [hbm4b:s20+s1], $0x80, $0x38;
	[tilespmem:$0x18E00] =	vst v63  }
0x33e: {  	(v2sf) =	vpush v6, $0x6;
	s9 =	sadd.s32 s3, s21;
	s8 =	sand.u32 $0x1FFFFFF0, s26;
	s31 =	spop (v2sf)  }
0x33f: {  	(v2sf) =	vpush v63, $0x7;
	[tilespmem:s22], [sflag:$0x1] =	stream.linear.gather [hbm4b:s9+s1], $0x80, $0x38;
	[tilespmem:$0x18E00] =	vst v63  }
0x340: {  	s8 =	sadd.s32 s4, s8;
	s15 =	sand.u32 $0x1FFFFFF0, s31;
	s9 =	sand.u32 $0x1FFFFFF0, s29  }
0x341: {  	[tilespmem:s28], [sflag:$0x1] =	stream.linear.gather [hbm4b:s8+s1], $0x80, $0x38;
	[tilespmem:$0x18E00] =	vst v63  }
0x342: {  	s20 =	sadd.s32 s3, s15;
	s11 =	sadd.s32 s4, s9;
	s8 =	simm.s32 $0x11000  }
0x343: {  	(v2sf) =	vpush v7, $0x7;
	[tilespmem:s8], [sflag:$0x1] =	stream.linear.gather [hbm4b:s11+s1], $0x80, $0x38;
	[tilespmem:$0x18E00] =	vst v63  }
0x344: {  	s28 =	simm.s32 $0x11080;
	s19 =	spop (v2sf);
	s8 =	simm.s32 $0x11480  }
0x345: {  	(v2sf) =	vpush v6, $0x7;
	s21 =	sand.u32 $0x1FFFFFF0, s19;
	s22 =	spop (v2sf);
	s11 =	simm.s32 $0x9100  }
0x346: {  	[tilespmem:s17], [sflag:$0x1] =	stream.linear.gather [hbm4b:s20+s1], $0x80, $0x38;
	[tilespmem:$0x18E00] =	vst v63  }
0x347: {  	s7 =	sadd.s32 s4, s21;
	s9 =	sand.u32 $0x1FFFFFF0, s22;
	s26 =	spop (v2sf)  }
0x348: {  	(v2sf) =	vpush v63, $0x8;
	[tilespmem:s2], [sflag:$0x1] =	stream.linear.gather [hbm4b:s7+s1], $0x80, $0x38;
	[tilespmem:$0x18E00] =	vst v63  }
0x349: {  	s19 =	simm.s32 $0x11100;
	(v2sf) =	vpush v7, $0x8;
	s29 =	sadd.s32 s4, s9;
	s31 =	sand.u32 $0x1FFFFFF0, s26  }
0x34a: {  	[tilespmem:s28], [sflag:$0x1] =	stream.linear.gather [hbm4b:s29+s1], $0x80, $0x38;
	[tilespmem:$0x18E00] =	vst v63  }
0x34b: {  	(v2sf) =	vpush v6, $0x8;
	s10 =	spop (v2sf);
	s9 =	sadd.s32 s3, s31;
	s7 =	simm.s32 $0x1100  }
0x34c: {  	(v2sf) =	vpush v63, $0x9;
	[tilespmem:s7], [sflag:$0x1] =	stream.linear.gather [hbm4b:s9+s1], $0x80, $0x38;
	[tilespmem:$0x18E00] =	vst v63  }
0x34d: {  	s22 =	simm.s32 $0x1180;
	s15 =	spop (v2sf);
	s7 =	sand.u32 $0x1FFFFFF0, s10  }
0x34e: {  	s17 =	spop (v2sf);
	s9 =	sand.u32 $0x1FFFFFF0, s15;
	s7 =	sadd.s32 s4, s7  }
0x34f: {  	[tilespmem:s11], [sflag:$0x1] =	stream.linear.gather [hbm4b:s7+s1], $0x80, $0x38;
	[tilespmem:$0x18E00] =	vst v63  }
0x350: {  	(v2sf) =	vpush v7, $0x9;
	s28 =	simm.s32 $0x9180;
	s21 =	sand.u32 $0x1FFFFFF0, s17;
	s20 =	sadd.s32 s4, s9  }
0x351: {  	[tilespmem:s19], [sflag:$0x1] =	stream.linear.gather [hbm4b:s20+s1], $0x80, $0x38;
	[tilespmem:$0x18E00] =	vst v63  }
0x352: {  	(v2sf) =	vpush v6, $0x9;
	s26 =	spop (v2sf);
	s17 =	simm.s32 $0x9200;
	s9 =	sadd.s32 s3, s21  }
0x353: {  	[tilespmem:s22], [sflag:$0x1] =	stream.linear.gather [hbm4b:s9+s1], $0x80, $0x38;
	[tilespmem:$0x18E00] =	vst v63  }
0x354: {  	(v2sf) =	vpush v63, $0xA;
	s21 =	simm.s32 $0x11200;
	s7 =	sand.u32 $0x1FFFFFF0, s26;
	s29 =	spop (v2sf)  }
0x355: {  	s11 =	simm.s32 $0x1200;
	s7 =	sadd.s32 s4, s7;
	s9 =	sand.u32 $0x1FFFFFF0, s29  }
0x356: {  	(v2sf) =	vpush v7, $0xA;
	[tilespmem:s28], [sflag:$0x1] =	stream.linear.gather [hbm4b:s7+s1], $0x80, $0x38;
	[tilespmem:$0x18E00] =	vst v63  }
0x357: {  	s31 =	spop (v2sf);
	s7 =	simm.s32 $0x11180;
	s9 =	sadd.s32 s4, s9  }
0x358: {  	s10 =	sand.u32 $0x1FFFFFF0, s31;
	s15 =	spop (v2sf);
	(v2sf) =	vpush v6, $0xA;
	s28 =	simm.s32 $0x1280  }
0x359: {  	[tilespmem:s7], [sflag:$0x1] =	stream.linear.gather [hbm4b:s9+s1], $0x80, $0x38;
	[tilespmem:$0x18E00] =	vst v63  }
0x35a: {  	s31 =	simm.s32 $0x9280;
	s19 =	spop (v2sf);
	s9 =	sadd.s32 s3, s10  }
0x35b: {  	(v2sf) =	vpush v63, $0xB;
	s7 =	sand.u32 $0x1FFFFFF0, s15;
	s20 =	spop (v2sf);
	s15 =	simm.s32 $0x11280  }
0x35c: {  	(v2sf) =	vpush v7, $0xB;
	[tilespmem:s11], [sflag:$0x1] =	stream.linear.gather [hbm4b:s9+s1], $0x80, $0x38;
	[tilespmem:$0x18E00] =	vst v63  }
0x35d: {  	s7 =	sadd.s32 s4, s7;
	s26 =	sand.u32 $0x1FFFFFF0, s20;
	s9 =	sand.u32 $0x1FFFFFF0, s19  }
0x35e: {  	[tilespmem:s17], [sflag:$0x1] =	stream.linear.gather [hbm4b:s7+s1], $0x80, $0x38;
	[tilespmem:$0x18E00] =	vst v63  }
0x35f: {  	s20 =	simm.s32 $0x1300;
	s22 =	sadd.s32 s4, s9;
	s29 =	spop (v2sf)  }
0x360: {  	(v2sf) =	vpush v6, $0xB;
	[tilespmem:s21], [sflag:$0x1] =	stream.linear.gather [hbm4b:s22+s1], $0x80, $0x38;
	[tilespmem:$0x18E00] =	vst v63  }
0x361: {  	s9 =	sadd.s32 s3, s26;
	s7 =	sand.u32 $0x1FFFFFF0, s29;
	s10 =	spop (v2sf)  }
0x362: {  	(v2sf) =	vpush v63, $0xC;
	[tilespmem:s28], [sflag:$0x1] =	stream.linear.gather [hbm4b:s9+s1], $0x80, $0x38;
	[tilespmem:$0x18E00] =	vst v63  }
0x363: {  	s7 =	sadd.s32 s4, s7;
	s11 =	spop (v2sf);
	s9 =	sand.u32 $0x1FFFFFF0, s10  }
0x364: {  	[tilespmem:s31], [sflag:$0x1] =	stream.linear.gather [hbm4b:s7+s1], $0x80, $0x38;
	[tilespmem:$0x18E00] =	vst v63  }
0x365: {  	s19 =	sand.u32 $0x1FFFFFF0, s11;
	s17 =	sadd.s32 s4, s9;
	s21 =	spop (v2sf)  }
0x366: {  	(v2sf) =	vpush v7, $0xC;
	[tilespmem:s15], [sflag:$0x1] =	stream.linear.gather [hbm4b:s17+s1], $0x80, $0x38;
	[tilespmem:$0x18E00] =	vst v63  }
0x367: {  	s22 =	simm.s32 $0x9300;
	s9 =	sadd.s32 s3, s19;
	s26 =	spop (v2sf)  }
0x368: {  	(v2sf) =	vpush v6, $0xC;
	[tilespmem:s20], [sflag:$0x1] =	stream.linear.gather [hbm4b:s9+s1], $0x80, $0x38;
	[tilespmem:$0x18E00] =	vst v63  }
0x369: {  	s19 =	simm.s32 $0x11380;
	(v2sf) =	vpush v63, $0xD;
	s7 =	sand.u32 $0x1FFFFFF0, s21;
	s9 =	sand.u32 $0x1FFFFFF0, s26  }
0x36a: {  	s7 =	sadd.s32 s4, s7;
	s28 =	spop (v2sf);
	s29 =	sadd.s32 s4, s9  }
0x36b: {  	(v2sf) =	vpush v7, $0xD;
	s31 =	sand.u32 $0x1FFFFFF0, s28;
	s9 =	simm.s32 $0x1380;
	s10 =	spop (v2sf)  }
0x36c: {  	[tilespmem:s22], [sflag:$0x1] =	stream.linear.gather [hbm4b:s7+s1], $0x80, $0x38;
	[tilespmem:$0x18E00] =	vst v63  }
0x36d: {  	(v2sf) =	vpush v6, $0xD;
	s28 =	simm.s32 $0x9400;
	s7 =	sadd.s32 s3, s31;
	s11 =	sand.u32 $0x1FFFFFF0, s10  }
0x36e: {  	(v2sf) =	vpush v63, $0xE;
	[tilespmem:s6], [sflag:$0x1] =	stream.linear.gather [hbm4b:s29+s1], $0x80, $0x38;
	[tilespmem:$0x18E00] =	vst v63  }
0x36f: {  	s15 =	spop (v2sf);
	s22 =	simm.s32 $0x1400;
	s10 =	simm.s32 $0x1580  }
0x370: {  	[tilespmem:s9], [sflag:$0x1] =	stream.linear.gather [hbm4b:s7+s1], $0x80, $0x38;
	[tilespmem:$0x18E00] =	vst v63  }
0x371: {  	s2 =	sadd.s32 s4, s11;
	s6 =	sand.u32 $0x1FFFFFF0, s15;
	s17 =	spop (v2sf)  }
0x372: {  	(v2sf) =	vpush v7, $0xE;
	[tilespmem:s0], [sflag:$0x1] =	stream.linear.gather [hbm4b:s2+s1], $0x80, $0x38;
	[tilespmem:$0x18E00] =	vst v63  }
0x373: {  	s11 =	simm.s32 $0x1480;
	s20 =	sadd.s32 s4, s6;
	s21 =	sand.u32 $0x1FFFFFF0, s17  }
0x374: {  	(v2sf) =	vpush v6, $0xE;
	[tilespmem:s19], [sflag:$0x1] =	stream.linear.gather [hbm4b:s20+s1], $0x80, $0x38;
	[tilespmem:$0x18E00] =	vst v63  }
0x375: {  	s17 =	simm.s32 $0x9480;
	s26 =	spop (v2sf);
	s6 =	sadd.s32 s3, s21  }
0x376: {  	(v2sf) =	vpush v63, $0xF;
	[tilespmem:s22], [sflag:$0x1] =	stream.linear.gather [hbm4b:s6+s1], $0x80, $0x38;
	[tilespmem:$0x18E00] =	vst v63  }
0x377: {  	s9 =	simm.s32 $0x11500;
	s2 =	sand.u32 $0x1FFFFFF0, s26;
	s29 =	spop (v2sf)  }
0x378: {  	s2 =	sadd.s32 s4, s2;
	s6 =	sand.u32 $0x1FFFFFF0, s29;
	s31 =	spop (v2sf)  }
0x379: {  	[tilespmem:s28], [sflag:$0x1] =	stream.linear.gather [hbm4b:s2+s1], $0x80, $0x38;
	[tilespmem:$0x18E00] =	vst v63  }
0x37a: {  	s6 =	sadd.s32 s4, s6;
	s7 =	sand.u32 $0x1FFFFFF0, s31;
	s15 =	spop (v2sf)  }
0x37b: {  	[tilespmem:s5], [sflag:$0x1] =	stream.linear.gather [hbm4b:s6+s1], $0x80, $0x38;
	[tilespmem:$0x18E00] =	vst v63  }
0x37c: {  	s22 =	simm.s32 $0x1500;
	s2 =	sadd.s32 s3, s7;
	s20 =	spop (v2sf)  }
0x37d: {  	s19 =	sand.u32 $0x1FFFFFF0, s15;
	s5 =	sand.u32 $0x1FFFFFF0, s20;
	s21 =	spop (v2sf)  }
0x37e: {  	[tilespmem:s11], [sflag:$0x1] =	stream.linear.gather [hbm4b:s2+s1], $0x80, $0x38;
	[tilespmem:$0x18E00] =	vst v63  }
0x37f: {  	s2 =	sadd.s32 s4, s19;
	s26 =	sadd.s32 s4, s5;
	s6 =	sand.u32 $0x1FFFFFF0, s21  }
0x380: {  	[tilespmem:s17], [sflag:$0x1] =	stream.linear.gather [hbm4b:s2+s1], $0x80, $0x38;
	[tilespmem:$0x18E00] =	vst v63  }
0x381: {  	s21 =	simm.s32 $0x120;
	s28 =	spop (v2sf);
	s6 =	sadd.s32 s3, s6  }
0x382: {  	[tilespmem:s8], [sflag:$0x1] =	stream.linear.gather [hbm4b:s26+s1], $0x80, $0x38;
	[tilespmem:$0x18E00] =	vst v63  }
0x383: {  	s3 =	simm.s32 $0x9580;
	s29 =	sand.u32 $0x1FFFFFF0, s28;
	s31 =	spop (v2sf)  }
0x384: {  	(v2sf) =	vpush v7, $0xF;
	[tilespmem:s22], [sflag:$0x1] =	stream.linear.gather [hbm4b:s6+s1], $0x80, $0x38;
	[tilespmem:$0x18E00] =	vst v63  }
0x385: {  	(v2sf) =	vpush v6, $0xF;
	s0 =	sand.u32 $0x1FFFFFF0, s31;
	s2 =	spop (v2sf);
	s6 =	sadd.s32 s4, s29  }
.LBB2_8:
0x386: {  	_ =	sdelay $0x7  }
0x387: {  	[tilespmem:s30], [sflag:$0x1] =	stream.linear.gather [hbm4b:s6+s1], $0x80, $0x38;
	[tilespmem:$0x18E00] =	vst v63  }
0x388: {  	s0 =	sadd.s32 s4, s0;
	s2 =	sand.u32 $0x1FFFFFF0, s2;
	s31 =	rddreg [dreg:$0x8]  }
0x389: {  	[tilespmem:s9], [sflag:$0x1] =	stream.linear.gather [hbm4b:s0+s1], $0x80, $0x38;
	[tilespmem:$0x18E00] =	vst v63  }
0x38a: {  	s19 =	sadd.s32 s31, s2  }
0x38b: {  	[tilespmem:s10], [sflag:$0x1] =	stream.linear.gather [hbm4b:s19+s1], $0x80, $0x38;
	[tilespmem:$0x18E00] =	vst v63  }
0x38c: {  	s7 =	spop (v2sf)  }
0x38d: {  	s20 =	sand.u32 $0x1FFFFFF0, s7;
	s22 =	spop (v2sf)  }
0x38e: {  	s26 =	sadd.s32 s4, s20;
	s7 =	sand.u32 $0x1FFFFFF0, s22  }
0x38f: {  	[tilespmem:s3], [sflag:$0x1] =	stream.linear.gather [hbm4b:s26+s1], $0x80, $0x38;
	[tilespmem:$0x18E00] =	vst v63  }
0x390: {  	s28 =	sadd.s32 $0x11580, s14;
	s29 =	sadd.s32 s4, s7  }
0x391: {  	[tilespmem:s28], [sflag:$0x1] =	stream.linear.gather [hbm4b:s29+s1], $0x80, $0x38;
	[tilespmem:$0x18E00] =	vst v63  }
0x392: {  	_ =	swait.ge [sflag:s18], $0x800  }
0x393: {  	[sflag:s18] =	ssyncset.done $0x0  }
0x394: {  	[sflag:s18] =	ssyncadd.s32 $0xFFFFF800  }
0x395: {  	s17 =	smov.u32 s16;
	_ =	swait.ge [sflag:s18], $0x800  }
0x396: {  	s14 =	sshra.s32 s17, $0x2;
	[sflag:s18] =	ssyncset.done $0x0  }
0x397: {  	s6 =	sadd.s32 $0x11300, s14;
	[sflag:s18] =	ssyncadd.s32 $0xFFFFF800  }
0x398: {  	s8 =	sadd.s32 $0x9380, s14;
	_ =	swait.ge [sflag:s18], $0x800;
	[dreg:$0x14] =	wrdreg s6  }
0x399: {  	s9 =	sadd.s32 $0x11400, s14;
	[dreg:$0x10] =	wrdreg s8  }
0x39a: {  	p0 =	sne.s32 s16, $0x1C000;
	s20 =	sadd.s32 $0x9280, s14;
	[dreg:$0xc] =	wrdreg s9  }
0x39b: {  	s3 =	sadd.s32 $0x8F80, s14;
	[dreg:$0x1e] =	wrdreg s20;
	[sflag:s18] =	ssyncset.done $0x0  }
0x39c: {  	s11 =	sadd.s32 $0x9080, s14;
	[smem:$0x7CB] =	sst s3;
	[sflag:s18] =	ssyncadd.s32 $0xFFFFF800  }
0x39d: {  	s5 =	sadd.s32 $0x2000, s16;
	s16 =	sadd.s32 $0x9000, s14;
	[smem:$0x7CE] =	sst s11;
	v6 =	vld [tilespmem:s21+$0x0]  }
0x39e: {  	s17 =	sadd.s32 $0x11000, s14;
	[smem:$0x7CC] =	sst s16  }
0x39f: {  	s19 =	sadd.s32 $0x9100, s14;
	[smem:$0x7CD] =	sst s17;
	v7 =	vld [tilespmem:s12+$0x0]  }
0x3a0: {  	s28 =	sadd.s32 $0x1580, s14;
	[smem:$0x7D1] =	sst s19  }
0x3a1: {  	s29 =	sadd.s32 $0x11100, s14;
	[smem:$0x7D0] =	sst s28;
	v9 =	vld [tilespmem:s13+$0x0]  }
0x3a2: {  	s15 =	sadd.s32 $0x8E00, s14;
	[smem:$0x7D2] =	sst s29;
	s3 =	sadd.s32 $0x9200, s14;
	v8 =	vshll.u32 v6, $0x4  }
0x3a3: {  	s30 =	sadd.s32 $0x9500, s14;
	s11 =	sadd.s32 $0x11200, s14;
	[smem:$0x7D7] =	sst s3;
	(v2sf) =	vpush v8, $0x0  }
0x3a4: {  	s0 =	sadd.s32 $0x8E80, s14;
	s16 =	sadd.s32 $0x9180, s14;
	[smem:$0x7D8] =	sst s11;
	v7 =	vshll.u32 v7, $0x4  }
0x3a5: {  	s2 =	sadd.s32 $0x10F00, s14;
	s17 =	sadd.s32 $0x11180, s14;
	[smem:$0x7D4] =	sst s16;
	(v2sf) =	vpush v7, $0x0  }
0x3a6: {  	s10 =	sadd.s32 $0xF80, s14;
	s19 =	sadd.s32 $0x1200, s14;
	[smem:$0x7D5] =	sst s17;
	v6 =	vshll.u32 v9, $0x4  }
0x3a7: {  	s22 =	sadd.s32 $0x1000, s14;
	s28 =	sadd.s32 $0x11080, s14;
	[smem:$0x7D6] =	sst s19;
	(v2sf) =	vpush v6, $0x0  }
0x3a8: {  	s7 =	sadd.s32 $0x10E00, s14;
	s29 =	sadd.s32 $0x1280, s14;
	[smem:$0x7CF] =	sst s28  }
0x3a9: {  	s26 =	sadd.s32 $0x10F80, s14;
	[smem:$0x7D9] =	sst s29;
	s3 =	sadd.s32 $0x1500, s14;
	(v2sf) =	vpush v8, $0x1  }
0x3aa: {  	s6 =	sadd.s32 $0xE00, s14;
	s11 =	sadd.s32 $0x11280, s14;
	[dreg:$0xe] =	wrdreg s3  }
0x3ab: {  	s8 =	sadd.s32 $0x10E80, s14;
	s16 =	sadd.s32 $0x9480, s14;
	[smem:$0x7DA] =	sst s11;
	(v2sf) =	vpush v7, $0x1  }
0x3ac: {  	s9 =	sadd.s32 $0x11500, s14;
	s19 =	sadd.s32 $0x1300, s14;
	[dreg:$0x12] =	wrdreg s16  }
0x3ad: {  	s20 =	sadd.s32 $0xE80, s14;
	s28 =	sadd.s32 $0x1400, s14;
	[smem:$0x7DB] =	sst s19;
	(v2sf) =	vpush v6, $0x1  }
0x3ae: {  	s18 =	sadd.s32 $0x10, s13;
	s29 =	sadd.s32 $0x9300, s14;
	[dreg:$0x18] =	wrdreg s28  }
0x3af: {  	s17 =	sadd.s32 $0x1080, s14;
	s13 =	sadd.s32 $0x11480, s14;
	[smem:$0x7DC] =	sst s29;
	(v2sf) =	vpush v8, $0x2  }
0x3b0: {  	s12 =	sadd.s32 $0x10, s12;
	[dreg:$0xa] =	wrdreg s13;
	s13 =	sadd.s32 $0x1180, s14  }
0x3b1: {  	s11 =	sadd.s32 $0x1380, s14;
	[smem:$0x7D3] =	sst s13;
	s13 =	sadd.s32 $0x1480, s14;
	(v2sf) =	vpush v7, $0x2  }
0x3b2: {  	s21 =	sadd.s32 $0x10, s21;
	[dreg:$0x16] =	wrdreg s13;
	s13 =	spop (v2sf)  }
0x3b3: {  	s28 =	sadd.s32 $0xF00, s14;
	s3 =	sadd.s32 $0x9580, s14;
	s19 =	sand.u32 $0x1FFFFFF0, s13  }
0x3b4: {  	s16 =	sadd.s32 $0x8F00, s14;
	s29 =	spop (v2sf);
	s13 =	sadd.s32 s31, s19  }
0x3b5: {  	(v2sf) =	vpush v6, $0x2;
	[tilespmem:s6], [sflag:$0x1] =	stream.linear.gather [hbm4b:s13+s1], $0x80, $0x38;
	[tilespmem:$0x18E00] =	vst v63  }
0x3b6: {  	s29 =	sand.u32 $0x1FFFFFF0, s29;
	s19 =	spop (v2sf);
	s13 =	sadd.s32 $0x11380, s14  }
0x3b7: {  	(v2sf) =	vpush v8, $0x3;
	s29 =	sadd.s32 s4, s29;
	[smem:$0x7DD] =	sst s13;
	s13 =	sadd.s32 $0x9400, s14  }
0x3b8: {  	s19 =	sand.u32 $0x1FFFFFF0, s19;
	(v2sf) =	vpush v7, $0x3;
	[dreg:$0x1a] =	wrdreg s13;
	s13 =	spop (v2sf)  }
0x3b9: {  	[tilespmem:s15], [sflag:$0x1] =	stream.linear.gather [hbm4b:s29+s1], $0x80, $0x38;
	[tilespmem:$0x18E00] =	vst v63  }
0x3ba: {  	s19 =	sadd.s32 s4, s19;
	(v2sf) =	vpush v6, $0x3;
	s6 =	sand.u32 $0x1FFFFFF0, s13;
	s29 =	spop (v2sf)  }
0x3bb: {  	[tilespmem:s7], [sflag:$0x1] =	stream.linear.gather [hbm4b:s19+s1], $0x80, $0x38;
	[tilespmem:$0x18E00] =	vst v63  }
0x3bc: {  	s6 =	sadd.s32 s31, s6;
	s19 =	sand.u32 $0x1FFFFFF0, s29;
	s29 =	spop (v2sf)  }
0x3bd: {  	(v2sf) =	vpush v8, $0x4;
	[tilespmem:s20], [sflag:$0x1] =	stream.linear.gather [hbm4b:s6+s1], $0x80, $0x38;
	[tilespmem:$0x18E00] =	vst v63  }
0x3be: {  	(v2sf) =	vpush v7, $0x4;
	s7 =	sadd.s32 s4, s19;
	s13 =	sand.u32 $0x1FFFFFF0, s29;
	s15 =	spop (v2sf)  }
0x3bf: {  	[tilespmem:s0], [sflag:$0x1] =	stream.linear.gather [hbm4b:s7+s1], $0x80, $0x38;
	[tilespmem:$0x18E00] =	vst v63  }
0x3c0: {  	(v2sf) =	vpush v6, $0x4;
	s19 =	sadd.s32 s4, s13;
	s20 =	sand.u32 $0x1FFFFFF0, s15;
	s29 =	spop (v2sf)  }
0x3c1: {  	[tilespmem:s8], [sflag:$0x1] =	stream.linear.gather [hbm4b:s19+s1], $0x80, $0x38;
	[tilespmem:$0x18E00] =	vst v63  }
0x3c2: {  	[dreg:$0x1c] =	wrdreg s11;
	(v2sf) =	vpush v8, $0x5;
	s6 =	sadd.s32 s31, s20;
	s8 =	sand.u32 $0x1FFFFFF0, s29  }
0x3c3: {  	[tilespmem:s28], [sflag:$0x1] =	stream.linear.gather [hbm4b:s6+s1], $0x80, $0x38;
	[tilespmem:$0x18E00] =	vst v63  }
0x3c4: {  	s13 =	smov.u32 s18;
	s18 =	sadd.s32 s4, s8;
	s15 =	spop (v2sf)  }
0x3c5: {  	[tilespmem:s16], [sflag:$0x1] =	stream.linear.gather [hbm4b:s18+s1], $0x80, $0x38;
	[tilespmem:$0x18E00] =	vst v63  }
0x3c6: {  	(v2sf) =	vpush v7, $0x5;
	s19 =	sand.u32 $0x1FFFFFF0, s15;
	s20 =	spop (v2sf);
	s16 =	smov.u32 s5  }
0x3c7: {  	s28 =	sadd.s32 s4, s19;
	s29 =	sand.u32 $0x1FFFFFF0, s20;
	s5 =	spop (v2sf)  }
0x3c8: {  	(v2sf) =	vpush v6, $0x5;
	[tilespmem:s2], [sflag:$0x1] =	stream.linear.gather [hbm4b:s28+s1], $0x80, $0x38;
	[tilespmem:$0x18E00] =	vst v63  }
0x3c9: {  	s11 =	sadd.s32 $0x1100, s14;
	s6 =	sadd.s32 s31, s29;
	s8 =	spop (v2sf)  }
0x3ca: {  	(v2sf) =	vpush v8, $0x6;
	[tilespmem:s10], [sflag:$0x1] =	stream.linear.gather [hbm4b:s6+s1], $0x80, $0x38;
	[tilespmem:$0x18E00] =	vst v63  }
0x3cb: {  	s19 =	sld [smem:$0x7CB];
	s7 =	sand.u32 $0x1FFFFFF0, s5;
	s15 =	sand.u32 $0x1FFFFFF0, s8  }
0x3cc: {  	s10 =	sadd.s32 s4, s7;
	s18 =	spop (v2sf);
	s20 =	sadd.s32 s4, s15  }
0x3cd: {  	(v2sf) =	vpush v7, $0x6;
	s28 =	sand.u32 $0x1FFFFFF0, s18;
	s29 =	spop (v2sf);
	s18 =	sld [smem:$0x7CC]  }
0x3ce: {  	[tilespmem:s19], [sflag:$0x1] =	stream.linear.gather [hbm4b:s10+s1], $0x80, $0x38;
	[tilespmem:$0x18E00] =	vst v63  }
0x3cf: {  	(v2sf) =	vpush v6, $0x6;
	s5 =	sadd.s32 s31, s28;
	s6 =	sand.u32 $0x1FFFFFF0, s29;
	s7 =	spop (v2sf)  }
0x3d0: {  	[tilespmem:s26], [sflag:$0x1] =	stream.linear.gather [hbm4b:s20+s1], $0x80, $0x38;
	[tilespmem:$0x18E00] =	vst v63  }
0x3d1: {  	(v2sf) =	vpush v8, $0x7;
	s8 =	sadd.s32 s4, s6;
	s10 =	sand.u32 $0x1FFFFFF0, s7;
	s15 =	spop (v2sf)  }
0x3d2: {  	(v2sf) =	vpush v7, $0x7;
	[tilespmem:s22], [sflag:$0x1] =	stream.linear.gather [hbm4b:s5+s1], $0x80, $0x38;
	[tilespmem:$0x18E00] =	vst v63  }
0x3d3: {  	(v2sf) =	vpush v6, $0x7;
	s19 =	sadd.s32 s4, s10;
	s20 =	sand.u32 $0x1FFFFFF0, s15;
	s26 =	sld [smem:$0x7CD]  }
0x3d4: {  	[tilespmem:s18], [sflag:$0x1] =	stream.linear.gather [hbm4b:s8+s1], $0x80, $0x38;
	[tilespmem:$0x18E00] =	vst v63  }
0x3d5: {  	s15 =	sld [smem:$0x7CE];
	s28 =	sadd.s32 s31, s20;
	s22 =	spop (v2sf)  }
0x3d6: {  	[tilespmem:s26], [sflag:$0x1] =	stream.linear.gather [hbm4b:s19+s1], $0x80, $0x38;
	[tilespmem:$0x18E00] =	vst v63  }
0x3d7: {  	s18 =	simm.s32 $0x1;
	(v2sf) =	vpush v8, $0x8;
	s29 =	sand.u32 $0x1FFFFFF0, s22;
	s5 =	spop (v2sf)  }
0x3d8: {  	[tilespmem:s17], [sflag:$0x1] =	stream.linear.gather [hbm4b:s28+s1], $0x80, $0x38;
	[tilespmem:$0x18E00] =	vst v63  }
0x3d9: {  	s22 =	sld [smem:$0x7CF];
	s8 =	sand.u32 $0x1FFFFFF0, s5;
	s10 =	spop (v2sf)  }
0x3da: {  	(v2sf) =	vpush v7, $0x8;
	s7 =	sadd.s32 s4, s29;
	s17 =	sadd.s32 s4, s8;
	s19 =	sand.u32 $0x1FFFFFF0, s10  }
0x3db: {  	[tilespmem:s15], [sflag:$0x1] =	stream.linear.gather [hbm4b:s7+s1], $0x80, $0x38;
	[tilespmem:$0x18E00] =	vst v63  }
0x3dc: {  	(v2sf) =	vpush v6, $0x8;
	s10 =	sld [smem:$0x7D0];
	s20 =	spop (v2sf);
	s26 =	sadd.s32 s31, s19  }
0x3dd: {  	[tilespmem:s22], [sflag:$0x1] =	stream.linear.gather [hbm4b:s17+s1], $0x80, $0x38;
	[tilespmem:$0x18E00] =	vst v63  }
0x3de: {  	(v2sf) =	vpush v8, $0x9;
	s28 =	sand.u32 $0x1FFFFFF0, s20;
	s29 =	spop (v2sf);
	s20 =	sld [smem:$0x7D2]  }
0x3df: {  	(v2sf) =	vpush v7, $0x9;
	[tilespmem:s11], [sflag:$0x1] =	stream.linear.gather [hbm4b:s26+s1], $0x80, $0x38;
	[tilespmem:$0x18E00] =	vst v63  }
0x3e0: {  	s5 =	sadd.s32 s4, s28;
	s8 =	spop (v2sf);
	s11 =	sld [smem:$0x7D1]  }
0x3e1: {  	s7 =	sand.u32 $0x1FFFFFF0, s29;
	(v2sf) =	vpush v6, $0x9;
	s29 =	sld [smem:$0x7D3];
	s19 =	spop (v2sf)  }
0x3e2: {  	s15 =	sadd.s32 s4, s7;
	s17 =	sand.u32 $0x1FFFFFF0, s8;
	(v2sf) =	vpush v8, $0xA;
	s28 =	spop (v2sf)  }
0x3e3: {  	[tilespmem:s11], [sflag:$0x1] =	stream.linear.gather [hbm4b:s5+s1], $0x80, $0x38;
	[tilespmem:$0x18E00] =	vst v63  }
0x3e4: {  	s22 =	sadd.s32 s31, s17;
	s26 =	sand.u32 $0x1FFFFFF0, s19;
	(v2sf) =	vpush v7, $0xA;
	s7 =	sand.u32 $0x1FFFFFF0, s28  }
0x3e5: {  	[tilespmem:s20], [sflag:$0x1] =	stream.linear.gather [hbm4b:s15+s1], $0x80, $0x38;
	[tilespmem:$0x18E00] =	vst v63  }
0x3e6: {  	s5 =	sadd.s32 s4, s26;
	s11 =	sld [smem:$0x7D4];
	s8 =	spop (v2sf)  }
0x3e7: {  	[tilespmem:s29], [sflag:$0x1] =	stream.linear.gather [hbm4b:s22+s1], $0x80, $0x38;
	[tilespmem:$0x18E00] =	vst v63  }
0x3e8: {  	s15 =	sadd.s32 s4, s7;
	s20 =	sld [smem:$0x7D5];
	s17 =	sand.u32 $0x1FFFFFF0, s8  }
0x3e9: {  	s29 =	sld [smem:$0x7D6];
	s19 =	spop (v2sf);
	s22 =	sadd.s32 s31, s17  }
0x3ea: {  	(v2sf) =	vpush v6, $0xA;
	[tilespmem:s11], [sflag:$0x1] =	stream.linear.gather [hbm4b:s5+s1], $0x80, $0x38;
	[tilespmem:$0x18E00] =	vst v63  }
0x3eb: {  	s26 =	sand.u32 $0x1FFFFFF0, s19;
	s28 =	spop (v2sf);
	s11 =	sld [smem:$0x7D7]  }
0x3ec: {  	(v2sf) =	vpush v8, $0xB;
	[tilespmem:s20], [sflag:$0x1] =	stream.linear.gather [hbm4b:s15+s1], $0x80, $0x38;
	[tilespmem:$0x18E00] =	vst v63  }
0x3ed: {  	(v2sf) =	vpush v7, $0xB;
	s5 =	sadd.s32 s4, s26;
	s7 =	sand.u32 $0x1FFFFFF0, s28;
	s8 =	spop (v2sf)  }
0x3ee: {  	s15 =	sadd.s32 s4, s7;
	s17 =	sand.u32 $0x1FFFFFF0, s8;
	s19 =	spop (v2sf)  }
0x3ef: {  	[tilespmem:s29], [sflag:$0x1] =	stream.linear.gather [hbm4b:s22+s1], $0x80, $0x38;
	[tilespmem:$0x18E00] =	vst v63  }
0x3f0: {  	s20 =	sld [smem:$0x7D8];
	s22 =	sadd.s32 s31, s17;
	s28 =	spop (v2sf)  }
0x3f1: {  	(v2sf) =	vpush v6, $0xB;
	s26 =	sand.u32 $0x1FFFFFF0, s19;
	s29 =	sld [smem:$0x7D9];
	s8 =	spop (v2sf)  }
0x3f2: {  	(v2sf) =	vpush v8, $0xC;
	[tilespmem:s11], [sflag:$0x1] =	stream.linear.gather [hbm4b:s5+s1], $0x80, $0x38;
	[tilespmem:$0x18E00] =	vst v63  }
0x3f3: {  	s7 =	sand.u32 $0x1FFFFFF0, s28;
	s5 =	sadd.s32 s4, s26;
	s19 =	spop (v2sf)  }
0x3f4: {  	(v2sf) =	vpush v7, $0xC;
	[tilespmem:s20], [sflag:$0x1] =	stream.linear.gather [hbm4b:s15+s1], $0x80, $0x38;
	[tilespmem:$0x18E00] =	vst v63  }
0x3f5: {  	(v2sf) =	vpush v6, $0xC;
	s11 =	rddreg [dreg:$0x1e];
	s17 =	sand.u32 $0x1FFFFFF0, s8;
	s26 =	sand.u32 $0x1FFFFFF0, s19  }
0x3f6: {  	[tilespmem:s29], [sflag:$0x1] =	stream.linear.gather [hbm4b:s22+s1], $0x80, $0x38;
	[tilespmem:$0x18E00] =	vst v63  }
0x3f7: {  	(v2sf) =	vpush v8, $0xD;
	s15 =	sadd.s32 s4, s7;
	s20 =	sld [smem:$0x7DA];
	s22 =	sadd.s32 s31, s17  }
0x3f8: {  	[tilespmem:s11], [sflag:$0x1] =	stream.linear.gather [hbm4b:s5+s1], $0x80, $0x38;
	[tilespmem:$0x18E00] =	vst v63  }
0x3f9: {  	s29 =	sld [smem:$0x7DB];
	s28 =	spop (v2sf);
	s5 =	sadd.s32 s4, s26  }
0x3fa: {  	[tilespmem:s20], [sflag:$0x1] =	stream.linear.gather [hbm4b:s15+s1], $0x80, $0x38;
	[tilespmem:$0x18E00] =	vst v63  }
0x3fb: {  	(v2sf) =	vpush v7, $0xD;
	s11 =	sld [smem:$0x7DC];
	s7 =	sand.u32 $0x1FFFFFF0, s28;
	s8 =	spop (v2sf)  }
0x3fc: {  	s15 =	sadd.s32 s4, s7;
	s17 =	sand.u32 $0x1FFFFFF0, s8;
	s19 =	spop (v2sf)  }
0x3fd: {  	(v2sf) =	vpush v6, $0xD;
	[tilespmem:s29], [sflag:$0x1] =	stream.linear.gather [hbm4b:s22+s1], $0x80, $0x38;
	[tilespmem:$0x18E00] =	vst v63  }
0x3fe: {  	s20 =	rddreg [dreg:$0x14];
	s22 =	sadd.s32 s31, s17;
	s26 =	sand.u32 $0x1FFFFFF0, s19  }
0x3ff: {  	[tilespmem:s11], [sflag:$0x1] =	stream.linear.gather [hbm4b:s5+s1], $0x80, $0x38;
	[tilespmem:$0x18E00] =	vst v63  }
0x400: {  	s29 =	rddreg [dreg:$0x1c];
	s28 =	spop (v2sf);
	s5 =	sadd.s32 s4, s26  }
0x401: {  	(v2sf) =	vpush v8, $0xE;
	s7 =	sand.u32 $0x1FFFFFF0, s28;
	s8 =	spop (v2sf);
	s11 =	rddreg [dreg:$0x10]  }
0x402: {  	[tilespmem:s20], [sflag:$0x1] =	stream.linear.gather [hbm4b:s15+s1], $0x80, $0x38;
	[tilespmem:$0x18E00] =	vst v63  }
0x403: {  	(v2sf) =	vpush v7, $0xE;
	s17 =	sand.u32 $0x1FFFFFF0, s8;
	s19 =	spop (v2sf);
	s15 =	sadd.s32 s4, s7  }
0x404: {  	s20 =	sld [smem:$0x7DD];
	s26 =	sand.u32 $0x1FFFFFF0, s19;
	s28 =	spop (v2sf)  }
0x405: {  	[tilespmem:s29], [sflag:$0x1] =	stream.linear.gather [hbm4b:s22+s1], $0x80, $0x38;
	[tilespmem:$0x18E00] =	vst v63  }
0x406: {  	(v2sf) =	vpush v6, $0xE;
	s7 =	sand.u32 $0x1FFFFFF0, s28;
	s8 =	spop (v2sf);
	s22 =	sadd.s32 s31, s17  }
0x407: {  	[tilespmem:s11], [sflag:$0x1] =	stream.linear.gather [hbm4b:s5+s1], $0x80, $0x38;
	[tilespmem:$0x18E00] =	vst v63  }
0x408: {  	(v2sf) =	vpush v8, $0xF;
	s29 =	rddreg [dreg:$0x18];
	s17 =	sand.u32 $0x1FFFFFF0, s8;
	s5 =	sadd.s32 s4, s26  }
0x409: {  	[tilespmem:s20], [sflag:$0x1] =	stream.linear.gather [hbm4b:s15+s1], $0x80, $0x38;
	[tilespmem:$0x18E00] =	vst v63  }
0x40a: {  	s11 =	rddreg [dreg:$0x1a];
	s15 =	sadd.s32 s4, s7;
	s19 =	spop (v2sf)  }
0x40b: {  	[tilespmem:s29], [sflag:$0x1] =	stream.linear.gather [hbm4b:s22+s1], $0x80, $0x38;
	[tilespmem:$0x18E00] =	vst v63  }
0x40c: {  	s20 =	rddreg [dreg:$0xc];
	s22 =	sadd.s32 s31, s17;
	s28 =	spop (v2sf)  }
0x40d: {  	[tilespmem:s11], [sflag:$0x1] =	stream.linear.gather [hbm4b:s5+s1], $0x80, $0x38;
	[tilespmem:$0x18E00] =	vst v63  }
0x40e: {  	s26 =	sand.u32 $0x1FFFFFF0, s19;
	s29 =	rddreg [dreg:$0x16];
	s8 =	sand.u32 $0x1FFFFFF0, s28  }
0x40f: {  	[tilespmem:s20], [sflag:$0x1] =	stream.linear.gather [hbm4b:s15+s1], $0x80, $0x38;
	[tilespmem:$0x18E00] =	vst v63  }
0x410: {  	s7 =	sadd.s32 s4, s26;
	s11 =	spop (v2sf);
	s17 =	sadd.s32 s4, s8  }
0x411: {  	[tilespmem:s29], [sflag:$0x1] =	stream.linear.gather [hbm4b:s22+s1], $0x80, $0x38;
	[tilespmem:$0x18E00] =	vst v63  }
0x412: {  	s19 =	sand.u32 $0x1FFFFFF0, s11;
	s15 =	rddreg [dreg:$0x12];
	s20 =	spop (v2sf)  }
0x413: {  	[tilespmem:s15], [sflag:$0x1] =	stream.linear.gather [hbm4b:s7+s1], $0x80, $0x38;
	[tilespmem:$0x18E00] =	vst v63  }
.Ltmp3:
0x414: {  	s26 =	sadd.s32 s31, s19;
	s31 =	rddreg [dreg:$0xe];
	(pc) =	sbr.rel @p0 .LBB2_8-.Ltmp3, $4  }
0x415: {  	s28 =	sand.u32 $0x1FFFFFF0, s20;
	s22 =	rddreg [dreg:$0xa];
	s29 =	spop (v2sf)  }
0x416: {  	[tilespmem:s22], [sflag:$0x1] =	stream.linear.gather [hbm4b:s17+s1], $0x80, $0x38;
	[tilespmem:$0x18E00] =	vst v63  }
0x417: {  	(v2sf) =	vpush v7, $0xF;
	s6 =	sadd.s32 s4, s28;
	s0 =	sand.u32 $0x1FFFFFF0, s29;
	s2 =	spop (v2sf)  }
0x418: {  	(v2sf) =	vpush v6, $0xF;
	[tilespmem:s31], [sflag:$0x1] =	stream.linear.gather [hbm4b:s26+s1], $0x80, $0x38;
	[tilespmem:$0x18E00] =	vst v63  }
0x419: {  	_ =	sdelay $0x7  }
0x41a: {  	[tilespmem:s30], [sflag:$0x1] =	stream.linear.gather [hbm4b:s6+s1], $0x80, $0x38;
	[tilespmem:$0x18E00] =	vst v63  }
0x41b: {  	s0 =	sadd.s32 s4, s0;
	s2 =	sand.u32 $0x1FFFFFF0, s2;
	s19 =	rddreg [dreg:$0x8]  }
0x41c: {  	[tilespmem:s9], [sflag:$0x1] =	stream.linear.gather [hbm4b:s0+s1], $0x80, $0x38;
	[tilespmem:$0x18E00] =	vst v63  }
0x41d: {  	s0 =	sadd.s32 s19, s2  }
0x41e: {  	[tilespmem:s10], [sflag:$0x1] =	stream.linear.gather [hbm4b:s0+s1], $0x80, $0x38;
	[tilespmem:$0x18E00] =	vst v63  }
0x41f: {  	s5 =	spop (v2sf)  }
0x420: {  	s20 =	sand.u32 $0x1FFFFFF0, s5;
	s21 =	spop (v2sf)  }
0x421: {  	s22 =	sadd.s32 s4, s20;
	s26 =	sand.u32 $0x1FFFFFF0, s21  }
0x422: {  	[tilespmem:s3], [sflag:$0x1] =	stream.linear.gather [hbm4b:s22+s1], $0x80, $0x38;
	[tilespmem:$0x18E00] =	vst v63  }
0x423: {  	s28 =	sadd.s32 $0x11580, s14;
	s2 =	sadd.s32 s4, s26  }
0x424: {  	[tilespmem:s28], [sflag:$0x1] =	stream.linear.gather [hbm4b:s2+s1], $0x80, $0x38;
	[tilespmem:$0x18E00] =	vst v63  }
0x425: {  	_ =	swait.ge [sflag:s18], $0x800  }
0x426: {  	[sflag:s18] =	ssyncset.done $0x0  }
0x427: {  	[sflag:s18] =	ssyncadd.s32 $0xFFFFF800  }
0x428: {  	_ =	swait.ge [sflag:s18], $0x800  }
0x429: {  	[sflag:s18] =	ssyncset.done $0x0  }
0x42a: {  	[sflag:s18] =	ssyncadd.s32 $0xFFFFF800  }
0x42b: {  	_ =	swait.ge [sflag:s18], $0x800  }
0x42c: {  	[sflag:s18] =	ssyncset.done $0x0  }
0x42d: {  	[sflag:s18] =	ssyncadd.s32 $0xFFFFF800  }
0x42e: {  	_ =	swait.ge [sflag:s18], $0x800  }
0x42f: {  	[sflag:s18] =	ssyncset.done $0x0  }
0x430: {  	[sflag:s18] =	ssyncadd.s32 $0xFFFFF800  }
0x431: {  	_ =	swait.ge [sflag:s18], $0x800  }
0x432: {  	[sflag:s18] =	ssyncset.done $0x0  }
0x433: {  	[sflag:s18] =	ssyncadd.s32 $0xFFFFF800  }
0x434: {  	_ =	swait.ge [sflag:s18], $0x800  }
0x435: {  	s29 =	sld [smem:$0x7F9]  }
0x436: {  	[sflag:s18] =	ssyncset.done $0x0  }
0x437: {  	s5 =	simm.s32 $0x0;
	s30 =	sld [smem:$0x7FA];
	[sflag:s18] =	ssyncadd.s32 $0xFFFFF800  }
0x438: {  	[hbm4b:s29+s5] =	stream.linear.scatter [tilespmem:s23], [sflag:$0x2], $0x8000, $0x38;
	[tilespmem:$0x18E00] =	vst v63  }
0x439: {  	s31 =	sld [smem:$0x7FB]  }
0x43a: {  	[hbm4b:s30+s5] =	stream.linear.scatter [tilespmem:s24], [sflag:$0x2], $0x8000, $0x38;
	[tilespmem:$0x18E00] =	vst v63  }
0x43b: {  	s6 =	simm.s32 $0x0  }
0x43c: {  	[hbm4b:s31+s5] =	stream.linear.scatter [tilespmem:s25], [sflag:$0x2], $0x8000, $0x38;
	[tilespmem:$0x18E00] =	vst v63  }
.LBB2_10:
0x43d: {  	s0 =	simm.s32 $0x1  }
0x43e: {  	s7 =	sshll.u32 s6, $0x4;
	v6 =	vmov s0  }
0x43f: {  	v7 =	vmov s7;
	v6 =	vand.u32 $0x79, v6  }
0x440: {  	s2 =	simm.s32 $0x3;
	v7 =	vshll.u32 v7, $0x7;
	v8 =	vbroadcast v6, $0x0  }
0x441: {  	s26 =	simm.s32 $0x2;
	v9 =	vmov s2;
	v6 =	vor.u32 v0, v7  }
0x442: {  	v9 =	vand.u32 $0x7B, v9;
	v7 =	vmov s26;
	v8 =	vor.u32 v6, v8  }
0x443: {  	v9 =	vbroadcast v9, $0x0;
	v7 =	vand.u32 $0x7A, v7  }
0x444: {  	s28 =	simm.s32 $0x4;
	v7 =	vbroadcast v7, $0x0  }
0x445: {  	v10 =	vmov s28;
	v13 =	vor.u32 v6, v9  }
0x446: {  	v11 =	vor.u32 v6, v7;
	v7 =	vand.u32 $0x7C, v10;
	v10 =	vmov s5  }
0x447: {  	v9 =	vand.u32 $0x78, v10;
	v10 =	vld.idx.msk [tilespmem:v8+s24+$0x0], $0xffff  }
0x448: {  	v15 =	vld.idx.msk [tilespmem:v8+s25+$0x0], $0xffff  }
0x449: {  	v9 =	vbroadcast v9, $0x0;
	v8 =	vld.idx.msk [tilespmem:v8+s23+$0x0], $0xffff  }
0x44a: {  	s30 =	simm.s32 $0x6;
	v7 =	vbroadcast v7, $0x0;
	v28 =	vld.idx.msk [tilespmem:v13+s23+$0x0], $0xffff  }
0x44b: {  	v12 =	vmov s30;
	v24 =	vld.idx.msk [tilespmem:v13+s24+$0x0], $0xffff;
	v9 =	vor.u32 v6, v9  }
0x44c: {  	s29 =	simm.s32 $0x5;
	v12 =	vand.u32 $0x7E, v12;
	v16 =	vor.u32 v6, v7;
	v59 =	vld.idx.msk [tilespmem:v13+s25+$0x0], $0xffff  }
0x44d: {  	v12 =	vbroadcast v12, $0x0;
	v7 =	vmov s29;
	v18 =	vld.idx.msk [tilespmem:v11+s24+$0x0], $0xffff  }
0x44e: {  	v7 =	vand.u32 $0x7D, v7;
	v19 =	vld.idx.msk [tilespmem:v11+s23+$0x0], $0xffff  }
0x44f: {  	s31 =	simm.s32 $0x7;
	v30 =	vor.u32 v6, v12;
	v7 =	vbroadcast v7, $0x0;
	v27 =	vld.idx.msk [tilespmem:v11+s25+$0x0], $0xffff  }
0x450: {  	v12 =	vmov s31;
	v23 =	vmul.f32 v15, v15;
	v17 =	vmul.f32 v10, v10;
	v20 =	vld.idx.msk [tilespmem:v9+s25+$0x0], $0xffff  }
0x451: {  	v29 =	vor.u32 v6, v7;
	v25 =	vld.idx.msk [tilespmem:v16+s24+$0x0], $0xffff;
	v32 =	vmul.f32 v10, v8;
	v14 =	vmul.f32 v8, v8  }
0x452: {  	v7 =	vld.idx.msk [tilespmem:v16+s23+$0x0], $0xffff;
	v10 =	vand.u32 $0x7F, v12;
	v12 =	vmul.f32 v24, v24;
	v34 =	vmul.f32 v15, v8  }
0x453: {  	v15 =	vmul.f32 v28, v28;
	v31 =	vld.idx.msk [tilespmem:v9+s23+$0x0], $0xffff;
	v10 =	vbroadcast v10, $0x0  }
0x454: {  	v22 =	vld.idx.msk [tilespmem:v30+s23+$0x0], $0xffff;
	v61 =	vmul.f32 v59, v59;
	v11 =	vmul.f32 v18, v19  }
0x455: {  	v26 =	vld.idx.msk [tilespmem:v9+s24+$0x0], $0xffff;
	v21 =	vmul.f32 v18, v18;
	v36 =	vor.u32 v6, v10;
	v33 =	vmul.f32 v20, v20  }
0x456: {  	v35 =	vld.idx.msk [tilespmem:v30+s25+$0x0], $0xffff;
	v18 =	vmul.f32 v19, v19;
	v38 =	vmul.f32 v27, v19  }
0x457: {  	v19 =	vmul.f32 v24, v28;
	v60 =	vmul.f32 v27, v27;
	v9 =	vld.idx.msk [tilespmem:v29+s23+$0x0], $0xffff;
	v5 =	vadd.f32 v33, v5  }
0x458: {  	v13 =	vimm.f32 $0.0e+00;
	v8 =	vmul.f32 v25, v7;
	v37 =	vmul.f32 v20, v31;
	v20 =	vld.idx.msk [tilespmem:v29+s24+$0x0], $0xffff  }
0x459: {  	v10 =	vmul.f32 v7, v7;
	v25 =	vmul.f32 v25, v25;
	v40 =	vadd.f32 v23, v5;
	v23 =	vld.idx.msk [tilespmem:v16+s25+$0x0], $0xffff  }
0x45a: {  	v39 =	vmul.f32 v26, v26;
	v41 =	vmul.f32 v31, v31;
	v24 =	vadd.f32 v37, v13;
	v27 =	vld.idx.msk [tilespmem:v36+s23+$0x0], $0xffff  }
0x45b: {  	v33 =	vmul.f32 v59, v28;
	v16 =	vmul.f32 v26, v31;
	v26 =	vld.idx.msk [tilespmem:v36+s24+$0x0], $0xffff  }
0x45c: {  	v5 =	vmul.f32 v22, v22;
	v62 =	vadd.f32 v34, v24;
	v37 =	vadd.f32 v60, v40  }
0x45d: {  	v29 =	vld.idx.msk [tilespmem:v29+s25+$0x0], $0xffff;
	v34 =	vadd.f32 v41, v3;
	v16 =	vadd.f32 v16, v13;
	v13 =	vmul.f32 v35, v22  }
0x45e: {  	v24 =	vld.idx.msk [tilespmem:v30+s24+$0x0], $0xffff;
	v30 =	vadd.f32 v38, v62;
	v37 =	vadd.f32 v61, v37;
	v63 =	vmul.f32 v23, v23  }
0x45f: {  	v31 =	vadd.f32 v32, v16;
	v16 =	vmul.f32 v35, v35;
	v35 =	vadd.f32 v39, v4  }
0x460: {  	s8 =	simm.s32 $0x8;
	v4 =	vmul.f32 v20, v9;
	v32 =	vld.idx.msk [tilespmem:v36+s25+$0x0], $0xffff;
	v3 =	vmul.f32 v26, v27;
	v28 =	vadd.f32 v63, v37  }
.LBB2_11:
0x461: {  	s9 =	sadd.s32 $0x1, s8  }
0x462: {  	s10 =	sadd.s32 $0x4, s8;
	v17 =	vadd.f32 v17, v35;
	v35 =	vmul.f32 v29, v9;
	v36 =	vmul.f32 v27, v27;
	s2 =	smov.u32 s8;
	s0 =	sadd.s32 $0x8, s8  }
0x463: {  	p0 =	slt.u32 s8, $0x38;
	v22 =	vmul.f32 v24, v22;
	v37 =	vmov s9;
	v38 =	vmov s10  }
0x464: {  	v26 =	vmul.f32 v26, v26;
	v37 =	vand.u32 $0x79, v37;
	v38 =	vand.u32 $0x7C, v38  }
0x465: {  	v14 =	vadd.f32 v14, v34;
	v20 =	vmul.f32 v20, v20;
	s8 =	sadd.s32 $0x2, s2;
	s9 =	sadd.s32 $0x3, s2;
	v37 =	vbroadcast v37, $0x0  }
0x466: {  	v34 =	vmov s8;
	v39 =	vmov s9;
	v27 =	vmul.f32 v32, v27  }
0x467: {  	v17 =	vadd.f32 v21, v17;
	v34 =	vand.u32 $0x7A, v34;
	v37 =	vor.u32 v6, v37  }
0x468: {  	v32 =	vmul.f32 v32, v32;
	v21 =	vbroadcast v34, $0x0;
	v34 =	vand.u32 $0x7B, v39  }
0x469: {  	v24 =	vmul.f32 v24, v24;
	v39 =	vmov s2;
	v34 =	vbroadcast v34, $0x0  }
0x46a: {  	v12 =	vadd.f32 v12, v17;
	v39 =	vand.u32 $0x78, v39;
	v21 =	vor.u32 v6, v21  }
0x46b: {  	v14 =	vadd.f32 v18, v14;
	v17 =	vbroadcast v39, $0x0;
	v34 =	vor.u32 v6, v34  }
0x46c: {  	v11 =	vadd.f32 v11, v31;
	v29 =	vmul.f32 v29, v29;
	v38 =	vbroadcast v38, $0x0;
	v18 =	vld.idx.msk [tilespmem:v37+s24+$0x0], $0xffff  }
0x46d: {  	v7 =	vmul.f32 v23, v7;
	v9 =	vmul.f32 v9, v9;
	s8 =	sadd.s32 $0x5, s2;
	v31 =	vor.u32 v6, v17;
	v39 =	vld.idx.msk [tilespmem:v37+s25+$0x0], $0xffff  }
0x46e: {  	v12 =	vadd.f32 v25, v12;
	v17 =	vmov s8;
	v23 =	vld.idx.msk [tilespmem:v37+s23+$0x0], $0xffff;
	v37 =	vor.u32 v6, v38  }
0x46f: {  	v14 =	vadd.f32 v15, v14;
	v15 =	vadd.f32 v33, v30;
	v17 =	vand.u32 $0x7D, v17;
	v25 =	vld.idx.msk [tilespmem:v21+s24+$0x0], $0xffff  }
0x470: {  	v11 =	vadd.f32 v19, v11;
	v19 =	vadd.f32 v29, v28;
	s8 =	sadd.s32 $0x6, s2;
	v17 =	vbroadcast v17, $0x0;
	v33 =	vld.idx.msk [tilespmem:v34+s23+$0x0], $0xffff  }
0x471: {  	v10 =	vadd.f32 v10, v14;
	v12 =	vadd.f32 v20, v12;
	v29 =	vmov s8;
	v28 =	vld.idx.msk [tilespmem:v21+s23+$0x0], $0xffff  }
0x472: {  	v7 =	vadd.f32 v7, v15;
	v14 =	vadd.f32 v16, v19;
	v38 =	vor.u32 v6, v17;
	v30 =	vld.idx.msk [tilespmem:v21+s25+$0x0], $0xffff  }
0x473: {  	v9 =	vadd.f32 v9, v10;
	v15 =	vand.u32 $0x7E, v29;
	v10 =	vadd.f32 v24, v12;
	v16 =	vld.idx.msk [tilespmem:v34+s24+$0x0], $0xffff  }
0x474: {  	s2 =	sadd.s32 $0x7, s2;
	v19 =	vadd.f32 v32, v14;
	v12 =	vbroadcast v15, $0x0;
	v15 =	vadd.f32 v35, v7;
	v29 =	vld.idx.msk [tilespmem:v37+s24+$0x0], $0xffff  }
0x475: {  	v8 =	vadd.f32 v8, v11;
	v20 =	vmov s2;
	v32 =	vmul.f32 v39, v39;
	v24 =	vld.idx.msk [tilespmem:v31+s25+$0x0], $0xffff  }
0x476: {  	v5 =	vadd.f32 v5, v9;
	v35 =	vor.u32 v6, v12;
	v13 =	vadd.f32 v13, v15;
	v7 =	vld.idx.msk [tilespmem:v37+s23+$0x0], $0xffff  }
0x477: {  	v4 =	vadd.f32 v4, v8;
	v17 =	vmul.f32 v18, v18;
	v41 =	vmul.f32 v18, v23;
	v40 =	vld.idx.msk [tilespmem:v31+s23+$0x0], $0xffff  }
0x478: {  	v8 =	vand.u32 $0x7F, v20;
	v42 =	vadd.f32 v26, v10;
	v14 =	vmul.f32 v23, v23;
	v9 =	vld.idx.msk [tilespmem:v38+s23+$0x0], $0xffff  }
0x479: {  	v4 =	vadd.f32 v22, v4;
	v8 =	vbroadcast v8, $0x0;
	v11 =	vmul.f32 v25, v28;
	v26 =	vld.idx.msk [tilespmem:v31+s24+$0x0], $0xffff  }
0x47a: {  	v36 =	vadd.f32 v36, v5;
	v5 =	vadd.f32 v27, v13;
	v12 =	vmul.f32 v16, v16;
	v20 =	vld.idx.msk [tilespmem:v38+s24+$0x0], $0xffff  }
0x47b: {  	v43 =	vor.u32 v6, v8;
	v39 =	vmul.f32 v39, v23;
	v10 =	vmul.f32 v24, v24;
	v22 =	vld.idx.msk [tilespmem:v35+s23+$0x0], $0xffff  }
0x47c: {  	v3 =	vadd.f32 v3, v4;
	v21 =	vmul.f32 v25, v25;
	v8 =	vmul.f32 v29, v7;
	v44 =	vld.idx.msk [tilespmem:v35+s25+$0x0], $0xffff  }
0x47d: {  	v4 =	vadd.f32 v10, v19;
	v13 =	vmul.f32 v24, v40;
	v10 =	vmul.f32 v7, v7;
	v45 =	vld.idx.msk [tilespmem:v34+s25+$0x0], $0xffff  }
0x47e: {  	v18 =	vmul.f32 v28, v28;
	v28 =	vmul.f32 v30, v28;
	v24 =	vld.idx.msk [tilespmem:v35+s24+$0x0], $0xffff  }
0x47f: {  	v15 =	vmul.f32 v33, v33;
	v34 =	vmul.f32 v26, v26;
	v4 =	vadd.f32 v32, v4;
	v23 =	vld.idx.msk [tilespmem:v37+s25+$0x0], $0xffff  }
0x480: {  	v19 =	vmul.f32 v16, v33;
	v25 =	vmul.f32 v26, v40;
	v32 =	vadd.f32 v13, v5;
	v26 =	vld.idx.msk [tilespmem:v43+s24+$0x0], $0xffff  }
0x481: {  	v13 =	vmul.f32 v30, v30;
	v5 =	vmul.f32 v22, v22;
	v27 =	vld.idx.msk [tilespmem:v43+s23+$0x0], $0xffff  }
0x482: {  	v30 =	vmul.f32 v40, v40;
	v3 =	vadd.f32 v25, v3;
	v25 =	vmul.f32 v29, v29;
	v29 =	vld.idx.msk [tilespmem:v38+s25+$0x0], $0xffff  }
.Ltmp4:
0x483: {  	v4 =	vadd.f32 v13, v4;
	v13 =	vmul.f32 v44, v22;
	v37 =	vmul.f32 v45, v45;
	(pc) =	sbr.rel @p0 .LBB2_11-.Ltmp4, $4  }
0x484: {  	v16 =	vmul.f32 v44, v44;
	v31 =	vadd.f32 v41, v3;
	v3 =	vadd.f32 v39, v32  }
0x485: {  	v35 =	vadd.f32 v34, v42;
	v37 =	vadd.f32 v37, v4;
	v38 =	vmul.f32 v23, v23;
	v32 =	vld.idx.msk [tilespmem:v43+s25+$0x0], $0xffff  }
0x486: {  	v34 =	vadd.f32 v30, v36;
	v30 =	vadd.f32 v28, v3;
	v4 =	vmul.f32 v20, v9  }
0x487: {  	s8 =	smov.u32 s0;
	v33 =	vmul.f32 v45, v33;
	v28 =	vadd.f32 v38, v37;
	v3 =	vmul.f32 v26, v27  }
0x488: {  	v11 =	vadd.f32 v11, v31  }
0x489: {  	v6 =	vadd.f32 v17, v35;
	v14 =	vadd.f32 v14, v34  }
0x48a: {  	v7 =	vmul.f32 v23, v7;
	v49 =	vadd.f32 v33, v30;
	v11 =	vadd.f32 v19, v11  }
0x48b: {  	v52 =	vmul.f32 v29, v29;
	v6 =	vadd.f32 v21, v6;
	v51 =	vadd.f32 v18, v14  }
0x48c: {  	v50 =	vmul.f32 v29, v9;
	v7 =	vadd.f32 v7, v49;
	v8 =	vadd.f32 v8, v11  }
0x48d: {  	v14 =	vadd.f32 v52, v28;
	v6 =	vadd.f32 v12, v6  }
0x48e: {  	v53 =	vmul.f32 v24, v22;
	v54 =	vld [tilespmem:s7+$0x18700];
	v7 =	vadd.f32 v50, v7;
	v4 =	vadd.f32 v4, v8  }
0x48f: {  	v55 =	vmul.f32 v20, v20;
	v56 =	vld [tilespmem:s7+$0x18900];
	v11 =	vadd.f32 v15, v51;
	v60 =	vadd.f32 v16, v14  }
0x490: {  	v57 =	vmul.f32 v32, v27;
	v7 =	vadd.f32 v13, v7;
	v4 =	vadd.f32 v53, v4  }
0x491: {  	v58 =	vmul.f32 v9, v9;
	v6 =	vadd.f32 v25, v6;
	v10 =	vadd.f32 v10, v11  }
0x492: {  	v59 =	vmul.f32 v27, v27;
	s6 =	sadd.s32 $0x1, s6;
	v7 =	vadd.f32 v57, v7;
	v3 =	vadd.f32 v3, v4  }
0x493: {  	p0 =	sne.s32 s6, $0x10;
	v6 =	vadd.f32 v55, v6;
	v9 =	vadd.f32 v58, v10;
	v4 =	vmul.f32 v24, v24  }
.Ltmp5:
0x494: {  	v61 =	vmul.f32 v32, v32;
	v7 =	vsub.f32 v7, v56;
	v3 =	vsub.f32 v3, v54;
	(pc) =	sbr.rel @p0 .LBB2_10-.Ltmp5, $4  }
0x495: {  	v62 =	vmul.f32 v26, v26;
	v4 =	vadd.f32 v4, v6;
	v6 =	vadd.f32 v5, v9  }
0x496: {  	v5 =	vadd.f32 v61, v60;
	v7 =	vmul.f32 v7, v7;
	v63 =	vmul.f32 v3, v3  }
0x497: {  	v4 =	vadd.f32 v62, v4;
	v3 =	vadd.f32 v59, v6  }
0x498: {  	v1 =	vadd.f32 v7, v1;
	v2 =	vadd.f32 v63, v2  }
0x499: {  	[tilespmem:$0x18A00] =	vst v3  }
0x49a: {  	[tilespmem:$0x18A80] =	vst v4  }
0x49b: {  	[tilespmem:$0x18B00] =	vst v5;
	s0 =	sld [smem:$0x7FC]  }
0x49c: {  	[tilespmem:$0x18B80] =	vst v2  }
0x49d: {  	s2 =	simm.s32 $0x18A00;
	s29 =	simm.s32 $0x3;
	[tilespmem:$0x18C00] =	vst v1  }
0x49e: {  	[hbm4b:s0+s1] =	stream.linear.scatter [tilespmem:s2], [sflag:$0x3], $0x280, $0x38;
	[tilespmem:$0x18E00] =	vst v63  }
0x49f: {  	_ =	swait.ge [sflag:s29], $0x280  }
0x4a0: {  	[sflag:s29] =	ssyncset.done $0x0  }
0x4a1: {  	s30 =	simm.s32 $0x2;
	[sflag:s29] =	ssyncadd.s32 $0xFFFFFD80  }
0x4a2: {  	_ =	swait.ge [sflag:s30], $0x8000  }
0x4a3: {  	[sflag:s30] =	ssyncset.done $0x0  }
0x4a4: {  	[sflag:s30] =	ssyncadd.s32 $0xFFFF8000  }
0x4a5: {  	_ =	swait.ge [sflag:s30], $0x8000  }
0x4a6: {  	[sflag:s30] =	ssyncset.done $0x0  }
0x4a7: {  	[sflag:s30] =	ssyncadd.s32 $0xFFFF8000  }
0x4a8: {  	_ =	swait.ge [sflag:s30], $0x8000  }
0x4a9: {  	s5 =	sld [smem:$0x7F0]  }
0x4aa: {  	s31 =	sld [smem:$0x7FD];
	_ =	sdelay $0x1  }
0x4ab: {  	s5 =	sadd.s32 $0x1, s5  }
0x4ac: {  	p0 =	sne.s32 s5, s31  }
.Ltmp6:
0x4ad: {  	_ = 	snop;
	(pc) =	sbr.rel @p0 .LBB2_1-.Ltmp6, $3  }
0x4ae: {  	_ =	sdelay $0x1  }
0x4af: {  	[sflag:s30] =	ssyncset.done $0x0  }
0x4b0: {  	[sflag:s30] =	ssyncadd.s32 $0xFFFF8000  }
0x4b1: {  	_ =	sfence.sel $0x180000  }
0x4b2: {  	[bflag:$0x0] =	sbarrier.arrive $0xFFFF  }
0x4b3: {  	_ =	strace $0x90000047  }
0x4b4: {  	s0 =	stileid.u32;
	[bflag:$0x2] =	sbarrier.arrive $0xFFFF  }
0x4b5: {  	p0 =	sne.s32 s0, $0x0;
	s0 =	rddreg [dreg:$0x7]  }
0x4b6: {  	s0 =	sadd.s32 @!p0 $0x100000, s0  }
0x4b7: {  	[sflag:s0] =	ssyncadd.tile.s32 @!p0 $0x1;
	_ =	shalt  }
.Lfunc_end2:
_tile_overlayer_lowered:
.L_overlay_start_2:
0x4b8: {  	(tag) =	ssettag $0x2  }
0x4b9: {  	s0 =	rddreg [dreg:$0x0];
	s2 =	stileid.u32  }
0x4ba: {  	s1 =	rddreg [dreg:$0x1];
	p0 =	sne.s32 s2, $0x0  }
0x4bb: {  	s3 =	rddreg [dreg:$0x2];
	[bflag:$0x3] =	sbarrier.arrive $0xFFFF;
	s2 =	simm.s32 @!p0 $0x1C03  }
0x4bc: {  	[timem:s3], [sflag:s2] =	dma.local @!p0 [hbm:s0], s1  }
0x4bd: {  	s0 =	simm.s32 @!p0 $0x3  }
0x4be: {  	_ =	swait.ge @!p0 [sflag:s0], s1  }
0x4bf: {  	s1 =	ssub.s32 @!p0 $0x0, s1;
	[sflag:s0] =	ssyncset.done @!p0 $0x0  }
0x4c0: {  	[sflag:s0] =	ssyncadd.s32 @!p0 s1  }
0x4c1: {  	[bflag:$0x3] =	sbarrier.arrive $0xFFFF  }
0x4c2: {  	_ =	shalt  }

</sc_bundles>
